<compile_context>
chip_gen: v7x
topology: tpu7x:2x2x1
jax: 0.10.2.dev20260603
libtpu: 0.0.44.dev20260713+nightly
codegen_flags: <defaults>
</compile_context>

<pallas_src>
import functools

import jax
import jax.numpy as jnp
from jax import lax
from jax.experimental import pallas as pl
from jax.experimental.pallas import tpu as pltpu
from jax.experimental.pallas import tpu_sc as plsc

VOCAB = 1_000_000
EMBED = 32
BATCH = 4096
LABELS = 50

NC = 2
NS = 16
NW = NC * NS

LINES = VOCAB // 4

TW = 512
NFULL = VOCAB // TW
TAIL0 = NFULL * TW
TAILW = VOCAB - TAIL0
A_STEPS = -(-NFULL // NW) // 2
TAIL_WID = NW - 1

ROWS_PER_W = BATCH // NW
IDXW = LABELS
IDX_ROWS = BATCH
IDX_ROWS_PER_W = IDX_ROWS // NW
K = 4
SK = 56
CH = K * IDXW
CHUNKS = IDX_ROWS_PER_W // K
BR = CH // LABELS
LPAD = 64

_DIMNUM = lax.GatherDimensionNumbers(
    offset_dims=(), collapsed_slice_dims=(0,), start_index_map=(0,))


def _splat(v, i):
    idx = jnp.full((16, 1), i, dtype=jnp.int32)
    return lax.gather(v, idx, _DIMNUM, slice_sizes=(1,),
                      mode=lax.GatherScatterMode.PROMISE_IN_BOUNDS)


def _wid():
    return lax.axis_index("s") * NC + lax.axis_index("c")


def _transpose_block(lane, in_v, out_v, ncols):
    msk = ncols - 1

    def col(c0, carry):
        cb = (c0 + 9 * lane) & msk
        line = lax.shift_right_logical(cb, 2)
        word = (cb & 3) * 32 + (line & 7) * 8
        v0 = plsc.load_gather(in_v, [lane, cb])
        v1 = plsc.load_gather(in_v, [lane + 16, cb])
        plsc.store_scatter(out_v, [line, (word + lane) & 127], v0)
        plsc.store_scatter(out_v, [line, (word + 16 + lane) & 127], v1)
        return carry

    lax.fori_loop(0, ncols, col, 0)


def _tr_body(embT_hbm, out_hbm, in0, in1, out0, out1, tail_v, rs0, rs1, ws0,
             ws1):
    wid = _wid()
    lane = lax.iota(jnp.int32, 16)
    ins, outs, rs, ws = (in0, in1), (out0, out1), (rs0, rs1), (ws0, ws1)

    for p in range(2):
        b = wid + p * NW
        pltpu.async_copy(embT_hbm.at[:, pl.ds(b * TW, TW)], ins[p], rs[p])

    def step(s, carry):
        for p in range(2):
            i = 2 * s + p
            b = wid + i * NW
            b2 = wid + (i + 2) * NW

            @pl.when(b < NFULL)
            def _():
                pltpu.make_async_copy(
                    embT_hbm.at[:, pl.ds(b * TW, TW)], ins[p], rs[p]).wait()

                @pl.when(i >= 2)
                def _():
                    pltpu.make_async_copy(
                        outs[p], out_hbm.at[pl.ds(0, TW // 4)], ws[p]).wait()

                _transpose_block(lane, ins[p], outs[p], TW)
                pltpu.async_copy(
                    outs[p], out_hbm.at[pl.ds(b * (TW // 4), TW // 4)], ws[p])

                @pl.when(b2 < NFULL)
                def _():
                    pltpu.async_copy(
                        embT_hbm.at[:, pl.ds(b2 * TW, TW)], ins[p], rs[p])

        return carry

    lax.fori_loop(0, A_STEPS, step, 0)

    pltpu.make_async_copy(outs[0], out_hbm.at[pl.ds(0, TW // 4)], ws[0]).wait()
    pltpu.make_async_copy(outs[1], out_hbm.at[pl.ds(0, TW // 4)], ws[1]).wait()

    @pl.when(wid == TAIL_WID)
    def _():
        pltpu.sync_copy(embT_hbm.at[:, pl.ds(TAIL0, TAILW)], tail_v)
        _transpose_block(lane, tail_v, outs[1], TAILW)
        pltpu.sync_copy(outs[1].at[pl.ds(0, TAILW // 4)],
                        out_hbm.at[pl.ds(TAIL0 // 4, TAILW // 4)])


def _gather_body(lines_hbm, idx_hbm, pos_hbm, outT_hbm, idx_v, pos_v, buf0,
                 buf1, out_v, gs0, gs1):
    wid = _wid()
    lane = lax.iota(jnp.int32, 16)
    bufs, gs = (buf0, buf1), (gs0, gs1)
    pltpu.sync_copy(idx_hbm.at[pl.ds(wid * IDX_ROWS_PER_W, IDX_ROWS_PER_W)],
                    idx_v)
    pltpu.sync_copy(pos_hbm.at[pl.ds(wid * ROWS_PER_W, ROWS_PER_W)], pos_v)

    def fire(c, buf, sem):
        for j in range(K):
            pltpu.async_copy(
                lines_hbm.at[idx_v.at[c * K + j]],
                buf.at[pl.ds(j * SK, IDXW)], sem)

    def drain(c, buf, sem):
        for j in range(K):
            pltpu.make_async_copy(
                lines_hbm.at[idx_v.at[c * K + j]],
                buf.at[pl.ds(j * SK, IDXW)], sem).wait()

    fire(0, bufs[0], gs[0])

    def step(s, carry):
        for p in range(2):
            c = 2 * s + p

            @pl.when(c + 1 < CHUNKS)
            def _():
                fire(c + 1, bufs[1 - p], gs[1 - p])

            drain(c, bufs[p], gs[p])
            buf = bufs[p]

            def body(r, carry2):
                a0 = jnp.zeros((16,), jnp.float32)
                a1 = jnp.zeros((16,), jnp.float32)
                row = c * BR + r

                def acc(bv, i, a0, a1):
                    b = _splat(bv, i)
                    rowv = lax.shift_right_logical(b, 7)
                    base = b & 127
                    a0 = a0 + plsc.load_gather(buf, [rowv, (base + lane) & 127])
                    a1 = a1 + plsc.load_gather(
                        buf, [rowv, (base + 16 + lane) & 127])
                    return a0, a1

                for g in range(3):
                    bv = pos_v[row, 16 * g:16 * g + 16]
                    for i in range(16):
                        a0, a1 = acc(bv, i, a0, a1)
                bv = pos_v[row, 48:64]
                for i in range(2):
                    a0, a1 = acc(bv, i, a0, a1)
                colv = jnp.full((16,), row, dtype=jnp.int32)
                plsc.store_scatter(out_v, [lane, colv], a0)
                plsc.store_scatter(out_v, [lane + 16, colv], a1)
                return carry2

            lax.fori_loop(0, BR, body, 0)

        return carry

    lax.fori_loop(0, CHUNKS // 2, step, 0)
    pltpu.sync_copy(out_v, outT_hbm.at[:, pl.ds(wid * ROWS_PER_W, ROWS_PER_W)])


_MESH = plsc.VectorSubcoreMesh(core_axis_name="c", subcore_axis_name="s")
_PARAMS = pltpu.CompilerParams(needs_layout_passes=False)


@jax.jit
def _run(inputs, emb):
    embT = emb.T
    flat = inputs.reshape(-1).astype(jnp.int32)
    lines_idx = (flat // 4).reshape(IDX_ROWS, IDXW)
    p = jnp.arange(BATCH * LABELS, dtype=jnp.int32) % CH
    line = flat // 4
    pos = (SK * (p // IDXW) + p % IDXW) * 128 \
        + ((flat % 4) * 32 + (line % 8) * 8) % 128
    pos = pos.reshape(BATCH, LABELS)
    pos = jnp.concatenate(
        [pos, jnp.zeros((BATCH, LPAD - LABELS), jnp.int32)], axis=1)

    transpose = functools.partial(
        pl.kernel,
        mesh=_MESH,
        compiler_params=_PARAMS,
        out_type=jax.ShapeDtypeStruct((LINES, 128), jnp.float32),
        scratch_types=[
            pltpu.VMEM((EMBED, TW), jnp.float32),
            pltpu.VMEM((EMBED, TW), jnp.float32),
            pltpu.VMEM((TW // 4, 128), jnp.float32),
            pltpu.VMEM((TW // 4, 128), jnp.float32),
            pltpu.VMEM((EMBED, TAILW), jnp.float32),
            pltpu.SemaphoreType.DMA,
            pltpu.SemaphoreType.DMA,
            pltpu.SemaphoreType.DMA,
            pltpu.SemaphoreType.DMA,
        ],
    )(_tr_body)
    table = transpose(embT)

    gather = functools.partial(
        pl.kernel,
        mesh=_MESH,
        compiler_params=_PARAMS,
        out_type=jax.ShapeDtypeStruct((EMBED, BATCH), jnp.float32),
        scratch_types=[
            pltpu.VMEM((IDX_ROWS_PER_W, IDXW), jnp.int32),
            pltpu.VMEM((ROWS_PER_W, LPAD), jnp.int32),
            pltpu.VMEM(((K - 1) * SK + IDXW, 128), jnp.float32),
            pltpu.VMEM(((K - 1) * SK + IDXW, 128), jnp.float32),
            pltpu.VMEM((EMBED, ROWS_PER_W), jnp.float32),
            pltpu.SemaphoreType.DMA,
            pltpu.SemaphoreType.DMA,
        ],
    )(_gather_body)
    outT = gather(table, lines_idx, pos)
    return outT.T


def kernel(inputs, emb):
    return _run(inputs, emb)

# --- scband reference (transcript-rebuilt; emitter-appended) ---
"""Pipeline reference for scband-multi-label-embedding-55336358642612 (READ-ONLY COPY).

The authoritative reference and input builder live on the scoring server;
editing this copy changes nothing except your own understanding.
"""

import jax, jax.numpy as jnp
import numpy as np

VOCAB = 1000000
EMBED = 32
BATCH = 4096
LABELS = 50


def setup_inputs(seed: int = 0) -> dict:
    key = jax.random.key(seed)
    k_idx, k_emb = jax.random.split(key)
    inputs = jax.random.randint(k_idx, (BATCH, LABELS), 0, VOCAB, dtype=jnp.int64 if jax.config.jax_enable_x64 else jnp.int32)
    emb = jax.random.uniform(k_emb, (VOCAB, EMBED), dtype=jnp.float32, minval=-0.05, maxval=0.05)
    return {"inputs": inputs, "emb": emb}


def reference(inputs, emb):
    # Faithful translation of MultiLabelEmbedding.call:
    #   h = tf.nn.embedding_lookup(params=emb, ids=inputs)
    #   h = tf.math.reduce_sum(h, axis=-2)
    h = jnp.take(emb, inputs, axis=0)  # [B, L, E]
    h = jnp.sum(h, axis=-2)            # [B, E]
    return h

if __name__ == "__main__":
    import jax
    _d = setup_inputs()
    print(jax.jit(kernel)(*tuple(_d.values())))

</pallas_src>

<mosaic_0001>
#map = affine_map<(d0, d1) -> (0, 0)>
module attributes {stable_mosaic.version = 14 : i64} {
  func.func @_tr_body(%arg0: i32, %arg1: i32, %arg2: memref<32x1000000xf32, #tpu.memory_space<hbm>>, %arg3: memref<250000x128xf32, #tpu.memory_space<hbm>>, %arg4: memref<32x512xf32, #tpu.memory_space<vmem>>, %arg5: memref<32x512xf32, #tpu.memory_space<vmem>>, %arg6: memref<128x128xf32, #tpu.memory_space<vmem>>, %arg7: memref<128x128xf32, #tpu.memory_space<vmem>>, %arg8: memref<32x64xf32, #tpu.memory_space<vmem>>, %arg9: memref<!tpu.dma_semaphore, #tpu.memory_space<semaphore_mem>>, %arg10: memref<!tpu.dma_semaphore, #tpu.memory_space<semaphore_mem>>, %arg11: memref<!tpu.dma_semaphore, #tpu.memory_space<semaphore_mem>>, %arg12: memref<!tpu.dma_semaphore, #tpu.memory_space<semaphore_mem>>) attributes {dimension_semantics = [#tpu.dimension_semantics<core_parallel>, #tpu.dimension_semantics<subcore_parallel>], iteration_bounds = array<i64: 2, 16>, scalar_prefetch = 0 : i64, scratch_operands = 9 : i64, tpu.core_type = #tpu.core_type<sc_vector_subcore>, window_params = [{transform_indices = #map}, {transform_indices = #map}]} {
    %mul3A = arith.constant 2 : i32
    %mul3A_0 = arith.muli %arg1, %mul3A : i32
    %add3A = arith.addi %mul3A_0, %arg0 : i32
    %iota3A = tpu.iota {dimensions = array<i32: 0>} : vector<16xi32>
    %add3A_1 = arith.constant 0 : i32
    %add3A_2 = arith.addi %add3A, %add3A_1 : i32
    %mul3A_3 = arith.constant 512 : i32
    %mul3A_4 = arith.muli %add3A_2, %mul3A_3 : i32
    %dma_start3A = arith.constant 0 : i32
    %dma_start3A_5 = tpu.memref_slice %arg2[%dma_start3A, %mul3A_4] : memref<32x1000000xf32, #tpu.memory_space<hbm>> -> memref<32x512xf32, #tpu.memory_space<hbm>>
    %dma_start3A_6 = arith.constant 0 : i32
    %dma_start3A_7 = tpu.memref_slice %arg2[%dma_start3A_6, %mul3A_4] : memref<32x1000000xf32, #tpu.memory_space<hbm>> -> memref<32x512xf32, #tpu.memory_space<hbm>>
    tpu.enqueue_dma source(%dma_start3A_7 : memref<32x512xf32, #tpu.memory_space<hbm>>) target(%arg4 : memref<32x512xf32, #tpu.memory_space<vmem>>) target_semaphore(%arg9 : memref<!tpu.dma_semaphore, #tpu.memory_space<semaphore_mem>>)
    %add3A_8 = arith.constant 32 : i32
    %add3A_9 = arith.addi %add3A, %add3A_8 : i32
    %mul3A_10 = arith.constant 512 : i32
    %mul3A_11 = arith.muli %add3A_9, %mul3A_10 : i32
    %dma_start3A_12 = arith.constant 0 : i32
    %dma_start3A_13 = tpu.memref_slice %arg2[%dma_start3A_12, %mul3A_11] : memref<32x1000000xf32, #tpu.memory_space<hbm>> -> memref<32x512xf32, #tpu.memory_space<hbm>>
    %dma_start3A_14 = arith.constant 0 : i32
    %dma_start3A_15 = tpu.memref_slice %arg2[%dma_start3A_14, %mul3A_11] : memref<32x1000000xf32, #tpu.memory_space<hbm>> -> memref<32x512xf32, #tpu.memory_space<hbm>>
    tpu.enqueue_dma source(%dma_start3A_15 : memref<32x512xf32, #tpu.memory_space<hbm>>) target(%arg5 : memref<32x512xf32, #tpu.memory_space<vmem>>) target_semaphore(%arg10 : memref<!tpu.dma_semaphore, #tpu.memory_space<semaphore_mem>>)
    %scan3A = arith.constant 0 : i32
    %scan3A_16 = arith.constant 0 : i32
    %scan3A_17 = arith.constant 31 : i32
    %scan3A_18 = arith.addi %scan3A_16, %scan3A_17 : i32
    %scan3A_19 = arith.constant 1 : i32
    scf.for %scan3A_34 = %scan3A_16 to %scan3A_18 step %scan3A_19  : i32 {
      %mul3A_35 = arith.constant 2 : i32
      %mul3A_36 = arith.muli %mul3A_35, %scan3A_34 : i32
      %add3A_37 = arith.constant 0 : i32
      %add3A_38 = arith.addi %mul3A_36, %add3A_37 : i32
      %mul3A_39 = arith.constant 32 : i32
      %mul3A_40 = arith.muli %add3A_38, %mul3A_39 : i32
      %add3A_41 = arith.addi %add3A, %mul3A_40 : i32
      %add3A_42 = arith.constant 2 : i32
      %add3A_43 = arith.addi %add3A_38, %add3A_42 : i32
      %mul3A_44 = arith.constant 32 : i32
      %mul3A_45 = arith.muli %add3A_43, %mul3A_44 : i32
      %add3A_46 = arith.addi %add3A, %mul3A_45 : i32
      %lt3A = arith.constant 1953 : i32
      %lt3A_47 = arith.cmpi slt, %add3A_41, %lt3A : i32
      %convert_element_type3A_48 = arith.extui %lt3A_47 : i1 to i32
      %cond3A_49 = arith.constant 0 : i32
      %cond3A_50 = arith.cmpi ne, %convert_element_type3A_48, %cond3A_49 : i32
      scf.if %cond3A_50 {
        %mul3A_68 = arith.constant 512 : i32
        %mul3A_69 = arith.muli %add3A_41, %mul3A_68 : i32
        %dma_wait3A_70 = arith.constant 0 : i32
        %dma_wait3A_71 = tpu.memref_slice %arg2[%dma_wait3A_70, %mul3A_69] : memref<32x1000000xf32, #tpu.memory_space<hbm>> -> memref<32x512xf32, #tpu.memory_space<hbm>>
        %dma_wait3A_72 = arith.constant 0 : i32
        %dma_wait3A_73 = tpu.memref_slice %arg2[%dma_wait3A_72, %mul3A_69] : memref<32x1000000xf32, #tpu.memory_space<hbm>> -> memref<32x512xf32, #tpu.memory_space<hbm>>
        tpu.wait_dma2 semaphore(%arg9 : memref<!tpu.dma_semaphore, #tpu.memory_space<semaphore_mem>>) src(%dma_wait3A_73 : memref<32x512xf32, #tpu.memory_space<hbm>>) dst(%arg4 : memref<32x512xf32, #tpu.memory_space<vmem>>)
        %ge3A = arith.constant 2 : i32
        %ge3A_74 = arith.cmpi sge, %add3A_38, %ge3A : i32
        %convert_element_type3A_75 = arith.extui %ge3A_74 : i1 to i32
        %cond3A_76 = arith.constant 0 : i32
        %cond3A_77 = arith.cmpi ne, %convert_element_type3A_75, %cond3A_76 : i32
        scf.if %cond3A_77 {
          %dma_wait3A_95 = arith.constant 0 : i32
          %dma_wait3A_96 = arith.constant 0 : i32
          %dma_wait3A_97 = tpu.memref_slice %arg3[%dma_wait3A_95, %dma_wait3A_96] : memref<250000x128xf32, #tpu.memory_space<hbm>> -> memref<128x128xf32, #tpu.memory_space<hbm>>
          %dma_wait3A_98 = arith.constant 0 : i32
          %dma_wait3A_99 = arith.constant 0 : i32
          %dma_wait3A_100 = tpu.memref_slice %arg3[%dma_wait3A_98, %dma_wait3A_99] : memref<250000x128xf32, #tpu.memory_space<hbm>> -> memref<128x128xf32, #tpu.memory_space<hbm>>
          tpu.wait_dma2 semaphore(%arg11 : memref<!tpu.dma_semaphore, #tpu.memory_space<semaphore_mem>>) src(%arg6 : memref<128x128xf32, #tpu.memory_space<vmem>>) dst(%dma_wait3A_100 : memref<128x128xf32, #tpu.memory_space<hbm>>)
        } else {
        }
        %scan3A_78 = arith.constant 0 : i32
        %scan3A_79 = arith.constant 0 : i32
        %scan3A_80 = arith.constant 512 : i32
        %scan3A_81 = arith.addi %scan3A_79, %scan3A_80 : i32
        %scan3A_82 = arith.constant 1 : i32
        scf.for %scan3A_95 = %scan3A_79 to %scan3A_81 step %scan3A_82  : i32 {
          %mul3A_96 = arith.constant 9 : i32
          %mul3A_97 = vector.broadcast %mul3A_96 : i32 to vector<16xi32>
          %mul3A_98 = arith.muli %mul3A_97, %iota3A : vector<16xi32>
          %add3A_99 = vector.broadcast %scan3A_95 : i32 to vector<16xi32>
          %add3A_100 = arith.addi %add3A_99, %mul3A_98 : vector<16xi32>
          %and3A = arith.constant 511 : i32
          %and3A_101 = vector.broadcast %and3A : i32 to vector<16xi32>
          %and3A_102 = arith.andi %add3A_100, %and3A_101 : vector<16xi32>
          %shift_right_logical3A = arith.constant 2 : i32
          %shift_right_logical3A_103 = vector.broadcast %shift_right_logical3A : i32 to vector<16xi32>
          %shift_right_logical3A_104 = arith.shrui %and3A_102, %shift_right_logical3A_103 : vector<16xi32>
          %and3A_105 = arith.constant 3 : i32
          %and3A_106 = vector.broadcast %and3A_105 : i32 to vector<16xi32>
          %and3A_107 = arith.andi %and3A_102, %and3A_106 : vector<16xi32>
          %mul3A_108 = arith.constant 32 : i32
          %mul3A_109 = vector.broadcast %mul3A_108 : i32 to vector<16xi32>
          %mul3A_110 = arith.muli %and3A_107, %mul3A_109 : vector<16xi32>
          %and3A_111 = arith.constant 7 : i32
          %and3A_112 = vector.broadcast %and3A_111 : i32 to vector<16xi32>
          %and3A_113 = arith.andi %shift_right_logical3A_104, %and3A_112 : vector<16xi32>
          %mul3A_114 = arith.constant 8 : i32
          %mul3A_115 = vector.broadcast %mul3A_114 : i32 to vector<16xi32>
          %mul3A_116 = arith.muli %and3A_113, %mul3A_115 : vector<16xi32>
          %add3A_117 = arith.addi %mul3A_110, %mul3A_116 : vector<16xi32>
          %gather3A = tpu.vector_load_idx %arg4[%iota3A, %and3A_102] : memref<32x512xf32, #tpu.memory_space<vmem>>[vector<16xi32>, vector<16xi32>], vector<16xf32>,
          %add3A_118 = arith.constant 16 : i32
          %add3A_119 = vector.broadcast %add3A_118 : i32 to vector<16xi32>
          %add3A_120 = arith.addi %iota3A, %add3A_119 : vector<16xi32>
          %gather3A_121 = tpu.vector_load_idx %arg4[%add3A_120, %and3A_102] : memref<32x512xf32, #tpu.memory_space<vmem>>[vector<16xi32>, vector<16xi32>], vector<16xf32>,
          %add3A_122 = arith.addi %add3A_117, %iota3A : vector<16xi32>
          %and3A_123 = arith.constant 127 : i32
          %and3A_124 = vector.broadcast %and3A_123 : i32 to vector<16xi32>
          %and3A_125 = arith.andi %add3A_122, %and3A_124 : vector<16xi32>
          tpu.vector_store_idx %arg6[%shift_right_logical3A_104, %and3A_125], %gather3A : memref<128x128xf32, #tpu.memory_space<vmem>>[vector<16xi32>, vector<16xi32>], vector<16xf32>,
          %add3A_126 = arith.constant 16 : i32
          %add3A_127 = vector.broadcast %add3A_126 : i32 to vector<16xi32>
          %add3A_128 = arith.addi %add3A_117, %add3A_127 : vector<16xi32>
          %add3A_129 = arith.addi %add3A_128, %iota3A : vector<16xi32>
          %and3A_130 = arith.constant 127 : i32
          %and3A_131 = vector.broadcast %and3A_130 : i32 to vector<16xi32>
          %and3A_132 = arith.andi %add3A_129, %and3A_131 : vector<16xi32>
          tpu.vector_store_idx %arg6[%shift_right_logical3A_104, %and3A_132], %gather3A_121 : memref<128x128xf32, #tpu.memory_space<vmem>>[vector<16xi32>, vector<16xi32>], vector<16xf32>,
        }
        %scan3A_83 = arith.constant 512 : i32
        %mul3A_84 = arith.constant 128 : i32
        %mul3A_85 = arith.muli %add3A_41, %mul3A_84 : i32
        %dma_start3A_86 = arith.constant 0 : i32
        %dma_start3A_87 = tpu.memref_slice %arg3[%mul3A_85, %dma_start3A_86] : memref<250000x128xf32, #tpu.memory_space<hbm>> -> memref<128x128xf32, #tpu.memory_space<hbm>>
        %dma_start3A_88 = arith.constant 0 : i32
        %dma_start3A_89 = tpu.memref_slice %arg3[%mul3A_85, %dma_start3A_88] : memref<250000x128xf32, #tpu.memory_space<hbm>> -> memref<128x128xf32, #tpu.memory_space<hbm>>
        tpu.enqueue_dma source(%arg6 : memref<128x128xf32, #tpu.memory_space<vmem>>) target(%dma_start3A_89 : memref<128x128xf32, #tpu.memory_space<hbm>>) target_semaphore(%arg11 : memref<!tpu.dma_semaphore, #tpu.memory_space<semaphore_mem>>)
        %lt3A_90 = arith.constant 1953 : i32
        %lt3A_91 = arith.cmpi slt, %add3A_46, %lt3A_90 : i32
        %convert_element_type3A_92 = arith.extui %lt3A_91 : i1 to i32
        %cond3A_93 = arith.constant 0 : i32
        %cond3A_94 = arith.cmpi ne, %convert_element_type3A_92, %cond3A_93 : i32
        scf.if %cond3A_94 {
          %mul3A_95 = arith.constant 512 : i32
          %mul3A_96 = arith.muli %add3A_46, %mul3A_95 : i32
          %dma_start3A_97 = arith.constant 0 : i32
          %dma_start3A_98 = tpu.memref_slice %arg2[%dma_start3A_97, %mul3A_96] : memref<32x1000000xf32, #tpu.memory_space<hbm>> -> memref<32x512xf32, #tpu.memory_space<hbm>>
          %dma_start3A_99 = arith.constant 0 : i32
          %dma_start3A_100 = tpu.memref_slice %arg2[%dma_start3A_99, %mul3A_96] : memref<32x1000000xf32, #tpu.memory_space<hbm>> -> memref<32x512xf32, #tpu.memory_space<hbm>>
          tpu.enqueue_dma source(%dma_start3A_100 : memref<32x512xf32, #tpu.memory_space<hbm>>) target(%arg4 : memref<32x512xf32, #tpu.memory_space<vmem>>) target_semaphore(%arg9 : memref<!tpu.dma_semaphore, #tpu.memory_space<semaphore_mem>>)
        } else {
        }
      } else {
      }
      %mul3A_51 = arith.constant 2 : i32
      %mul3A_52 = arith.muli %mul3A_51, %scan3A_34 : i32
      %add3A_53 = arith.constant 1 : i32
      %add3A_54 = arith.addi %mul3A_52, %add3A_53 : i32
      %mul3A_55 = arith.constant 32 : i32
      %mul3A_56 = arith.muli %add3A_54, %mul3A_55 : i32
      %add3A_57 = arith.addi %add3A, %mul3A_56 : i32
      %add3A_58 = arith.constant 2 : i32
      %add3A_59 = arith.addi %add3A_54, %add3A_58 : i32
      %mul3A_60 = arith.constant 32 : i32
      %mul3A_61 = arith.muli %add3A_59, %mul3A_60 : i32
      %add3A_62 = arith.addi %add3A, %mul3A_61 : i32
      %lt3A_63 = arith.constant 1953 : i32
      %lt3A_64 = arith.cmpi slt, %add3A_57, %lt3A_63 : i32
      %convert_element_type3A_65 = arith.extui %lt3A_64 : i1 to i32
      %cond3A_66 = arith.constant 0 : i32
      %cond3A_67 = arith.cmpi ne, %convert_element_type3A_65, %cond3A_66 : i32
      scf.if %cond3A_67 {
        %mul3A_68 = arith.constant 512 : i32
        %mul3A_69 = arith.muli %add3A_57, %mul3A_68 : i32
        %dma_wait3A_70 = arith.constant 0 : i32
        %dma_wait3A_71 = tpu.memref_slice %arg2[%dma_wait3A_70, %mul3A_69] : memref<32x1000000xf32, #tpu.memory_space<hbm>> -> memref<32x512xf32, #tpu.memory_space<hbm>>
        %dma_wait3A_72 = arith.constant 0 : i32
        %dma_wait3A_73 = tpu.memref_slice %arg2[%dma_wait3A_72, %mul3A_69] : memref<32x1000000xf32, #tpu.memory_space<hbm>> -> memref<32x512xf32, #tpu.memory_space<hbm>>
        tpu.wait_dma2 semaphore(%arg10 : memref<!tpu.dma_semaphore, #tpu.memory_space<semaphore_mem>>) src(%dma_wait3A_73 : memref<32x512xf32, #tpu.memory_space<hbm>>) dst(%arg5 : memref<32x512xf32, #tpu.memory_space<vmem>>)
        %ge3A = arith.constant 2 : i32
        %ge3A_74 = arith.cmpi sge, %add3A_54, %ge3A : i32
        %convert_element_type3A_75 = arith.extui %ge3A_74 : i1 to i32
        %cond3A_76 = arith.constant 0 : i32
        %cond3A_77 = arith.cmpi ne, %convert_element_type3A_75, %cond3A_76 : i32
        scf.if %cond3A_77 {
          %dma_wait3A_95 = arith.constant 0 : i32
          %dma_wait3A_96 = arith.constant 0 : i32
          %dma_wait3A_97 = tpu.memref_slice %arg3[%dma_wait3A_95, %dma_wait3A_96] : memref<250000x128xf32, #tpu.memory_space<hbm>> -> memref<128x128xf32, #tpu.memory_space<hbm>>
          %dma_wait3A_98 = arith.constant 0 : i32
          %dma_wait3A_99 = arith.constant 0 : i32
          %dma_wait3A_100 = tpu.memref_slice %arg3[%dma_wait3A_98, %dma_wait3A_99] : memref<250000x128xf32, #tpu.memory_space<hbm>> -> memref<128x128xf32, #tpu.memory_space<hbm>>
          tpu.wait_dma2 semaphore(%arg12 : memref<!tpu.dma_semaphore, #tpu.memory_space<semaphore_mem>>) src(%arg7 : memref<128x128xf32, #tpu.memory_space<vmem>>) dst(%dma_wait3A_100 : memref<128x128xf32, #tpu.memory_space<hbm>>)
        } else {
        }
        %scan3A_78 = arith.constant 0 : i32
        %scan3A_79 = arith.constant 0 : i32
        %scan3A_80 = arith.constant 512 : i32
        %scan3A_81 = arith.addi %scan3A_79, %scan3A_80 : i32
        %scan3A_82 = arith.constant 1 : i32
        scf.for %scan3A_95 = %scan3A_79 to %scan3A_81 step %scan3A_82  : i32 {
          %mul3A_96 = arith.constant 9 : i32
          %mul3A_97 = vector.broadcast %mul3A_96 : i32 to vector<16xi32>
          %mul3A_98 = arith.muli %mul3A_97, %iota3A : vector<16xi32>
          %add3A_99 = vector.broadcast %scan3A_95 : i32 to vector<16xi32>
          %add3A_100 = arith.addi %add3A_99, %mul3A_98 : vector<16xi32>
          %and3A = arith.constant 511 : i32
          %and3A_101 = vector.broadcast %and3A : i32 to vector<16xi32>
          %and3A_102 = arith.andi %add3A_100, %and3A_101 : vector<16xi32>
          %shift_right_logical3A = arith.constant 2 : i32
          %shift_right_logical3A_103 = vector.broadcast %shift_right_logical3A : i32 to vector<16xi32>
          %shift_right_logical3A_104 = arith.shrui %and3A_102, %shift_right_logical3A_103 : vector<16xi32>
          %and3A_105 = arith.constant 3 : i32
          %and3A_106 = vector.broadcast %and3A_105 : i32 to vector<16xi32>
          %and3A_107 = arith.andi %and3A_102, %and3A_106 : vector<16xi32>
          %mul3A_108 = arith.constant 32 : i32
          %mul3A_109 = vector.broadcast %mul3A_108 : i32 to vector<16xi32>
          %mul3A_110 = arith.muli %and3A_107, %mul3A_109 : vector<16xi32>
          %and3A_111 = arith.constant 7 : i32
          %and3A_112 = vector.broadcast %and3A_111 : i32 to vector<16xi32>
          %and3A_113 = arith.andi %shift_right_logical3A_104, %and3A_112 : vector<16xi32>
          %mul3A_114 = arith.constant 8 : i32
          %mul3A_115 = vector.broadcast %mul3A_114 : i32 to vector<16xi32>
          %mul3A_116 = arith.muli %and3A_113, %mul3A_115 : vector<16xi32>
          %add3A_117 = arith.addi %mul3A_110, %mul3A_116 : vector<16xi32>
          %gather3A = tpu.vector_load_idx %arg5[%iota3A, %and3A_102] : memref<32x512xf32, #tpu.memory_space<vmem>>[vector<16xi32>, vector<16xi32>], vector<16xf32>,
          %add3A_118 = arith.constant 16 : i32
          %add3A_119 = vector.broadcast %add3A_118 : i32 to vector<16xi32>
          %add3A_120 = arith.addi %iota3A, %add3A_119 : vector<16xi32>
          %gather3A_121 = tpu.vector_load_idx %arg5[%add3A_120, %and3A_102] : memref<32x512xf32, #tpu.memory_space<vmem>>[vector<16xi32>, vector<16xi32>], vector<16xf32>,
          %add3A_122 = arith.addi %add3A_117, %iota3A : vector<16xi32>
          %and3A_123 = arith.constant 127 : i32
          %and3A_124 = vector.broadcast %and3A_123 : i32 to vector<16xi32>
          %and3A_125 = arith.andi %add3A_122, %and3A_124 : vector<16xi32>
          tpu.vector_store_idx %arg7[%shift_right_logical3A_104, %and3A_125], %gather3A : memref<128x128xf32, #tpu.memory_space<vmem>>[vector<16xi32>, vector<16xi32>], vector<16xf32>,
          %add3A_126 = arith.constant 16 : i32
          %add3A_127 = vector.broadcast %add3A_126 : i32 to vector<16xi32>
          %add3A_128 = arith.addi %add3A_117, %add3A_127 : vector<16xi32>
          %add3A_129 = arith.addi %add3A_128, %iota3A : vector<16xi32>
          %and3A_130 = arith.constant 127 : i32
          %and3A_131 = vector.broadcast %and3A_130 : i32 to vector<16xi32>
          %and3A_132 = arith.andi %add3A_129, %and3A_131 : vector<16xi32>
          tpu.vector_store_idx %arg7[%shift_right_logical3A_104, %and3A_132], %gather3A_121 : memref<128x128xf32, #tpu.memory_space<vmem>>[vector<16xi32>, vector<16xi32>], vector<16xf32>,
        }
        %scan3A_83 = arith.constant 512 : i32
        %mul3A_84 = arith.constant 128 : i32
        %mul3A_85 = arith.muli %add3A_57, %mul3A_84 : i32
        %dma_start3A_86 = arith.constant 0 : i32
        %dma_start3A_87 = tpu.memref_slice %arg3[%mul3A_85, %dma_start3A_86] : memref<250000x128xf32, #tpu.memory_space<hbm>> -> memref<128x128xf32, #tpu.memory_space<hbm>>
        %dma_start3A_88 = arith.constant 0 : i32
        %dma_start3A_89 = tpu.memref_slice %arg3[%mul3A_85, %dma_start3A_88] : memref<250000x128xf32, #tpu.memory_space<hbm>> -> memref<128x128xf32, #tpu.memory_space<hbm>>
        tpu.enqueue_dma source(%arg7 : memref<128x128xf32, #tpu.memory_space<vmem>>) target(%dma_start3A_89 : memref<128x128xf32, #tpu.memory_space<hbm>>) target_semaphore(%arg12 : memref<!tpu.dma_semaphore, #tpu.memory_space<semaphore_mem>>)
        %lt3A_90 = arith.constant 1953 : i32
        %lt3A_91 = arith.cmpi slt, %add3A_62, %lt3A_90 : i32
        %convert_element_type3A_92 = arith.extui %lt3A_91 : i1 to i32
        %cond3A_93 = arith.constant 0 : i32
        %cond3A_94 = arith.cmpi ne, %convert_element_type3A_92, %cond3A_93 : i32
        scf.if %cond3A_94 {
          %mul3A_95 = arith.constant 512 : i32
          %mul3A_96 = arith.muli %add3A_62, %mul3A_95 : i32
          %dma_start3A_97 = arith.constant 0 : i32
          %dma_start3A_98 = tpu.memref_slice %arg2[%dma_start3A_97, %mul3A_96] : memref<32x1000000xf32, #tpu.memory_space<hbm>> -> memref<32x512xf32, #tpu.memory_space<hbm>>
          %dma_start3A_99 = arith.constant 0 : i32
          %dma_start3A_100 = tpu.memref_slice %arg2[%dma_start3A_99, %mul3A_96] : memref<32x1000000xf32, #tpu.memory_space<hbm>> -> memref<32x512xf32, #tpu.memory_space<hbm>>
          tpu.enqueue_dma source(%dma_start3A_100 : memref<32x512xf32, #tpu.memory_space<hbm>>) target(%arg5 : memref<32x512xf32, #tpu.memory_space<vmem>>) target_semaphore(%arg10 : memref<!tpu.dma_semaphore, #tpu.memory_space<semaphore_mem>>)
        } else {
        }
      } else {
      }
    }
    %scan3A_20 = arith.constant 31 : i32
    %dma_wait3A = arith.constant 0 : i32
    %dma_wait3A_21 = arith.constant 0 : i32
    %dma_wait3A_22 = tpu.memref_slice %arg3[%dma_wait3A, %dma_wait3A_21] : memref<250000x128xf32, #tpu.memory_space<hbm>> -> memref<128x128xf32, #tpu.memory_space<hbm>>
    %dma_wait3A_23 = arith.constant 0 : i32
    %dma_wait3A_24 = arith.constant 0 : i32
    %dma_wait3A_25 = tpu.memref_slice %arg3[%dma_wait3A_23, %dma_wait3A_24] : memref<250000x128xf32, #tpu.memory_space<hbm>> -> memref<128x128xf32, #tpu.memory_space<hbm>>
    tpu.wait_dma2 semaphore(%arg11 : memref<!tpu.dma_semaphore, #tpu.memory_space<semaphore_mem>>) src(%arg6 : memref<128x128xf32, #tpu.memory_space<vmem>>) dst(%dma_wait3A_25 : memref<128x128xf32, #tpu.memory_space<hbm>>)
    %dma_wait3A_26 = arith.constant 0 : i32
    %dma_wait3A_27 = arith.constant 0 : i32
    %dma_wait3A_28 = tpu.memref_slice %arg3[%dma_wait3A_26, %dma_wait3A_27] : memref<250000x128xf32, #tpu.memory_space<hbm>> -> memref<128x128xf32, #tpu.memory_space<hbm>>
    %dma_wait3A_29 = arith.constant 0 : i32
    %dma_wait3A_30 = arith.constant 0 : i32
    %dma_wait3A_31 = tpu.memref_slice %arg3[%dma_wait3A_29, %dma_wait3A_30] : memref<250000x128xf32, #tpu.memory_space<hbm>> -> memref<128x128xf32, #tpu.memory_space<hbm>>
    tpu.wait_dma2 semaphore(%arg12 : memref<!tpu.dma_semaphore, #tpu.memory_space<semaphore_mem>>) src(%arg7 : memref<128x128xf32, #tpu.memory_space<vmem>>) dst(%dma_wait3A_31 : memref<128x128xf32, #tpu.memory_space<hbm>>)
    %eq3A = arith.constant 31 : i32
    %eq3A_32 = arith.cmpi eq, %add3A, %eq3A : i32
    %convert_element_type3A = arith.extui %eq3A_32 : i1 to i32
    %cond3A = arith.constant 0 : i32
    %cond3A_33 = arith.cmpi ne, %convert_element_type3A, %cond3A : i32
    scf.if %cond3A_33 {
      "tpu.region"() ({
        %run_scoped3A = tpu.sem_alloc : memref<!tpu.dma_semaphore, #tpu.memory_space<semaphore_mem>>
        %dma_start3A_40 = arith.constant 0 : i32
        %dma_start3A_41 = arith.constant 999936 : i32
        %dma_start3A_42 = tpu.memref_slice %arg2[%dma_start3A_40, %dma_start3A_41] : memref<32x1000000xf32, #tpu.memory_space<hbm>> -> memref<32x64xf32, #tpu.memory_space<hbm>>
        %dma_start3A_43 = arith.constant 0 : i32
        %dma_start3A_44 = arith.constant 999936 : i32
        %dma_start3A_45 = tpu.memref_slice %arg2[%dma_start3A_43, %dma_start3A_44] : memref<32x1000000xf32, #tpu.memory_space<hbm>> -> memref<32x64xf32, #tpu.memory_space<hbm>>
        tpu.enqueue_dma source(%dma_start3A_45 : memref<32x64xf32, #tpu.memory_space<hbm>>) target(%arg8 : memref<32x64xf32, #tpu.memory_space<vmem>>) target_semaphore(%run_scoped3A : memref<!tpu.dma_semaphore, #tpu.memory_space<semaphore_mem>>)
        %dma_wait3A_46 = arith.constant 0 : i32
        %dma_wait3A_47 = arith.constant 999936 : i32
        %dma_wait3A_48 = tpu.memref_slice %arg2[%dma_wait3A_46, %dma_wait3A_47] : memref<32x1000000xf32, #tpu.memory_space<hbm>> -> memref<32x64xf32, #tpu.memory_space<hbm>>
        %dma_wait3A_49 = arith.constant 0 : i32
        %dma_wait3A_50 = arith.constant 999936 : i32
        %dma_wait3A_51 = tpu.memref_slice %arg2[%dma_wait3A_49, %dma_wait3A_50] : memref<32x1000000xf32, #tpu.memory_space<hbm>> -> memref<32x64xf32, #tpu.memory_space<hbm>>
        tpu.wait_dma2 semaphore(%run_scoped3A : memref<!tpu.dma_semaphore, #tpu.memory_space<semaphore_mem>>) src(%dma_wait3A_51 : memref<32x64xf32, #tpu.memory_space<hbm>>) dst(%arg8 : memref<32x64xf32, #tpu.memory_space<vmem>>)
        tpu.yield
      }) : () -> ()
      %scan3A_34 = arith.constant 0 : i32
      %scan3A_35 = arith.constant 0 : i32
      %scan3A_36 = arith.constant 64 : i32
      %scan3A_37 = arith.addi %scan3A_35, %scan3A_36 : i32
      %scan3A_38 = arith.constant 1 : i32
      scf.for %scan3A_40 = %scan3A_35 to %scan3A_37 step %scan3A_38  : i32 {
        %mul3A_41 = arith.constant 9 : i32
        %mul3A_42 = vector.broadcast %mul3A_41 : i32 to vector<16xi32>
        %mul3A_43 = arith.muli %mul3A_42, %iota3A : vector<16xi32>
        %add3A_44 = vector.broadcast %scan3A_40 : i32 to vector<16xi32>
        %add3A_45 = arith.addi %add3A_44, %mul3A_43 : vector<16xi32>
        %and3A = arith.constant 63 : i32
        %and3A_46 = vector.broadcast %and3A : i32 to vector<16xi32>
        %and3A_47 = arith.andi %add3A_45, %and3A_46 : vector<16xi32>
        %shift_right_logical3A = arith.constant 2 : i32
        %shift_right_logical3A_48 = vector.broadcast %shift_right_logical3A : i32 to vector<16xi32>
        %shift_right_logical3A_49 = arith.shrui %and3A_47, %shift_right_logical3A_48 : vector<16xi32>
        %and3A_50 = arith.constant 3 : i32
        %and3A_51 = vector.broadcast %and3A_50 : i32 to vector<16xi32>
        %and3A_52 = arith.andi %and3A_47, %and3A_51 : vector<16xi32>
        %mul3A_53 = arith.constant 32 : i32
        %mul3A_54 = vector.broadcast %mul3A_53 : i32 to vector<16xi32>
        %mul3A_55 = arith.muli %and3A_52, %mul3A_54 : vector<16xi32>
        %and3A_56 = arith.constant 7 : i32
        %and3A_57 = vector.broadcast %and3A_56 : i32 to vector<16xi32>
        %and3A_58 = arith.andi %shift_right_logical3A_49, %and3A_57 : vector<16xi32>
        %mul3A_59 = arith.constant 8 : i32
        %mul3A_60 = vector.broadcast %mul3A_59 : i32 to vector<16xi32>
        %mul3A_61 = arith.muli %and3A_58, %mul3A_60 : vector<16xi32>
        %add3A_62 = arith.addi %mul3A_55, %mul3A_61 : vector<16xi32>
        %gather3A = tpu.vector_load_idx %arg8[%iota3A, %and3A_47] : memref<32x64xf32, #tpu.memory_space<vmem>>[vector<16xi32>, vector<16xi32>], vector<16xf32>,
        %add3A_63 = arith.constant 16 : i32
        %add3A_64 = vector.broadcast %add3A_63 : i32 to vector<16xi32>
        %add3A_65 = arith.addi %iota3A, %add3A_64 : vector<16xi32>
        %gather3A_66 = tpu.vector_load_idx %arg8[%add3A_65, %and3A_47] : memref<32x64xf32, #tpu.memory_space<vmem>>[vector<16xi32>, vector<16xi32>], vector<16xf32>,
        %add3A_67 = arith.addi %add3A_62, %iota3A : vector<16xi32>
        %and3A_68 = arith.constant 127 : i32
        %and3A_69 = vector.broadcast %and3A_68 : i32 to vector<16xi32>
        %and3A_70 = arith.andi %add3A_67, %and3A_69 : vector<16xi32>
        tpu.vector_store_idx %arg7[%shift_right_logical3A_49, %and3A_70], %gather3A : memref<128x128xf32, #tpu.memory_space<vmem>>[vector<16xi32>, vector<16xi32>], vector<16xf32>,
        %add3A_71 = arith.constant 16 : i32
        %add3A_72 = vector.broadcast %add3A_71 : i32 to vector<16xi32>
        %add3A_73 = arith.addi %add3A_62, %add3A_72 : vector<16xi32>
        %add3A_74 = arith.addi %add3A_73, %iota3A : vector<16xi32>
        %and3A_75 = arith.constant 127 : i32
        %and3A_76 = vector.broadcast %and3A_75 : i32 to vector<16xi32>
        %and3A_77 = arith.andi %add3A_74, %and3A_76 : vector<16xi32>
        tpu.vector_store_idx %arg7[%shift_right_logical3A_49, %and3A_77], %gather3A_66 : memref<128x128xf32, #tpu.memory_space<vmem>>[vector<16xi32>, vector<16xi32>], vector<16xf32>,
      }
      %scan3A_39 = arith.constant 64 : i32
      "tpu.region"() ({
        %run_scoped3A = tpu.sem_alloc : memref<!tpu.dma_semaphore, #tpu.memory_space<semaphore_mem>>
        %dma_start3A_40 = arith.constant 0 : i32
        %dma_start3A_41 = arith.constant 0 : i32
        %dma_start3A_42 = tpu.memref_slice %arg7[%dma_start3A_40, %dma_start3A_41] : memref<128x128xf32, #tpu.memory_space<vmem>> -> memref<16x128xf32, #tpu.memory_space<vmem>>
        %dma_start3A_43 = arith.constant 249984 : i32
        %dma_start3A_44 = arith.constant 0 : i32
        %dma_start3A_45 = tpu.memref_slice %arg3[%dma_start3A_43, %dma_start3A_44] : memref<250000x128xf32, #tpu.memory_space<hbm>> -> memref<16x128xf32, #tpu.memory_space<hbm>>
        %dma_start3A_46 = arith.constant 249984 : i32
        %dma_start3A_47 = arith.constant 0 : i32
        %dma_start3A_48 = tpu.memref_slice %arg3[%dma_start3A_46, %dma_start3A_47] : memref<250000x128xf32, #tpu.memory_space<hbm>> -> memref<16x128xf32, #tpu.memory_space<hbm>>
        %dma_start3A_49 = arith.constant 0 : i32
        %dma_start3A_50 = arith.constant 0 : i32
        %dma_start3A_51 = tpu.memref_slice %arg7[%dma_start3A_49, %dma_start3A_50] : memref<128x128xf32, #tpu.memory_space<vmem>> -> memref<16x128xf32, #tpu.memory_space<vmem>>
        tpu.enqueue_dma source(%dma_start3A_51 : memref<16x128xf32, #tpu.memory_space<vmem>>) target(%dma_start3A_48 : memref<16x128xf32, #tpu.memory_space<hbm>>) target_semaphore(%run_scoped3A : memref<!tpu.dma_semaphore, #tpu.memory_space<semaphore_mem>>)
        %dma_wait3A_52 = arith.constant 0 : i32
        %dma_wait3A_53 = arith.constant 0 : i32
        %dma_wait3A_54 = tpu.memref_slice %arg7[%dma_wait3A_52, %dma_wait3A_53] : memref<128x128xf32, #tpu.memory_space<vmem>> -> memref<16x128xf32, #tpu.memory_space<vmem>>
        %dma_wait3A_55 = arith.constant 249984 : i32
        %dma_wait3A_56 = arith.constant 0 : i32
        %dma_wait3A_57 = tpu.memref_slice %arg3[%dma_wait3A_55, %dma_wait3A_56] : memref<250000x128xf32, #tpu.memory_space<hbm>> -> memref<16x128xf32, #tpu.memory_space<hbm>>
        %dma_wait3A_58 = arith.constant 249984 : i32
        %dma_wait3A_59 = arith.constant 0 : i32
        %dma_wait3A_60 = tpu.memref_slice %arg3[%dma_wait3A_58, %dma_wait3A_59] : memref<250000x128xf32, #tpu.memory_space<hbm>> -> memref<16x128xf32, #tpu.memory_space<hbm>>
        %dma_wait3A_61 = arith.constant 0 : i32
        %dma_wait3A_62 = arith.constant 0 : i32
        %dma_wait3A_63 = tpu.memref_slice %arg7[%dma_wait3A_61, %dma_wait3A_62] : memref<128x128xf32, #tpu.memory_space<vmem>> -> memref<16x128xf32, #tpu.memory_space<vmem>>
        tpu.wait_dma2 semaphore(%run_scoped3A : memref<!tpu.dma_semaphore, #tpu.memory_space<semaphore_mem>>) src(%dma_wait3A_63 : memref<16x128xf32, #tpu.memory_space<vmem>>) dst(%dma_wait3A_60 : memref<16x128xf32, #tpu.memory_space<hbm>>)
        tpu.yield
      }) : () -> ()
    } else {
    }
    return
  }
}

#map = affine_map<(d0, d1) -> (0, 0)>
module attributes {stable_mosaic.version = 14 : i64} {
  func.func @_gather_body(%arg0: i32, %arg1: i32, %arg2: memref<250000x128xf32, #tpu.memory_space<hbm>>, %arg3: memref<4096x50xi32, #tpu.memory_space<hbm>>, %arg4: memref<4096x64xi32, #tpu.memory_space<hbm>>, %arg5: memref<32x4096xf32, #tpu.memory_space<hbm>>, %arg6: memref<128x50xi32, #tpu.memory_space<vmem>>, %arg7: memref<128x64xi32, #tpu.memory_space<vmem>>, %arg8: memref<218x128xf32, #tpu.memory_space<vmem>>, %arg9: memref<218x128xf32, #tpu.memory_space<vmem>>, %arg10: memref<32x128xf32, #tpu.memory_space<vmem>>, %arg11: memref<!tpu.dma_semaphore, #tpu.memory_space<semaphore_mem>>, %arg12: memref<!tpu.dma_semaphore, #tpu.memory_space<semaphore_mem>>) attributes {dimension_semantics = [#tpu.dimension_semantics<core_parallel>, #tpu.dimension_semantics<subcore_parallel>], iteration_bounds = array<i64: 2, 16>, scalar_prefetch = 0 : i64, scratch_operands = 7 : i64, tpu.core_type = #tpu.core_type<sc_vector_subcore>, window_params = [{transform_indices = #map}, {transform_indices = #map}, {transform_indices = #map}, {transform_indices = #map}]} {
    %mul3A = arith.constant 2 : i32
    %mul3A_0 = arith.muli %arg1, %mul3A : i32
    %add3A = arith.addi %mul3A_0, %arg0 : i32
    %iota3A = tpu.iota {dimensions = array<i32: 0>} : vector<16xi32>
    %mul3A_1 = arith.constant 128 : i32
    %mul3A_2 = arith.muli %add3A, %mul3A_1 : i32
    "tpu.region"() ({
      %run_scoped3A = tpu.sem_alloc : memref<!tpu.dma_semaphore, #tpu.memory_space<semaphore_mem>>
      %dma_start3A_51 = arith.constant 0 : i32
      %dma_start3A_52 = tpu.memref_slice %arg3[%mul3A_2, %dma_start3A_51] : memref<4096x50xi32, #tpu.memory_space<hbm>> -> memref<128x50xi32, #tpu.memory_space<hbm>>
      %dma_start3A_53 = arith.constant 0 : i32
      %dma_start3A_54 = tpu.memref_slice %arg3[%mul3A_2, %dma_start3A_53] : memref<4096x50xi32, #tpu.memory_space<hbm>> -> memref<128x50xi32, #tpu.memory_space<hbm>>
      tpu.enqueue_dma source(%dma_start3A_54 : memref<128x50xi32, #tpu.memory_space<hbm>>) target(%arg6 : memref<128x50xi32, #tpu.memory_space<vmem>>) target_semaphore(%run_scoped3A : memref<!tpu.dma_semaphore, #tpu.memory_space<semaphore_mem>>)
      %dma_wait3A = arith.constant 0 : i32
      %dma_wait3A_55 = tpu.memref_slice %arg3[%mul3A_2, %dma_wait3A] : memref<4096x50xi32, #tpu.memory_space<hbm>> -> memref<128x50xi32, #tpu.memory_space<hbm>>
      %dma_wait3A_56 = arith.constant 0 : i32
      %dma_wait3A_57 = tpu.memref_slice %arg3[%mul3A_2, %dma_wait3A_56] : memref<4096x50xi32, #tpu.memory_space<hbm>> -> memref<128x50xi32, #tpu.memory_space<hbm>>
      tpu.wait_dma2 semaphore(%run_scoped3A : memref<!tpu.dma_semaphore, #tpu.memory_space<semaphore_mem>>) src(%dma_wait3A_57 : memref<128x50xi32, #tpu.memory_space<hbm>>) dst(%arg6 : memref<128x50xi32, #tpu.memory_space<vmem>>)
      tpu.yield
    }) : () -> ()
    %mul3A_3 = arith.constant 128 : i32
    %mul3A_4 = arith.muli %add3A, %mul3A_3 : i32
    "tpu.region"() ({
      %run_scoped3A = tpu.sem_alloc : memref<!tpu.dma_semaphore, #tpu.memory_space<semaphore_mem>>
      %dma_start3A_51 = arith.constant 0 : i32
      %dma_start3A_52 = tpu.memref_slice %arg4[%mul3A_4, %dma_start3A_51] : memref<4096x64xi32, #tpu.memory_space<hbm>> -> memref<128x64xi32, #tpu.memory_space<hbm>>
      %dma_start3A_53 = arith.constant 0 : i32
      %dma_start3A_54 = tpu.memref_slice %arg4[%mul3A_4, %dma_start3A_53] : memref<4096x64xi32, #tpu.memory_space<hbm>> -> memref<128x64xi32, #tpu.memory_space<hbm>>
      tpu.enqueue_dma source(%dma_start3A_54 : memref<128x64xi32, #tpu.memory_space<hbm>>) target(%arg7 : memref<128x64xi32, #tpu.memory_space<vmem>>) target_semaphore(%run_scoped3A : memref<!tpu.dma_semaphore, #tpu.memory_space<semaphore_mem>>)
      %dma_wait3A = arith.constant 0 : i32
      %dma_wait3A_55 = tpu.memref_slice %arg4[%mul3A_4, %dma_wait3A] : memref<4096x64xi32, #tpu.memory_space<hbm>> -> memref<128x64xi32, #tpu.memory_space<hbm>>
      %dma_wait3A_56 = arith.constant 0 : i32
      %dma_wait3A_57 = tpu.memref_slice %arg4[%mul3A_4, %dma_wait3A_56] : memref<4096x64xi32, #tpu.memory_space<hbm>> -> memref<128x64xi32, #tpu.memory_space<hbm>>
      tpu.wait_dma2 semaphore(%run_scoped3A : memref<!tpu.dma_semaphore, #tpu.memory_space<semaphore_mem>>) src(%dma_wait3A_57 : memref<128x64xi32, #tpu.memory_space<hbm>>) dst(%arg7 : memref<128x64xi32, #tpu.memory_space<vmem>>)
      tpu.yield
    }) : () -> ()
    %dma_start3A = arith.constant 0 : i32
    %dma_start3A_5 = arith.constant 0 : i32
    %dma_start3A_6 = arith.constant 0 : i32
    %dma_start3A_7 = tpu.memref_slice %arg8[%dma_start3A_5, %dma_start3A_6] : memref<218x128xf32, #tpu.memory_space<vmem>> -> memref<50x128xf32, #tpu.memory_space<vmem>>
    %dma_start3A_8 = arith.constant 0 : i32
    %dma_start3A_9 = tpu.memref_slice %arg6[%dma_start3A, %dma_start3A_8] : memref<128x50xi32, #tpu.memory_space<vmem>> -> memref<1x50xi32, #tpu.memory_space<vmem>>
    %dma_start3A_10 = tpu.memref_squeeze %dma_start3A_9 : memref<1x50xi32, #tpu.memory_space<vmem>> -> memref<50xi32, #tpu.memory_space<vmem>>
    %dma_start3A_11 = arith.constant 0 : i32
    %dma_start3A_12 = arith.constant 0 : i32
    %dma_start3A_13 = tpu.memref_slice %arg2[%dma_start3A_11, %dma_start3A_12] : memref<250000x128xf32, #tpu.memory_space<hbm>> -> memref<250000x128xf32, #tpu.memory_space<hbm>>
    tpu.enqueue_indirect_dma source(%dma_start3A_13 : memref<250000x128xf32, #tpu.memory_space<hbm>>) target(%dma_start3A_7 : memref<50x128xf32, #tpu.memory_space<vmem>>) offsets(%dma_start3A_10 : memref<50xi32, #tpu.memory_space<vmem>>) semaphore(%arg11 : memref<!tpu.dma_semaphore, #tpu.memory_space<semaphore_mem>>)
    %dma_start3A_14 = arith.constant 1 : i32
    %dma_start3A_15 = arith.constant 56 : i32
    %dma_start3A_16 = arith.constant 0 : i32
    %dma_start3A_17 = tpu.memref_slice %arg8[%dma_start3A_15, %dma_start3A_16] : memref<218x128xf32, #tpu.memory_space<vmem>> -> memref<50x128xf32, #tpu.memory_space<vmem>>
    %dma_start3A_18 = arith.constant 0 : i32
    %dma_start3A_19 = tpu.memref_slice %arg6[%dma_start3A_14, %dma_start3A_18] : memref<128x50xi32, #tpu.memory_space<vmem>> -> memref<1x50xi32, #tpu.memory_space<vmem>>
    %dma_start3A_20 = tpu.memref_squeeze %dma_start3A_19 : memref<1x50xi32, #tpu.memory_space<vmem>> -> memref<50xi32, #tpu.memory_space<vmem>>
    %dma_start3A_21 = arith.constant 0 : i32
    %dma_start3A_22 = arith.constant 0 : i32
    %dma_start3A_23 = tpu.memref_slice %arg2[%dma_start3A_21, %dma_start3A_22] : memref<250000x128xf32, #tpu.memory_space<hbm>> -> memref<250000x128xf32, #tpu.memory_space<hbm>>
    tpu.enqueue_indirect_dma source(%dma_start3A_23 : memref<250000x128xf32, #tpu.memory_space<hbm>>) target(%dma_start3A_17 : memref<50x128xf32, #tpu.memory_space<vmem>>) offsets(%dma_start3A_20 : memref<50xi32, #tpu.memory_space<vmem>>) semaphore(%arg11 : memref<!tpu.dma_semaphore, #tpu.memory_space<semaphore_mem>>)
    %dma_start3A_24 = arith.constant 2 : i32
    %dma_start3A_25 = arith.constant 112 : i32
    %dma_start3A_26 = arith.constant 0 : i32
    %dma_start3A_27 = tpu.memref_slice %arg8[%dma_start3A_25, %dma_start3A_26] : memref<218x128xf32, #tpu.memory_space<vmem>> -> memref<50x128xf32, #tpu.memory_space<vmem>>
    %dma_start3A_28 = arith.constant 0 : i32
    %dma_start3A_29 = tpu.memref_slice %arg6[%dma_start3A_24, %dma_start3A_28] : memref<128x50xi32, #tpu.memory_space<vmem>> -> memref<1x50xi32, #tpu.memory_space<vmem>>
    %dma_start3A_30 = tpu.memref_squeeze %dma_start3A_29 : memref<1x50xi32, #tpu.memory_space<vmem>> -> memref<50xi32, #tpu.memory_space<vmem>>
    %dma_start3A_31 = arith.constant 0 : i32
    %dma_start3A_32 = arith.constant 0 : i32
    %dma_start3A_33 = tpu.memref_slice %arg2[%dma_start3A_31, %dma_start3A_32] : memref<250000x128xf32, #tpu.memory_space<hbm>> -> memref<250000x128xf32, #tpu.memory_space<hbm>>
    tpu.enqueue_indirect_dma source(%dma_start3A_33 : memref<250000x128xf32, #tpu.memory_space<hbm>>) target(%dma_start3A_27 : memref<50x128xf32, #tpu.memory_space<vmem>>) offsets(%dma_start3A_30 : memref<50xi32, #tpu.memory_space<vmem>>) semaphore(%arg11 : memref<!tpu.dma_semaphore, #tpu.memory_space<semaphore_mem>>)
    %dma_start3A_34 = arith.constant 3 : i32
    %dma_start3A_35 = arith.constant 168 : i32
    %dma_start3A_36 = arith.constant 0 : i32
    %dma_start3A_37 = tpu.memref_slice %arg8[%dma_start3A_35, %dma_start3A_36] : memref<218x128xf32, #tpu.memory_space<vmem>> -> memref<50x128xf32, #tpu.memory_space<vmem>>
    %dma_start3A_38 = arith.constant 0 : i32
    %dma_start3A_39 = tpu.memref_slice %arg6[%dma_start3A_34, %dma_start3A_38] : memref<128x50xi32, #tpu.memory_space<vmem>> -> memref<1x50xi32, #tpu.memory_space<vmem>>
    %dma_start3A_40 = tpu.memref_squeeze %dma_start3A_39 : memref<1x50xi32, #tpu.memory_space<vmem>> -> memref<50xi32, #tpu.memory_space<vmem>>
    %dma_start3A_41 = arith.constant 0 : i32
    %dma_start3A_42 = arith.constant 0 : i32
    %dma_start3A_43 = tpu.memref_slice %arg2[%dma_start3A_41, %dma_start3A_42] : memref<250000x128xf32, #tpu.memory_space<hbm>> -> memref<250000x128xf32, #tpu.memory_space<hbm>>
    tpu.enqueue_indirect_dma source(%dma_start3A_43 : memref<250000x128xf32, #tpu.memory_space<hbm>>) target(%dma_start3A_37 : memref<50x128xf32, #tpu.memory_space<vmem>>) offsets(%dma_start3A_40 : memref<50xi32, #tpu.memory_space<vmem>>) semaphore(%arg11 : memref<!tpu.dma_semaphore, #tpu.memory_space<semaphore_mem>>)
    %scan3A = arith.constant 0 : i32
    %scan3A_44 = arith.constant 0 : i32
    %scan3A_45 = arith.constant 16 : i32
    %scan3A_46 = arith.addi %scan3A_44, %scan3A_45 : i32
    %scan3A_47 = arith.constant 1 : i32
    scf.for %scan3A_51 = %scan3A_44 to %scan3A_46 step %scan3A_47  : i32 {
      %mul3A_52 = arith.constant 2 : i32
      %mul3A_53 = arith.muli %mul3A_52, %scan3A_51 : i32
      %add3A_54 = arith.constant 0 : i32
      %add3A_55 = arith.addi %mul3A_53, %add3A_54 : i32
      %add3A_56 = arith.constant 1 : i32
      %add3A_57 = arith.addi %add3A_55, %add3A_56 : i32
      %lt3A = arith.constant 32 : i32
      %lt3A_58 = arith.cmpi slt, %add3A_57, %lt3A : i32
      %convert_element_type3A = arith.extui %lt3A_58 : i1 to i32
      %cond3A = arith.constant 0 : i32
      %cond3A_59 = arith.cmpi ne, %convert_element_type3A, %cond3A : i32
      scf.if %cond3A_59 {
        %add3A_186 = arith.constant 1 : i32
        %add3A_187 = arith.addi %add3A_55, %add3A_186 : i32
        %mul3A_188 = arith.constant 4 : i32
        %mul3A_189 = arith.muli %add3A_187, %mul3A_188 : i32
        %add3A_190 = arith.constant 0 : i32
        %add3A_191 = arith.addi %mul3A_189, %add3A_190 : i32
        %dma_start3A_192 = arith.constant 0 : i32
        %dma_start3A_193 = arith.constant 0 : i32
        %dma_start3A_194 = tpu.memref_slice %arg9[%dma_start3A_192, %dma_start3A_193] : memref<218x128xf32, #tpu.memory_space<vmem>> -> memref<50x128xf32, #tpu.memory_space<vmem>>
        %dma_start3A_195 = arith.constant 0 : i32
        %dma_start3A_196 = tpu.memref_slice %arg6[%add3A_191, %dma_start3A_195] : memref<128x50xi32, #tpu.memory_space<vmem>> -> memref<1x50xi32, #tpu.memory_space<vmem>>
        %dma_start3A_197 = tpu.memref_squeeze %dma_start3A_196 : memref<1x50xi32, #tpu.memory_space<vmem>> -> memref<50xi32, #tpu.memory_space<vmem>>
        %dma_start3A_198 = arith.constant 0 : i32
        %dma_start3A_199 = arith.constant 0 : i32
        %dma_start3A_200 = tpu.memref_slice %arg2[%dma_start3A_198, %dma_start3A_199] : memref<250000x128xf32, #tpu.memory_space<hbm>> -> memref<250000x128xf32, #tpu.memory_space<hbm>>
        tpu.enqueue_indirect_dma source(%dma_start3A_200 : memref<250000x128xf32, #tpu.memory_space<hbm>>) target(%dma_start3A_194 : memref<50x128xf32, #tpu.memory_space<vmem>>) offsets(%dma_start3A_197 : memref<50xi32, #tpu.memory_space<vmem>>) semaphore(%arg12 : memref<!tpu.dma_semaphore, #tpu.memory_space<semaphore_mem>>)
        %mul3A_201 = arith.constant 4 : i32
        %mul3A_202 = arith.muli %add3A_187, %mul3A_201 : i32
        %add3A_203 = arith.constant 1 : i32
        %add3A_204 = arith.addi %mul3A_202, %add3A_203 : i32
        %dma_start3A_205 = arith.constant 56 : i32
        %dma_start3A_206 = arith.constant 0 : i32
        %dma_start3A_207 = tpu.memref_slice %arg9[%dma_start3A_205, %dma_start3A_206] : memref<218x128xf32, #tpu.memory_space<vmem>> -> memref<50x128xf32, #tpu.memory_space<vmem>>
        %dma_start3A_208 = arith.constant 0 : i32
        %dma_start3A_209 = tpu.memref_slice %arg6[%add3A_204, %dma_start3A_208] : memref<128x50xi32, #tpu.memory_space<vmem>> -> memref<1x50xi32, #tpu.memory_space<vmem>>
        %dma_start3A_210 = tpu.memref_squeeze %dma_start3A_209 : memref<1x50xi32, #tpu.memory_space<vmem>> -> memref<50xi32, #tpu.memory_space<vmem>>
        %dma_start3A_211 = arith.constant 0 : i32
        %dma_start3A_212 = arith.constant 0 : i32
        %dma_start3A_213 = tpu.memref_slice %arg2[%dma_start3A_211, %dma_start3A_212] : memref<250000x128xf32, #tpu.memory_space<hbm>> -> memref<250000x128xf32, #tpu.memory_space<hbm>>
        tpu.enqueue_indirect_dma source(%dma_start3A_213 : memref<250000x128xf32, #tpu.memory_space<hbm>>) target(%dma_start3A_207 : memref<50x128xf32, #tpu.memory_space<vmem>>) offsets(%dma_start3A_210 : memref<50xi32, #tpu.memory_space<vmem>>) semaphore(%arg12 : memref<!tpu.dma_semaphore, #tpu.memory_space<semaphore_mem>>)
        %mul3A_214 = arith.constant 4 : i32
        %mul3A_215 = arith.muli %add3A_187, %mul3A_214 : i32
        %add3A_216 = arith.constant 2 : i32
        %add3A_217 = arith.addi %mul3A_215, %add3A_216 : i32
        %dma_start3A_218 = arith.constant 112 : i32
        %dma_start3A_219 = arith.constant 0 : i32
        %dma_start3A_220 = tpu.memref_slice %arg9[%dma_start3A_218, %dma_start3A_219] : memref<218x128xf32, #tpu.memory_space<vmem>> -> memref<50x128xf32, #tpu.memory_space<vmem>>
        %dma_start3A_221 = arith.constant 0 : i32
        %dma_start3A_222 = tpu.memref_slice %arg6[%add3A_217, %dma_start3A_221] : memref<128x50xi32, #tpu.memory_space<vmem>> -> memref<1x50xi32, #tpu.memory_space<vmem>>
        %dma_start3A_223 = tpu.memref_squeeze %dma_start3A_222 : memref<1x50xi32, #tpu.memory_space<vmem>> -> memref<50xi32, #tpu.memory_space<vmem>>
        %dma_start3A_224 = arith.constant 0 : i32
        %dma_start3A_225 = arith.constant 0 : i32
        %dma_start3A_226 = tpu.memref_slice %arg2[%dma_start3A_224, %dma_start3A_225] : memref<250000x128xf32, #tpu.memory_space<hbm>> -> memref<250000x128xf32, #tpu.memory_space<hbm>>
        tpu.enqueue_indirect_dma source(%dma_start3A_226 : memref<250000x128xf32, #tpu.memory_space<hbm>>) target(%dma_start3A_220 : memref<50x128xf32, #tpu.memory_space<vmem>>) offsets(%dma_start3A_223 : memref<50xi32, #tpu.memory_space<vmem>>) semaphore(%arg12 : memref<!tpu.dma_semaphore, #tpu.memory_space<semaphore_mem>>)
        %mul3A_227 = arith.constant 4 : i32
        %mul3A_228 = arith.muli %add3A_187, %mul3A_227 : i32
        %add3A_229 = arith.constant 3 : i32
        %add3A_230 = arith.addi %mul3A_228, %add3A_229 : i32
        %dma_start3A_231 = arith.constant 168 : i32
        %dma_start3A_232 = arith.constant 0 : i32
        %dma_start3A_233 = tpu.memref_slice %arg9[%dma_start3A_231, %dma_start3A_232] : memref<218x128xf32, #tpu.memory_space<vmem>> -> memref<50x128xf32, #tpu.memory_space<vmem>>
        %dma_start3A_234 = arith.constant 0 : i32
        %dma_start3A_235 = tpu.memref_slice %arg6[%add3A_230, %dma_start3A_234] : memref<128x50xi32, #tpu.memory_space<vmem>> -> memref<1x50xi32, #tpu.memory_space<vmem>>
        %dma_start3A_236 = tpu.memref_squeeze %dma_start3A_235 : memref<1x50xi32, #tpu.memory_space<vmem>> -> memref<50xi32, #tpu.memory_space<vmem>>
        %dma_start3A_237 = arith.constant 0 : i32
        %dma_start3A_238 = arith.constant 0 : i32
        %dma_start3A_239 = tpu.memref_slice %arg2[%dma_start3A_237, %dma_start3A_238] : memref<250000x128xf32, #tpu.memory_space<hbm>> -> memref<250000x128xf32, #tpu.memory_space<hbm>>
        tpu.enqueue_indirect_dma source(%dma_start3A_239 : memref<250000x128xf32, #tpu.memory_space<hbm>>) target(%dma_start3A_233 : memref<50x128xf32, #tpu.memory_space<vmem>>) offsets(%dma_start3A_236 : memref<50xi32, #tpu.memory_space<vmem>>) semaphore(%arg12 : memref<!tpu.dma_semaphore, #tpu.memory_space<semaphore_mem>>)
      } else {
      }
      %mul3A_60 = arith.constant 4 : i32
      %mul3A_61 = arith.muli %add3A_55, %mul3A_60 : i32
      %add3A_62 = arith.constant 0 : i32
      %add3A_63 = arith.addi %mul3A_61, %add3A_62 : i32
      %dma_wait3A = arith.constant 0 : i32
      %dma_wait3A_64 = arith.constant 0 : i32
      %dma_wait3A_65 = tpu.memref_slice %arg8[%dma_wait3A, %dma_wait3A_64] : memref<218x128xf32, #tpu.memory_space<vmem>> -> memref<50x128xf32, #tpu.memory_space<vmem>>
      %dma_wait3A_66 = arith.constant 0 : i32
      %dma_wait3A_67 = tpu.memref_slice %arg6[%add3A_63, %dma_wait3A_66] : memref<128x50xi32, #tpu.memory_space<vmem>> -> memref<1x50xi32, #tpu.memory_space<vmem>>
      %dma_wait3A_68 = tpu.memref_squeeze %dma_wait3A_67 : memref<1x50xi32, #tpu.memory_space<vmem>> -> memref<50xi32, #tpu.memory_space<vmem>>
      %dma_wait3A_69 = arith.constant 0 : i32
      %dma_wait3A_70 = arith.constant 0 : i32
      %dma_wait3A_71 = tpu.memref_slice %arg2[%dma_wait3A_69, %dma_wait3A_70] : memref<250000x128xf32, #tpu.memory_space<hbm>> -> memref<250000x128xf32, #tpu.memory_space<hbm>>
      tpu.wait_indirect_dma semaphore(%arg11 : memref<!tpu.dma_semaphore, #tpu.memory_space<semaphore_mem>>) src(%dma_wait3A_71 : memref<250000x128xf32, #tpu.memory_space<hbm>>) dst(%dma_wait3A_65 : memref<50x128xf32, #tpu.memory_space<vmem>>)
      %mul3A_72 = arith.constant 4 : i32
      %mul3A_73 = arith.muli %add3A_55, %mul3A_72 : i32
      %add3A_74 = arith.constant 1 : i32
      %add3A_75 = arith.addi %mul3A_73, %add3A_74 : i32
      %dma_wait3A_76 = arith.constant 56 : i32
      %dma_wait3A_77 = arith.constant 0 : i32
      %dma_wait3A_78 = tpu.memref_slice %arg8[%dma_wait3A_76, %dma_wait3A_77] : memref<218x128xf32, #tpu.memory_space<vmem>> -> memref<50x128xf32, #tpu.memory_space<vmem>>
      %dma_wait3A_79 = arith.constant 0 : i32
      %dma_wait3A_80 = tpu.memref_slice %arg6[%add3A_75, %dma_wait3A_79] : memref<128x50xi32, #tpu.memory_space<vmem>> -> memref<1x50xi32, #tpu.memory_space<vmem>>
      %dma_wait3A_81 = tpu.memref_squeeze %dma_wait3A_80 : memref<1x50xi32, #tpu.memory_space<vmem>> -> memref<50xi32, #tpu.memory_space<vmem>>
      %dma_wait3A_82 = arith.constant 0 : i32
      %dma_wait3A_83 = arith.constant 0 : i32
      %dma_wait3A_84 = tpu.memref_slice %arg2[%dma_wait3A_82, %dma_wait3A_83] : memref<250000x128xf32, #tpu.memory_space<hbm>> -> memref<250000x128xf32, #tpu.memory_space<hbm>>
      tpu.wait_indirect_dma semaphore(%arg11 : memref<!tpu.dma_semaphore, #tpu.memory_space<semaphore_mem>>) src(%dma_wait3A_84 : memref<250000x128xf32, #tpu.memory_space<hbm>>) dst(%dma_wait3A_78 : memref<50x128xf32, #tpu.memory_space<vmem>>)
      %mul3A_85 = arith.constant 4 : i32
      %mul3A_86 = arith.muli %add3A_55, %mul3A_85 : i32
      %add3A_87 = arith.constant 2 : i32
      %add3A_88 = arith.addi %mul3A_86, %add3A_87 : i32
      %dma_wait3A_89 = arith.constant 112 : i32
      %dma_wait3A_90 = arith.constant 0 : i32
      %dma_wait3A_91 = tpu.memref_slice %arg8[%dma_wait3A_89, %dma_wait3A_90] : memref<218x128xf32, #tpu.memory_space<vmem>> -> memref<50x128xf32, #tpu.memory_space<vmem>>
      %dma_wait3A_92 = arith.constant 0 : i32
      %dma_wait3A_93 = tpu.memref_slice %arg6[%add3A_88, %dma_wait3A_92] : memref<128x50xi32, #tpu.memory_space<vmem>> -> memref<1x50xi32, #tpu.memory_space<vmem>>
      %dma_wait3A_94 = tpu.memref_squeeze %dma_wait3A_93 : memref<1x50xi32, #tpu.memory_space<vmem>> -> memref<50xi32, #tpu.memory_space<vmem>>
      %dma_wait3A_95 = arith.constant 0 : i32
      %dma_wait3A_96 = arith.constant 0 : i32
      %dma_wait3A_97 = tpu.memref_slice %arg2[%dma_wait3A_95, %dma_wait3A_96] : memref<250000x128xf32, #tpu.memory_space<hbm>> -> memref<250000x128xf32, #tpu.memory_space<hbm>>
      tpu.wait_indirect_dma semaphore(%arg11 : memref<!tpu.dma_semaphore, #tpu.memory_space<semaphore_mem>>) src(%dma_wait3A_97 : memref<250000x128xf32, #tpu.memory_space<hbm>>) dst(%dma_wait3A_91 : memref<50x128xf32, #tpu.memory_space<vmem>>)
      %mul3A_98 = arith.constant 4 : i32
      %mul3A_99 = arith.muli %add3A_55, %mul3A_98 : i32
      %add3A_100 = arith.constant 3 : i32
      %add3A_101 = arith.addi %mul3A_99, %add3A_100 : i32
      %dma_wait3A_102 = arith.constant 168 : i32
      %dma_wait3A_103 = arith.constant 0 : i32
      %dma_wait3A_104 = tpu.memref_slice %arg8[%dma_wait3A_102, %dma_wait3A_103] : memref<218x128xf32, #tpu.memory_space<vmem>> -> memref<50x128xf32, #tpu.memory_space<vmem>>
      %dma_wait3A_105 = arith.constant 0 : i32
      %dma_wait3A_106 = tpu.memref_slice %arg6[%add3A_101, %dma_wait3A_105] : memref<128x50xi32, #tpu.memory_space<vmem>> -> memref<1x50xi32, #tpu.memory_space<vmem>>
      %dma_wait3A_107 = tpu.memref_squeeze %dma_wait3A_106 : memref<1x50xi32, #tpu.memory_space<vmem>> -> memref<50xi32, #tpu.memory_space<vmem>>
      %dma_wait3A_108 = arith.constant 0 : i32
      %dma_wait3A_109 = arith.constant 0 : i32
      %dma_wait3A_110 = tpu.memref_slice %arg2[%dma_wait3A_108, %dma_wait3A_109] : memref<250000x128xf32, #tpu.memory_space<hbm>> -> memref<250000x128xf32, #tpu.memory_space<hbm>>
      tpu.wait_indirect_dma semaphore(%arg11 : memref<!tpu.dma_semaphore, #tpu.memory_space<semaphore_mem>>) src(%dma_wait3A_110 : memref<250000x128xf32, #tpu.memory_space<hbm>>) dst(%dma_wait3A_104 : memref<50x128xf32, #tpu.memory_space<vmem>>)
      %scan3A_111 = arith.constant 0 : i32
      %scan3A_112 = arith.constant 0 : i32
      %scan3A_113 = arith.constant 4 : i32
      %scan3A_114 = arith.addi %scan3A_112, %scan3A_113 : i32
      %scan3A_115 = arith.constant 1 : i32
      scf.for %scan3A_186 = %scan3A_112 to %scan3A_114 step %scan3A_115  : i32 {
        %broadcast_in_dim3A = arith.constant 0.000000e+00 : f32
        %broadcast_in_dim3A_187 = vector.broadcast %broadcast_in_dim3A : f32 to vector<16xf32>
        %broadcast_in_dim3A_188 = arith.constant 0.000000e+00 : f32
        %broadcast_in_dim3A_189 = vector.broadcast %broadcast_in_dim3A_188 : f32 to vector<16xf32>
        %mul3A_190 = arith.constant 4 : i32
        %mul3A_191 = arith.muli %add3A_55, %mul3A_190 : i32
        %add3A_192 = arith.addi %mul3A_191, %scan3A_186 : i32
        %get3A = arith.index_cast %add3A_192 : i32 to index
        %get3A_193 = arith.constant 0 : index
        %get3A_194 = tpu.vector_load %arg7[%get3A, %get3A_193] {strides = array<i32>} : memref<128x64xi32, #tpu.memory_space<vmem>>, vector<16xi32>,
        %broadcast_in_dim3A_195 = arith.constant 0 : i32
        %broadcast_in_dim3A_196 = vector.broadcast %broadcast_in_dim3A_195 : i32 to vector<16x1xi32>
        %gather3A = vector.shape_cast %broadcast_in_dim3A_196 : vector<16x1xi32> to vector<16xi32>
        %gather3A_197 = tpu.dynamic_gather %get3A_194[%gather3A] in [0] : vector<16xi32>, vector<16xi32> -> vector<16xi32>
        %shift_right_logical3A = arith.constant 7 : i32
        %shift_right_logical3A_198 = vector.broadcast %shift_right_logical3A : i32 to vector<16xi32>
        %shift_right_logical3A_199 = arith.shrui %gather3A_197, %shift_right_logical3A_198 : vector<16xi32>
        %and3A = arith.constant 127 : i32
        %and3A_200 = vector.broadcast %and3A : i32 to vector<16xi32>
        %and3A_201 = arith.andi %gather3A_197, %and3A_200 : vector<16xi32>
        %add3A_202 = arith.addi %and3A_201, %iota3A : vector<16xi32>
        %and3A_203 = arith.constant 127 : i32
        %and3A_204 = vector.broadcast %and3A_203 : i32 to vector<16xi32>
        %and3A_205 = arith.andi %add3A_202, %and3A_204 : vector<16xi32>
        %gather3A_206 = tpu.vector_load_idx %arg8[%shift_right_logical3A_199, %and3A_205] : memref<218x128xf32, #tpu.memory_space<vmem>>[vector<16xi32>, vector<16xi32>], vector<16xf32>,
        %add3A_207 = arith.addf %broadcast_in_dim3A_187, %gather3A_206 : vector<16xf32>
        %add3A_208 = arith.constant 16 : i32
        %add3A_209 = vector.broadcast %add3A_208 : i32 to vector<16xi32>
        %add3A_210 = arith.addi %and3A_201, %add3A_209 : vector<16xi32>
        %add3A_211 = arith.addi %add3A_210, %iota3A : vector<16xi32>
        %and3A_212 = arith.constant 127 : i32
        %and3A_213 = vector.broadcast %and3A_212 : i32 to vector<16xi32>
        %and3A_214 = arith.andi %add3A_211, %and3A_213 : vector<16xi32>
        %gather3A_215 = tpu.vector_load_idx %arg8[%shift_right_logical3A_199, %and3A_214] : memref<218x128xf32, #tpu.memory_space<vmem>>[vector<16xi32>, vector<16xi32>], vector<16xf32>,
        %add3A_216 = arith.addf %broadcast_in_dim3A_189, %gather3A_215 : vector<16xf32>
        %broadcast_in_dim3A_217 = arith.constant 1 : i32
        %broadcast_in_dim3A_218 = vector.broadcast %broadcast_in_dim3A_217 : i32 to vector<16x1xi32>
        %gather3A_219 = vector.shape_cast %broadcast_in_dim3A_218 : vector<16x1xi32> to vector<16xi32>
        %gather3A_220 = tpu.dynamic_gather %get3A_194[%gather3A_219] in [0] : vector<16xi32>, vector<16xi32> -> vector<16xi32>
        %shift_right_logical3A_221 = arith.constant 7 : i32
        %shift_right_logical3A_222 = vector.broadcast %shift_right_logical3A_221 : i32 to vector<16xi32>
        %shift_right_logical3A_223 = arith.shrui %gather3A_220, %shift_right_logical3A_222 : vector<16xi32>
        %and3A_224 = arith.constant 127 : i32
        %and3A_225 = vector.broadcast %and3A_224 : i32 to vector<16xi32>
        %and3A_226 = arith.andi %gather3A_220, %and3A_225 : vector<16xi32>
        %add3A_227 = arith.addi %and3A_226, %iota3A : vector<16xi32>
        %and3A_228 = arith.constant 127 : i32
        %and3A_229 = vector.broadcast %and3A_228 : i32 to vector<16xi32>
        %and3A_230 = arith.andi %add3A_227, %and3A_229 : vector<16xi32>
        %gather3A_231 = tpu.vector_load_idx %arg8[%shift_right_logical3A_223, %and3A_230] : memref<218x128xf32, #tpu.memory_space<vmem>>[vector<16xi32>, vector<16xi32>], vector<16xf32>,
        %add3A_232 = arith.addf %add3A_207, %gather3A_231 : vector<16xf32>
        %add3A_233 = arith.constant 16 : i32
        %add3A_234 = vector.broadcast %add3A_233 : i32 to vector<16xi32>
        %add3A_235 = arith.addi %and3A_226, %add3A_234 : vector<16xi32>
        %add3A_236 = arith.addi %add3A_235, %iota3A : vector<16xi32>
        %and3A_237 = arith.constant 127 : i32
        %and3A_238 = vector.broadcast %and3A_237 : i32 to vector<16xi32>
        %and3A_239 = arith.andi %add3A_236, %and3A_238 : vector<16xi32>
        %gather3A_240 = tpu.vector_load_idx %arg8[%shift_right_logical3A_223, %and3A_239] : memref<218x128xf32, #tpu.memory_space<vmem>>[vector<16xi32>, vector<16xi32>], vector<16xf32>,
        %add3A_241 = arith.addf %add3A_216, %gather3A_240 : vector<16xf32>
        %broadcast_in_dim3A_242 = arith.constant 2 : i32
        %broadcast_in_dim3A_243 = vector.broadcast %broadcast_in_dim3A_242 : i32 to vector<16x1xi32>
        %gather3A_244 = vector.shape_cast %broadcast_in_dim3A_243 : vector<16x1xi32> to vector<16xi32>
        %gather3A_245 = tpu.dynamic_gather %get3A_194[%gather3A_244] in [0] : vector<16xi32>, vector<16xi32> -> vector<16xi32>
        %shift_right_logical3A_246 = arith.constant 7 : i32
        %shift_right_logical3A_247 = vector.broadcast %shift_right_logical3A_246 : i32 to vector<16xi32>
        %shift_right_logical3A_248 = arith.shrui %gather3A_245, %shift_right_logical3A_247 : vector<16xi32>
        %and3A_249 = arith.constant 127 : i32
        %and3A_250 = vector.broadcast %and3A_249 : i32 to vector<16xi32>
        %and3A_251 = arith.andi %gather3A_245, %and3A_250 : vector<16xi32>
        %add3A_252 = arith.addi %and3A_251, %iota3A : vector<16xi32>
        %and3A_253 = arith.constant 127 : i32
        %and3A_254 = vector.broadcast %and3A_253 : i32 to vector<16xi32>
        %and3A_255 = arith.andi %add3A_252, %and3A_254 : vector<16xi32>
        %gather3A_256 = tpu.vector_load_idx %arg8[%shift_right_logical3A_248, %and3A_255] : memref<218x128xf32, #tpu.memory_space<vmem>>[vector<16xi32>, vector<16xi32>], vector<16xf32>,
        %add3A_257 = arith.addf %add3A_232, %gather3A_256 : vector<16xf32>
        %add3A_258 = arith.constant 16 : i32
        %add3A_259 = vector.broadcast %add3A_258 : i32 to vector<16xi32>
        %add3A_260 = arith.addi %and3A_251, %add3A_259 : vector<16xi32>
        %add3A_261 = arith.addi %add3A_260, %iota3A : vector<16xi32>
        %and3A_262 = arith.constant 127 : i32
        %and3A_263 = vector.broadcast %and3A_262 : i32 to vector<16xi32>
        %and3A_264 = arith.andi %add3A_261, %and3A_263 : vector<16xi32>
        %gather3A_265 = tpu.vector_load_idx %arg8[%shift_right_logical3A_248, %and3A_264] : memref<218x128xf32, #tpu.memory_space<vmem>>[vector<16xi32>, vector<16xi32>], vector<16xf32>,
        %add3A_266 = arith.addf %add3A_241, %gather3A_265 : vector<16xf32>
        %broadcast_in_dim3A_267 = arith.constant 3 : i32
        %broadcast_in_dim3A_268 = vector.broadcast %broadcast_in_dim3A_267 : i32 to vector<16x1xi32>
        %gather3A_269 = vector.shape_cast %broadcast_in_dim3A_268 : vector<16x1xi32> to vector<16xi32>
        %gather3A_270 = tpu.dynamic_gather %get3A_194[%gather3A_269] in [0] : vector<16xi32>, vector<16xi32> -> vector<16xi32>
        %shift_right_logical3A_271 = arith.constant 7 : i32
        %shift_right_logical3A_272 = vector.broadcast %shift_right_logical3A_271 : i32 to vector<16xi32>
        %shift_right_logical3A_273 = arith.shrui %gather3A_270, %shift_right_logical3A_272 : vector<16xi32>
        %and3A_274 = arith.constant 127 : i32
        %and3A_275 = vector.broadcast %and3A_274 : i32 to vector<16xi32>
        %and3A_276 = arith.andi %gather3A_270, %and3A_275 : vector<16xi32>
        %add3A_277 = arith.addi %and3A_276, %iota3A : vector<16xi32>
        %and3A_278 = arith.constant 127 : i32
        %and3A_279 = vector.broadcast %and3A_278 : i32 to vector<16xi32>
        %and3A_280 = arith.andi %add3A_277, %and3A_279 : vector<16xi32>
        %gather3A_281 = tpu.vector_load_idx %arg8[%shift_right_logical3A_273, %and3A_280] : memref<218x128xf32, #tpu.memory_space<vmem>>[vector<16xi32>, vector<16xi32>], vector<16xf32>,
        %add3A_282 = arith.addf %add3A_257, %gather3A_281 : vector<16xf32>
        %add3A_283 = arith.constant 16 : i32
        %add3A_284 = vector.broadcast %add3A_283 : i32 to vector<16xi32>
        %add3A_285 = arith.addi %and3A_276, %add3A_284 : vector<16xi32>
        %add3A_286 = arith.addi %add3A_285, %iota3A : vector<16xi32>
        %and3A_287 = arith.constant 127 : i32
        %and3A_288 = vector.broadcast %and3A_287 : i32 to vector<16xi32>
        %and3A_289 = arith.andi %add3A_286, %and3A_288 : vector<16xi32>
        %gather3A_290 = tpu.vector_load_idx %arg8[%shift_right_logical3A_273, %and3A_289] : memref<218x128xf32, #tpu.memory_space<vmem>>[vector<16xi32>, vector<16xi32>], vector<16xf32>,
        %add3A_291 = arith.addf %add3A_266, %gather3A_290 : vector<16xf32>
        %broadcast_in_dim3A_292 = arith.constant 4 : i32
        %broadcast_in_dim3A_293 = vector.broadcast %broadcast_in_dim3A_292 : i32 to vector<16x1xi32>
        %gather3A_294 = vector.shape_cast %broadcast_in_dim3A_293 : vector<16x1xi32> to vector<16xi32>
        %gather3A_295 = tpu.dynamic_gather %get3A_194[%gather3A_294] in [0] : vector<16xi32>, vector<16xi32> -> vector<16xi32>
        %shift_right_logical3A_296 = arith.constant 7 : i32
        %shift_right_logical3A_297 = vector.broadcast %shift_right_logical3A_296 : i32 to vector<16xi32>
        %shift_right_logical3A_298 = arith.shrui %gather3A_295, %shift_right_logical3A_297 : vector<16xi32>
        %and3A_299 = arith.constant 127 : i32
        %and3A_300 = vector.broadcast %and3A_299 : i32 to vector<16xi32>
        %and3A_301 = arith.andi %gather3A_295, %and3A_300 : vector<16xi32>
        %add3A_302 = arith.addi %and3A_301, %iota3A : vector<16xi32>
        %and3A_303 = arith.constant 127 : i32
        %and3A_304 = vector.broadcast %and3A_303 : i32 to vector<16xi32>
        %and3A_305 = arith.andi %add3A_302, %and3A_304 : vector<16xi32>
        %gather3A_306 = tpu.vector_load_idx %arg8[%shift_right_logical3A_298, %and3A_305] : memref<218x128xf32, #tpu.memory_space<vmem>>[vector<16xi32>, vector<16xi32>], vector<16xf32>,
        %add3A_307 = arith.addf %add3A_282, %gather3A_306 : vector<16xf32>
        %add3A_308 = arith.constant 16 : i32
        %add3A_309 = vector.broadcast %add3A_308 : i32 to vector<16xi32>
        %add3A_310 = arith.addi %and3A_301, %add3A_309 : vector<16xi32>
        %add3A_311 = arith.addi %add3A_310, %iota3A : vector<16xi32>
        %and3A_312 = arith.constant 127 : i32
        %and3A_313 = vector.broadcast %and3A_312 : i32 to vector<16xi32>
        %and3A_314 = arith.andi %add3A_311, %and3A_313 : vector<16xi32>
        %gather3A_315 = tpu.vector_load_idx %arg8[%shift_right_logical3A_298, %and3A_314] : memref<218x128xf32, #tpu.memory_space<vmem>>[vector<16xi32>, vector<16xi32>], vector<16xf32>,
        %add3A_316 = arith.addf %add3A_291, %gather3A_315 : vector<16xf32>
        %broadcast_in_dim3A_317 = arith.constant 5 : i32
        %broadcast_in_dim3A_318 = vector.broadcast %broadcast_in_dim3A_317 : i32 to vector<16x1xi32>
        %gather3A_319 = vector.shape_cast %broadcast_in_dim3A_318 : vector<16x1xi32> to vector<16xi32>
        %gather3A_320 = tpu.dynamic_gather %get3A_194[%gather3A_319] in [0] : vector<16xi32>, vector<16xi32> -> vector<16xi32>
        %shift_right_logical3A_321 = arith.constant 7 : i32
        %shift_right_logical3A_322 = vector.broadcast %shift_right_logical3A_321 : i32 to vector<16xi32>
        %shift_right_logical3A_323 = arith.shrui %gather3A_320, %shift_right_logical3A_322 : vector<16xi32>
        %and3A_324 = arith.constant 127 : i32
        %and3A_325 = vector.broadcast %and3A_324 : i32 to vector<16xi32>
        %and3A_326 = arith.andi %gather3A_320, %and3A_325 : vector<16xi32>
        %add3A_327 = arith.addi %and3A_326, %iota3A : vector<16xi32>
        %and3A_328 = arith.constant 127 : i32
        %and3A_329 = vector.broadcast %and3A_328 : i32 to vector<16xi32>
        %and3A_330 = arith.andi %add3A_327, %and3A_329 : vector<16xi32>
        %gather3A_331 = tpu.vector_load_idx %arg8[%shift_right_logical3A_323, %and3A_330] : memref<218x128xf32, #tpu.memory_space<vmem>>[vector<16xi32>, vector<16xi32>], vector<16xf32>,
        %add3A_332 = arith.addf %add3A_307, %gather3A_331 : vector<16xf32>
        %add3A_333 = arith.constant 16 : i32
        %add3A_334 = vector.broadcast %add3A_333 : i32 to vector<16xi32>
        %add3A_335 = arith.addi %and3A_326, %add3A_334 : vector<16xi32>
        %add3A_336 = arith.addi %add3A_335, %iota3A : vector<16xi32>
        %and3A_337 = arith.constant 127 : i32
        %and3A_338 = vector.broadcast %and3A_337 : i32 to vector<16xi32>
        %and3A_339 = arith.andi %add3A_336, %and3A_338 : vector<16xi32>
        %gather3A_340 = tpu.vector_load_idx %arg8[%shift_right_logical3A_323, %and3A_339] : memref<218x128xf32, #tpu.memory_space<vmem>>[vector<16xi32>, vector<16xi32>], vector<16xf32>,
        %add3A_341 = arith.addf %add3A_316, %gather3A_340 : vector<16xf32>
        %broadcast_in_dim3A_342 = arith.constant 6 : i32
        %broadcast_in_dim3A_343 = vector.broadcast %broadcast_in_dim3A_342 : i32 to vector<16x1xi32>
        %gather3A_344 = vector.shape_cast %broadcast_in_dim3A_343 : vector<16x1xi32> to vector<16xi32>
        %gather3A_345 = tpu.dynamic_gather %get3A_194[%gather3A_344] in [0] : vector<16xi32>, vector<16xi32> -> vector<16xi32>
        %shift_right_logical3A_346 = arith.constant 7 : i32
        %shift_right_logical3A_347 = vector.broadcast %shift_right_logical3A_346 : i32 to vector<16xi32>
        %shift_right_logical3A_348 = arith.shrui %gather3A_345, %shift_right_logical3A_347 : vector<16xi32>
        %and3A_349 = arith.constant 127 : i32
        %and3A_350 = vector.broadcast %and3A_349 : i32 to vector<16xi32>
        %and3A_351 = arith.andi %gather3A_345, %and3A_350 : vector<16xi32>
        %add3A_352 = arith.addi %and3A_351, %iota3A : vector<16xi32>
        %and3A_353 = arith.constant 127 : i32
        %and3A_354 = vector.broadcast %and3A_353 : i32 to vector<16xi32>
        %and3A_355 = arith.andi %add3A_352, %and3A_354 : vector<16xi32>
        %gather3A_356 = tpu.vector_load_idx %arg8[%shift_right_logical3A_348, %and3A_355] : memref<218x128xf32, #tpu.memory_space<vmem>>[vector<16xi32>, vector<16xi32>], vector<16xf32>,
        %add3A_357 = arith.addf %add3A_332, %gather3A_356 : vector<16xf32>
        %add3A_358 = arith.constant 16 : i32
        %add3A_359 = vector.broadcast %add3A_358 : i32 to vector<16xi32>
        %add3A_360 = arith.addi %and3A_351, %add3A_359 : vector<16xi32>
        %add3A_361 = arith.addi %add3A_360, %iota3A : vector<16xi32>
        %and3A_362 = arith.constant 127 : i32
        %and3A_363 = vector.broadcast %and3A_362 : i32 to vector<16xi32>
        %and3A_364 = arith.andi %add3A_361, %and3A_363 : vector<16xi32>
        %gather3A_365 = tpu.vector_load_idx %arg8[%shift_right_logical3A_348, %and3A_364] : memref<218x128xf32, #tpu.memory_space<vmem>>[vector<16xi32>, vector<16xi32>], vector<16xf32>,
        %add3A_366 = arith.addf %add3A_341, %gather3A_365 : vector<16xf32>
        %broadcast_in_dim3A_367 = arith.constant 7 : i32
        %broadcast_in_dim3A_368 = vector.broadcast %broadcast_in_dim3A_367 : i32 to vector<16x1xi32>
        %gather3A_369 = vector.shape_cast %broadcast_in_dim3A_368 : vector<16x1xi32> to vector<16xi32>
        %gather3A_370 = tpu.dynamic_gather %get3A_194[%gather3A_369] in [0] : vector<16xi32>, vector<16xi32> -> vector<16xi32>
        %shift_right_logical3A_371 = arith.constant 7 : i32
        %shift_right_logical3A_372 = vector.broadcast %shift_right_logical3A_371 : i32 to vector<16xi32>
        %shift_right_logical3A_373 = arith.shrui %gather3A_370, %shift_right_logical3A_372 : vector<16xi32>
        %and3A_374 = arith.constant 127 : i32
        %and3A_375 = vector.broadcast %and3A_374 : i32 to vector<16xi32>
        %and3A_376 = arith.andi %gather3A_370, %and3A_375 : vector<16xi32>
        %add3A_377 = arith.addi %and3A_376, %iota3A : vector<16xi32>
        %and3A_378 = arith.constant 127 : i32
        %and3A_379 = vector.broadcast %and3A_378 : i32 to vector<16xi32>
        %and3A_380 = arith.andi %add3A_377, %and3A_379 : vector<16xi32>
        %gather3A_381 = tpu.vector_load_idx %arg8[%shift_right_logical3A_373, %and3A_380] : memref<218x128xf32, #tpu.memory_space<vmem>>[vector<16xi32>, vector<16xi32>], vector<16xf32>,
        %add3A_382 = arith.addf %add3A_357, %gather3A_381 : vector<16xf32>
        %add3A_383 = arith.constant 16 : i32
        %add3A_384 = vector.broadcast %add3A_383 : i32 to vector<16xi32>
        %add3A_385 = arith.addi %and3A_376, %add3A_384 : vector<16xi32>
        %add3A_386 = arith.addi %add3A_385, %iota3A : vector<16xi32>
        %and3A_387 = arith.constant 127 : i32
        %and3A_388 = vector.broadcast %and3A_387 : i32 to vector<16xi32>
        %and3A_389 = arith.andi %add3A_386, %and3A_388 : vector<16xi32>
        %gather3A_390 = tpu.vector_load_idx %arg8[%shift_right_logical3A_373, %and3A_389] : memref<218x128xf32, #tpu.memory_space<vmem>>[vector<16xi32>, vector<16xi32>], vector<16xf32>,
        %add3A_391 = arith.addf %add3A_366, %gather3A_390 : vector<16xf32>
        %broadcast_in_dim3A_392 = arith.constant 8 : i32
        %broadcast_in_dim3A_393 = vector.broadcast %broadcast_in_dim3A_392 : i32 to vector<16x1xi32>
        %gather3A_394 = vector.shape_cast %broadcast_in_dim3A_393 : vector<16x1xi32> to vector<16xi32>
        %gather3A_395 = tpu.dynamic_gather %get3A_194[%gather3A_394] in [0] : vector<16xi32>, vector<16xi32> -> vector<16xi32>
        %shift_right_logical3A_396 = arith.constant 7 : i32
        %shift_right_logical3A_397 = vector.broadcast %shift_right_logical3A_396 : i32 to vector<16xi32>
        %shift_right_logical3A_398 = arith.shrui %gather3A_395, %shift_right_logical3A_397 : vector<16xi32>
        %and3A_399 = arith.constant 127 : i32
        %and3A_400 = vector.broadcast %and3A_399 : i32 to vector<16xi32>
        %and3A_401 = arith.andi %gather3A_395, %and3A_400 : vector<16xi32>
        %add3A_402 = arith.addi %and3A_401, %iota3A : vector<16xi32>
        %and3A_403 = arith.constant 127 : i32
        %and3A_404 = vector.broadcast %and3A_403 : i32 to vector<16xi32>
        %and3A_405 = arith.andi %add3A_402, %and3A_404 : vector<16xi32>
        %gather3A_406 = tpu.vector_load_idx %arg8[%shift_right_logical3A_398, %and3A_405] : memref<218x128xf32, #tpu.memory_space<vmem>>[vector<16xi32>, vector<16xi32>], vector<16xf32>,
        %add3A_407 = arith.addf %add3A_382, %gather3A_406 : vector<16xf32>
        %add3A_408 = arith.constant 16 : i32
        %add3A_409 = vector.broadcast %add3A_408 : i32 to vector<16xi32>
        %add3A_410 = arith.addi %and3A_401, %add3A_409 : vector<16xi32>
        %add3A_411 = arith.addi %add3A_410, %iota3A : vector<16xi32>
        %and3A_412 = arith.constant 127 : i32
        %and3A_413 = vector.broadcast %and3A_412 : i32 to vector<16xi32>
        %and3A_414 = arith.andi %add3A_411, %and3A_413 : vector<16xi32>
        %gather3A_415 = tpu.vector_load_idx %arg8[%shift_right_logical3A_398, %and3A_414] : memref<218x128xf32, #tpu.memory_space<vmem>>[vector<16xi32>, vector<16xi32>], vector<16xf32>,
        %add3A_416 = arith.addf %add3A_391, %gather3A_415 : vector<16xf32>
        %broadcast_in_dim3A_417 = arith.constant 9 : i32
        %broadcast_in_dim3A_418 = vector.broadcast %broadcast_in_dim3A_417 : i32 to vector<16x1xi32>
        %gather3A_419 = vector.shape_cast %broadcast_in_dim3A_418 : vector<16x1xi32> to vector<16xi32>
        %gather3A_420 = tpu.dynamic_gather %get3A_194[%gather3A_419] in [0] : vector<16xi32>, vector<16xi32> -> vector<16xi32>
        %shift_right_logical3A_421 = arith.constant 7 : i32
        %shift_right_logical3A_422 = vector.broadcast %shift_right_logical3A_421 : i32 to vector<16xi32>
        %shift_right_logical3A_423 = arith.shrui %gather3A_420, %shift_right_logical3A_422 : vector<16xi32>
        %and3A_424 = arith.constant 127 : i32
        %and3A_425 = vector.broadcast %and3A_424 : i32 to vector<16xi32>
        %and3A_426 = arith.andi %gather3A_420, %and3A_425 : vector<16xi32>
        %add3A_427 = arith.addi %and3A_426, %iota3A : vector<16xi32>
        %and3A_428 = arith.constant 127 : i32
        %and3A_429 = vector.broadcast %and3A_428 : i32 to vector<16xi32>
        %and3A_430 = arith.andi %add3A_427, %and3A_429 : vector<16xi32>
        %gather3A_431 = tpu.vector_load_idx %arg8[%shift_right_logical3A_423, %and3A_430] : memref<218x128xf32, #tpu.memory_space<vmem>>[vector<16xi32>, vector<16xi32>], vector<16xf32>,
        %add3A_432 = arith.addf %add3A_407, %gather3A_431 : vector<16xf32>
        %add3A_433 = arith.constant 16 : i32
        %add3A_434 = vector.broadcast %add3A_433 : i32 to vector<16xi32>
        %add3A_435 = arith.addi %and3A_426, %add3A_434 : vector<16xi32>
        %add3A_436 = arith.addi %add3A_435, %iota3A : vector<16xi32>
        %and3A_437 = arith.constant 127 : i32
        %and3A_438 = vector.broadcast %and3A_437 : i32 to vector<16xi32>
        %and3A_439 = arith.andi %add3A_436, %and3A_438 : vector<16xi32>
        %gather3A_440 = tpu.vector_load_idx %arg8[%shift_right_logical3A_423, %and3A_439] : memref<218x128xf32, #tpu.memory_space<vmem>>[vector<16xi32>, vector<16xi32>], vector<16xf32>,
        %add3A_441 = arith.addf %add3A_416, %gather3A_440 : vector<16xf32>
        %broadcast_in_dim3A_442 = arith.constant 10 : i32
        %broadcast_in_dim3A_443 = vector.broadcast %broadcast_in_dim3A_442 : i32 to vector<16x1xi32>
        %gather3A_444 = vector.shape_cast %broadcast_in_dim3A_443 : vector<16x1xi32> to vector<16xi32>
        %gather3A_445 = tpu.dynamic_gather %get3A_194[%gather3A_444] in [0] : vector<16xi32>, vector<16xi32> -> vector<16xi32>
        %shift_right_logical3A_446 = arith.constant 7 : i32
        %shift_right_logical3A_447 = vector.broadcast %shift_right_logical3A_446 : i32 to vector<16xi32>
        %shift_right_logical3A_448 = arith.shrui %gather3A_445, %shift_right_logical3A_447 : vector<16xi32>
        %and3A_449 = arith.constant 127 : i32
        %and3A_450 = vector.broadcast %and3A_449 : i32 to vector<16xi32>
        %and3A_451 = arith.andi %gather3A_445, %and3A_450 : vector<16xi32>
        %add3A_452 = arith.addi %and3A_451, %iota3A : vector<16xi32>
        %and3A_453 = arith.constant 127 : i32
        %and3A_454 = vector.broadcast %and3A_453 : i32 to vector<16xi32>
        %and3A_455 = arith.andi %add3A_452, %and3A_454 : vector<16xi32>
        %gather3A_456 = tpu.vector_load_idx %arg8[%shift_right_logical3A_448, %and3A_455] : memref<218x128xf32, #tpu.memory_space<vmem>>[vector<16xi32>, vector<16xi32>], vector<16xf32>,
        %add3A_457 = arith.addf %add3A_432, %gather3A_456 : vector<16xf32>
        %add3A_458 = arith.constant 16 : i32
        %add3A_459 = vector.broadcast %add3A_458 : i32 to vector<16xi32>
        %add3A_460 = arith.addi %and3A_451, %add3A_459 : vector<16xi32>
        %add3A_461 = arith.addi %add3A_460, %iota3A : vector<16xi32>
        %and3A_462 = arith.constant 127 : i32
        %and3A_463 = vector.broadcast %and3A_462 : i32 to vector<16xi32>
        %and3A_464 = arith.andi %add3A_461, %and3A_463 : vector<16xi32>
        %gather3A_465 = tpu.vector_load_idx %arg8[%shift_right_logical3A_448, %and3A_464] : memref<218x128xf32, #tpu.memory_space<vmem>>[vector<16xi32>, vector<16xi32>], vector<16xf32>,
        %add3A_466 = arith.addf %add3A_441, %gather3A_465 : vector<16xf32>
        %broadcast_in_dim3A_467 = arith.constant 11 : i32
        %broadcast_in_dim3A_468 = vector.broadcast %broadcast_in_dim3A_467 : i32 to vector<16x1xi32>
        %gather3A_469 = vector.shape_cast %broadcast_in_dim3A_468 : vector<16x1xi32> to vector<16xi32>
        %gather3A_470 = tpu.dynamic_gather %get3A_194[%gather3A_469] in [0] : vector<16xi32>, vector<16xi32> -> vector<16xi32>
        %shift_right_logical3A_471 = arith.constant 7 : i32
        %shift_right_logical3A_472 = vector.broadcast %shift_right_logical3A_471 : i32 to vector<16xi32>
        %shift_right_logical3A_473 = arith.shrui %gather3A_470, %shift_right_logical3A_472 : vector<16xi32>
        %and3A_474 = arith.constant 127 : i32
        %and3A_475 = vector.broadcast %and3A_474 : i32 to vector<16xi32>
        %and3A_476 = arith.andi %gather3A_470, %and3A_475 : vector<16xi32>
        %add3A_477 = arith.addi %and3A_476, %iota3A : vector<16xi32>
        %and3A_478 = arith.constant 127 : i32
        %and3A_479 = vector.broadcast %and3A_478 : i32 to vector<16xi32>
        %and3A_480 = arith.andi %add3A_477, %and3A_479 : vector<16xi32>
        %gather3A_481 = tpu.vector_load_idx %arg8[%shift_right_logical3A_473, %and3A_480] : memref<218x128xf32, #tpu.memory_space<vmem>>[vector<16xi32>, vector<16xi32>], vector<16xf32>,
        %add3A_482 = arith.addf %add3A_457, %gather3A_481 : vector<16xf32>
        %add3A_483 = arith.constant 16 : i32
        %add3A_484 = vector.broadcast %add3A_483 : i32 to vector<16xi32>
        %add3A_485 = arith.addi %and3A_476, %add3A_484 : vector<16xi32>
        %add3A_486 = arith.addi %add3A_485, %iota3A : vector<16xi32>
        %and3A_487 = arith.constant 127 : i32
        %and3A_488 = vector.broadcast %and3A_487 : i32 to vector<16xi32>
        %and3A_489 = arith.andi %add3A_486, %and3A_488 : vector<16xi32>
        %gather3A_490 = tpu.vector_load_idx %arg8[%shift_right_logical3A_473, %and3A_489] : memref<218x128xf32, #tpu.memory_space<vmem>>[vector<16xi32>, vector<16xi32>], vector<16xf32>,
        %add3A_491 = arith.addf %add3A_466, %gather3A_490 : vector<16xf32>
        %broadcast_in_dim3A_492 = arith.constant 12 : i32
        %broadcast_in_dim3A_493 = vector.broadcast %broadcast_in_dim3A_492 : i32 to vector<16x1xi32>
        %gather3A_494 = vector.shape_cast %broadcast_in_dim3A_493 : vector<16x1xi32> to vector<16xi32>
        %gather3A_495 = tpu.dynamic_gather %get3A_194[%gather3A_494] in [0] : vector<16xi32>, vector<16xi32> -> vector<16xi32>
        %shift_right_logical3A_496 = arith.constant 7 : i32
        %shift_right_logical3A_497 = vector.broadcast %shift_right_logical3A_496 : i32 to vector<16xi32>
        %shift_right_logical3A_498 = arith.shrui %gather3A_495, %shift_right_logical3A_497 : vector<16xi32>
        %and3A_499 = arith.constant 127 : i32
        %and3A_500 = vector.broadcast %and3A_499 : i32 to vector<16xi32>
        %and3A_501 = arith.andi %gather3A_495, %and3A_500 : vector<16xi32>
        %add3A_502 = arith.addi %and3A_501, %iota3A : vector<16xi32>
        %and3A_503 = arith.constant 127 : i32
        %and3A_504 = vector.broadcast %and3A_503 : i32 to vector<16xi32>
        %and3A_505 = arith.andi %add3A_502, %and3A_504 : vector<16xi32>
        %gather3A_506 = tpu.vector_load_idx %arg8[%shift_right_logical3A_498, %and3A_505] : memref<218x128xf32, #tpu.memory_space<vmem>>[vector<16xi32>, vector<16xi32>], vector<16xf32>,
        %add3A_507 = arith.addf %add3A_482, %gather3A_506 : vector<16xf32>
        %add3A_508 = arith.constant 16 : i32
        %add3A_509 = vector.broadcast %add3A_508 : i32 to vector<16xi32>
        %add3A_510 = arith.addi %and3A_501, %add3A_509 : vector<16xi32>
        %add3A_511 = arith.addi %add3A_510, %iota3A : vector<16xi32>
        %and3A_512 = arith.constant 127 : i32
        %and3A_513 = vector.broadcast %and3A_512 : i32 to vector<16xi32>
        %and3A_514 = arith.andi %add3A_511, %and3A_513 : vector<16xi32>
        %gather3A_515 = tpu.vector_load_idx %arg8[%shift_right_logical3A_498, %and3A_514] : memref<218x128xf32, #tpu.memory_space<vmem>>[vector<16xi32>, vector<16xi32>], vector<16xf32>,
        %add3A_516 = arith.addf %add3A_491, %gather3A_515 : vector<16xf32>
        %broadcast_in_dim3A_517 = arith.constant 13 : i32
        %broadcast_in_dim3A_518 = vector.broadcast %broadcast_in_dim3A_517 : i32 to vector<16x1xi32>
        %gather3A_519 = vector.shape_cast %broadcast_in_dim3A_518 : vector<16x1xi32> to vector<16xi32>
        %gather3A_520 = tpu.dynamic_gather %get3A_194[%gather3A_519] in [0] : vector<16xi32>, vector<16xi32> -> vector<16xi32>
        %shift_right_logical3A_521 = arith.constant 7 : i32
        %shift_right_logical3A_522 = vector.broadcast %shift_right_logical3A_521 : i32 to vector<16xi32>
        %shift_right_logical3A_523 = arith.shrui %gather3A_520, %shift_right_logical3A_522 : vector<16xi32>
        %and3A_524 = arith.constant 127 : i32
        %and3A_525 = vector.broadcast %and3A_524 : i32 to vector<16xi32>
        %and3A_526 = arith.andi %gather3A_520, %and3A_525 : vector<16xi32>
        %add3A_527 = arith.addi %and3A_526, %iota3A : vector<16xi32>
        %and3A_528 = arith.constant 127 : i32
        %and3A_529 = vector.broadcast %and3A_528 : i32 to vector<16xi32>
        %and3A_530 = arith.andi %add3A_527, %and3A_529 : vector<16xi32>
        %gather3A_531 = tpu.vector_load_idx %arg8[%shift_right_logical3A_523, %and3A_530] : memref<218x128xf32, #tpu.memory_space<vmem>>[vector<16xi32>, vector<16xi32>], vector<16xf32>,
        %add3A_532 = arith.addf %add3A_507, %gather3A_531 : vector<16xf32>
        %add3A_533 = arith.constant 16 : i32
        %add3A_534 = vector.broadcast %add3A_533 : i32 to vector<16xi32>
        %add3A_535 = arith.addi %and3A_526, %add3A_534 : vector<16xi32>
        %add3A_536 = arith.addi %add3A_535, %iota3A : vector<16xi32>
        %and3A_537 = arith.constant 127 : i32
        %and3A_538 = vector.broadcast %and3A_537 : i32 to vector<16xi32>
        %and3A_539 = arith.andi %add3A_536, %and3A_538 : vector<16xi32>
        %gather3A_540 = tpu.vector_load_idx %arg8[%shift_right_logical3A_523, %and3A_539] : memref<218x128xf32, #tpu.memory_space<vmem>>[vector<16xi32>, vector<16xi32>], vector<16xf32>,
        %add3A_541 = arith.addf %add3A_516, %gather3A_540 : vector<16xf32>
        %broadcast_in_dim3A_542 = arith.constant 14 : i32
        %broadcast_in_dim3A_543 = vector.broadcast %broadcast_in_dim3A_542 : i32 to vector<16x1xi32>
        %gather3A_544 = vector.shape_cast %broadcast_in_dim3A_543 : vector<16x1xi32> to vector<16xi32>
        %gather3A_545 = tpu.dynamic_gather %get3A_194[%gather3A_544] in [0] : vector<16xi32>, vector<16xi32> -> vector<16xi32>
        %shift_right_logical3A_546 = arith.constant 7 : i32
        %shift_right_logical3A_547 = vector.broadcast %shift_right_logical3A_546 : i32 to vector<16xi32>
        %shift_right_logical3A_548 = arith.shrui %gather3A_545, %shift_right_logical3A_547 : vector<16xi32>
        %and3A_549 = arith.constant 127 : i32
        %and3A_550 = vector.broadcast %and3A_549 : i32 to vector<16xi32>
        %and3A_551 = arith.andi %gather3A_545, %and3A_550 : vector<16xi32>
        %add3A_552 = arith.addi %and3A_551, %iota3A : vector<16xi32>
        %and3A_553 = arith.constant 127 : i32
        %and3A_554 = vector.broadcast %and3A_553 : i32 to vector<16xi32>
        %and3A_555 = arith.andi %add3A_552, %and3A_554 : vector<16xi32>
        %gather3A_556 = tpu.vector_load_idx %arg8[%shift_right_logical3A_548, %and3A_555] : memref<218x128xf32, #tpu.memory_space<vmem>>[vector<16xi32>, vector<16xi32>], vector<16xf32>,
        %add3A_557 = arith.addf %add3A_532, %gather3A_556 : vector<16xf32>
        %add3A_558 = arith.constant 16 : i32
        %add3A_559 = vector.broadcast %add3A_558 : i32 to vector<16xi32>
        %add3A_560 = arith.addi %and3A_551, %add3A_559 : vector<16xi32>
        %add3A_561 = arith.addi %add3A_560, %iota3A : vector<16xi32>
        %and3A_562 = arith.constant 127 : i32
        %and3A_563 = vector.broadcast %and3A_562 : i32 to vector<16xi32>
        %and3A_564 = arith.andi %add3A_561, %and3A_563 : vector<16xi32>
        %gather3A_565 = tpu.vector_load_idx %arg8[%shift_right_logical3A_548, %and3A_564] : memref<218x128xf32, #tpu.memory_space<vmem>>[vector<16xi32>, vector<16xi32>], vector<16xf32>,
        %add3A_566 = arith.addf %add3A_541, %gather3A_565 : vector<16xf32>
        %broadcast_in_dim3A_567 = arith.constant 15 : i32
        %broadcast_in_dim3A_568 = vector.broadcast %broadcast_in_dim3A_567 : i32 to vector<16x1xi32>
        %gather3A_569 = vector.shape_cast %broadcast_in_dim3A_568 : vector<16x1xi32> to vector<16xi32>
        %gather3A_570 = tpu.dynamic_gather %get3A_194[%gather3A_569] in [0] : vector<16xi32>, vector<16xi32> -> vector<16xi32>
        %shift_right_logical3A_571 = arith.constant 7 : i32
        %shift_right_logical3A_572 = vector.broadcast %shift_right_logical3A_571 : i32 to vector<16xi32>
        %shift_right_logical3A_573 = arith.shrui %gather3A_570, %shift_right_logical3A_572 : vector<16xi32>
        %and3A_574 = arith.constant 127 : i32
        %and3A_575 = vector.broadcast %and3A_574 : i32 to vector<16xi32>
        %and3A_576 = arith.andi %gather3A_570, %and3A_575 : vector<16xi32>
        %add3A_577 = arith.addi %and3A_576, %iota3A : vector<16xi32>
        %and3A_578 = arith.constant 127 : i32
        %and3A_579 = vector.broadcast %and3A_578 : i32 to vector<16xi32>
        %and3A_580 = arith.andi %add3A_577, %and3A_579 : vector<16xi32>
        %gather3A_581 = tpu.vector_load_idx %arg8[%shift_right_logical3A_573, %and3A_580] : memref<218x128xf32, #tpu.memory_space<vmem>>[vector<16xi32>, vector<16xi32>], vector<16xf32>,
        %add3A_582 = arith.addf %add3A_557, %gather3A_581 : vector<16xf32>
        %add3A_583 = arith.constant 16 : i32
        %add3A_584 = vector.broadcast %add3A_583 : i32 to vector<16xi32>
        %add3A_585 = arith.addi %and3A_576, %add3A_584 : vector<16xi32>
        %add3A_586 = arith.addi %add3A_585, %iota3A : vector<16xi32>
        %and3A_587 = arith.constant 127 : i32
        %and3A_588 = vector.broadcast %and3A_587 : i32 to vector<16xi32>
        %and3A_589 = arith.andi %add3A_586, %and3A_588 : vector<16xi32>
        %gather3A_590 = tpu.vector_load_idx %arg8[%shift_right_logical3A_573, %and3A_589] : memref<218x128xf32, #tpu.memory_space<vmem>>[vector<16xi32>, vector<16xi32>], vector<16xf32>,
        %add3A_591 = arith.addf %add3A_566, %gather3A_590 : vector<16xf32>
        %get3A_592 = arith.index_cast %add3A_192 : i32 to index
        %get3A_593 = arith.constant 16 : index
        %get3A_594 = tpu.vector_load %arg7[%get3A_592, %get3A_593] {strides = array<i32>} : memref<128x64xi32, #tpu.memory_space<vmem>>, vector<16xi32>,
        %broadcast_in_dim3A_595 = arith.constant 0 : i32
        %broadcast_in_dim3A_596 = vector.broadcast %broadcast_in_dim3A_595 : i32 to vector<16x1xi32>
        %gather3A_597 = vector.shape_cast %broadcast_in_dim3A_596 : vector<16x1xi32> to vector<16xi32>
        %gather3A_598 = tpu.dynamic_gather %get3A_594[%gather3A_597] in [0] : vector<16xi32>, vector<16xi32> -> vector<16xi32>
        %shift_right_logical3A_599 = arith.constant 7 : i32
        %shift_right_logical3A_600 = vector.broadcast %shift_right_logical3A_599 : i32 to vector<16xi32>
        %shift_right_logical3A_601 = arith.shrui %gather3A_598, %shift_right_logical3A_600 : vector<16xi32>
        %and3A_602 = arith.constant 127 : i32
        %and3A_603 = vector.broadcast %and3A_602 : i32 to vector<16xi32>
        %and3A_604 = arith.andi %gather3A_598, %and3A_603 : vector<16xi32>
        %add3A_605 = arith.addi %and3A_604, %iota3A : vector<16xi32>
        %and3A_606 = arith.constant 127 : i32
        %and3A_607 = vector.broadcast %and3A_606 : i32 to vector<16xi32>
        %and3A_608 = arith.andi %add3A_605, %and3A_607 : vector<16xi32>
        %gather3A_609 = tpu.vector_load_idx %arg8[%shift_right_logical3A_601, %and3A_608] : memref<218x128xf32, #tpu.memory_space<vmem>>[vector<16xi32>, vector<16xi32>], vector<16xf32>,
        %add3A_610 = arith.addf %add3A_582, %gather3A_609 : vector<16xf32>
        %add3A_611 = arith.constant 16 : i32
        %add3A_612 = vector.broadcast %add3A_611 : i32 to vector<16xi32>
        %add3A_613 = arith.addi %and3A_604, %add3A_612 : vector<16xi32>
        %add3A_614 = arith.addi %add3A_613, %iota3A : vector<16xi32>
        %and3A_615 = arith.constant 127 : i32
        %and3A_616 = vector.broadcast %and3A_615 : i32 to vector<16xi32>
        %and3A_617 = arith.andi %add3A_614, %and3A_616 : vector<16xi32>
        %gather3A_618 = tpu.vector_load_idx %arg8[%shift_right_logical3A_601, %and3A_617] : memref<218x128xf32, #tpu.memory_space<vmem>>[vector<16xi32>, vector<16xi32>], vector<16xf32>,
        %add3A_619 = arith.addf %add3A_591, %gather3A_618 : vector<16xf32>
        %broadcast_in_dim3A_620 = arith.constant 1 : i32
        %broadcast_in_dim3A_621 = vector.broadcast %broadcast_in_dim3A_620 : i32 to vector<16x1xi32>
        %gather3A_622 = vector.shape_cast %broadcast_in_dim3A_621 : vector<16x1xi32> to vector<16xi32>
        %gather3A_623 = tpu.dynamic_gather %get3A_594[%gather3A_622] in [0] : vector<16xi32>, vector<16xi32> -> vector<16xi32>
        %shift_right_logical3A_624 = arith.constant 7 : i32
        %shift_right_logical3A_625 = vector.broadcast %shift_right_logical3A_624 : i32 to vector<16xi32>
        %shift_right_logical3A_626 = arith.shrui %gather3A_623, %shift_right_logical3A_625 : vector<16xi32>
        %and3A_627 = arith.constant 127 : i32
        %and3A_628 = vector.broadcast %and3A_627 : i32 to vector<16xi32>
        %and3A_629 = arith.andi %gather3A_623, %and3A_628 : vector<16xi32>
        %add3A_630 = arith.addi %and3A_629, %iota3A : vector<16xi32>
        %and3A_631 = arith.constant 127 : i32
        %and3A_632 = vector.broadcast %and3A_631 : i32 to vector<16xi32>
        %and3A_633 = arith.andi %add3A_630, %and3A_632 : vector<16xi32>
        %gather3A_634 = tpu.vector_load_idx %arg8[%shift_right_logical3A_626, %and3A_633] : memref<218x128xf32, #tpu.memory_space<vmem>>[vector<16xi32>, vector<16xi32>], vector<16xf32>,
        %add3A_635 = arith.addf %add3A_610, %gather3A_634 : vector<16xf32>
        %add3A_636 = arith.constant 16 : i32
        %add3A_637 = vector.broadcast %add3A_636 : i32 to vector<16xi32>
        %add3A_638 = arith.addi %and3A_629, %add3A_637 : vector<16xi32>
        %add3A_639 = arith.addi %add3A_638, %iota3A : vector<16xi32>
        %and3A_640 = arith.constant 127 : i32
        %and3A_641 = vector.broadcast %and3A_640 : i32 to vector<16xi32>
        %and3A_642 = arith.andi %add3A_639, %and3A_641 : vector<16xi32>
        %gather3A_643 = tpu.vector_load_idx %arg8[%shift_right_logical3A_626, %and3A_642] : memref<218x128xf32, #tpu.memory_space<vmem>>[vector<16xi32>, vector<16xi32>], vector<16xf32>,
        %add3A_644 = arith.addf %add3A_619, %gather3A_643 : vector<16xf32>
        %broadcast_in_dim3A_645 = arith.constant 2 : i32
        %broadcast_in_dim3A_646 = vector.broadcast %broadcast_in_dim3A_645 : i32 to vector<16x1xi32>
        %gather3A_647 = vector.shape_cast %broadcast_in_dim3A_646 : vector<16x1xi32> to vector<16xi32>
        %gather3A_648 = tpu.dynamic_gather %get3A_594[%gather3A_647] in [0] : vector<16xi32>, vector<16xi32> -> vector<16xi32>
        %shift_right_logical3A_649 = arith.constant 7 : i32
        %shift_right_logical3A_650 = vector.broadcast %shift_right_logical3A_649 : i32 to vector<16xi32>
        %shift_right_logical3A_651 = arith.shrui %gather3A_648, %shift_right_logical3A_650 : vector<16xi32>
        %and3A_652 = arith.constant 127 : i32
        %and3A_653 = vector.broadcast %and3A_652 : i32 to vector<16xi32>
        %and3A_654 = arith.andi %gather3A_648, %and3A_653 : vector<16xi32>
        %add3A_655 = arith.addi %and3A_654, %iota3A : vector<16xi32>
        %and3A_656 = arith.constant 127 : i32
        %and3A_657 = vector.broadcast %and3A_656 : i32 to vector<16xi32>
        %and3A_658 = arith.andi %add3A_655, %and3A_657 : vector<16xi32>
        %gather3A_659 = tpu.vector_load_idx %arg8[%shift_right_logical3A_651, %and3A_658] : memref<218x128xf32, #tpu.memory_space<vmem>>[vector<16xi32>, vector<16xi32>], vector<16xf32>,
        %add3A_660 = arith.addf %add3A_635, %gather3A_659 : vector<16xf32>
        %add3A_661 = arith.constant 16 : i32
        %add3A_662 = vector.broadcast %add3A_661 : i32 to vector<16xi32>
        %add3A_663 = arith.addi %and3A_654, %add3A_662 : vector<16xi32>
        %add3A_664 = arith.addi %add3A_663, %iota3A : vector<16xi32>
        %and3A_665 = arith.constant 127 : i32
        %and3A_666 = vector.broadcast %and3A_665 : i32 to vector<16xi32>
        %and3A_667 = arith.andi %add3A_664, %and3A_666 : vector<16xi32>
        %gather3A_668 = tpu.vector_load_idx %arg8[%shift_right_logical3A_651, %and3A_667] : memref<218x128xf32, #tpu.memory_space<vmem>>[vector<16xi32>, vector<16xi32>], vector<16xf32>,
        %add3A_669 = arith.addf %add3A_644, %gather3A_668 : vector<16xf32>
        %broadcast_in_dim3A_670 = arith.constant 3 : i32
        %broadcast_in_dim3A_671 = vector.broadcast %broadcast_in_dim3A_670 : i32 to vector<16x1xi32>
        %gather3A_672 = vector.shape_cast %broadcast_in_dim3A_671 : vector<16x1xi32> to vector<16xi32>
        %gather3A_673 = tpu.dynamic_gather %get3A_594[%gather3A_672] in [0] : vector<16xi32>, vector<16xi32> -> vector<16xi32>
        %shift_right_logical3A_674 = arith.constant 7 : i32
        %shift_right_logical3A_675 = vector.broadcast %shift_right_logical3A_674 : i32 to vector<16xi32>
        %shift_right_logical3A_676 = arith.shrui %gather3A_673, %shift_right_logical3A_675 : vector<16xi32>
        %and3A_677 = arith.constant 127 : i32
        %and3A_678 = vector.broadcast %and3A_677 : i32 to vector<16xi32>
        %and3A_679 = arith.andi %gather3A_673, %and3A_678 : vector<16xi32>
        %add3A_680 = arith.addi %and3A_679, %iota3A : vector<16xi32>
        %and3A_681 = arith.constant 127 : i32
        %and3A_682 = vector.broadcast %and3A_681 : i32 to vector<16xi32>
        %and3A_683 = arith.andi %add3A_680, %and3A_682 : vector<16xi32>
        %gather3A_684 = tpu.vector_load_idx %arg8[%shift_right_logical3A_676, %and3A_683] : memref<218x128xf32, #tpu.memory_space<vmem>>[vector<16xi32>, vector<16xi32>], vector<16xf32>,
        %add3A_685 = arith.addf %add3A_660, %gather3A_684 : vector<16xf32>
        %add3A_686 = arith.constant 16 : i32
        %add3A_687 = vector.broadcast %add3A_686 : i32 to vector<16xi32>
        %add3A_688 = arith.addi %and3A_679, %add3A_687 : vector<16xi32>
        %add3A_689 = arith.addi %add3A_688, %iota3A : vector<16xi32>
        %and3A_690 = arith.constant 127 : i32
        %and3A_691 = vector.broadcast %and3A_690 : i32 to vector<16xi32>
        %and3A_692 = arith.andi %add3A_689, %and3A_691 : vector<16xi32>
        %gather3A_693 = tpu.vector_load_idx %arg8[%shift_right_logical3A_676, %and3A_692] : memref<218x128xf32, #tpu.memory_space<vmem>>[vector<16xi32>, vector<16xi32>], vector<16xf32>,
        %add3A_694 = arith.addf %add3A_669, %gather3A_693 : vector<16xf32>
        %broadcast_in_dim3A_695 = arith.constant 4 : i32
        %broadcast_in_dim3A_696 = vector.broadcast %broadcast_in_dim3A_695 : i32 to vector<16x1xi32>
        %gather3A_697 = vector.shape_cast %broadcast_in_dim3A_696 : vector<16x1xi32> to vector<16xi32>
        %gather3A_698 = tpu.dynamic_gather %get3A_594[%gather3A_697] in [0] : vector<16xi32>, vector<16xi32> -> vector<16xi32>
        %shift_right_logical3A_699 = arith.constant 7 : i32
        %shift_right_logical3A_700 = vector.broadcast %shift_right_logical3A_699 : i32 to vector<16xi32>
        %shift_right_logical3A_701 = arith.shrui %gather3A_698, %shift_right_logical3A_700 : vector<16xi32>
        %and3A_702 = arith.constant 127 : i32
        %and3A_703 = vector.broadcast %and3A_702 : i32 to vector<16xi32>
        %and3A_704 = arith.andi %gather3A_698, %and3A_703 : vector<16xi32>
        %add3A_705 = arith.addi %and3A_704, %iota3A : vector<16xi32>
        %and3A_706 = arith.constant 127 : i32
        %and3A_707 = vector.broadcast %and3A_706 : i32 to vector<16xi32>
        %and3A_708 = arith.andi %add3A_705, %and3A_707 : vector<16xi32>
        %gather3A_709 = tpu.vector_load_idx %arg8[%shift_right_logical3A_701, %and3A_708] : memref<218x128xf32, #tpu.memory_space<vmem>>[vector<16xi32>, vector<16xi32>], vector<16xf32>,
        %add3A_710 = arith.addf %add3A_685, %gather3A_709 : vector<16xf32>
        %add3A_711 = arith.constant 16 : i32
        %add3A_712 = vector.broadcast %add3A_711 : i32 to vector<16xi32>
        %add3A_713 = arith.addi %and3A_704, %add3A_712 : vector<16xi32>
        %add3A_714 = arith.addi %add3A_713, %iota3A : vector<16xi32>
        %and3A_715 = arith.constant 127 : i32
        %and3A_716 = vector.broadcast %and3A_715 : i32 to vector<16xi32>
        %and3A_717 = arith.andi %add3A_714, %and3A_716 : vector<16xi32>
        %gather3A_718 = tpu.vector_load_idx %arg8[%shift_right_logical3A_701, %and3A_717] : memref<218x128xf32, #tpu.memory_space<vmem>>[vector<16xi32>, vector<16xi32>], vector<16xf32>,
        %add3A_719 = arith.addf %add3A_694, %gather3A_718 : vector<16xf32>
        %broadcast_in_dim3A_720 = arith.constant 5 : i32
        %broadcast_in_dim3A_721 = vector.broadcast %broadcast_in_dim3A_720 : i32 to vector<16x1xi32>
        %gather3A_722 = vector.shape_cast %broadcast_in_dim3A_721 : vector<16x1xi32> to vector<16xi32>
        %gather3A_723 = tpu.dynamic_gather %get3A_594[%gather3A_722] in [0] : vector<16xi32>, vector<16xi32> -> vector<16xi32>
        %shift_right_logical3A_724 = arith.constant 7 : i32
        %shift_right_logical3A_725 = vector.broadcast %shift_right_logical3A_724 : i32 to vector<16xi32>
        %shift_right_logical3A_726 = arith.shrui %gather3A_723, %shift_right_logical3A_725 : vector<16xi32>
        %and3A_727 = arith.constant 127 : i32
        %and3A_728 = vector.broadcast %and3A_727 : i32 to vector<16xi32>
        %and3A_729 = arith.andi %gather3A_723, %and3A_728 : vector<16xi32>
        %add3A_730 = arith.addi %and3A_729, %iota3A : vector<16xi32>
        %and3A_731 = arith.constant 127 : i32
        %and3A_732 = vector.broadcast %and3A_731 : i32 to vector<16xi32>
        %and3A_733 = arith.andi %add3A_730, %and3A_732 : vector<16xi32>
        %gather3A_734 = tpu.vector_load_idx %arg8[%shift_right_logical3A_726, %and3A_733] : memref<218x128xf32, #tpu.memory_space<vmem>>[vector<16xi32>, vector<16xi32>], vector<16xf32>,
        %add3A_735 = arith.addf %add3A_710, %gather3A_734 : vector<16xf32>
        %add3A_736 = arith.constant 16 : i32
        %add3A_737 = vector.broadcast %add3A_736 : i32 to vector<16xi32>
        %add3A_738 = arith.addi %and3A_729, %add3A_737 : vector<16xi32>
        %add3A_739 = arith.addi %add3A_738, %iota3A : vector<16xi32>
        %and3A_740 = arith.constant 127 : i32
        %and3A_741 = vector.broadcast %and3A_740 : i32 to vector<16xi32>
        %and3A_742 = arith.andi %add3A_739, %and3A_741 : vector<16xi32>
        %gather3A_743 = tpu.vector_load_idx %arg8[%shift_right_logical3A_726, %and3A_742] : memref<218x128xf32, #tpu.memory_space<vmem>>[vector<16xi32>, vector<16xi32>], vector<16xf32>,
        %add3A_744 = arith.addf %add3A_719, %gather3A_743 : vector<16xf32>
        %broadcast_in_dim3A_745 = arith.constant 6 : i32
        %broadcast_in_dim3A_746 = vector.broadcast %broadcast_in_dim3A_745 : i32 to vector<16x1xi32>
        %gather3A_747 = vector.shape_cast %broadcast_in_dim3A_746 : vector<16x1xi32> to vector<16xi32>
        %gather3A_748 = tpu.dynamic_gather %get3A_594[%gather3A_747] in [0] : vector<16xi32>, vector<16xi32> -> vector<16xi32>
        %shift_right_logical3A_749 = arith.constant 7 : i32
        %shift_right_logical3A_750 = vector.broadcast %shift_right_logical3A_749 : i32 to vector<16xi32>
        %shift_right_logical3A_751 = arith.shrui %gather3A_748, %shift_right_logical3A_750 : vector<16xi32>
        %and3A_752 = arith.constant 127 : i32
        %and3A_753 = vector.broadcast %and3A_752 : i32 to vector<16xi32>
        %and3A_754 = arith.andi %gather3A_748, %and3A_753 : vector<16xi32>
        %add3A_755 = arith.addi %and3A_754, %iota3A : vector<16xi32>
        %and3A_756 = arith.constant 127 : i32
        %and3A_757 = vector.broadcast %and3A_756 : i32 to vector<16xi32>
        %and3A_758 = arith.andi %add3A_755, %and3A_757 : vector<16xi32>
        %gather3A_759 = tpu.vector_load_idx %arg8[%shift_right_logical3A_751, %and3A_758] : memref<218x128xf32, #tpu.memory_space<vmem>>[vector<16xi32>, vector<16xi32>], vector<16xf32>,
        %add3A_760 = arith.addf %add3A_735, %gather3A_759 : vector<16xf32>
        %add3A_761 = arith.constant 16 : i32
        %add3A_762 = vector.broadcast %add3A_761 : i32 to vector<16xi32>
        %add3A_763 = arith.addi %and3A_754, %add3A_762 : vector<16xi32>
        %add3A_764 = arith.addi %add3A_763, %iota3A : vector<16xi32>
        %and3A_765 = arith.constant 127 : i32
        %and3A_766 = vector.broadcast %and3A_765 : i32 to vector<16xi32>
        %and3A_767 = arith.andi %add3A_764, %and3A_766 : vector<16xi32>
        %gather3A_768 = tpu.vector_load_idx %arg8[%shift_right_logical3A_751, %and3A_767] : memref<218x128xf32, #tpu.memory_space<vmem>>[vector<16xi32>, vector<16xi32>], vector<16xf32>,
        %add3A_769 = arith.addf %add3A_744, %gather3A_768 : vector<16xf32>
        %broadcast_in_dim3A_770 = arith.constant 7 : i32
        %broadcast_in_dim3A_771 = vector.broadcast %broadcast_in_dim3A_770 : i32 to vector<16x1xi32>
        %gather3A_772 = vector.shape_cast %broadcast_in_dim3A_771 : vector<16x1xi32> to vector<16xi32>
        %gather3A_773 = tpu.dynamic_gather %get3A_594[%gather3A_772] in [0] : vector<16xi32>, vector<16xi32> -> vector<16xi32>
        %shift_right_logical3A_774 = arith.constant 7 : i32
        %shift_right_logical3A_775 = vector.broadcast %shift_right_logical3A_774 : i32 to vector<16xi32>
        %shift_right_logical3A_776 = arith.shrui %gather3A_773, %shift_right_logical3A_775 : vector<16xi32>
        %and3A_777 = arith.constant 127 : i32
        %and3A_778 = vector.broadcast %and3A_777 : i32 to vector<16xi32>
        %and3A_779 = arith.andi %gather3A_773, %and3A_778 : vector<16xi32>
        %add3A_780 = arith.addi %and3A_779, %iota3A : vector<16xi32>
        %and3A_781 = arith.constant 127 : i32
        %and3A_782 = vector.broadcast %and3A_781 : i32 to vector<16xi32>
        %and3A_783 = arith.andi %add3A_780, %and3A_782 : vector<16xi32>
        %gather3A_784 = tpu.vector_load_idx %arg8[%shift_right_logical3A_776, %and3A_783] : memref<218x128xf32, #tpu.memory_space<vmem>>[vector<16xi32>, vector<16xi32>], vector<16xf32>,
        %add3A_785 = arith.addf %add3A_760, %gather3A_784 : vector<16xf32>
        %add3A_786 = arith.constant 16 : i32
        %add3A_787 = vector.broadcast %add3A_786 : i32 to vector<16xi32>
        %add3A_788 = arith.addi %and3A_779, %add3A_787 : vector<16xi32>
        %add3A_789 = arith.addi %add3A_788, %iota3A : vector<16xi32>
        %and3A_790 = arith.constant 127 : i32
        %and3A_791 = vector.broadcast %and3A_790 : i32 to vector<16xi32>
        %and3A_792 = arith.andi %add3A_789, %and3A_791 : vector<16xi32>
        %gather3A_793 = tpu.vector_load_idx %arg8[%shift_right_logical3A_776, %and3A_792] : memref<218x128xf32, #tpu.memory_space<vmem>>[vector<16xi32>, vector<16xi32>], vector<16xf32>,
        %add3A_794 = arith.addf %add3A_769, %gather3A_793 : vector<16xf32>
        %broadcast_in_dim3A_795 = arith.constant 8 : i32
        %broadcast_in_dim3A_796 = vector.broadcast %broadcast_in_dim3A_795 : i32 to vector<16x1xi32>
        %gather3A_797 = vector.shape_cast %broadcast_in_dim3A_796 : vector<16x1xi32> to vector<16xi32>
        %gather3A_798 = tpu.dynamic_gather %get3A_594[%gather3A_797] in [0] : vector<16xi32>, vector<16xi32> -> vector<16xi32>
        %shift_right_logical3A_799 = arith.constant 7 : i32
        %shift_right_logical3A_800 = vector.broadcast %shift_right_logical3A_799 : i32 to vector<16xi32>
        %shift_right_logical3A_801 = arith.shrui %gather3A_798, %shift_right_logical3A_800 : vector<16xi32>
        %and3A_802 = arith.constant 127 : i32
        %and3A_803 = vector.broadcast %and3A_802 : i32 to vector<16xi32>
        %and3A_804 = arith.andi %gather3A_798, %and3A_803 : vector<16xi32>
        %add3A_805 = arith.addi %and3A_804, %iota3A : vector<16xi32>
        %and3A_806 = arith.constant 127 : i32
        %and3A_807 = vector.broadcast %and3A_806 : i32 to vector<16xi32>
        %and3A_808 = arith.andi %add3A_805, %and3A_807 : vector<16xi32>
        %gather3A_809 = tpu.vector_load_idx %arg8[%shift_right_logical3A_801, %and3A_808] : memref<218x128xf32, #tpu.memory_space<vmem>>[vector<16xi32>, vector<16xi32>], vector<16xf32>,
        %add3A_810 = arith.addf %add3A_785, %gather3A_809 : vector<16xf32>
        %add3A_811 = arith.constant 16 : i32
        %add3A_812 = vector.broadcast %add3A_811 : i32 to vector<16xi32>
        %add3A_813 = arith.addi %and3A_804, %add3A_812 : vector<16xi32>
        %add3A_814 = arith.addi %add3A_813, %iota3A : vector<16xi32>
        %and3A_815 = arith.constant 127 : i32
        %and3A_816 = vector.broadcast %and3A_815 : i32 to vector<16xi32>
        %and3A_817 = arith.andi %add3A_814, %and3A_816 : vector<16xi32>
        %gather3A_818 = tpu.vector_load_idx %arg8[%shift_right_logical3A_801, %and3A_817] : memref<218x128xf32, #tpu.memory_space<vmem>>[vector<16xi32>, vector<16xi32>], vector<16xf32>,
        %add3A_819 = arith.addf %add3A_794, %gather3A_818 : vector<16xf32>
        %broadcast_in_dim3A_820 = arith.constant 9 : i32
        %broadcast_in_dim3A_821 = vector.broadcast %broadcast_in_dim3A_820 : i32 to vector<16x1xi32>
        %gather3A_822 = vector.shape_cast %broadcast_in_dim3A_821 : vector<16x1xi32> to vector<16xi32>
        %gather3A_823 = tpu.dynamic_gather %get3A_594[%gather3A_822] in [0] : vector<16xi32>, vector<16xi32> -> vector<16xi32>
        %shift_right_logical3A_824 = arith.constant 7 : i32
        %shift_right_logical3A_825 = vector.broadcast %shift_right_logical3A_824 : i32 to vector<16xi32>
        %shift_right_logical3A_826 = arith.shrui %gather3A_823, %shift_right_logical3A_825 : vector<16xi32>
        %and3A_827 = arith.constant 127 : i32
        %and3A_828 = vector.broadcast %and3A_827 : i32 to vector<16xi32>
        %and3A_829 = arith.andi %gather3A_823, %and3A_828 : vector<16xi32>
        %add3A_830 = arith.addi %and3A_829, %iota3A : vector<16xi32>
        %and3A_831 = arith.constant 127 : i32
        %and3A_832 = vector.broadcast %and3A_831 : i32 to vector<16xi32>
        %and3A_833 = arith.andi %add3A_830, %and3A_832 : vector<16xi32>
        %gather3A_834 = tpu.vector_load_idx %arg8[%shift_right_logical3A_826, %and3A_833] : memref<218x128xf32, #tpu.memory_space<vmem>>[vector<16xi32>, vector<16xi32>], vector<16xf32>,
        %add3A_835 = arith.addf %add3A_810, %gather3A_834 : vector<16xf32>
        %add3A_836 = arith.constant 16 : i32
        %add3A_837 = vector.broadcast %add3A_836 : i32 to vector<16xi32>
        %add3A_838 = arith.addi %and3A_829, %add3A_837 : vector<16xi32>
        %add3A_839 = arith.addi %add3A_838, %iota3A : vector<16xi32>
        %and3A_840 = arith.constant 127 : i32
        %and3A_841 = vector.broadcast %and3A_840 : i32 to vector<16xi32>
        %and3A_842 = arith.andi %add3A_839, %and3A_841 : vector<16xi32>
        %gather3A_843 = tpu.vector_load_idx %arg8[%shift_right_logical3A_826, %and3A_842] : memref<218x128xf32, #tpu.memory_space<vmem>>[vector<16xi32>, vector<16xi32>], vector<16xf32>,
        %add3A_844 = arith.addf %add3A_819, %gather3A_843 : vector<16xf32>
        %broadcast_in_dim3A_845 = arith.constant 10 : i32
        %broadcast_in_dim3A_846 = vector.broadcast %broadcast_in_dim3A_845 : i32 to vector<16x1xi32>
        %gather3A_847 = vector.shape_cast %broadcast_in_dim3A_846 : vector<16x1xi32> to vector<16xi32>
        %gather3A_848 = tpu.dynamic_gather %get3A_594[%gather3A_847] in [0] : vector<16xi32>, vector<16xi32> -> vector<16xi32>
        %shift_right_logical3A_849 = arith.constant 7 : i32
        %shift_right_logical3A_850 = vector.broadcast %shift_right_logical3A_849 : i32 to vector<16xi32>
        %shift_right_logical3A_851 = arith.shrui %gather3A_848, %shift_right_logical3A_850 : vector<16xi32>
        %and3A_852 = arith.constant 127 : i32
        %and3A_853 = vector.broadcast %and3A_852 : i32 to vector<16xi32>
        %and3A_854 = arith.andi %gather3A_848, %and3A_853 : vector<16xi32>
        %add3A_855 = arith.addi %and3A_854, %iota3A : vector<16xi32>
        %and3A_856 = arith.constant 127 : i32
        %and3A_857 = vector.broadcast %and3A_856 : i32 to vector<16xi32>
        %and3A_858 = arith.andi %add3A_855, %and3A_857 : vector<16xi32>
        %gather3A_859 = tpu.vector_load_idx %arg8[%shift_right_logical3A_851, %and3A_858] : memref<218x128xf32, #tpu.memory_space<vmem>>[vector<16xi32>, vector<16xi32>], vector<16xf32>,
        %add3A_860 = arith.addf %add3A_835, %gather3A_859 : vector<16xf32>
        %add3A_861 = arith.constant 16 : i32
        %add3A_862 = vector.broadcast %add3A_861 : i32 to vector<16xi32>
        %add3A_863 = arith.addi %and3A_854, %add3A_862 : vector<16xi32>
        %add3A_864 = arith.addi %add3A_863, %iota3A : vector<16xi32>
        %and3A_865 = arith.constant 127 : i32
        %and3A_866 = vector.broadcast %and3A_865 : i32 to vector<16xi32>
        %and3A_867 = arith.andi %add3A_864, %and3A_866 : vector<16xi32>
        %gather3A_868 = tpu.vector_load_idx %arg8[%shift_right_logical3A_851, %and3A_867] : memref<218x128xf32, #tpu.memory_space<vmem>>[vector<16xi32>, vector<16xi32>], vector<16xf32>,
        %add3A_869 = arith.addf %add3A_844, %gather3A_868 : vector<16xf32>
        %broadcast_in_dim3A_870 = arith.constant 11 : i32
        %broadcast_in_dim3A_871 = vector.broadcast %broadcast_in_dim3A_870 : i32 to vector<16x1xi32>
        %gather3A_872 = vector.shape_cast %broadcast_in_dim3A_871 : vector<16x1xi32> to vector<16xi32>
        %gather3A_873 = tpu.dynamic_gather %get3A_594[%gather3A_872] in [0] : vector<16xi32>, vector<16xi32> -> vector<16xi32>
        %shift_right_logical3A_874 = arith.constant 7 : i32
        %shift_right_logical3A_875 = vector.broadcast %shift_right_logical3A_874 : i32 to vector<16xi32>
        %shift_right_logical3A_876 = arith.shrui %gather3A_873, %shift_right_logical3A_875 : vector<16xi32>
        %and3A_877 = arith.constant 127 : i32
        %and3A_878 = vector.broadcast %and3A_877 : i32 to vector<16xi32>
        %and3A_879 = arith.andi %gather3A_873, %and3A_878 : vector<16xi32>
        %add3A_880 = arith.addi %and3A_879, %iota3A : vector<16xi32>
        %and3A_881 = arith.constant 127 : i32
        %and3A_882 = vector.broadcast %and3A_881 : i32 to vector<16xi32>
        %and3A_883 = arith.andi %add3A_880, %and3A_882 : vector<16xi32>
        %gather3A_884 = tpu.vector_load_idx %arg8[%shift_right_logical3A_876, %and3A_883] : memref<218x128xf32, #tpu.memory_space<vmem>>[vector<16xi32>, vector<16xi32>], vector<16xf32>,
        %add3A_885 = arith.addf %add3A_860, %gather3A_884 : vector<16xf32>
        %add3A_886 = arith.constant 16 : i32
        %add3A_887 = vector.broadcast %add3A_886 : i32 to vector<16xi32>
        %add3A_888 = arith.addi %and3A_879, %add3A_887 : vector<16xi32>
        %add3A_889 = arith.addi %add3A_888, %iota3A : vector<16xi32>
        %and3A_890 = arith.constant 127 : i32
        %and3A_891 = vector.broadcast %and3A_890 : i32 to vector<16xi32>
        %and3A_892 = arith.andi %add3A_889, %and3A_891 : vector<16xi32>
        %gather3A_893 = tpu.vector_load_idx %arg8[%shift_right_logical3A_876, %and3A_892] : memref<218x128xf32, #tpu.memory_space<vmem>>[vector<16xi32>, vector<16xi32>], vector<16xf32>,
        %add3A_894 = arith.addf %add3A_869, %gather3A_893 : vector<16xf32>
        %broadcast_in_dim3A_895 = arith.constant 12 : i32
        %broadcast_in_dim3A_896 = vector.broadcast %broadcast_in_dim3A_895 : i32 to vector<16x1xi32>
        %gather3A_897 = vector.shape_cast %broadcast_in_dim3A_896 : vector<16x1xi32> to vector<16xi32>
        %gather3A_898 = tpu.dynamic_gather %get3A_594[%gather3A_897] in [0] : vector<16xi32>, vector<16xi32> -> vector<16xi32>
        %shift_right_logical3A_899 = arith.constant 7 : i32
        %shift_right_logical3A_900 = vector.broadcast %shift_right_logical3A_899 : i32 to vector<16xi32>
        %shift_right_logical3A_901 = arith.shrui %gather3A_898, %shift_right_logical3A_900 : vector<16xi32>
        %and3A_902 = arith.constant 127 : i32
        %and3A_903 = vector.broadcast %and3A_902 : i32 to vector<16xi32>
        %and3A_904 = arith.andi %gather3A_898, %and3A_903 : vector<16xi32>
        %add3A_905 = arith.addi %and3A_904, %iota3A : vector<16xi32>
        %and3A_906 = arith.constant 127 : i32
        %and3A_907 = vector.broadcast %and3A_906 : i32 to vector<16xi32>
        %and3A_908 = arith.andi %add3A_905, %and3A_907 : vector<16xi32>
        %gather3A_909 = tpu.vector_load_idx %arg8[%shift_right_logical3A_901, %and3A_908] : memref<218x128xf32, #tpu.memory_space<vmem>>[vector<16xi32>, vector<16xi32>], vector<16xf32>,
        %add3A_910 = arith.addf %add3A_885, %gather3A_909 : vector<16xf32>
        %add3A_911 = arith.constant 16 : i32
        %add3A_912 = vector.broadcast %add3A_911 : i32 to vector<16xi32>
        %add3A_913 = arith.addi %and3A_904, %add3A_912 : vector<16xi32>
        %add3A_914 = arith.addi %add3A_913, %iota3A : vector<16xi32>
        %and3A_915 = arith.constant 127 : i32
        %and3A_916 = vector.broadcast %and3A_915 : i32 to vector<16xi32>
        %and3A_917 = arith.andi %add3A_914, %and3A_916 : vector<16xi32>
        %gather3A_918 = tpu.vector_load_idx %arg8[%shift_right_logical3A_901, %and3A_917] : memref<218x128xf32, #tpu.memory_space<vmem>>[vector<16xi32>, vector<16xi32>], vector<16xf32>,
        %add3A_919 = arith.addf %add3A_894, %gather3A_918 : vector<16xf32>
        %broadcast_in_dim3A_920 = arith.constant 13 : i32
        %broadcast_in_dim3A_921 = vector.broadcast %broadcast_in_dim3A_920 : i32 to vector<16x1xi32>
        %gather3A_922 = vector.shape_cast %broadcast_in_dim3A_921 : vector<16x1xi32> to vector<16xi32>
        %gather3A_923 = tpu.dynamic_gather %get3A_594[%gather3A_922] in [0] : vector<16xi32>, vector<16xi32> -> vector<16xi32>
        %shift_right_logical3A_924 = arith.constant 7 : i32
        %shift_right_logical3A_925 = vector.broadcast %shift_right_logical3A_924 : i32 to vector<16xi32>
        %shift_right_logical3A_926 = arith.shrui %gather3A_923, %shift_right_logical3A_925 : vector<16xi32>
        %and3A_927 = arith.constant 127 : i32
        %and3A_928 = vector.broadcast %and3A_927 : i32 to vector<16xi32>
        %and3A_929 = arith.andi %gather3A_923, %and3A_928 : vector<16xi32>
        %add3A_930 = arith.addi %and3A_929, %iota3A : vector<16xi32>
        %and3A_931 = arith.constant 127 : i32
        %and3A_932 = vector.broadcast %and3A_931 : i32 to vector<16xi32>
        %and3A_933 = arith.andi %add3A_930, %and3A_932 : vector<16xi32>
        %gather3A_934 = tpu.vector_load_idx %arg8[%shift_right_logical3A_926, %and3A_933] : memref<218x128xf32, #tpu.memory_space<vmem>>[vector<16xi32>, vector<16xi32>], vector<16xf32>,
        %add3A_935 = arith.addf %add3A_910, %gather3A_934 : vector<16xf32>
        %add3A_936 = arith.constant 16 : i32
        %add3A_937 = vector.broadcast %add3A_936 : i32 to vector<16xi32>
        %add3A_938 = arith.addi %and3A_929, %add3A_937 : vector<16xi32>
        %add3A_939 = arith.addi %add3A_938, %iota3A : vector<16xi32>
        %and3A_940 = arith.constant 127 : i32
        %and3A_941 = vector.broadcast %and3A_940 : i32 to vector<16xi32>
        %and3A_942 = arith.andi %add3A_939, %and3A_941 : vector<16xi32>
        %gather3A_943 = tpu.vector_load_idx %arg8[%shift_right_logical3A_926, %and3A_942] : memref<218x128xf32, #tpu.memory_space<vmem>>[vector<16xi32>, vector<16xi32>], vector<16xf32>,
        %add3A_944 = arith.addf %add3A_919, %gather3A_943 : vector<16xf32>
        %broadcast_in_dim3A_945 = arith.constant 14 : i32
        %broadcast_in_dim3A_946 = vector.broadcast %broadcast_in_dim3A_945 : i32 to vector<16x1xi32>
        %gather3A_947 = vector.shape_cast %broadcast_in_dim3A_946 : vector<16x1xi32> to vector<16xi32>
        %gather3A_948 = tpu.dynamic_gather %get3A_594[%gather3A_947] in [0] : vector<16xi32>, vector<16xi32> -> vector<16xi32>
        %shift_right_logical3A_949 = arith.constant 7 : i32
        %shift_right_logical3A_950 = vector.broadcast %shift_right_logical3A_949 : i32 to vector<16xi32>
        %shift_right_logical3A_951 = arith.shrui %gather3A_948, %shift_right_logical3A_950 : vector<16xi32>
        %and3A_952 = arith.constant 127 : i32
        %and3A_953 = vector.broadcast %and3A_952 : i32 to vector<16xi32>
        %and3A_954 = arith.andi %gather3A_948, %and3A_953 : vector<16xi32>
        %add3A_955 = arith.addi %and3A_954, %iota3A : vector<16xi32>
        %and3A_956 = arith.constant 127 : i32
        %and3A_957 = vector.broadcast %and3A_956 : i32 to vector<16xi32>
        %and3A_958 = arith.andi %add3A_955, %and3A_957 : vector<16xi32>
        %gather3A_959 = tpu.vector_load_idx %arg8[%shift_right_logical3A_951, %and3A_958] : memref<218x128xf32, #tpu.memory_space<vmem>>[vector<16xi32>, vector<16xi32>], vector<16xf32>,
        %add3A_960 = arith.addf %add3A_935, %gather3A_959 : vector<16xf32>
        %add3A_961 = arith.constant 16 : i32
        %add3A_962 = vector.broadcast %add3A_961 : i32 to vector<16xi32>
        %add3A_963 = arith.addi %and3A_954, %add3A_962 : vector<16xi32>
        %add3A_964 = arith.addi %add3A_963, %iota3A : vector<16xi32>
        %and3A_965 = arith.constant 127 : i32
        %and3A_966 = vector.broadcast %and3A_965 : i32 to vector<16xi32>
        %and3A_967 = arith.andi %add3A_964, %and3A_966 : vector<16xi32>
        %gather3A_968 = tpu.vector_load_idx %arg8[%shift_right_logical3A_951, %and3A_967] : memref<218x128xf32, #tpu.memory_space<vmem>>[vector<16xi32>, vector<16xi32>], vector<16xf32>,
        %add3A_969 = arith.addf %add3A_944, %gather3A_968 : vector<16xf32>
        %broadcast_in_dim3A_970 = arith.constant 15 : i32
        %broadcast_in_dim3A_971 = vector.broadcast %broadcast_in_dim3A_970 : i32 to vector<16x1xi32>
        %gather3A_972 = vector.shape_cast %broadcast_in_dim3A_971 : vector<16x1xi32> to vector<16xi32>
        %gather3A_973 = tpu.dynamic_gather %get3A_594[%gather3A_972] in [0] : vector<16xi32>, vector<16xi32> -> vector<16xi32>
        %shift_right_logical3A_974 = arith.constant 7 : i32
        %shift_right_logical3A_975 = vector.broadcast %shift_right_logical3A_974 : i32 to vector<16xi32>
        %shift_right_logical3A_976 = arith.shrui %gather3A_973, %shift_right_logical3A_975 : vector<16xi32>
        %and3A_977 = arith.constant 127 : i32
        %and3A_978 = vector.broadcast %and3A_977 : i32 to vector<16xi32>
        %and3A_979 = arith.andi %gather3A_973, %and3A_978 : vector<16xi32>
        %add3A_980 = arith.addi %and3A_979, %iota3A : vector<16xi32>
        %and3A_981 = arith.constant 127 : i32
        %and3A_982 = vector.broadcast %and3A_981 : i32 to vector<16xi32>
        %and3A_983 = arith.andi %add3A_980, %and3A_982 : vector<16xi32>
        %gather3A_984 = tpu.vector_load_idx %arg8[%shift_right_logical3A_976, %and3A_983] : memref<218x128xf32, #tpu.memory_space<vmem>>[vector<16xi32>, vector<16xi32>], vector<16xf32>,
        %add3A_985 = arith.addf %add3A_960, %gather3A_984 : vector<16xf32>
        %add3A_986 = arith.constant 16 : i32
        %add3A_987 = vector.broadcast %add3A_986 : i32 to vector<16xi32>
        %add3A_988 = arith.addi %and3A_979, %add3A_987 : vector<16xi32>
        %add3A_989 = arith.addi %add3A_988, %iota3A : vector<16xi32>
        %and3A_990 = arith.constant 127 : i32
        %and3A_991 = vector.broadcast %and3A_990 : i32 to vector<16xi32>
        %and3A_992 = arith.andi %add3A_989, %and3A_991 : vector<16xi32>
        %gather3A_993 = tpu.vector_load_idx %arg8[%shift_right_logical3A_976, %and3A_992] : memref<218x128xf32, #tpu.memory_space<vmem>>[vector<16xi32>, vector<16xi32>], vector<16xf32>,
        %add3A_994 = arith.addf %add3A_969, %gather3A_993 : vector<16xf32>
        %get3A_995 = arith.index_cast %add3A_192 : i32 to index
        %get3A_996 = arith.constant 32 : index
        %get3A_997 = tpu.vector_load %arg7[%get3A_995, %get3A_996] {strides = array<i32>} : memref<128x64xi32, #tpu.memory_space<vmem>>, vector<16xi32>,
        %broadcast_in_dim3A_998 = arith.constant 0 : i32
        %broadcast_in_dim3A_999 = vector.broadcast %broadcast_in_dim3A_998 : i32 to vector<16x1xi32>
        %gather3A_1000 = vector.shape_cast %broadcast_in_dim3A_999 : vector<16x1xi32> to vector<16xi32>
        %gather3A_1001 = tpu.dynamic_gather %get3A_997[%gather3A_1000] in [0] : vector<16xi32>, vector<16xi32> -> vector<16xi32>
        %shift_right_logical3A_1002 = arith.constant 7 : i32
        %shift_right_logical3A_1003 = vector.broadcast %shift_right_logical3A_1002 : i32 to vector<16xi32>
        %shift_right_logical3A_1004 = arith.shrui %gather3A_1001, %shift_right_logical3A_1003 : vector<16xi32>
        %and3A_1005 = arith.constant 127 : i32
        %and3A_1006 = vector.broadcast %and3A_1005 : i32 to vector<16xi32>
        %and3A_1007 = arith.andi %gather3A_1001, %and3A_1006 : vector<16xi32>
        %add3A_1008 = arith.addi %and3A_1007, %iota3A : vector<16xi32>
        %and3A_1009 = arith.constant 127 : i32
        %and3A_1010 = vector.broadcast %and3A_1009 : i32 to vector<16xi32>
        %and3A_1011 = arith.andi %add3A_1008, %and3A_1010 : vector<16xi32>
        %gather3A_1012 = tpu.vector_load_idx %arg8[%shift_right_logical3A_1004, %and3A_1011] : memref<218x128xf32, #tpu.memory_space<vmem>>[vector<16xi32>, vector<16xi32>], vector<16xf32>,
        %add3A_1013 = arith.addf %add3A_985, %gather3A_1012 : vector<16xf32>
        %add3A_1014 = arith.constant 16 : i32
        %add3A_1015 = vector.broadcast %add3A_1014 : i32 to vector<16xi32>
        %add3A_1016 = arith.addi %and3A_1007, %add3A_1015 : vector<16xi32>
        %add3A_1017 = arith.addi %add3A_1016, %iota3A : vector<16xi32>
        %and3A_1018 = arith.constant 127 : i32
        %and3A_1019 = vector.broadcast %and3A_1018 : i32 to vector<16xi32>
        %and3A_1020 = arith.andi %add3A_1017, %and3A_1019 : vector<16xi32>
        %gather3A_1021 = tpu.vector_load_idx %arg8[%shift_right_logical3A_1004, %and3A_1020] : memref<218x128xf32, #tpu.memory_space<vmem>>[vector<16xi32>, vector<16xi32>], vector<16xf32>,
        %add3A_1022 = arith.addf %add3A_994, %gather3A_1021 : vector<16xf32>
        %broadcast_in_dim3A_1023 = arith.constant 1 : i32
        %broadcast_in_dim3A_1024 = vector.broadcast %broadcast_in_dim3A_1023 : i32 to vector<16x1xi32>
        %gather3A_1025 = vector.shape_cast %broadcast_in_dim3A_1024 : vector<16x1xi32> to vector<16xi32>
        %gather3A_1026 = tpu.dynamic_gather %get3A_997[%gather3A_1025] in [0] : vector<16xi32>, vector<16xi32> -> vector<16xi32>
        %shift_right_logical3A_1027 = arith.constant 7 : i32
        %shift_right_logical3A_1028 = vector.broadcast %shift_right_logical3A_1027 : i32 to vector<16xi32>
        %shift_right_logical3A_1029 = arith.shrui %gather3A_1026, %shift_right_logical3A_1028 : vector<16xi32>
        %and3A_1030 = arith.constant 127 : i32
        %and3A_1031 = vector.broadcast %and3A_1030 : i32 to vector<16xi32>
        %and3A_1032 = arith.andi %gather3A_1026, %and3A_1031 : vector<16xi32>
        %add3A_1033 = arith.addi %and3A_1032, %iota3A : vector<16xi32>
        %and3A_1034 = arith.constant 127 : i32
        %and3A_1035 = vector.broadcast %and3A_1034 : i32 to vector<16xi32>
        %and3A_1036 = arith.andi %add3A_1033, %and3A_1035 : vector<16xi32>
        %gather3A_1037 = tpu.vector_load_idx %arg8[%shift_right_logical3A_1029, %and3A_1036] : memref<218x128xf32, #tpu.memory_space<vmem>>[vector<16xi32>, vector<16xi32>], vector<16xf32>,
        %add3A_1038 = arith.addf %add3A_1013, %gather3A_1037 : vector<16xf32>
        %add3A_1039 = arith.constant 16 : i32
        %add3A_1040 = vector.broadcast %add3A_1039 : i32 to vector<16xi32>
        %add3A_1041 = arith.addi %and3A_1032, %add3A_1040 : vector<16xi32>
        %add3A_1042 = arith.addi %add3A_1041, %iota3A : vector<16xi32>
        %and3A_1043 = arith.constant 127 : i32
        %and3A_1044 = vector.broadcast %and3A_1043 : i32 to vector<16xi32>
        %and3A_1045 = arith.andi %add3A_1042, %and3A_1044 : vector<16xi32>
        %gather3A_1046 = tpu.vector_load_idx %arg8[%shift_right_logical3A_1029, %and3A_1045] : memref<218x128xf32, #tpu.memory_space<vmem>>[vector<16xi32>, vector<16xi32>], vector<16xf32>,
        %add3A_1047 = arith.addf %add3A_1022, %gather3A_1046 : vector<16xf32>
        %broadcast_in_dim3A_1048 = arith.constant 2 : i32
        %broadcast_in_dim3A_1049 = vector.broadcast %broadcast_in_dim3A_1048 : i32 to vector<16x1xi32>
        %gather3A_1050 = vector.shape_cast %broadcast_in_dim3A_1049 : vector<16x1xi32> to vector<16xi32>
        %gather3A_1051 = tpu.dynamic_gather %get3A_997[%gather3A_1050] in [0] : vector<16xi32>, vector<16xi32> -> vector<16xi32>
        %shift_right_logical3A_1052 = arith.constant 7 : i32
        %shift_right_logical3A_1053 = vector.broadcast %shift_right_logical3A_1052 : i32 to vector<16xi32>
        %shift_right_logical3A_1054 = arith.shrui %gather3A_1051, %shift_right_logical3A_1053 : vector<16xi32>
        %and3A_1055 = arith.constant 127 : i32
        %and3A_1056 = vector.broadcast %and3A_1055 : i32 to vector<16xi32>
        %and3A_1057 = arith.andi %gather3A_1051, %and3A_1056 : vector<16xi32>
        %add3A_1058 = arith.addi %and3A_1057, %iota3A : vector<16xi32>
        %and3A_1059 = arith.constant 127 : i32
        %and3A_1060 = vector.broadcast %and3A_1059 : i32 to vector<16xi32>
        %and3A_1061 = arith.andi %add3A_1058, %and3A_1060 : vector<16xi32>
        %gather3A_1062 = tpu.vector_load_idx %arg8[%shift_right_logical3A_1054, %and3A_1061] : memref<218x128xf32, #tpu.memory_space<vmem>>[vector<16xi32>, vector<16xi32>], vector<16xf32>,
        %add3A_1063 = arith.addf %add3A_1038, %gather3A_1062 : vector<16xf32>
        %add3A_1064 = arith.constant 16 : i32
        %add3A_1065 = vector.broadcast %add3A_1064 : i32 to vector<16xi32>
        %add3A_1066 = arith.addi %and3A_1057, %add3A_1065 : vector<16xi32>
        %add3A_1067 = arith.addi %add3A_1066, %iota3A : vector<16xi32>
        %and3A_1068 = arith.constant 127 : i32
        %and3A_1069 = vector.broadcast %and3A_1068 : i32 to vector<16xi32>
        %and3A_1070 = arith.andi %add3A_1067, %and3A_1069 : vector<16xi32>
        %gather3A_1071 = tpu.vector_load_idx %arg8[%shift_right_logical3A_1054, %and3A_1070] : memref<218x128xf32, #tpu.memory_space<vmem>>[vector<16xi32>, vector<16xi32>], vector<16xf32>,
        %add3A_1072 = arith.addf %add3A_1047, %gather3A_1071 : vector<16xf32>
        %broadcast_in_dim3A_1073 = arith.constant 3 : i32
        %broadcast_in_dim3A_1074 = vector.broadcast %broadcast_in_dim3A_1073 : i32 to vector<16x1xi32>
        %gather3A_1075 = vector.shape_cast %broadcast_in_dim3A_1074 : vector<16x1xi32> to vector<16xi32>
        %gather3A_1076 = tpu.dynamic_gather %get3A_997[%gather3A_1075] in [0] : vector<16xi32>, vector<16xi32> -> vector<16xi32>
        %shift_right_logical3A_1077 = arith.constant 7 : i32
        %shift_right_logical3A_1078 = vector.broadcast %shift_right_logical3A_1077 : i32 to vector<16xi32>
        %shift_right_logical3A_1079 = arith.shrui %gather3A_1076, %shift_right_logical3A_1078 : vector<16xi32>
        %and3A_1080 = arith.constant 127 : i32
        %and3A_1081 = vector.broadcast %and3A_1080 : i32 to vector<16xi32>
        %and3A_1082 = arith.andi %gather3A_1076, %and3A_1081 : vector<16xi32>
        %add3A_1083 = arith.addi %and3A_1082, %iota3A : vector<16xi32>
        %and3A_1084 = arith.constant 127 : i32
        %and3A_1085 = vector.broadcast %and3A_1084 : i32 to vector<16xi32>
        %and3A_1086 = arith.andi %add3A_1083, %and3A_1085 : vector<16xi32>
        %gather3A_1087 = tpu.vector_load_idx %arg8[%shift_right_logical3A_1079, %and3A_1086] : memref<218x128xf32, #tpu.memory_space<vmem>>[vector<16xi32>, vector<16xi32>], vector<16xf32>,
        %add3A_1088 = arith.addf %add3A_1063, %gather3A_1087 : vector<16xf32>
        %add3A_1089 = arith.constant 16 : i32
        %add3A_1090 = vector.broadcast %add3A_1089 : i32 to vector<16xi32>
        %add3A_1091 = arith.addi %and3A_1082, %add3A_1090 : vector<16xi32>
        %add3A_1092 = arith.addi %add3A_1091, %iota3A : vector<16xi32>
        %and3A_1093 = arith.constant 127 : i32
        %and3A_1094 = vector.broadcast %and3A_1093 : i32 to vector<16xi32>
        %and3A_1095 = arith.andi %add3A_1092, %and3A_1094 : vector<16xi32>
        %gather3A_1096 = tpu.vector_load_idx %arg8[%shift_right_logical3A_1079, %and3A_1095] : memref<218x128xf32, #tpu.memory_space<vmem>>[vector<16xi32>, vector<16xi32>], vector<16xf32>,
        %add3A_1097 = arith.addf %add3A_1072, %gather3A_1096 : vector<16xf32>
        %broadcast_in_dim3A_1098 = arith.constant 4 : i32
        %broadcast_in_dim3A_1099 = vector.broadcast %broadcast_in_dim3A_1098 : i32 to vector<16x1xi32>
        %gather3A_1100 = vector.shape_cast %broadcast_in_dim3A_1099 : vector<16x1xi32> to vector<16xi32>
        %gather3A_1101 = tpu.dynamic_gather %get3A_997[%gather3A_1100] in [0] : vector<16xi32>, vector<16xi32> -> vector<16xi32>
        %shift_right_logical3A_1102 = arith.constant 7 : i32
        %shift_right_logical3A_1103 = vector.broadcast %shift_right_logical3A_1102 : i32 to vector<16xi32>
        %shift_right_logical3A_1104 = arith.shrui %gather3A_1101, %shift_right_logical3A_1103 : vector<16xi32>
        %and3A_1105 = arith.constant 127 : i32
        %and3A_1106 = vector.broadcast %and3A_1105 : i32 to vector<16xi32>
        %and3A_1107 = arith.andi %gather3A_1101, %and3A_1106 : vector<16xi32>
        %add3A_1108 = arith.addi %and3A_1107, %iota3A : vector<16xi32>
        %and3A_1109 = arith.constant 127 : i32
        %and3A_1110 = vector.broadcast %and3A_1109 : i32 to vector<16xi32>
        %and3A_1111 = arith.andi %add3A_1108, %and3A_1110 : vector<16xi32>
        %gather3A_1112 = tpu.vector_load_idx %arg8[%shift_right_logical3A_1104, %and3A_1111] : memref<218x128xf32, #tpu.memory_space<vmem>>[vector<16xi32>, vector<16xi32>], vector<16xf32>,
        %add3A_1113 = arith.addf %add3A_1088, %gather3A_1112 : vector<16xf32>
        %add3A_1114 = arith.constant 16 : i32
        %add3A_1115 = vector.broadcast %add3A_1114 : i32 to vector<16xi32>
        %add3A_1116 = arith.addi %and3A_1107, %add3A_1115 : vector<16xi32>
        %add3A_1117 = arith.addi %add3A_1116, %iota3A : vector<16xi32>
        %and3A_1118 = arith.constant 127 : i32
        %and3A_1119 = vector.broadcast %and3A_1118 : i32 to vector<16xi32>
        %and3A_1120 = arith.andi %add3A_1117, %and3A_1119 : vector<16xi32>
        %gather3A_1121 = tpu.vector_load_idx %arg8[%shift_right_logical3A_1104, %and3A_1120] : memref<218x128xf32, #tpu.memory_space<vmem>>[vector<16xi32>, vector<16xi32>], vector<16xf32>,
        %add3A_1122 = arith.addf %add3A_1097, %gather3A_1121 : vector<16xf32>
        %broadcast_in_dim3A_1123 = arith.constant 5 : i32
        %broadcast_in_dim3A_1124 = vector.broadcast %broadcast_in_dim3A_1123 : i32 to vector<16x1xi32>
        %gather3A_1125 = vector.shape_cast %broadcast_in_dim3A_1124 : vector<16x1xi32> to vector<16xi32>
        %gather3A_1126 = tpu.dynamic_gather %get3A_997[%gather3A_1125] in [0] : vector<16xi32>, vector<16xi32> -> vector<16xi32>
        %shift_right_logical3A_1127 = arith.constant 7 : i32
        %shift_right_logical3A_1128 = vector.broadcast %shift_right_logical3A_1127 : i32 to vector<16xi32>
        %shift_right_logical3A_1129 = arith.shrui %gather3A_1126, %shift_right_logical3A_1128 : vector<16xi32>
        %and3A_1130 = arith.constant 127 : i32
        %and3A_1131 = vector.broadcast %and3A_1130 : i32 to vector<16xi32>
        %and3A_1132 = arith.andi %gather3A_1126, %and3A_1131 : vector<16xi32>
        %add3A_1133 = arith.addi %and3A_1132, %iota3A : vector<16xi32>
        %and3A_1134 = arith.constant 127 : i32
        %and3A_1135 = vector.broadcast %and3A_1134 : i32 to vector<16xi32>
        %and3A_1136 = arith.andi %add3A_1133, %and3A_1135 : vector<16xi32>
        %gather3A_1137 = tpu.vector_load_idx %arg8[%shift_right_logical3A_1129, %and3A_1136] : memref<218x128xf32, #tpu.memory_space<vmem>>[vector<16xi32>, vector<16xi32>], vector<16xf32>,
        %add3A_1138 = arith.addf %add3A_1113, %gather3A_1137 : vector<16xf32>
        %add3A_1139 = arith.constant 16 : i32
        %add3A_1140 = vector.broadcast %add3A_1139 : i32 to vector<16xi32>
        %add3A_1141 = arith.addi %and3A_1132, %add3A_1140 : vector<16xi32>
        %add3A_1142 = arith.addi %add3A_1141, %iota3A : vector<16xi32>
        %and3A_1143 = arith.constant 127 : i32
        %and3A_1144 = vector.broadcast %and3A_1143 : i32 to vector<16xi32>
        %and3A_1145 = arith.andi %add3A_1142, %and3A_1144 : vector<16xi32>
        %gather3A_1146 = tpu.vector_load_idx %arg8[%shift_right_logical3A_1129, %and3A_1145] : memref<218x128xf32, #tpu.memory_space<vmem>>[vector<16xi32>, vector<16xi32>], vector<16xf32>,
        %add3A_1147 = arith.addf %add3A_1122, %gather3A_1146 : vector<16xf32>
        %broadcast_in_dim3A_1148 = arith.constant 6 : i32
        %broadcast_in_dim3A_1149 = vector.broadcast %broadcast_in_dim3A_1148 : i32 to vector<16x1xi32>
        %gather3A_1150 = vector.shape_cast %broadcast_in_dim3A_1149 : vector<16x1xi32> to vector<16xi32>
        %gather3A_1151 = tpu.dynamic_gather %get3A_997[%gather3A_1150] in [0] : vector<16xi32>, vector<16xi32> -> vector<16xi32>
        %shift_right_logical3A_1152 = arith.constant 7 : i32
        %shift_right_logical3A_1153 = vector.broadcast %shift_right_logical3A_1152 : i32 to vector<16xi32>
        %shift_right_logical3A_1154 = arith.shrui %gather3A_1151, %shift_right_logical3A_1153 : vector<16xi32>
        %and3A_1155 = arith.constant 127 : i32
        %and3A_1156 = vector.broadcast %and3A_1155 : i32 to vector<16xi32>
        %and3A_1157 = arith.andi %gather3A_1151, %and3A_1156 : vector<16xi32>
        %add3A_1158 = arith.addi %and3A_1157, %iota3A : vector<16xi32>
        %and3A_1159 = arith.constant 127 : i32
        %and3A_1160 = vector.broadcast %and3A_1159 : i32 to vector<16xi32>
        %and3A_1161 = arith.andi %add3A_1158, %and3A_1160 : vector<16xi32>
        %gather3A_1162 = tpu.vector_load_idx %arg8[%shift_right_logical3A_1154, %and3A_1161] : memref<218x128xf32, #tpu.memory_space<vmem>>[vector<16xi32>, vector<16xi32>], vector<16xf32>,
        %add3A_1163 = arith.addf %add3A_1138, %gather3A_1162 : vector<16xf32>
        %add3A_1164 = arith.constant 16 : i32
        %add3A_1165 = vector.broadcast %add3A_1164 : i32 to vector<16xi32>
        %add3A_1166 = arith.addi %and3A_1157, %add3A_1165 : vector<16xi32>
        %add3A_1167 = arith.addi %add3A_1166, %iota3A : vector<16xi32>
        %and3A_1168 = arith.constant 127 : i32
        %and3A_1169 = vector.broadcast %and3A_1168 : i32 to vector<16xi32>
        %and3A_1170 = arith.andi %add3A_1167, %and3A_1169 : vector<16xi32>
        %gather3A_1171 = tpu.vector_load_idx %arg8[%shift_right_logical3A_1154, %and3A_1170] : memref<218x128xf32, #tpu.memory_space<vmem>>[vector<16xi32>, vector<16xi32>], vector<16xf32>,
        %add3A_1172 = arith.addf %add3A_1147, %gather3A_1171 : vector<16xf32>
        %broadcast_in_dim3A_1173 = arith.constant 7 : i32
        %broadcast_in_dim3A_1174 = vector.broadcast %broadcast_in_dim3A_1173 : i32 to vector<16x1xi32>
        %gather3A_1175 = vector.shape_cast %broadcast_in_dim3A_1174 : vector<16x1xi32> to vector<16xi32>
        %gather3A_1176 = tpu.dynamic_gather %get3A_997[%gather3A_1175] in [0] : vector<16xi32>, vector<16xi32> -> vector<16xi32>
        %shift_right_logical3A_1177 = arith.constant 7 : i32
        %shift_right_logical3A_1178 = vector.broadcast %shift_right_logical3A_1177 : i32 to vector<16xi32>
        %shift_right_logical3A_1179 = arith.shrui %gather3A_1176, %shift_right_logical3A_1178 : vector<16xi32>
        %and3A_1180 = arith.constant 127 : i32
        %and3A_1181 = vector.broadcast %and3A_1180 : i32 to vector<16xi32>
        %and3A_1182 = arith.andi %gather3A_1176, %and3A_1181 : vector<16xi32>
        %add3A_1183 = arith.addi %and3A_1182, %iota3A : vector<16xi32>
        %and3A_1184 = arith.constant 127 : i32
        %and3A_1185 = vector.broadcast %and3A_1184 : i32 to vector<16xi32>
        %and3A_1186 = arith.andi %add3A_1183, %and3A_1185 : vector<16xi32>
        %gather3A_1187 = tpu.vector_load_idx %arg8[%shift_right_logical3A_1179, %and3A_1186] : memref<218x128xf32, #tpu.memory_space<vmem>>[vector<16xi32>, vector<16xi32>], vector<16xf32>,
        %add3A_1188 = arith.addf %add3A_1163, %gather3A_1187 : vector<16xf32>
        %add3A_1189 = arith.constant 16 : i32
        %add3A_1190 = vector.broadcast %add3A_1189 : i32 to vector<16xi32>
        %add3A_1191 = arith.addi %and3A_1182, %add3A_1190 : vector<16xi32>
        %add3A_1192 = arith.addi %add3A_1191, %iota3A : vector<16xi32>
        %and3A_1193 = arith.constant 127 : i32
        %and3A_1194 = vector.broadcast %and3A_1193 : i32 to vector<16xi32>
        %and3A_1195 = arith.andi %add3A_1192, %and3A_1194 : vector<16xi32>
        %gather3A_1196 = tpu.vector_load_idx %arg8[%shift_right_logical3A_1179, %and3A_1195] : memref<218x128xf32, #tpu.memory_space<vmem>>[vector<16xi32>, vector<16xi32>], vector<16xf32>,
        %add3A_1197 = arith.addf %add3A_1172, %gather3A_1196 : vector<16xf32>
        %broadcast_in_dim3A_1198 = arith.constant 8 : i32
        %broadcast_in_dim3A_1199 = vector.broadcast %broadcast_in_dim3A_1198 : i32 to vector<16x1xi32>
        %gather3A_1200 = vector.shape_cast %broadcast_in_dim3A_1199 : vector<16x1xi32> to vector<16xi32>
        %gather3A_1201 = tpu.dynamic_gather %get3A_997[%gather3A_1200] in [0] : vector<16xi32>, vector<16xi32> -> vector<16xi32>
        %shift_right_logical3A_1202 = arith.constant 7 : i32
        %shift_right_logical3A_1203 = vector.broadcast %shift_right_logical3A_1202 : i32 to vector<16xi32>
        %shift_right_logical3A_1204 = arith.shrui %gather3A_1201, %shift_right_logical3A_1203 : vector<16xi32>
        %and3A_1205 = arith.constant 127 : i32
        %and3A_1206 = vector.broadcast %and3A_1205 : i32 to vector<16xi32>
        %and3A_1207 = arith.andi %gather3A_1201, %and3A_1206 : vector<16xi32>
        %add3A_1208 = arith.addi %and3A_1207, %iota3A : vector<16xi32>
        %and3A_1209 = arith.constant 127 : i32
        %and3A_1210 = vector.broadcast %and3A_1209 : i32 to vector<16xi32>
        %and3A_1211 = arith.andi %add3A_1208, %and3A_1210 : vector<16xi32>
        %gather3A_1212 = tpu.vector_load_idx %arg8[%shift_right_logical3A_1204, %and3A_1211] : memref<218x128xf32, #tpu.memory_space<vmem>>[vector<16xi32>, vector<16xi32>], vector<16xf32>,
        %add3A_1213 = arith.addf %add3A_1188, %gather3A_1212 : vector<16xf32>
        %add3A_1214 = arith.constant 16 : i32
        %add3A_1215 = vector.broadcast %add3A_1214 : i32 to vector<16xi32>
        %add3A_1216 = arith.addi %and3A_1207, %add3A_1215 : vector<16xi32>
        %add3A_1217 = arith.addi %add3A_1216, %iota3A : vector<16xi32>
        %and3A_1218 = arith.constant 127 : i32
        %and3A_1219 = vector.broadcast %and3A_1218 : i32 to vector<16xi32>
        %and3A_1220 = arith.andi %add3A_1217, %and3A_1219 : vector<16xi32>
        %gather3A_1221 = tpu.vector_load_idx %arg8[%shift_right_logical3A_1204, %and3A_1220] : memref<218x128xf32, #tpu.memory_space<vmem>>[vector<16xi32>, vector<16xi32>], vector<16xf32>,
        %add3A_1222 = arith.addf %add3A_1197, %gather3A_1221 : vector<16xf32>
        %broadcast_in_dim3A_1223 = arith.constant 9 : i32
        %broadcast_in_dim3A_1224 = vector.broadcast %broadcast_in_dim3A_1223 : i32 to vector<16x1xi32>
        %gather3A_1225 = vector.shape_cast %broadcast_in_dim3A_1224 : vector<16x1xi32> to vector<16xi32>
        %gather3A_1226 = tpu.dynamic_gather %get3A_997[%gather3A_1225] in [0] : vector<16xi32>, vector<16xi32> -> vector<16xi32>
        %shift_right_logical3A_1227 = arith.constant 7 : i32
        %shift_right_logical3A_1228 = vector.broadcast %shift_right_logical3A_1227 : i32 to vector<16xi32>
        %shift_right_logical3A_1229 = arith.shrui %gather3A_1226, %shift_right_logical3A_1228 : vector<16xi32>
        %and3A_1230 = arith.constant 127 : i32
        %and3A_1231 = vector.broadcast %and3A_1230 : i32 to vector<16xi32>
        %and3A_1232 = arith.andi %gather3A_1226, %and3A_1231 : vector<16xi32>
        %add3A_1233 = arith.addi %and3A_1232, %iota3A : vector<16xi32>
        %and3A_1234 = arith.constant 127 : i32
        %and3A_1235 = vector.broadcast %and3A_1234 : i32 to vector<16xi32>
        %and3A_1236 = arith.andi %add3A_1233, %and3A_1235 : vector<16xi32>
        %gather3A_1237 = tpu.vector_load_idx %arg8[%shift_right_logical3A_1229, %and3A_1236] : memref<218x128xf32, #tpu.memory_space<vmem>>[vector<16xi32>, vector<16xi32>], vector<16xf32>,
        %add3A_1238 = arith.addf %add3A_1213, %gather3A_1237 : vector<16xf32>
        %add3A_1239 = arith.constant 16 : i32
        %add3A_1240 = vector.broadcast %add3A_1239 : i32 to vector<16xi32>
        %add3A_1241 = arith.addi %and3A_1232, %add3A_1240 : vector<16xi32>
        %add3A_1242 = arith.addi %add3A_1241, %iota3A : vector<16xi32>
        %and3A_1243 = arith.constant 127 : i32
        %and3A_1244 = vector.broadcast %and3A_1243 : i32 to vector<16xi32>
        %and3A_1245 = arith.andi %add3A_1242, %and3A_1244 : vector<16xi32>
        %gather3A_1246 = tpu.vector_load_idx %arg8[%shift_right_logical3A_1229, %and3A_1245] : memref<218x128xf32, #tpu.memory_space<vmem>>[vector<16xi32>, vector<16xi32>], vector<16xf32>,
        %add3A_1247 = arith.addf %add3A_1222, %gather3A_1246 : vector<16xf32>
        %broadcast_in_dim3A_1248 = arith.constant 10 : i32
        %broadcast_in_dim3A_1249 = vector.broadcast %broadcast_in_dim3A_1248 : i32 to vector<16x1xi32>
        %gather3A_1250 = vector.shape_cast %broadcast_in_dim3A_1249 : vector<16x1xi32> to vector<16xi32>
        %gather3A_1251 = tpu.dynamic_gather %get3A_997[%gather3A_1250] in [0] : vector<16xi32>, vector<16xi32> -> vector<16xi32>
        %shift_right_logical3A_1252 = arith.constant 7 : i32
        %shift_right_logical3A_1253 = vector.broadcast %shift_right_logical3A_1252 : i32 to vector<16xi32>
        %shift_right_logical3A_1254 = arith.shrui %gather3A_1251, %shift_right_logical3A_1253 : vector<16xi32>
        %and3A_1255 = arith.constant 127 : i32
        %and3A_1256 = vector.broadcast %and3A_1255 : i32 to vector<16xi32>
        %and3A_1257 = arith.andi %gather3A_1251, %and3A_1256 : vector<16xi32>
        %add3A_1258 = arith.addi %and3A_1257, %iota3A : vector<16xi32>
        %and3A_1259 = arith.constant 127 : i32
        %and3A_1260 = vector.broadcast %and3A_1259 : i32 to vector<16xi32>
        %and3A_1261 = arith.andi %add3A_1258, %and3A_1260 : vector<16xi32>
        %gather3A_1262 = tpu.vector_load_idx %arg8[%shift_right_logical3A_1254, %and3A_1261] : memref<218x128xf32, #tpu.memory_space<vmem>>[vector<16xi32>, vector<16xi32>], vector<16xf32>,
        %add3A_1263 = arith.addf %add3A_1238, %gather3A_1262 : vector<16xf32>
        %add3A_1264 = arith.constant 16 : i32
        %add3A_1265 = vector.broadcast %add3A_1264 : i32 to vector<16xi32>
        %add3A_1266 = arith.addi %and3A_1257, %add3A_1265 : vector<16xi32>
        %add3A_1267 = arith.addi %add3A_1266, %iota3A : vector<16xi32>
        %and3A_1268 = arith.constant 127 : i32
        %and3A_1269 = vector.broadcast %and3A_1268 : i32 to vector<16xi32>
        %and3A_1270 = arith.andi %add3A_1267, %and3A_1269 : vector<16xi32>
        %gather3A_1271 = tpu.vector_load_idx %arg8[%shift_right_logical3A_1254, %and3A_1270] : memref<218x128xf32, #tpu.memory_space<vmem>>[vector<16xi32>, vector<16xi32>], vector<16xf32>,
        %add3A_1272 = arith.addf %add3A_1247, %gather3A_1271 : vector<16xf32>
        %broadcast_in_dim3A_1273 = arith.constant 11 : i32
        %broadcast_in_dim3A_1274 = vector.broadcast %broadcast_in_dim3A_1273 : i32 to vector<16x1xi32>
        %gather3A_1275 = vector.shape_cast %broadcast_in_dim3A_1274 : vector<16x1xi32> to vector<16xi32>
        %gather3A_1276 = tpu.dynamic_gather %get3A_997[%gather3A_1275] in [0] : vector<16xi32>, vector<16xi32> -> vector<16xi32>
        %shift_right_logical3A_1277 = arith.constant 7 : i32
        %shift_right_logical3A_1278 = vector.broadcast %shift_right_logical3A_1277 : i32 to vector<16xi32>
        %shift_right_logical3A_1279 = arith.shrui %gather3A_1276, %shift_right_logical3A_1278 : vector<16xi32>
        %and3A_1280 = arith.constant 127 : i32
        %and3A_1281 = vector.broadcast %and3A_1280 : i32 to vector<16xi32>
        %and3A_1282 = arith.andi %gather3A_1276, %and3A_1281 : vector<16xi32>
        %add3A_1283 = arith.addi %and3A_1282, %iota3A : vector<16xi32>
        %and3A_1284 = arith.constant 127 : i32
        %and3A_1285 = vector.broadcast %and3A_1284 : i32 to vector<16xi32>
        %and3A_1286 = arith.andi %add3A_1283, %and3A_1285 : vector<16xi32>
        %gather3A_1287 = tpu.vector_load_idx %arg8[%shift_right_logical3A_1279, %and3A_1286] : memref<218x128xf32, #tpu.memory_space<vmem>>[vector<16xi32>, vector<16xi32>], vector<16xf32>,
        %add3A_1288 = arith.addf %add3A_1263, %gather3A_1287 : vector<16xf32>
        %add3A_1289 = arith.constant 16 : i32
        %add3A_1290 = vector.broadcast %add3A_1289 : i32 to vector<16xi32>
        %add3A_1291 = arith.addi %and3A_1282, %add3A_1290 : vector<16xi32>
        %add3A_1292 = arith.addi %add3A_1291, %iota3A : vector<16xi32>
        %and3A_1293 = arith.constant 127 : i32
        %and3A_1294 = vector.broadcast %and3A_1293 : i32 to vector<16xi32>
        %and3A_1295 = arith.andi %add3A_1292, %and3A_1294 : vector<16xi32>
        %gather3A_1296 = tpu.vector_load_idx %arg8[%shift_right_logical3A_1279, %and3A_1295] : memref<218x128xf32, #tpu.memory_space<vmem>>[vector<16xi32>, vector<16xi32>], vector<16xf32>,
        %add3A_1297 = arith.addf %add3A_1272, %gather3A_1296 : vector<16xf32>
        %broadcast_in_dim3A_1298 = arith.constant 12 : i32
        %broadcast_in_dim3A_1299 = vector.broadcast %broadcast_in_dim3A_1298 : i32 to vector<16x1xi32>
        %gather3A_1300 = vector.shape_cast %broadcast_in_dim3A_1299 : vector<16x1xi32> to vector<16xi32>
        %gather3A_1301 = tpu.dynamic_gather %get3A_997[%gather3A_1300] in [0] : vector<16xi32>, vector<16xi32> -> vector<16xi32>
        %shift_right_logical3A_1302 = arith.constant 7 : i32
        %shift_right_logical3A_1303 = vector.broadcast %shift_right_logical3A_1302 : i32 to vector<16xi32>
        %shift_right_logical3A_1304 = arith.shrui %gather3A_1301, %shift_right_logical3A_1303 : vector<16xi32>
        %and3A_1305 = arith.constant 127 : i32
        %and3A_1306 = vector.broadcast %and3A_1305 : i32 to vector<16xi32>
        %and3A_1307 = arith.andi %gather3A_1301, %and3A_1306 : vector<16xi32>
        %add3A_1308 = arith.addi %and3A_1307, %iota3A : vector<16xi32>
        %and3A_1309 = arith.constant 127 : i32
        %and3A_1310 = vector.broadcast %and3A_1309 : i32 to vector<16xi32>
        %and3A_1311 = arith.andi %add3A_1308, %and3A_1310 : vector<16xi32>
        %gather3A_1312 = tpu.vector_load_idx %arg8[%shift_right_logical3A_1304, %and3A_1311] : memref<218x128xf32, #tpu.memory_space<vmem>>[vector<16xi32>, vector<16xi32>], vector<16xf32>,
        %add3A_1313 = arith.addf %add3A_1288, %gather3A_1312 : vector<16xf32>
        %add3A_1314 = arith.constant 16 : i32
        %add3A_1315 = vector.broadcast %add3A_1314 : i32 to vector<16xi32>
        %add3A_1316 = arith.addi %and3A_1307, %add3A_1315 : vector<16xi32>
        %add3A_1317 = arith.addi %add3A_1316, %iota3A : vector<16xi32>
        %and3A_1318 = arith.constant 127 : i32
        %and3A_1319 = vector.broadcast %and3A_1318 : i32 to vector<16xi32>
        %and3A_1320 = arith.andi %add3A_1317, %and3A_1319 : vector<16xi32>
        %gather3A_1321 = tpu.vector_load_idx %arg8[%shift_right_logical3A_1304, %and3A_1320] : memref<218x128xf32, #tpu.memory_space<vmem>>[vector<16xi32>, vector<16xi32>], vector<16xf32>,
        %add3A_1322 = arith.addf %add3A_1297, %gather3A_1321 : vector<16xf32>
        %broadcast_in_dim3A_1323 = arith.constant 13 : i32
        %broadcast_in_dim3A_1324 = vector.broadcast %broadcast_in_dim3A_1323 : i32 to vector<16x1xi32>
        %gather3A_1325 = vector.shape_cast %broadcast_in_dim3A_1324 : vector<16x1xi32> to vector<16xi32>
        %gather3A_1326 = tpu.dynamic_gather %get3A_997[%gather3A_1325] in [0] : vector<16xi32>, vector<16xi32> -> vector<16xi32>
        %shift_right_logical3A_1327 = arith.constant 7 : i32
        %shift_right_logical3A_1328 = vector.broadcast %shift_right_logical3A_1327 : i32 to vector<16xi32>
        %shift_right_logical3A_1329 = arith.shrui %gather3A_1326, %shift_right_logical3A_1328 : vector<16xi32>
        %and3A_1330 = arith.constant 127 : i32
        %and3A_1331 = vector.broadcast %and3A_1330 : i32 to vector<16xi32>
        %and3A_1332 = arith.andi %gather3A_1326, %and3A_1331 : vector<16xi32>
        %add3A_1333 = arith.addi %and3A_1332, %iota3A : vector<16xi32>
        %and3A_1334 = arith.constant 127 : i32
        %and3A_1335 = vector.broadcast %and3A_1334 : i32 to vector<16xi32>
        %and3A_1336 = arith.andi %add3A_1333, %and3A_1335 : vector<16xi32>
        %gather3A_1337 = tpu.vector_load_idx %arg8[%shift_right_logical3A_1329, %and3A_1336] : memref<218x128xf32, #tpu.memory_space<vmem>>[vector<16xi32>, vector<16xi32>], vector<16xf32>,
        %add3A_1338 = arith.addf %add3A_1313, %gather3A_1337 : vector<16xf32>
        %add3A_1339 = arith.constant 16 : i32
        %add3A_1340 = vector.broadcast %add3A_1339 : i32 to vector<16xi32>
        %add3A_1341 = arith.addi %and3A_1332, %add3A_1340 : vector<16xi32>
        %add3A_1342 = arith.addi %add3A_1341, %iota3A : vector<16xi32>
        %and3A_1343 = arith.constant 127 : i32
        %and3A_1344 = vector.broadcast %and3A_1343 : i32 to vector<16xi32>
        %and3A_1345 = arith.andi %add3A_1342, %and3A_1344 : vector<16xi32>
        %gather3A_1346 = tpu.vector_load_idx %arg8[%shift_right_logical3A_1329, %and3A_1345] : memref<218x128xf32, #tpu.memory_space<vmem>>[vector<16xi32>, vector<16xi32>], vector<16xf32>,
        %add3A_1347 = arith.addf %add3A_1322, %gather3A_1346 : vector<16xf32>
        %broadcast_in_dim3A_1348 = arith.constant 14 : i32
        %broadcast_in_dim3A_1349 = vector.broadcast %broadcast_in_dim3A_1348 : i32 to vector<16x1xi32>
        %gather3A_1350 = vector.shape_cast %broadcast_in_dim3A_1349 : vector<16x1xi32> to vector<16xi32>
        %gather3A_1351 = tpu.dynamic_gather %get3A_997[%gather3A_1350] in [0] : vector<16xi32>, vector<16xi32> -> vector<16xi32>
        %shift_right_logical3A_1352 = arith.constant 7 : i32
        %shift_right_logical3A_1353 = vector.broadcast %shift_right_logical3A_1352 : i32 to vector<16xi32>
        %shift_right_logical3A_1354 = arith.shrui %gather3A_1351, %shift_right_logical3A_1353 : vector<16xi32>
        %and3A_1355 = arith.constant 127 : i32
        %and3A_1356 = vector.broadcast %and3A_1355 : i32 to vector<16xi32>
        %and3A_1357 = arith.andi %gather3A_1351, %and3A_1356 : vector<16xi32>
        %add3A_1358 = arith.addi %and3A_1357, %iota3A : vector<16xi32>
        %and3A_1359 = arith.constant 127 : i32
        %and3A_1360 = vector.broadcast %and3A_1359 : i32 to vector<16xi32>
        %and3A_1361 = arith.andi %add3A_1358, %and3A_1360 : vector<16xi32>
        %gather3A_1362 = tpu.vector_load_idx %arg8[%shift_right_logical3A_1354, %and3A_1361] : memref<218x128xf32, #tpu.memory_space<vmem>>[vector<16xi32>, vector<16xi32>], vector<16xf32>,
        %add3A_1363 = arith.addf %add3A_1338, %gather3A_1362 : vector<16xf32>
        %add3A_1364 = arith.constant 16 : i32
        %add3A_1365 = vector.broadcast %add3A_1364 : i32 to vector<16xi32>
        %add3A_1366 = arith.addi %and3A_1357, %add3A_1365 : vector<16xi32>
        %add3A_1367 = arith.addi %add3A_1366, %iota3A : vector<16xi32>
        %and3A_1368 = arith.constant 127 : i32
        %and3A_1369 = vector.broadcast %and3A_1368 : i32 to vector<16xi32>
        %and3A_1370 = arith.andi %add3A_1367, %and3A_1369 : vector<16xi32>
        %gather3A_1371 = tpu.vector_load_idx %arg8[%shift_right_logical3A_1354, %and3A_1370] : memref<218x128xf32, #tpu.memory_space<vmem>>[vector<16xi32>, vector<16xi32>], vector<16xf32>,
        %add3A_1372 = arith.addf %add3A_1347, %gather3A_1371 : vector<16xf32>
        %broadcast_in_dim3A_1373 = arith.constant 15 : i32
        %broadcast_in_dim3A_1374 = vector.broadcast %broadcast_in_dim3A_1373 : i32 to vector<16x1xi32>
        %gather3A_1375 = vector.shape_cast %broadcast_in_dim3A_1374 : vector<16x1xi32> to vector<16xi32>
        %gather3A_1376 = tpu.dynamic_gather %get3A_997[%gather3A_1375] in [0] : vector<16xi32>, vector<16xi32> -> vector<16xi32>
        %shift_right_logical3A_1377 = arith.constant 7 : i32
        %shift_right_logical3A_1378 = vector.broadcast %shift_right_logical3A_1377 : i32 to vector<16xi32>
        %shift_right_logical3A_1379 = arith.shrui %gather3A_1376, %shift_right_logical3A_1378 : vector<16xi32>
        %and3A_1380 = arith.constant 127 : i32
        %and3A_1381 = vector.broadcast %and3A_1380 : i32 to vector<16xi32>
        %and3A_1382 = arith.andi %gather3A_1376, %and3A_1381 : vector<16xi32>
        %add3A_1383 = arith.addi %and3A_1382, %iota3A : vector<16xi32>
        %and3A_1384 = arith.constant 127 : i32
        %and3A_1385 = vector.broadcast %and3A_1384 : i32 to vector<16xi32>
        %and3A_1386 = arith.andi %add3A_1383, %and3A_1385 : vector<16xi32>
        %gather3A_1387 = tpu.vector_load_idx %arg8[%shift_right_logical3A_1379, %and3A_1386] : memref<218x128xf32, #tpu.memory_space<vmem>>[vector<16xi32>, vector<16xi32>], vector<16xf32>,
        %add3A_1388 = arith.addf %add3A_1363, %gather3A_1387 : vector<16xf32>
        %add3A_1389 = arith.constant 16 : i32
        %add3A_1390 = vector.broadcast %add3A_1389 : i32 to vector<16xi32>
        %add3A_1391 = arith.addi %and3A_1382, %add3A_1390 : vector<16xi32>
        %add3A_1392 = arith.addi %add3A_1391, %iota3A : vector<16xi32>
        %and3A_1393 = arith.constant 127 : i32
        %and3A_1394 = vector.broadcast %and3A_1393 : i32 to vector<16xi32>
        %and3A_1395 = arith.andi %add3A_1392, %and3A_1394 : vector<16xi32>
        %gather3A_1396 = tpu.vector_load_idx %arg8[%shift_right_logical3A_1379, %and3A_1395] : memref<218x128xf32, #tpu.memory_space<vmem>>[vector<16xi32>, vector<16xi32>], vector<16xf32>,
        %add3A_1397 = arith.addf %add3A_1372, %gather3A_1396 : vector<16xf32>
        %get3A_1398 = arith.index_cast %add3A_192 : i32 to index
        %get3A_1399 = arith.constant 48 : index
        %get3A_1400 = tpu.vector_load %arg7[%get3A_1398, %get3A_1399] {strides = array<i32>} : memref<128x64xi32, #tpu.memory_space<vmem>>, vector<16xi32>,
        %broadcast_in_dim3A_1401 = arith.constant 0 : i32
        %broadcast_in_dim3A_1402 = vector.broadcast %broadcast_in_dim3A_1401 : i32 to vector<16x1xi32>
        %gather3A_1403 = vector.shape_cast %broadcast_in_dim3A_1402 : vector<16x1xi32> to vector<16xi32>
        %gather3A_1404 = tpu.dynamic_gather %get3A_1400[%gather3A_1403] in [0] : vector<16xi32>, vector<16xi32> -> vector<16xi32>
        %shift_right_logical3A_1405 = arith.constant 7 : i32
        %shift_right_logical3A_1406 = vector.broadcast %shift_right_logical3A_1405 : i32 to vector<16xi32>
        %shift_right_logical3A_1407 = arith.shrui %gather3A_1404, %shift_right_logical3A_1406 : vector<16xi32>
        %and3A_1408 = arith.constant 127 : i32
        %and3A_1409 = vector.broadcast %and3A_1408 : i32 to vector<16xi32>
        %and3A_1410 = arith.andi %gather3A_1404, %and3A_1409 : vector<16xi32>
        %add3A_1411 = arith.addi %and3A_1410, %iota3A : vector<16xi32>
        %and3A_1412 = arith.constant 127 : i32
        %and3A_1413 = vector.broadcast %and3A_1412 : i32 to vector<16xi32>
        %and3A_1414 = arith.andi %add3A_1411, %and3A_1413 : vector<16xi32>
        %gather3A_1415 = tpu.vector_load_idx %arg8[%shift_right_logical3A_1407, %and3A_1414] : memref<218x128xf32, #tpu.memory_space<vmem>>[vector<16xi32>, vector<16xi32>], vector<16xf32>,
        %add3A_1416 = arith.addf %add3A_1388, %gather3A_1415 : vector<16xf32>
        %add3A_1417 = arith.constant 16 : i32
        %add3A_1418 = vector.broadcast %add3A_1417 : i32 to vector<16xi32>
        %add3A_1419 = arith.addi %and3A_1410, %add3A_1418 : vector<16xi32>
        %add3A_1420 = arith.addi %add3A_1419, %iota3A : vector<16xi32>
        %and3A_1421 = arith.constant 127 : i32
        %and3A_1422 = vector.broadcast %and3A_1421 : i32 to vector<16xi32>
        %and3A_1423 = arith.andi %add3A_1420, %and3A_1422 : vector<16xi32>
        %gather3A_1424 = tpu.vector_load_idx %arg8[%shift_right_logical3A_1407, %and3A_1423] : memref<218x128xf32, #tpu.memory_space<vmem>>[vector<16xi32>, vector<16xi32>], vector<16xf32>,
        %add3A_1425 = arith.addf %add3A_1397, %gather3A_1424 : vector<16xf32>
        %broadcast_in_dim3A_1426 = arith.constant 1 : i32
        %broadcast_in_dim3A_1427 = vector.broadcast %broadcast_in_dim3A_1426 : i32 to vector<16x1xi32>
        %gather3A_1428 = vector.shape_cast %broadcast_in_dim3A_1427 : vector<16x1xi32> to vector<16xi32>
        %gather3A_1429 = tpu.dynamic_gather %get3A_1400[%gather3A_1428] in [0] : vector<16xi32>, vector<16xi32> -> vector<16xi32>
        %shift_right_logical3A_1430 = arith.constant 7 : i32
        %shift_right_logical3A_1431 = vector.broadcast %shift_right_logical3A_1430 : i32 to vector<16xi32>
        %shift_right_logical3A_1432 = arith.shrui %gather3A_1429, %shift_right_logical3A_1431 : vector<16xi32>
        %and3A_1433 = arith.constant 127 : i32
        %and3A_1434 = vector.broadcast %and3A_1433 : i32 to vector<16xi32>
        %and3A_1435 = arith.andi %gather3A_1429, %and3A_1434 : vector<16xi32>
        %add3A_1436 = arith.addi %and3A_1435, %iota3A : vector<16xi32>
        %and3A_1437 = arith.constant 127 : i32
        %and3A_1438 = vector.broadcast %and3A_1437 : i32 to vector<16xi32>
        %and3A_1439 = arith.andi %add3A_1436, %and3A_1438 : vector<16xi32>
        %gather3A_1440 = tpu.vector_load_idx %arg8[%shift_right_logical3A_1432, %and3A_1439] : memref<218x128xf32, #tpu.memory_space<vmem>>[vector<16xi32>, vector<16xi32>], vector<16xf32>,
        %add3A_1441 = arith.addf %add3A_1416, %gather3A_1440 : vector<16xf32>
        %add3A_1442 = arith.constant 16 : i32
        %add3A_1443 = vector.broadcast %add3A_1442 : i32 to vector<16xi32>
        %add3A_1444 = arith.addi %and3A_1435, %add3A_1443 : vector<16xi32>
        %add3A_1445 = arith.addi %add3A_1444, %iota3A : vector<16xi32>
        %and3A_1446 = arith.constant 127 : i32
        %and3A_1447 = vector.broadcast %and3A_1446 : i32 to vector<16xi32>
        %and3A_1448 = arith.andi %add3A_1445, %and3A_1447 : vector<16xi32>
        %gather3A_1449 = tpu.vector_load_idx %arg8[%shift_right_logical3A_1432, %and3A_1448] : memref<218x128xf32, #tpu.memory_space<vmem>>[vector<16xi32>, vector<16xi32>], vector<16xf32>,
        %add3A_1450 = arith.addf %add3A_1425, %gather3A_1449 : vector<16xf32>
        %broadcast_in_dim3A_1451 = vector.broadcast %add3A_192 : i32 to vector<16xi32>
        tpu.vector_store_idx %arg10[%iota3A, %broadcast_in_dim3A_1451], %add3A_1441 : memref<32x128xf32, #tpu.memory_space<vmem>>[vector<16xi32>, vector<16xi32>], vector<16xf32>,
        %add3A_1452 = arith.constant 16 : i32
        %add3A_1453 = vector.broadcast %add3A_1452 : i32 to vector<16xi32>
        %add3A_1454 = arith.addi %iota3A, %add3A_1453 : vector<16xi32>
        tpu.vector_store_idx %arg10[%add3A_1454, %broadcast_in_dim3A_1451], %add3A_1450 : memref<32x128xf32, #tpu.memory_space<vmem>>[vector<16xi32>, vector<16xi32>], vector<16xf32>,
      }
      %scan3A_116 = arith.constant 4 : i32
      %mul3A_117 = arith.constant 2 : i32
      %mul3A_118 = arith.muli %mul3A_117, %scan3A_51 : i32
      %add3A_119 = arith.constant 1 : i32
      %add3A_120 = arith.addi %mul3A_118, %add3A_119 : i32
      %add3A_121 = arith.constant 1 : i32
      %add3A_122 = arith.addi %add3A_120, %add3A_121 : i32
      %lt3A_123 = arith.constant 32 : i32
      %lt3A_124 = arith.cmpi slt, %add3A_122, %lt3A_123 : i32
      %convert_element_type3A_125 = arith.extui %lt3A_124 : i1 to i32
      %cond3A_126 = arith.constant 0 : i32
      %cond3A_127 = arith.cmpi ne, %convert_element_type3A_125, %cond3A_126 : i32
      scf.if %cond3A_127 {
        %add3A_186 = arith.constant 1 : i32
        %add3A_187 = arith.addi %add3A_120, %add3A_186 : i32
        %mul3A_188 = arith.constant 4 : i32
        %mul3A_189 = arith.muli %add3A_187, %mul3A_188 : i32
        %add3A_190 = arith.constant 0 : i32
        %add3A_191 = arith.addi %mul3A_189, %add3A_190 : i32
        %dma_start3A_192 = arith.constant 0 : i32
        %dma_start3A_193 = arith.constant 0 : i32
        %dma_start3A_194 = tpu.memref_slice %arg8[%dma_start3A_192, %dma_start3A_193] : memref<218x128xf32, #tpu.memory_space<vmem>> -> memref<50x128xf32, #tpu.memory_space<vmem>>
        %dma_start3A_195 = arith.constant 0 : i32
        %dma_start3A_196 = tpu.memref_slice %arg6[%add3A_191, %dma_start3A_195] : memref<128x50xi32, #tpu.memory_space<vmem>> -> memref<1x50xi32, #tpu.memory_space<vmem>>
        %dma_start3A_197 = tpu.memref_squeeze %dma_start3A_196 : memref<1x50xi32, #tpu.memory_space<vmem>> -> memref<50xi32, #tpu.memory_space<vmem>>
        %dma_start3A_198 = arith.constant 0 : i32
        %dma_start3A_199 = arith.constant 0 : i32
        %dma_start3A_200 = tpu.memref_slice %arg2[%dma_start3A_198, %dma_start3A_199] : memref<250000x128xf32, #tpu.memory_space<hbm>> -> memref<250000x128xf32, #tpu.memory_space<hbm>>
        tpu.enqueue_indirect_dma source(%dma_start3A_200 : memref<250000x128xf32, #tpu.memory_space<hbm>>) target(%dma_start3A_194 : memref<50x128xf32, #tpu.memory_space<vmem>>) offsets(%dma_start3A_197 : memref<50xi32, #tpu.memory_space<vmem>>) semaphore(%arg11 : memref<!tpu.dma_semaphore, #tpu.memory_space<semaphore_mem>>)
        %mul3A_201 = arith.constant 4 : i32
        %mul3A_202 = arith.muli %add3A_187, %mul3A_201 : i32
        %add3A_203 = arith.constant 1 : i32
        %add3A_204 = arith.addi %mul3A_202, %add3A_203 : i32
        %dma_start3A_205 = arith.constant 56 : i32
        %dma_start3A_206 = arith.constant 0 : i32
        %dma_start3A_207 = tpu.memref_slice %arg8[%dma_start3A_205, %dma_start3A_206] : memref<218x128xf32, #tpu.memory_space<vmem>> -> memref<50x128xf32, #tpu.memory_space<vmem>>
        %dma_start3A_208 = arith.constant 0 : i32
        %dma_start3A_209 = tpu.memref_slice %arg6[%add3A_204, %dma_start3A_208] : memref<128x50xi32, #tpu.memory_space<vmem>> -> memref<1x50xi32, #tpu.memory_space<vmem>>
        %dma_start3A_210 = tpu.memref_squeeze %dma_start3A_209 : memref<1x50xi32, #tpu.memory_space<vmem>> -> memref<50xi32, #tpu.memory_space<vmem>>
        %dma_start3A_211 = arith.constant 0 : i32
        %dma_start3A_212 = arith.constant 0 : i32
        %dma_start3A_213 = tpu.memref_slice %arg2[%dma_start3A_211, %dma_start3A_212] : memref<250000x128xf32, #tpu.memory_space<hbm>> -> memref<250000x128xf32, #tpu.memory_space<hbm>>
        tpu.enqueue_indirect_dma source(%dma_start3A_213 : memref<250000x128xf32, #tpu.memory_space<hbm>>) target(%dma_start3A_207 : memref<50x128xf32, #tpu.memory_space<vmem>>) offsets(%dma_start3A_210 : memref<50xi32, #tpu.memory_space<vmem>>) semaphore(%arg11 : memref<!tpu.dma_semaphore, #tpu.memory_space<semaphore_mem>>)
        %mul3A_214 = arith.constant 4 : i32
        %mul3A_215 = arith.muli %add3A_187, %mul3A_214 : i32
        %add3A_216 = arith.constant 2 : i32
        %add3A_217 = arith.addi %mul3A_215, %add3A_216 : i32
        %dma_start3A_218 = arith.constant 112 : i32
        %dma_start3A_219 = arith.constant 0 : i32
        %dma_start3A_220 = tpu.memref_slice %arg8[%dma_start3A_218, %dma_start3A_219] : memref<218x128xf32, #tpu.memory_space<vmem>> -> memref<50x128xf32, #tpu.memory_space<vmem>>
        %dma_start3A_221 = arith.constant 0 : i32
        %dma_start3A_222 = tpu.memref_slice %arg6[%add3A_217, %dma_start3A_221] : memref<128x50xi32, #tpu.memory_space<vmem>> -> memref<1x50xi32, #tpu.memory_space<vmem>>
        %dma_start3A_223 = tpu.memref_squeeze %dma_start3A_222 : memref<1x50xi32, #tpu.memory_space<vmem>> -> memref<50xi32, #tpu.memory_space<vmem>>
        %dma_start3A_224 = arith.constant 0 : i32
        %dma_start3A_225 = arith.constant 0 : i32
        %dma_start3A_226 = tpu.memref_slice %arg2[%dma_start3A_224, %dma_start3A_225] : memref<250000x128xf32, #tpu.memory_space<hbm>> -> memref<250000x128xf32, #tpu.memory_space<hbm>>
        tpu.enqueue_indirect_dma source(%dma_start3A_226 : memref<250000x128xf32, #tpu.memory_space<hbm>>) target(%dma_start3A_220 : memref<50x128xf32, #tpu.memory_space<vmem>>) offsets(%dma_start3A_223 : memref<50xi32, #tpu.memory_space<vmem>>) semaphore(%arg11 : memref<!tpu.dma_semaphore, #tpu.memory_space<semaphore_mem>>)
        %mul3A_227 = arith.constant 4 : i32
        %mul3A_228 = arith.muli %add3A_187, %mul3A_227 : i32
        %add3A_229 = arith.constant 3 : i32
        %add3A_230 = arith.addi %mul3A_228, %add3A_229 : i32
        %dma_start3A_231 = arith.constant 168 : i32
        %dma_start3A_232 = arith.constant 0 : i32
        %dma_start3A_233 = tpu.memref_slice %arg8[%dma_start3A_231, %dma_start3A_232] : memref<218x128xf32, #tpu.memory_space<vmem>> -> memref<50x128xf32, #tpu.memory_space<vmem>>
        %dma_start3A_234 = arith.constant 0 : i32
        %dma_start3A_235 = tpu.memref_slice %arg6[%add3A_230, %dma_start3A_234] : memref<128x50xi32, #tpu.memory_space<vmem>> -> memref<1x50xi32, #tpu.memory_space<vmem>>
        %dma_start3A_236 = tpu.memref_squeeze %dma_start3A_235 : memref<1x50xi32, #tpu.memory_space<vmem>> -> memref<50xi32, #tpu.memory_space<vmem>>
        %dma_start3A_237 = arith.constant 0 : i32
        %dma_start3A_238 = arith.constant 0 : i32
        %dma_start3A_239 = tpu.memref_slice %arg2[%dma_start3A_237, %dma_start3A_238] : memref<250000x128xf32, #tpu.memory_space<hbm>> -> memref<250000x128xf32, #tpu.memory_space<hbm>>
        tpu.enqueue_indirect_dma source(%dma_start3A_239 : memref<250000x128xf32, #tpu.memory_space<hbm>>) target(%dma_start3A_233 : memref<50x128xf32, #tpu.memory_space<vmem>>) offsets(%dma_start3A_236 : memref<50xi32, #tpu.memory_space<vmem>>) semaphore(%arg11 : memref<!tpu.dma_semaphore, #tpu.memory_space<semaphore_mem>>)
      } else {
      }
      %mul3A_128 = arith.constant 4 : i32
      %mul3A_129 = arith.muli %add3A_120, %mul3A_128 : i32
      %add3A_130 = arith.constant 0 : i32
      %add3A_131 = arith.addi %mul3A_129, %add3A_130 : i32
      %dma_wait3A_132 = arith.constant 0 : i32
      %dma_wait3A_133 = arith.constant 0 : i32
      %dma_wait3A_134 = tpu.memref_slice %arg9[%dma_wait3A_132, %dma_wait3A_133] : memref<218x128xf32, #tpu.memory_space<vmem>> -> memref<50x128xf32, #tpu.memory_space<vmem>>
      %dma_wait3A_135 = arith.constant 0 : i32
      %dma_wait3A_136 = tpu.memref_slice %arg6[%add3A_131, %dma_wait3A_135] : memref<128x50xi32, #tpu.memory_space<vmem>> -> memref<1x50xi32, #tpu.memory_space<vmem>>
      %dma_wait3A_137 = tpu.memref_squeeze %dma_wait3A_136 : memref<1x50xi32, #tpu.memory_space<vmem>> -> memref<50xi32, #tpu.memory_space<vmem>>
      %dma_wait3A_138 = arith.constant 0 : i32
      %dma_wait3A_139 = arith.constant 0 : i32
      %dma_wait3A_140 = tpu.memref_slice %arg2[%dma_wait3A_138, %dma_wait3A_139] : memref<250000x128xf32, #tpu.memory_space<hbm>> -> memref<250000x128xf32, #tpu.memory_space<hbm>>
      tpu.wait_indirect_dma semaphore(%arg12 : memref<!tpu.dma_semaphore, #tpu.memory_space<semaphore_mem>>) src(%dma_wait3A_140 : memref<250000x128xf32, #tpu.memory_space<hbm>>) dst(%dma_wait3A_134 : memref<50x128xf32, #tpu.memory_space<vmem>>)
      %mul3A_141 = arith.constant 4 : i32
      %mul3A_142 = arith.muli %add3A_120, %mul3A_141 : i32
      %add3A_143 = arith.constant 1 : i32
      %add3A_144 = arith.addi %mul3A_142, %add3A_143 : i32
      %dma_wait3A_145 = arith.constant 56 : i32
      %dma_wait3A_146 = arith.constant 0 : i32
      %dma_wait3A_147 = tpu.memref_slice %arg9[%dma_wait3A_145, %dma_wait3A_146] : memref<218x128xf32, #tpu.memory_space<vmem>> -> memref<50x128xf32, #tpu.memory_space<vmem>>
      %dma_wait3A_148 = arith.constant 0 : i32
      %dma_wait3A_149 = tpu.memref_slice %arg6[%add3A_144, %dma_wait3A_148] : memref<128x50xi32, #tpu.memory_space<vmem>> -> memref<1x50xi32, #tpu.memory_space<vmem>>
      %dma_wait3A_150 = tpu.memref_squeeze %dma_wait3A_149 : memref<1x50xi32, #tpu.memory_space<vmem>> -> memref<50xi32, #tpu.memory_space<vmem>>
      %dma_wait3A_151 = arith.constant 0 : i32
      %dma_wait3A_152 = arith.constant 0 : i32
      %dma_wait3A_153 = tpu.memref_slice %arg2[%dma_wait3A_151, %dma_wait3A_152] : memref<250000x128xf32, #tpu.memory_space<hbm>> -> memref<250000x128xf32, #tpu.memory_space<hbm>>
      tpu.wait_indirect_dma semaphore(%arg12 : memref<!tpu.dma_semaphore, #tpu.memory_space<semaphore_mem>>) src(%dma_wait3A_153 : memref<250000x128xf32, #tpu.memory_space<hbm>>) dst(%dma_wait3A_147 : memref<50x128xf32, #tpu.memory_space<vmem>>)
      %mul3A_154 = arith.constant 4 : i32
      %mul3A_155 = arith.muli %add3A_120, %mul3A_154 : i32
      %add3A_156 = arith.constant 2 : i32
      %add3A_157 = arith.addi %mul3A_155, %add3A_156 : i32
      %dma_wait3A_158 = arith.constant 112 : i32
      %dma_wait3A_159 = arith.constant 0 : i32
      %dma_wait3A_160 = tpu.memref_slice %arg9[%dma_wait3A_158, %dma_wait3A_159] : memref<218x128xf32, #tpu.memory_space<vmem>> -> memref<50x128xf32, #tpu.memory_space<vmem>>
      %dma_wait3A_161 = arith.constant 0 : i32
      %dma_wait3A_162 = tpu.memref_slice %arg6[%add3A_157, %dma_wait3A_161] : memref<128x50xi32, #tpu.memory_space<vmem>> -> memref<1x50xi32, #tpu.memory_space<vmem>>
      %dma_wait3A_163 = tpu.memref_squeeze %dma_wait3A_162 : memref<1x50xi32, #tpu.memory_space<vmem>> -> memref<50xi32, #tpu.memory_space<vmem>>
      %dma_wait3A_164 = arith.constant 0 : i32
      %dma_wait3A_165 = arith.constant 0 : i32
      %dma_wait3A_166 = tpu.memref_slice %arg2[%dma_wait3A_164, %dma_wait3A_165] : memref<250000x128xf32, #tpu.memory_space<hbm>> -> memref<250000x128xf32, #tpu.memory_space<hbm>>
      tpu.wait_indirect_dma semaphore(%arg12 : memref<!tpu.dma_semaphore, #tpu.memory_space<semaphore_mem>>) src(%dma_wait3A_166 : memref<250000x128xf32, #tpu.memory_space<hbm>>) dst(%dma_wait3A_160 : memref<50x128xf32, #tpu.memory_space<vmem>>)
      %mul3A_167 = arith.constant 4 : i32
      %mul3A_168 = arith.muli %add3A_120, %mul3A_167 : i32
      %add3A_169 = arith.constant 3 : i32
      %add3A_170 = arith.addi %mul3A_168, %add3A_169 : i32
      %dma_wait3A_171 = arith.constant 168 : i32
      %dma_wait3A_172 = arith.constant 0 : i32
      %dma_wait3A_173 = tpu.memref_slice %arg9[%dma_wait3A_171, %dma_wait3A_172] : memref<218x128xf32, #tpu.memory_space<vmem>> -> memref<50x128xf32, #tpu.memory_space<vmem>>
      %dma_wait3A_174 = arith.constant 0 : i32
      %dma_wait3A_175 = tpu.memref_slice %arg6[%add3A_170, %dma_wait3A_174] : memref<128x50xi32, #tpu.memory_space<vmem>> -> memref<1x50xi32, #tpu.memory_space<vmem>>
      %dma_wait3A_176 = tpu.memref_squeeze %dma_wait3A_175 : memref<1x50xi32, #tpu.memory_space<vmem>> -> memref<50xi32, #tpu.memory_space<vmem>>
      %dma_wait3A_177 = arith.constant 0 : i32
      %dma_wait3A_178 = arith.constant 0 : i32
      %dma_wait3A_179 = tpu.memref_slice %arg2[%dma_wait3A_177, %dma_wait3A_178] : memref<250000x128xf32, #tpu.memory_space<hbm>> -> memref<250000x128xf32, #tpu.memory_space<hbm>>
      tpu.wait_indirect_dma semaphore(%arg12 : memref<!tpu.dma_semaphore, #tpu.memory_space<semaphore_mem>>) src(%dma_wait3A_179 : memref<250000x128xf32, #tpu.memory_space<hbm>>) dst(%dma_wait3A_173 : memref<50x128xf32, #tpu.memory_space<vmem>>)
      %scan3A_180 = arith.constant 0 : i32
      %scan3A_181 = arith.constant 0 : i32
      %scan3A_182 = arith.constant 4 : i32
      %scan3A_183 = arith.addi %scan3A_181, %scan3A_182 : i32
      %scan3A_184 = arith.constant 1 : i32
      scf.for %scan3A_186 = %scan3A_181 to %scan3A_183 step %scan3A_184  : i32 {
        %broadcast_in_dim3A = arith.constant 0.000000e+00 : f32
        %broadcast_in_dim3A_187 = vector.broadcast %broadcast_in_dim3A : f32 to vector<16xf32>
        %broadcast_in_dim3A_188 = arith.constant 0.000000e+00 : f32
        %broadcast_in_dim3A_189 = vector.broadcast %broadcast_in_dim3A_188 : f32 to vector<16xf32>
        %mul3A_190 = arith.constant 4 : i32
        %mul3A_191 = arith.muli %add3A_120, %mul3A_190 : i32
        %add3A_192 = arith.addi %mul3A_191, %scan3A_186 : i32
        %get3A = arith.index_cast %add3A_192 : i32 to index
        %get3A_193 = arith.constant 0 : index
        %get3A_194 = tpu.vector_load %arg7[%get3A, %get3A_193] {strides = array<i32>} : memref<128x64xi32, #tpu.memory_space<vmem>>, vector<16xi32>,
        %broadcast_in_dim3A_195 = arith.constant 0 : i32
        %broadcast_in_dim3A_196 = vector.broadcast %broadcast_in_dim3A_195 : i32 to vector<16x1xi32>
        %gather3A = vector.shape_cast %broadcast_in_dim3A_196 : vector<16x1xi32> to vector<16xi32>
        %gather3A_197 = tpu.dynamic_gather %get3A_194[%gather3A] in [0] : vector<16xi32>, vector<16xi32> -> vector<16xi32>
        %shift_right_logical3A = arith.constant 7 : i32
        %shift_right_logical3A_198 = vector.broadcast %shift_right_logical3A : i32 to vector<16xi32>
        %shift_right_logical3A_199 = arith.shrui %gather3A_197, %shift_right_logical3A_198 : vector<16xi32>
        %and3A = arith.constant 127 : i32
        %and3A_200 = vector.broadcast %and3A : i32 to vector<16xi32>
        %and3A_201 = arith.andi %gather3A_197, %and3A_200 : vector<16xi32>
        %add3A_202 = arith.addi %and3A_201, %iota3A : vector<16xi32>
        %and3A_203 = arith.constant 127 : i32
        %and3A_204 = vector.broadcast %and3A_203 : i32 to vector<16xi32>
        %and3A_205 = arith.andi %add3A_202, %and3A_204 : vector<16xi32>
        %gather3A_206 = tpu.vector_load_idx %arg9[%shift_right_logical3A_199, %and3A_205] : memref<218x128xf32, #tpu.memory_space<vmem>>[vector<16xi32>, vector<16xi32>], vector<16xf32>,
        %add3A_207 = arith.addf %broadcast_in_dim3A_187, %gather3A_206 : vector<16xf32>
        %add3A_208 = arith.constant 16 : i32
        %add3A_209 = vector.broadcast %add3A_208 : i32 to vector<16xi32>
        %add3A_210 = arith.addi %and3A_201, %add3A_209 : vector<16xi32>
        %add3A_211 = arith.addi %add3A_210, %iota3A : vector<16xi32>
        %and3A_212 = arith.constant 127 : i32
        %and3A_213 = vector.broadcast %and3A_212 : i32 to vector<16xi32>
        %and3A_214 = arith.andi %add3A_211, %and3A_213 : vector<16xi32>
        %gather3A_215 = tpu.vector_load_idx %arg9[%shift_right_logical3A_199, %and3A_214] : memref<218x128xf32, #tpu.memory_space<vmem>>[vector<16xi32>, vector<16xi32>], vector<16xf32>,
        %add3A_216 = arith.addf %broadcast_in_dim3A_189, %gather3A_215 : vector<16xf32>
        %broadcast_in_dim3A_217 = arith.constant 1 : i32
        %broadcast_in_dim3A_218 = vector.broadcast %broadcast_in_dim3A_217 : i32 to vector<16x1xi32>
        %gather3A_219 = vector.shape_cast %broadcast_in_dim3A_218 : vector<16x1xi32> to vector<16xi32>
        %gather3A_220 = tpu.dynamic_gather %get3A_194[%gather3A_219] in [0] : vector<16xi32>, vector<16xi32> -> vector<16xi32>
        %shift_right_logical3A_221 = arith.constant 7 : i32
        %shift_right_logical3A_222 = vector.broadcast %shift_right_logical3A_221 : i32 to vector<16xi32>
        %shift_right_logical3A_223 = arith.shrui %gather3A_220, %shift_right_logical3A_222 : vector<16xi32>
        %and3A_224 = arith.constant 127 : i32
        %and3A_225 = vector.broadcast %and3A_224 : i32 to vector<16xi32>
        %and3A_226 = arith.andi %gather3A_220, %and3A_225 : vector<16xi32>
        %add3A_227 = arith.addi %and3A_226, %iota3A : vector<16xi32>
        %and3A_228 = arith.constant 127 : i32
        %and3A_229 = vector.broadcast %and3A_228 : i32 to vector<16xi32>
        %and3A_230 = arith.andi %add3A_227, %and3A_229 : vector<16xi32>
        %gather3A_231 = tpu.vector_load_idx %arg9[%shift_right_logical3A_223, %and3A_230] : memref<218x128xf32, #tpu.memory_space<vmem>>[vector<16xi32>, vector<16xi32>], vector<16xf32>,
        %add3A_232 = arith.addf %add3A_207, %gather3A_231 : vector<16xf32>
        %add3A_233 = arith.constant 16 : i32
        %add3A_234 = vector.broadcast %add3A_233 : i32 to vector<16xi32>
        %add3A_235 = arith.addi %and3A_226, %add3A_234 : vector<16xi32>
        %add3A_236 = arith.addi %add3A_235, %iota3A : vector<16xi32>
        %and3A_237 = arith.constant 127 : i32
        %and3A_238 = vector.broadcast %and3A_237 : i32 to vector<16xi32>
        %and3A_239 = arith.andi %add3A_236, %and3A_238 : vector<16xi32>
        %gather3A_240 = tpu.vector_load_idx %arg9[%shift_right_logical3A_223, %and3A_239] : memref<218x128xf32, #tpu.memory_space<vmem>>[vector<16xi32>, vector<16xi32>], vector<16xf32>,
        %add3A_241 = arith.addf %add3A_216, %gather3A_240 : vector<16xf32>
        %broadcast_in_dim3A_242 = arith.constant 2 : i32
        %broadcast_in_dim3A_243 = vector.broadcast %broadcast_in_dim3A_242 : i32 to vector<16x1xi32>
        %gather3A_244 = vector.shape_cast %broadcast_in_dim3A_243 : vector<16x1xi32> to vector<16xi32>
        %gather3A_245 = tpu.dynamic_gather %get3A_194[%gather3A_244] in [0] : vector<16xi32>, vector<16xi32> -> vector<16xi32>
        %shift_right_logical3A_246 = arith.constant 7 : i32
        %shift_right_logical3A_247 = vector.broadcast %shift_right_logical3A_246 : i32 to vector<16xi32>
        %shift_right_logical3A_248 = arith.shrui %gather3A_245, %shift_right_logical3A_247 : vector<16xi32>
        %and3A_249 = arith.constant 127 : i32
        %and3A_250 = vector.broadcast %and3A_249 : i32 to vector<16xi32>
        %and3A_251 = arith.andi %gather3A_245, %and3A_250 : vector<16xi32>
        %add3A_252 = arith.addi %and3A_251, %iota3A : vector<16xi32>
        %and3A_253 = arith.constant 127 : i32
        %and3A_254 = vector.broadcast %and3A_253 : i32 to vector<16xi32>
        %and3A_255 = arith.andi %add3A_252, %and3A_254 : vector<16xi32>
        %gather3A_256 = tpu.vector_load_idx %arg9[%shift_right_logical3A_248, %and3A_255] : memref<218x128xf32, #tpu.memory_space<vmem>>[vector<16xi32>, vector<16xi32>], vector<16xf32>,
        %add3A_257 = arith.addf %add3A_232, %gather3A_256 : vector<16xf32>
        %add3A_258 = arith.constant 16 : i32
        %add3A_259 = vector.broadcast %add3A_258 : i32 to vector<16xi32>
        %add3A_260 = arith.addi %and3A_251, %add3A_259 : vector<16xi32>
        %add3A_261 = arith.addi %add3A_260, %iota3A : vector<16xi32>
        %and3A_262 = arith.constant 127 : i32
        %and3A_263 = vector.broadcast %and3A_262 : i32 to vector<16xi32>
        %and3A_264 = arith.andi %add3A_261, %and3A_263 : vector<16xi32>
        %gather3A_265 = tpu.vector_load_idx %arg9[%shift_right_logical3A_248, %and3A_264] : memref<218x128xf32, #tpu.memory_space<vmem>>[vector<16xi32>, vector<16xi32>], vector<16xf32>,
        %add3A_266 = arith.addf %add3A_241, %gather3A_265 : vector<16xf32>
        %broadcast_in_dim3A_267 = arith.constant 3 : i32
        %broadcast_in_dim3A_268 = vector.broadcast %broadcast_in_dim3A_267 : i32 to vector<16x1xi32>
        %gather3A_269 = vector.shape_cast %broadcast_in_dim3A_268 : vector<16x1xi32> to vector<16xi32>
        %gather3A_270 = tpu.dynamic_gather %get3A_194[%gather3A_269] in [0] : vector<16xi32>, vector<16xi32> -> vector<16xi32>
        %shift_right_logical3A_271 = arith.constant 7 : i32
        %shift_right_logical3A_272 = vector.broadcast %shift_right_logical3A_271 : i32 to vector<16xi32>
        %shift_right_logical3A_273 = arith.shrui %gather3A_270, %shift_right_logical3A_272 : vector<16xi32>
        %and3A_274 = arith.constant 127 : i32
        %and3A_275 = vector.broadcast %and3A_274 : i32 to vector<16xi32>
        %and3A_276 = arith.andi %gather3A_270, %and3A_275 : vector<16xi32>
        %add3A_277 = arith.addi %and3A_276, %iota3A : vector<16xi32>
        %and3A_278 = arith.constant 127 : i32
        %and3A_279 = vector.broadcast %and3A_278 : i32 to vector<16xi32>
        %and3A_280 = arith.andi %add3A_277, %and3A_279 : vector<16xi32>
        %gather3A_281 = tpu.vector_load_idx %arg9[%shift_right_logical3A_273, %and3A_280] : memref<218x128xf32, #tpu.memory_space<vmem>>[vector<16xi32>, vector<16xi32>], vector<16xf32>,
        %add3A_282 = arith.addf %add3A_257, %gather3A_281 : vector<16xf32>
        %add3A_283 = arith.constant 16 : i32
        %add3A_284 = vector.broadcast %add3A_283 : i32 to vector<16xi32>
        %add3A_285 = arith.addi %and3A_276, %add3A_284 : vector<16xi32>
        %add3A_286 = arith.addi %add3A_285, %iota3A : vector<16xi32>
        %and3A_287 = arith.constant 127 : i32
        %and3A_288 = vector.broadcast %and3A_287 : i32 to vector<16xi32>
        %and3A_289 = arith.andi %add3A_286, %and3A_288 : vector<16xi32>
        %gather3A_290 = tpu.vector_load_idx %arg9[%shift_right_logical3A_273, %and3A_289] : memref<218x128xf32, #tpu.memory_space<vmem>>[vector<16xi32>, vector<16xi32>], vector<16xf32>,
        %add3A_291 = arith.addf %add3A_266, %gather3A_290 : vector<16xf32>
        %broadcast_in_dim3A_292 = arith.constant 4 : i32
        %broadcast_in_dim3A_293 = vector.broadcast %broadcast_in_dim3A_292 : i32 to vector<16x1xi32>
        %gather3A_294 = vector.shape_cast %broadcast_in_dim3A_293 : vector<16x1xi32> to vector<16xi32>
        %gather3A_295 = tpu.dynamic_gather %get3A_194[%gather3A_294] in [0] : vector<16xi32>, vector<16xi32> -> vector<16xi32>
        %shift_right_logical3A_296 = arith.constant 7 : i32
        %shift_right_logical3A_297 = vector.broadcast %shift_right_logical3A_296 : i32 to vector<16xi32>
        %shift_right_logical3A_298 = arith.shrui %gather3A_295, %shift_right_logical3A_297 : vector<16xi32>
        %and3A_299 = arith.constant 127 : i32
        %and3A_300 = vector.broadcast %and3A_299 : i32 to vector<16xi32>
        %and3A_301 = arith.andi %gather3A_295, %and3A_300 : vector<16xi32>
        %add3A_302 = arith.addi %and3A_301, %iota3A : vector<16xi32>
        %and3A_303 = arith.constant 127 : i32
        %and3A_304 = vector.broadcast %and3A_303 : i32 to vector<16xi32>
        %and3A_305 = arith.andi %add3A_302, %and3A_304 : vector<16xi32>
        %gather3A_306 = tpu.vector_load_idx %arg9[%shift_right_logical3A_298, %and3A_305] : memref<218x128xf32, #tpu.memory_space<vmem>>[vector<16xi32>, vector<16xi32>], vector<16xf32>,
        %add3A_307 = arith.addf %add3A_282, %gather3A_306 : vector<16xf32>
        %add3A_308 = arith.constant 16 : i32
        %add3A_309 = vector.broadcast %add3A_308 : i32 to vector<16xi32>
        %add3A_310 = arith.addi %and3A_301, %add3A_309 : vector<16xi32>
        %add3A_311 = arith.addi %add3A_310, %iota3A : vector<16xi32>
        %and3A_312 = arith.constant 127 : i32
        %and3A_313 = vector.broadcast %and3A_312 : i32 to vector<16xi32>
        %and3A_314 = arith.andi %add3A_311, %and3A_313 : vector<16xi32>
        %gather3A_315 = tpu.vector_load_idx %arg9[%shift_right_logical3A_298, %and3A_314] : memref<218x128xf32, #tpu.memory_space<vmem>>[vector<16xi32>, vector<16xi32>], vector<16xf32>,
        %add3A_316 = arith.addf %add3A_291, %gather3A_315 : vector<16xf32>
        %broadcast_in_dim3A_317 = arith.constant 5 : i32
        %broadcast_in_dim3A_318 = vector.broadcast %broadcast_in_dim3A_317 : i32 to vector<16x1xi32>
        %gather3A_319 = vector.shape_cast %broadcast_in_dim3A_318 : vector<16x1xi32> to vector<16xi32>
        %gather3A_320 = tpu.dynamic_gather %get3A_194[%gather3A_319] in [0] : vector<16xi32>, vector<16xi32> -> vector<16xi32>
        %shift_right_logical3A_321 = arith.constant 7 : i32
        %shift_right_logical3A_322 = vector.broadcast %shift_right_logical3A_321 : i32 to vector<16xi32>
        %shift_right_logical3A_323 = arith.shrui %gather3A_320, %shift_right_logical3A_322 : vector<16xi32>
        %and3A_324 = arith.constant 127 : i32
        %and3A_325 = vector.broadcast %and3A_324 : i32 to vector<16xi32>
        %and3A_326 = arith.andi %gather3A_320, %and3A_325 : vector<16xi32>
        %add3A_327 = arith.addi %and3A_326, %iota3A : vector<16xi32>
        %and3A_328 = arith.constant 127 : i32
        %and3A_329 = vector.broadcast %and3A_328 : i32 to vector<16xi32>
        %and3A_330 = arith.andi %add3A_327, %and3A_329 : vector<16xi32>
        %gather3A_331 = tpu.vector_load_idx %arg9[%shift_right_logical3A_323, %and3A_330] : memref<218x128xf32, #tpu.memory_space<vmem>>[vector<16xi32>, vector<16xi32>], vector<16xf32>,
        %add3A_332 = arith.addf %add3A_307, %gather3A_331 : vector<16xf32>
        %add3A_333 = arith.constant 16 : i32
        %add3A_334 = vector.broadcast %add3A_333 : i32 to vector<16xi32>
        %add3A_335 = arith.addi %and3A_326, %add3A_334 : vector<16xi32>
        %add3A_336 = arith.addi %add3A_335, %iota3A : vector<16xi32>
        %and3A_337 = arith.constant 127 : i32
        %and3A_338 = vector.broadcast %and3A_337 : i32 to vector<16xi32>
        %and3A_339 = arith.andi %add3A_336, %and3A_338 : vector<16xi32>
        %gather3A_340 = tpu.vector_load_idx %arg9[%shift_right_logical3A_323, %and3A_339] : memref<218x128xf32, #tpu.memory_space<vmem>>[vector<16xi32>, vector<16xi32>], vector<16xf32>,
        %add3A_341 = arith.addf %add3A_316, %gather3A_340 : vector<16xf32>
        %broadcast_in_dim3A_342 = arith.constant 6 : i32
        %broadcast_in_dim3A_343 = vector.broadcast %broadcast_in_dim3A_342 : i32 to vector<16x1xi32>
        %gather3A_344 = vector.shape_cast %broadcast_in_dim3A_343 : vector<16x1xi32> to vector<16xi32>
        %gather3A_345 = tpu.dynamic_gather %get3A_194[%gather3A_344] in [0] : vector<16xi32>, vector<16xi32> -> vector<16xi32>
        %shift_right_logical3A_346 = arith.constant 7 : i32
        %shift_right_logical3A_347 = vector.broadcast %shift_right_logical3A_346 : i32 to vector<16xi32>
        %shift_right_logical3A_348 = arith.shrui %gather3A_345, %shift_right_logical3A_347 : vector<16xi32>
        %and3A_349 = arith.constant 127 : i32
        %and3A_350 = vector.broadcast %and3A_349 : i32 to vector<16xi32>
        %and3A_351 = arith.andi %gather3A_345, %and3A_350 : vector<16xi32>
        %add3A_352 = arith.addi %and3A_351, %iota3A : vector<16xi32>
        %and3A_353 = arith.constant 127 : i32
        %and3A_354 = vector.broadcast %and3A_353 : i32 to vector<16xi32>
        %and3A_355 = arith.andi %add3A_352, %and3A_354 : vector<16xi32>
        %gather3A_356 = tpu.vector_load_idx %arg9[%shift_right_logical3A_348, %and3A_355] : memref<218x128xf32, #tpu.memory_space<vmem>>[vector<16xi32>, vector<16xi32>], vector<16xf32>,
        %add3A_357 = arith.addf %add3A_332, %gather3A_356 : vector<16xf32>
        %add3A_358 = arith.constant 16 : i32
        %add3A_359 = vector.broadcast %add3A_358 : i32 to vector<16xi32>
        %add3A_360 = arith.addi %and3A_351, %add3A_359 : vector<16xi32>
        %add3A_361 = arith.addi %add3A_360, %iota3A : vector<16xi32>
        %and3A_362 = arith.constant 127 : i32
        %and3A_363 = vector.broadcast %and3A_362 : i32 to vector<16xi32>
        %and3A_364 = arith.andi %add3A_361, %and3A_363 : vector<16xi32>
        %gather3A_365 = tpu.vector_load_idx %arg9[%shift_right_logical3A_348, %and3A_364] : memref<218x128xf32, #tpu.memory_space<vmem>>[vector<16xi32>, vector<16xi32>], vector<16xf32>,
        %add3A_366 = arith.addf %add3A_341, %gather3A_365 : vector<16xf32>
        %broadcast_in_dim3A_367 = arith.constant 7 : i32
        %broadcast_in_dim3A_368 = vector.broadcast %broadcast_in_dim3A_367 : i32 to vector<16x1xi32>
        %gather3A_369 = vector.shape_cast %broadcast_in_dim3A_368 : vector<16x1xi32> to vector<16xi32>
        %gather3A_370 = tpu.dynamic_gather %get3A_194[%gather3A_369] in [0] : vector<16xi32>, vector<16xi32> -> vector<16xi32>
        %shift_right_logical3A_371 = arith.constant 7 : i32
        %shift_right_logical3A_372 = vector.broadcast %shift_right_logical3A_371 : i32 to vector<16xi32>
        %shift_right_logical3A_373 = arith.shrui %gather3A_370, %shift_right_logical3A_372 : vector<16xi32>
        %and3A_374 = arith.constant 127 : i32
        %and3A_375 = vector.broadcast %and3A_374 : i32 to vector<16xi32>
        %and3A_376 = arith.andi %gather3A_370, %and3A_375 : vector<16xi32>
        %add3A_377 = arith.addi %and3A_376, %iota3A : vector<16xi32>
        %and3A_378 = arith.constant 127 : i32
        %and3A_379 = vector.broadcast %and3A_378 : i32 to vector<16xi32>
        %and3A_380 = arith.andi %add3A_377, %and3A_379 : vector<16xi32>
        %gather3A_381 = tpu.vector_load_idx %arg9[%shift_right_logical3A_373, %and3A_380] : memref<218x128xf32, #tpu.memory_space<vmem>>[vector<16xi32>, vector<16xi32>], vector<16xf32>,
        %add3A_382 = arith.addf %add3A_357, %gather3A_381 : vector<16xf32>
        %add3A_383 = arith.constant 16 : i32
        %add3A_384 = vector.broadcast %add3A_383 : i32 to vector<16xi32>
        %add3A_385 = arith.addi %and3A_376, %add3A_384 : vector<16xi32>
        %add3A_386 = arith.addi %add3A_385, %iota3A : vector<16xi32>
        %and3A_387 = arith.constant 127 : i32
        %and3A_388 = vector.broadcast %and3A_387 : i32 to vector<16xi32>
        %and3A_389 = arith.andi %add3A_386, %and3A_388 : vector<16xi32>
        %gather3A_390 = tpu.vector_load_idx %arg9[%shift_right_logical3A_373, %and3A_389] : memref<218x128xf32, #tpu.memory_space<vmem>>[vector<16xi32>, vector<16xi32>], vector<16xf32>,
        %add3A_391 = arith.addf %add3A_366, %gather3A_390 : vector<16xf32>
        %broadcast_in_dim3A_392 = arith.constant 8 : i32
        %broadcast_in_dim3A_393 = vector.broadcast %broadcast_in_dim3A_392 : i32 to vector<16x1xi32>
        %gather3A_394 = vector.shape_cast %broadcast_in_dim3A_393 : vector<16x1xi32> to vector<16xi32>
        %gather3A_395 = tpu.dynamic_gather %get3A_194[%gather3A_394] in [0] : vector<16xi32>, vector<16xi32> -> vector<16xi32>
        %shift_right_logical3A_396 = arith.constant 7 : i32
        %shift_right_logical3A_397 = vector.broadcast %shift_right_logical3A_396 : i32 to vector<16xi32>
        %shift_right_logical3A_398 = arith.shrui %gather3A_395, %shift_right_logical3A_397 : vector<16xi32>
        %and3A_399 = arith.constant 127 : i32
        %and3A_400 = vector.broadcast %and3A_399 : i32 to vector<16xi32>
        %and3A_401 = arith.andi %gather3A_395, %and3A_400 : vector<16xi32>
        %add3A_402 = arith.addi %and3A_401, %iota3A : vector<16xi32>
        %and3A_403 = arith.constant 127 : i32
        %and3A_404 = vector.broadcast %and3A_403 : i32 to vector<16xi32>
        %and3A_405 = arith.andi %add3A_402, %and3A_404 : vector<16xi32>
        %gather3A_406 = tpu.vector_load_idx %arg9[%shift_right_logical3A_398, %and3A_405] : memref<218x128xf32, #tpu.memory_space<vmem>>[vector<16xi32>, vector<16xi32>], vector<16xf32>,
        %add3A_407 = arith.addf %add3A_382, %gather3A_406 : vector<16xf32>
        %add3A_408 = arith.constant 16 : i32
        %add3A_409 = vector.broadcast %add3A_408 : i32 to vector<16xi32>
        %add3A_410 = arith.addi %and3A_401, %add3A_409 : vector<16xi32>
        %add3A_411 = arith.addi %add3A_410, %iota3A : vector<16xi32>
        %and3A_412 = arith.constant 127 : i32
        %and3A_413 = vector.broadcast %and3A_412 : i32 to vector<16xi32>
        %and3A_414 = arith.andi %add3A_411, %and3A_413 : vector<16xi32>
        %gather3A_415 = tpu.vector_load_idx %arg9[%shift_right_logical3A_398, %and3A_414] : memref<218x128xf32, #tpu.memory_space<vmem>>[vector<16xi32>, vector<16xi32>], vector<16xf32>,
        %add3A_416 = arith.addf %add3A_391, %gather3A_415 : vector<16xf32>
        %broadcast_in_dim3A_417 = arith.constant 9 : i32
        %broadcast_in_dim3A_418 = vector.broadcast %broadcast_in_dim3A_417 : i32 to vector<16x1xi32>
        %gather3A_419 = vector.shape_cast %broadcast_in_dim3A_418 : vector<16x1xi32> to vector<16xi32>
        %gather3A_420 = tpu.dynamic_gather %get3A_194[%gather3A_419] in [0] : vector<16xi32>, vector<16xi32> -> vector<16xi32>
        %shift_right_logical3A_421 = arith.constant 7 : i32
        %shift_right_logical3A_422 = vector.broadcast %shift_right_logical3A_421 : i32 to vector<16xi32>
        %shift_right_logical3A_423 = arith.shrui %gather3A_420, %shift_right_logical3A_422 : vector<16xi32>
        %and3A_424 = arith.constant 127 : i32
        %and3A_425 = vector.broadcast %and3A_424 : i32 to vector<16xi32>
        %and3A_426 = arith.andi %gather3A_420, %and3A_425 : vector<16xi32>
        %add3A_427 = arith.addi %and3A_426, %iota3A : vector<16xi32>
        %and3A_428 = arith.constant 127 : i32
        %and3A_429 = vector.broadcast %and3A_428 : i32 to vector<16xi32>
        %and3A_430 = arith.andi %add3A_427, %and3A_429 : vector<16xi32>
        %gather3A_431 = tpu.vector_load_idx %arg9[%shift_right_logical3A_423, %and3A_430] : memref<218x128xf32, #tpu.memory_space<vmem>>[vector<16xi32>, vector<16xi32>], vector<16xf32>,
        %add3A_432 = arith.addf %add3A_407, %gather3A_431 : vector<16xf32>
        %add3A_433 = arith.constant 16 : i32
        %add3A_434 = vector.broadcast %add3A_433 : i32 to vector<16xi32>
        %add3A_435 = arith.addi %and3A_426, %add3A_434 : vector<16xi32>
        %add3A_436 = arith.addi %add3A_435, %iota3A : vector<16xi32>
        %and3A_437 = arith.constant 127 : i32
        %and3A_438 = vector.broadcast %and3A_437 : i32 to vector<16xi32>
        %and3A_439 = arith.andi %add3A_436, %and3A_438 : vector<16xi32>
        %gather3A_440 = tpu.vector_load_idx %arg9[%shift_right_logical3A_423, %and3A_439] : memref<218x128xf32, #tpu.memory_space<vmem>>[vector<16xi32>, vector<16xi32>], vector<16xf32>,
        %add3A_441 = arith.addf %add3A_416, %gather3A_440 : vector<16xf32>
        %broadcast_in_dim3A_442 = arith.constant 10 : i32
        %broadcast_in_dim3A_443 = vector.broadcast %broadcast_in_dim3A_442 : i32 to vector<16x1xi32>
        %gather3A_444 = vector.shape_cast %broadcast_in_dim3A_443 : vector<16x1xi32> to vector<16xi32>
        %gather3A_445 = tpu.dynamic_gather %get3A_194[%gather3A_444] in [0] : vector<16xi32>, vector<16xi32> -> vector<16xi32>
        %shift_right_logical3A_446 = arith.constant 7 : i32
        %shift_right_logical3A_447 = vector.broadcast %shift_right_logical3A_446 : i32 to vector<16xi32>
        %shift_right_logical3A_448 = arith.shrui %gather3A_445, %shift_right_logical3A_447 : vector<16xi32>
        %and3A_449 = arith.constant 127 : i32
        %and3A_450 = vector.broadcast %and3A_449 : i32 to vector<16xi32>
        %and3A_451 = arith.andi %gather3A_445, %and3A_450 : vector<16xi32>
        %add3A_452 = arith.addi %and3A_451, %iota3A : vector<16xi32>
        %and3A_453 = arith.constant 127 : i32
        %and3A_454 = vector.broadcast %and3A_453 : i32 to vector<16xi32>
        %and3A_455 = arith.andi %add3A_452, %and3A_454 : vector<16xi32>
        %gather3A_456 = tpu.vector_load_idx %arg9[%shift_right_logical3A_448, %and3A_455] : memref<218x128xf32, #tpu.memory_space<vmem>>[vector<16xi32>, vector<16xi32>], vector<16xf32>,
        %add3A_457 = arith.addf %add3A_432, %gather3A_456 : vector<16xf32>
        %add3A_458 = arith.constant 16 : i32
        %add3A_459 = vector.broadcast %add3A_458 : i32 to vector<16xi32>
        %add3A_460 = arith.addi %and3A_451, %add3A_459 : vector<16xi32>
        %add3A_461 = arith.addi %add3A_460, %iota3A : vector<16xi32>
        %and3A_462 = arith.constant 127 : i32
        %and3A_463 = vector.broadcast %and3A_462 : i32 to vector<16xi32>
        %and3A_464 = arith.andi %add3A_461, %and3A_463 : vector<16xi32>
        %gather3A_465 = tpu.vector_load_idx %arg9[%shift_right_logical3A_448, %and3A_464] : memref<218x128xf32, #tpu.memory_space<vmem>>[vector<16xi32>, vector<16xi32>], vector<16xf32>,
        %add3A_466 = arith.addf %add3A_441, %gather3A_465 : vector<16xf32>
        %broadcast_in_dim3A_467 = arith.constant 11 : i32
        %broadcast_in_dim3A_468 = vector.broadcast %broadcast_in_dim3A_467 : i32 to vector<16x1xi32>
        %gather3A_469 = vector.shape_cast %broadcast_in_dim3A_468 : vector<16x1xi32> to vector<16xi32>
        %gather3A_470 = tpu.dynamic_gather %get3A_194[%gather3A_469] in [0] : vector<16xi32>, vector<16xi32> -> vector<16xi32>
        %shift_right_logical3A_471 = arith.constant 7 : i32
        %shift_right_logical3A_472 = vector.broadcast %shift_right_logical3A_471 : i32 to vector<16xi32>
        %shift_right_logical3A_473 = arith.shrui %gather3A_470, %shift_right_logical3A_472 : vector<16xi32>
        %and3A_474 = arith.constant 127 : i32
        %and3A_475 = vector.broadcast %and3A_474 : i32 to vector<16xi32>
        %and3A_476 = arith.andi %gather3A_470, %and3A_475 : vector<16xi32>
        %add3A_477 = arith.addi %and3A_476, %iota3A : vector<16xi32>
        %and3A_478 = arith.constant 127 : i32
        %and3A_479 = vector.broadcast %and3A_478 : i32 to vector<16xi32>
        %and3A_480 = arith.andi %add3A_477, %and3A_479 : vector<16xi32>
        %gather3A_481 = tpu.vector_load_idx %arg9[%shift_right_logical3A_473, %and3A_480] : memref<218x128xf32, #tpu.memory_space<vmem>>[vector<16xi32>, vector<16xi32>], vector<16xf32>,
        %add3A_482 = arith.addf %add3A_457, %gather3A_481 : vector<16xf32>
        %add3A_483 = arith.constant 16 : i32
        %add3A_484 = vector.broadcast %add3A_483 : i32 to vector<16xi32>
        %add3A_485 = arith.addi %and3A_476, %add3A_484 : vector<16xi32>
        %add3A_486 = arith.addi %add3A_485, %iota3A : vector<16xi32>
        %and3A_487 = arith.constant 127 : i32
        %and3A_488 = vector.broadcast %and3A_487 : i32 to vector<16xi32>
        %and3A_489 = arith.andi %add3A_486, %and3A_488 : vector<16xi32>
        %gather3A_490 = tpu.vector_load_idx %arg9[%shift_right_logical3A_473, %and3A_489] : memref<218x128xf32, #tpu.memory_space<vmem>>[vector<16xi32>, vector<16xi32>], vector<16xf32>,
        %add3A_491 = arith.addf %add3A_466, %gather3A_490 : vector<16xf32>
        %broadcast_in_dim3A_492 = arith.constant 12 : i32
        %broadcast_in_dim3A_493 = vector.broadcast %broadcast_in_dim3A_492 : i32 to vector<16x1xi32>
        %gather3A_494 = vector.shape_cast %broadcast_in_dim3A_493 : vector<16x1xi32> to vector<16xi32>
        %gather3A_495 = tpu.dynamic_gather %get3A_194[%gather3A_494] in [0] : vector<16xi32>, vector<16xi32> -> vector<16xi32>
        %shift_right_logical3A_496 = arith.constant 7 : i32
        %shift_right_logical3A_497 = vector.broadcast %shift_right_logical3A_496 : i32 to vector<16xi32>
        %shift_right_logical3A_498 = arith.shrui %gather3A_495, %shift_right_logical3A_497 : vector<16xi32>
        %and3A_499 = arith.constant 127 : i32
        %and3A_500 = vector.broadcast %and3A_499 : i32 to vector<16xi32>
        %and3A_501 = arith.andi %gather3A_495, %and3A_500 : vector<16xi32>
        %add3A_502 = arith.addi %and3A_501, %iota3A : vector<16xi32>
        %and3A_503 = arith.constant 127 : i32
        %and3A_504 = vector.broadcast %and3A_503 : i32 to vector<16xi32>
        %and3A_505 = arith.andi %add3A_502, %and3A_504 : vector<16xi32>
        %gather3A_506 = tpu.vector_load_idx %arg9[%shift_right_logical3A_498, %and3A_505] : memref<218x128xf32, #tpu.memory_space<vmem>>[vector<16xi32>, vector<16xi32>], vector<16xf32>,
        %add3A_507 = arith.addf %add3A_482, %gather3A_506 : vector<16xf32>
        %add3A_508 = arith.constant 16 : i32
        %add3A_509 = vector.broadcast %add3A_508 : i32 to vector<16xi32>
        %add3A_510 = arith.addi %and3A_501, %add3A_509 : vector<16xi32>
        %add3A_511 = arith.addi %add3A_510, %iota3A : vector<16xi32>
        %and3A_512 = arith.constant 127 : i32
        %and3A_513 = vector.broadcast %and3A_512 : i32 to vector<16xi32>
        %and3A_514 = arith.andi %add3A_511, %and3A_513 : vector<16xi32>
        %gather3A_515 = tpu.vector_load_idx %arg9[%shift_right_logical3A_498, %and3A_514] : memref<218x128xf32, #tpu.memory_space<vmem>>[vector<16xi32>, vector<16xi32>], vector<16xf32>,
        %add3A_516 = arith.addf %add3A_491, %gather3A_515 : vector<16xf32>
        %broadcast_in_dim3A_517 = arith.constant 13 : i32
        %broadcast_in_dim3A_518 = vector.broadcast %broadcast_in_dim3A_517 : i32 to vector<16x1xi32>
        %gather3A_519 = vector.shape_cast %broadcast_in_dim3A_518 : vector<16x1xi32> to vector<16xi32>
        %gather3A_520 = tpu.dynamic_gather %get3A_194[%gather3A_519] in [0] : vector<16xi32>, vector<16xi32> -> vector<16xi32>
        %shift_right_logical3A_521 = arith.constant 7 : i32
        %shift_right_logical3A_522 = vector.broadcast %shift_right_logical3A_521 : i32 to vector<16xi32>
        %shift_right_logical3A_523 = arith.shrui %gather3A_520, %shift_right_logical3A_522 : vector<16xi32>
        %and3A_524 = arith.constant 127 : i32
        %and3A_525 = vector.broadcast %and3A_524 : i32 to vector<16xi32>
        %and3A_526 = arith.andi %gather3A_520, %and3A_525 : vector<16xi32>
        %add3A_527 = arith.addi %and3A_526, %iota3A : vector<16xi32>
        %and3A_528 = arith.constant 127 : i32
        %and3A_529 = vector.broadcast %and3A_528 : i32 to vector<16xi32>
        %and3A_530 = arith.andi %add3A_527, %and3A_529 : vector<16xi32>
        %gather3A_531 = tpu.vector_load_idx %arg9[%shift_right_logical3A_523, %and3A_530] : memref<218x128xf32, #tpu.memory_space<vmem>>[vector<16xi32>, vector<16xi32>], vector<16xf32>,
        %add3A_532 = arith.addf %add3A_507, %gather3A_531 : vector<16xf32>
        %add3A_533 = arith.constant 16 : i32
        %add3A_534 = vector.broadcast %add3A_533 : i32 to vector<16xi32>
        %add3A_535 = arith.addi %and3A_526, %add3A_534 : vector<16xi32>
        %add3A_536 = arith.addi %add3A_535, %iota3A : vector<16xi32>
        %and3A_537 = arith.constant 127 : i32
        %and3A_538 = vector.broadcast %and3A_537 : i32 to vector<16xi32>
        %and3A_539 = arith.andi %add3A_536, %and3A_538 : vector<16xi32>
        %gather3A_540 = tpu.vector_load_idx %arg9[%shift_right_logical3A_523, %and3A_539] : memref<218x128xf32, #tpu.memory_space<vmem>>[vector<16xi32>, vector<16xi32>], vector<16xf32>,
        %add3A_541 = arith.addf %add3A_516, %gather3A_540 : vector<16xf32>
        %broadcast_in_dim3A_542 = arith.constant 14 : i32
        %broadcast_in_dim3A_543 = vector.broadcast %broadcast_in_dim3A_542 : i32 to vector<16x1xi32>
        %gather3A_544 = vector.shape_cast %broadcast_in_dim3A_543 : vector<16x1xi32> to vector<16xi32>
        %gather3A_545 = tpu.dynamic_gather %get3A_194[%gather3A_544] in [0] : vector<16xi32>, vector<16xi32> -> vector<16xi32>
        %shift_right_logical3A_546 = arith.constant 7 : i32
        %shift_right_logical3A_547 = vector.broadcast %shift_right_logical3A_546 : i32 to vector<16xi32>
        %shift_right_logical3A_548 = arith.shrui %gather3A_545, %shift_right_logical3A_547 : vector<16xi32>
        %and3A_549 = arith.constant 127 : i32
        %and3A_550 = vector.broadcast %and3A_549 : i32 to vector<16xi32>
        %and3A_551 = arith.andi %gather3A_545, %and3A_550 : vector<16xi32>
        %add3A_552 = arith.addi %and3A_551, %iota3A : vector<16xi32>
        %and3A_553 = arith.constant 127 : i32
        %and3A_554 = vector.broadcast %and3A_553 : i32 to vector<16xi32>
        %and3A_555 = arith.andi %add3A_552, %and3A_554 : vector<16xi32>
        %gather3A_556 = tpu.vector_load_idx %arg9[%shift_right_logical3A_548, %and3A_555] : memref<218x128xf32, #tpu.memory_space<vmem>>[vector<16xi32>, vector<16xi32>], vector<16xf32>,
        %add3A_557 = arith.addf %add3A_532, %gather3A_556 : vector<16xf32>
        %add3A_558 = arith.constant 16 : i32
        %add3A_559 = vector.broadcast %add3A_558 : i32 to vector<16xi32>
        %add3A_560 = arith.addi %and3A_551, %add3A_559 : vector<16xi32>
        %add3A_561 = arith.addi %add3A_560, %iota3A : vector<16xi32>
        %and3A_562 = arith.constant 127 : i32
        %and3A_563 = vector.broadcast %and3A_562 : i32 to vector<16xi32>
        %and3A_564 = arith.andi %add3A_561, %and3A_563 : vector<16xi32>
        %gather3A_565 = tpu.vector_load_idx %arg9[%shift_right_logical3A_548, %and3A_564] : memref<218x128xf32, #tpu.memory_space<vmem>>[vector<16xi32>, vector<16xi32>], vector<16xf32>,
        %add3A_566 = arith.addf %add3A_541, %gather3A_565 : vector<16xf32>
        %broadcast_in_dim3A_567 = arith.constant 15 : i32
        %broadcast_in_dim3A_568 = vector.broadcast %broadcast_in_dim3A_567 : i32 to vector<16x1xi32>
        %gather3A_569 = vector.shape_cast %broadcast_in_dim3A_568 : vector<16x1xi32> to vector<16xi32>
        %gather3A_570 = tpu.dynamic_gather %get3A_194[%gather3A_569] in [0] : vector<16xi32>, vector<16xi32> -> vector<16xi32>
        %shift_right_logical3A_571 = arith.constant 7 : i32
        %shift_right_logical3A_572 = vector.broadcast %shift_right_logical3A_571 : i32 to vector<16xi32>
        %shift_right_logical3A_573 = arith.shrui %gather3A_570, %shift_right_logical3A_572 : vector<16xi32>
        %and3A_574 = arith.constant 127 : i32
        %and3A_575 = vector.broadcast %and3A_574 : i32 to vector<16xi32>
        %and3A_576 = arith.andi %gather3A_570, %and3A_575 : vector<16xi32>
        %add3A_577 = arith.addi %and3A_576, %iota3A : vector<16xi32>
        %and3A_578 = arith.constant 127 : i32
        %and3A_579 = vector.broadcast %and3A_578 : i32 to vector<16xi32>
        %and3A_580 = arith.andi %add3A_577, %and3A_579 : vector<16xi32>
        %gather3A_581 = tpu.vector_load_idx %arg9[%shift_right_logical3A_573, %and3A_580] : memref<218x128xf32, #tpu.memory_space<vmem>>[vector<16xi32>, vector<16xi32>], vector<16xf32>,
        %add3A_582 = arith.addf %add3A_557, %gather3A_581 : vector<16xf32>
        %add3A_583 = arith.constant 16 : i32
        %add3A_584 = vector.broadcast %add3A_583 : i32 to vector<16xi32>
        %add3A_585 = arith.addi %and3A_576, %add3A_584 : vector<16xi32>
        %add3A_586 = arith.addi %add3A_585, %iota3A : vector<16xi32>
        %and3A_587 = arith.constant 127 : i32
        %and3A_588 = vector.broadcast %and3A_587 : i32 to vector<16xi32>
        %and3A_589 = arith.andi %add3A_586, %and3A_588 : vector<16xi32>
        %gather3A_590 = tpu.vector_load_idx %arg9[%shift_right_logical3A_573, %and3A_589] : memref<218x128xf32, #tpu.memory_space<vmem>>[vector<16xi32>, vector<16xi32>], vector<16xf32>,
        %add3A_591 = arith.addf %add3A_566, %gather3A_590 : vector<16xf32>
        %get3A_592 = arith.index_cast %add3A_192 : i32 to index
        %get3A_593 = arith.constant 16 : index
        %get3A_594 = tpu.vector_load %arg7[%get3A_592, %get3A_593] {strides = array<i32>} : memref<128x64xi32, #tpu.memory_space<vmem>>, vector<16xi32>,
        %broadcast_in_dim3A_595 = arith.constant 0 : i32
        %broadcast_in_dim3A_596 = vector.broadcast %broadcast_in_dim3A_595 : i32 to vector<16x1xi32>
        %gather3A_597 = vector.shape_cast %broadcast_in_dim3A_596 : vector<16x1xi32> to vector<16xi32>
        %gather3A_598 = tpu.dynamic_gather %get3A_594[%gather3A_597] in [0] : vector<16xi32>, vector<16xi32> -> vector<16xi32>
        %shift_right_logical3A_599 = arith.constant 7 : i32
        %shift_right_logical3A_600 = vector.broadcast %shift_right_logical3A_599 : i32 to vector<16xi32>
        %shift_right_logical3A_601 = arith.shrui %gather3A_598, %shift_right_logical3A_600 : vector<16xi32>
        %and3A_602 = arith.constant 127 : i32
        %and3A_603 = vector.broadcast %and3A_602 : i32 to vector<16xi32>
        %and3A_604 = arith.andi %gather3A_598, %and3A_603 : vector<16xi32>
        %add3A_605 = arith.addi %and3A_604, %iota3A : vector<16xi32>
        %and3A_606 = arith.constant 127 : i32
        %and3A_607 = vector.broadcast %and3A_606 : i32 to vector<16xi32>
        %and3A_608 = arith.andi %add3A_605, %and3A_607 : vector<16xi32>
        %gather3A_609 = tpu.vector_load_idx %arg9[%shift_right_logical3A_601, %and3A_608] : memref<218x128xf32, #tpu.memory_space<vmem>>[vector<16xi32>, vector<16xi32>], vector<16xf32>,
        %add3A_610 = arith.addf %add3A_582, %gather3A_609 : vector<16xf32>
        %add3A_611 = arith.constant 16 : i32
        %add3A_612 = vector.broadcast %add3A_611 : i32 to vector<16xi32>
        %add3A_613 = arith.addi %and3A_604, %add3A_612 : vector<16xi32>
        %add3A_614 = arith.addi %add3A_613, %iota3A : vector<16xi32>
        %and3A_615 = arith.constant 127 : i32
        %and3A_616 = vector.broadcast %and3A_615 : i32 to vector<16xi32>
        %and3A_617 = arith.andi %add3A_614, %and3A_616 : vector<16xi32>
        %gather3A_618 = tpu.vector_load_idx %arg9[%shift_right_logical3A_601, %and3A_617] : memref<218x128xf32, #tpu.memory_space<vmem>>[vector<16xi32>, vector<16xi32>], vector<16xf32>,
        %add3A_619 = arith.addf %add3A_591, %gather3A_618 : vector<16xf32>
        %broadcast_in_dim3A_620 = arith.constant 1 : i32
        %broadcast_in_dim3A_621 = vector.broadcast %broadcast_in_dim3A_620 : i32 to vector<16x1xi32>
        %gather3A_622 = vector.shape_cast %broadcast_in_dim3A_621 : vector<16x1xi32> to vector<16xi32>
        %gather3A_623 = tpu.dynamic_gather %get3A_594[%gather3A_622] in [0] : vector<16xi32>, vector<16xi32> -> vector<16xi32>
        %shift_right_logical3A_624 = arith.constant 7 : i32
        %shift_right_logical3A_625 = vector.broadcast %shift_right_logical3A_624 : i32 to vector<16xi32>
        %shift_right_logical3A_626 = arith.shrui %gather3A_623, %shift_right_logical3A_625 : vector<16xi32>
        %and3A_627 = arith.constant 127 : i32
        %and3A_628 = vector.broadcast %and3A_627 : i32 to vector<16xi32>
        %and3A_629 = arith.andi %gather3A_623, %and3A_628 : vector<16xi32>
        %add3A_630 = arith.addi %and3A_629, %iota3A : vector<16xi32>
        %and3A_631 = arith.constant 127 : i32
        %and3A_632 = vector.broadcast %and3A_631 : i32 to vector<16xi32>
        %and3A_633 = arith.andi %add3A_630, %and3A_632 : vector<16xi32>
        %gather3A_634 = tpu.vector_load_idx %arg9[%shift_right_logical3A_626, %and3A_633] : memref<218x128xf32, #tpu.memory_space<vmem>>[vector<16xi32>, vector<16xi32>], vector<16xf32>,
        %add3A_635 = arith.addf %add3A_610, %gather3A_634 : vector<16xf32>
        %add3A_636 = arith.constant 16 : i32
        %add3A_637 = vector.broadcast %add3A_636 : i32 to vector<16xi32>
        %add3A_638 = arith.addi %and3A_629, %add3A_637 : vector<16xi32>
        %add3A_639 = arith.addi %add3A_638, %iota3A : vector<16xi32>
        %and3A_640 = arith.constant 127 : i32
        %and3A_641 = vector.broadcast %and3A_640 : i32 to vector<16xi32>
        %and3A_642 = arith.andi %add3A_639, %and3A_641 : vector<16xi32>
        %gather3A_643 = tpu.vector_load_idx %arg9[%shift_right_logical3A_626, %and3A_642] : memref<218x128xf32, #tpu.memory_space<vmem>>[vector<16xi32>, vector<16xi32>], vector<16xf32>,
        %add3A_644 = arith.addf %add3A_619, %gather3A_643 : vector<16xf32>
        %broadcast_in_dim3A_645 = arith.constant 2 : i32
        %broadcast_in_dim3A_646 = vector.broadcast %broadcast_in_dim3A_645 : i32 to vector<16x1xi32>
        %gather3A_647 = vector.shape_cast %broadcast_in_dim3A_646 : vector<16x1xi32> to vector<16xi32>
        %gather3A_648 = tpu.dynamic_gather %get3A_594[%gather3A_647] in [0] : vector<16xi32>, vector<16xi32> -> vector<16xi32>
        %shift_right_logical3A_649 = arith.constant 7 : i32
        %shift_right_logical3A_650 = vector.broadcast %shift_right_logical3A_649 : i32 to vector<16xi32>
        %shift_right_logical3A_651 = arith.shrui %gather3A_648, %shift_right_logical3A_650 : vector<16xi32>
        %and3A_652 = arith.constant 127 : i32
        %and3A_653 = vector.broadcast %and3A_652 : i32 to vector<16xi32>
        %and3A_654 = arith.andi %gather3A_648, %and3A_653 : vector<16xi32>
        %add3A_655 = arith.addi %and3A_654, %iota3A : vector<16xi32>
        %and3A_656 = arith.constant 127 : i32
        %and3A_657 = vector.broadcast %and3A_656 : i32 to vector<16xi32>
        %and3A_658 = arith.andi %add3A_655, %and3A_657 : vector<16xi32>
        %gather3A_659 = tpu.vector_load_idx %arg9[%shift_right_logical3A_651, %and3A_658] : memref<218x128xf32, #tpu.memory_space<vmem>>[vector<16xi32>, vector<16xi32>], vector<16xf32>,
        %add3A_660 = arith.addf %add3A_635, %gather3A_659 : vector<16xf32>
        %add3A_661 = arith.constant 16 : i32
        %add3A_662 = vector.broadcast %add3A_661 : i32 to vector<16xi32>
        %add3A_663 = arith.addi %and3A_654, %add3A_662 : vector<16xi32>
        %add3A_664 = arith.addi %add3A_663, %iota3A : vector<16xi32>
        %and3A_665 = arith.constant 127 : i32
        %and3A_666 = vector.broadcast %and3A_665 : i32 to vector<16xi32>
        %and3A_667 = arith.andi %add3A_664, %and3A_666 : vector<16xi32>
        %gather3A_668 = tpu.vector_load_idx %arg9[%shift_right_logical3A_651, %and3A_667] : memref<218x128xf32, #tpu.memory_space<vmem>>[vector<16xi32>, vector<16xi32>], vector<16xf32>,
        %add3A_669 = arith.addf %add3A_644, %gather3A_668 : vector<16xf32>
        %broadcast_in_dim3A_670 = arith.constant 3 : i32
        %broadcast_in_dim3A_671 = vector.broadcast %broadcast_in_dim3A_670 : i32 to vector<16x1xi32>
        %gather3A_672 = vector.shape_cast %broadcast_in_dim3A_671 : vector<16x1xi32> to vector<16xi32>
        %gather3A_673 = tpu.dynamic_gather %get3A_594[%gather3A_672] in [0] : vector<16xi32>, vector<16xi32> -> vector<16xi32>
        %shift_right_logical3A_674 = arith.constant 7 : i32
        %shift_right_logical3A_675 = vector.broadcast %shift_right_logical3A_674 : i32 to vector<16xi32>
        %shift_right_logical3A_676 = arith.shrui %gather3A_673, %shift_right_logical3A_675 : vector<16xi32>
        %and3A_677 = arith.constant 127 : i32
        %and3A_678 = vector.broadcast %and3A_677 : i32 to vector<16xi32>
        %and3A_679 = arith.andi %gather3A_673, %and3A_678 : vector<16xi32>
        %add3A_680 = arith.addi %and3A_679, %iota3A : vector<16xi32>
        %and3A_681 = arith.constant 127 : i32
        %and3A_682 = vector.broadcast %and3A_681 : i32 to vector<16xi32>
        %and3A_683 = arith.andi %add3A_680, %and3A_682 : vector<16xi32>
        %gather3A_684 = tpu.vector_load_idx %arg9[%shift_right_logical3A_676, %and3A_683] : memref<218x128xf32, #tpu.memory_space<vmem>>[vector<16xi32>, vector<16xi32>], vector<16xf32>,
        %add3A_685 = arith.addf %add3A_660, %gather3A_684 : vector<16xf32>
        %add3A_686 = arith.constant 16 : i32
        %add3A_687 = vector.broadcast %add3A_686 : i32 to vector<16xi32>
        %add3A_688 = arith.addi %and3A_679, %add3A_687 : vector<16xi32>
        %add3A_689 = arith.addi %add3A_688, %iota3A : vector<16xi32>
        %and3A_690 = arith.constant 127 : i32
        %and3A_691 = vector.broadcast %and3A_690 : i32 to vector<16xi32>
        %and3A_692 = arith.andi %add3A_689, %and3A_691 : vector<16xi32>
        %gather3A_693 = tpu.vector_load_idx %arg9[%shift_right_logical3A_676, %and3A_692] : memref<218x128xf32, #tpu.memory_space<vmem>>[vector<16xi32>, vector<16xi32>], vector<16xf32>,
        %add3A_694 = arith.addf %add3A_669, %gather3A_693 : vector<16xf32>
        %broadcast_in_dim3A_695 = arith.constant 4 : i32
        %broadcast_in_dim3A_696 = vector.broadcast %broadcast_in_dim3A_695 : i32 to vector<16x1xi32>
        %gather3A_697 = vector.shape_cast %broadcast_in_dim3A_696 : vector<16x1xi32> to vector<16xi32>
        %gather3A_698 = tpu.dynamic_gather %get3A_594[%gather3A_697] in [0] : vector<16xi32>, vector<16xi32> -> vector<16xi32>
        %shift_right_logical3A_699 = arith.constant 7 : i32
        %shift_right_logical3A_700 = vector.broadcast %shift_right_logical3A_699 : i32 to vector<16xi32>
        %shift_right_logical3A_701 = arith.shrui %gather3A_698, %shift_right_logical3A_700 : vector<16xi32>
        %and3A_702 = arith.constant 127 : i32
        %and3A_703 = vector.broadcast %and3A_702 : i32 to vector<16xi32>
        %and3A_704 = arith.andi %gather3A_698, %and3A_703 : vector<16xi32>
        %add3A_705 = arith.addi %and3A_704, %iota3A : vector<16xi32>
        %and3A_706 = arith.constant 127 : i32
        %and3A_707 = vector.broadcast %and3A_706 : i32 to vector<16xi32>
        %and3A_708 = arith.andi %add3A_705, %and3A_707 : vector<16xi32>
        %gather3A_709 = tpu.vector_load_idx %arg9[%shift_right_logical3A_701, %and3A_708] : memref<218x128xf32, #tpu.memory_space<vmem>>[vector<16xi32>, vector<16xi32>], vector<16xf32>,
        %add3A_710 = arith.addf %add3A_685, %gather3A_709 : vector<16xf32>
        %add3A_711 = arith.constant 16 : i32
        %add3A_712 = vector.broadcast %add3A_711 : i32 to vector<16xi32>
        %add3A_713 = arith.addi %and3A_704, %add3A_712 : vector<16xi32>
        %add3A_714 = arith.addi %add3A_713, %iota3A : vector<16xi32>
        %and3A_715 = arith.constant 127 : i32
        %and3A_716 = vector.broadcast %and3A_715 : i32 to vector<16xi32>
        %and3A_717 = arith.andi %add3A_714, %and3A_716 : vector<16xi32>
        %gather3A_718 = tpu.vector_load_idx %arg9[%shift_right_logical3A_701, %and3A_717] : memref<218x128xf32, #tpu.memory_space<vmem>>[vector<16xi32>, vector<16xi32>], vector<16xf32>,
        %add3A_719 = arith.addf %add3A_694, %gather3A_718 : vector<16xf32>
        %broadcast_in_dim3A_720 = arith.constant 5 : i32
        %broadcast_in_dim3A_721 = vector.broadcast %broadcast_in_dim3A_720 : i32 to vector<16x1xi32>
        %gather3A_722 = vector.shape_cast %broadcast_in_dim3A_721 : vector<16x1xi32> to vector<16xi32>
        %gather3A_723 = tpu.dynamic_gather %get3A_594[%gather3A_722] in [0] : vector<16xi32>, vector<16xi32> -> vector<16xi32>
        %shift_right_logical3A_724 = arith.constant 7 : i32
        %shift_right_logical3A_725 = vector.broadcast %shift_right_logical3A_724 : i32 to vector<16xi32>
        %shift_right_logical3A_726 = arith.shrui %gather3A_723, %shift_right_logical3A_725 : vector<16xi32>
        %and3A_727 = arith.constant 127 : i32
        %and3A_728 = vector.broadcast %and3A_727 : i32 to vector<16xi32>
        %and3A_729 = arith.andi %gather3A_723, %and3A_728 : vector<16xi32>
        %add3A_730 = arith.addi %and3A_729, %iota3A : vector<16xi32>
        %and3A_731 = arith.constant 127 : i32
        %and3A_732 = vector.broadcast %and3A_731 : i32 to vector<16xi32>
        %and3A_733 = arith.andi %add3A_730, %and3A_732 : vector<16xi32>
        %gather3A_734 = tpu.vector_load_idx %arg9[%shift_right_logical3A_726, %and3A_733] : memref<218x128xf32, #tpu.memory_space<vmem>>[vector<16xi32>, vector<16xi32>], vector<16xf32>,
        %add3A_735 = arith.addf %add3A_710, %gather3A_734 : vector<16xf32>
        %add3A_736 = arith.constant 16 : i32
        %add3A_737 = vector.broadcast %add3A_736 : i32 to vector<16xi32>
        %add3A_738 = arith.addi %and3A_729, %add3A_737 : vector<16xi32>
        %add3A_739 = arith.addi %add3A_738, %iota3A : vector<16xi32>
        %and3A_740 = arith.constant 127 : i32
        %and3A_741 = vector.broadcast %and3A_740 : i32 to vector<16xi32>
        %and3A_742 = arith.andi %add3A_739, %and3A_741 : vector<16xi32>
        %gather3A_743 = tpu.vector_load_idx %arg9[%shift_right_logical3A_726, %and3A_742] : memref<218x128xf32, #tpu.memory_space<vmem>>[vector<16xi32>, vector<16xi32>], vector<16xf32>,
        %add3A_744 = arith.addf %add3A_719, %gather3A_743 : vector<16xf32>
        %broadcast_in_dim3A_745 = arith.constant 6 : i32
        %broadcast_in_dim3A_746 = vector.broadcast %broadcast_in_dim3A_745 : i32 to vector<16x1xi32>
        %gather3A_747 = vector.shape_cast %broadcast_in_dim3A_746 : vector<16x1xi32> to vector<16xi32>
        %gather3A_748 = tpu.dynamic_gather %get3A_594[%gather3A_747] in [0] : vector<16xi32>, vector<16xi32> -> vector<16xi32>
        %shift_right_logical3A_749 = arith.constant 7 : i32
        %shift_right_logical3A_750 = vector.broadcast %shift_right_logical3A_749 : i32 to vector<16xi32>
        %shift_right_logical3A_751 = arith.shrui %gather3A_748, %shift_right_logical3A_750 : vector<16xi32>
        %and3A_752 = arith.constant 127 : i32
        %and3A_753 = vector.broadcast %and3A_752 : i32 to vector<16xi32>
        %and3A_754 = arith.andi %gather3A_748, %and3A_753 : vector<16xi32>
        %add3A_755 = arith.addi %and3A_754, %iota3A : vector<16xi32>
        %and3A_756 = arith.constant 127 : i32
        %and3A_757 = vector.broadcast %and3A_756 : i32 to vector<16xi32>
        %and3A_758 = arith.andi %add3A_755, %and3A_757 : vector<16xi32>
        %gather3A_759 = tpu.vector_load_idx %arg9[%shift_right_logical3A_751, %and3A_758] : memref<218x128xf32, #tpu.memory_space<vmem>>[vector<16xi32>, vector<16xi32>], vector<16xf32>,
        %add3A_760 = arith.addf %add3A_735, %gather3A_759 : vector<16xf32>
        %add3A_761 = arith.constant 16 : i32
        %add3A_762 = vector.broadcast %add3A_761 : i32 to vector<16xi32>
        %add3A_763 = arith.addi %and3A_754, %add3A_762 : vector<16xi32>
        %add3A_764 = arith.addi %add3A_763, %iota3A : vector<16xi32>
        %and3A_765 = arith.constant 127 : i32
        %and3A_766 = vector.broadcast %and3A_765 : i32 to vector<16xi32>
        %and3A_767 = arith.andi %add3A_764, %and3A_766 : vector<16xi32>
        %gather3A_768 = tpu.vector_load_idx %arg9[%shift_right_logical3A_751, %and3A_767] : memref<218x128xf32, #tpu.memory_space<vmem>>[vector<16xi32>, vector<16xi32>], vector<16xf32>,
        %add3A_769 = arith.addf %add3A_744, %gather3A_768 : vector<16xf32>
        %broadcast_in_dim3A_770 = arith.constant 7 : i32
        %broadcast_in_dim3A_771 = vector.broadcast %broadcast_in_dim3A_770 : i32 to vector<16x1xi32>
        %gather3A_772 = vector.shape_cast %broadcast_in_dim3A_771 : vector<16x1xi32> to vector<16xi32>
        %gather3A_773 = tpu.dynamic_gather %get3A_594[%gather3A_772] in [0] : vector<16xi32>, vector<16xi32> -> vector<16xi32>
        %shift_right_logical3A_774 = arith.constant 7 : i32
        %shift_right_logical3A_775 = vector.broadcast %shift_right_logical3A_774 : i32 to vector<16xi32>
        %shift_right_logical3A_776 = arith.shrui %gather3A_773, %shift_right_logical3A_775 : vector<16xi32>
        %and3A_777 = arith.constant 127 : i32
        %and3A_778 = vector.broadcast %and3A_777 : i32 to vector<16xi32>
        %and3A_779 = arith.andi %gather3A_773, %and3A_778 : vector<16xi32>
        %add3A_780 = arith.addi %and3A_779, %iota3A : vector<16xi32>
        %and3A_781 = arith.constant 127 : i32
        %and3A_782 = vector.broadcast %and3A_781 : i32 to vector<16xi32>
        %and3A_783 = arith.andi %add3A_780, %and3A_782 : vector<16xi32>
        %gather3A_784 = tpu.vector_load_idx %arg9[%shift_right_logical3A_776, %and3A_783] : memref<218x128xf32, #tpu.memory_space<vmem>>[vector<16xi32>, vector<16xi32>], vector<16xf32>,
        %add3A_785 = arith.addf %add3A_760, %gather3A_784 : vector<16xf32>
        %add3A_786 = arith.constant 16 : i32
        %add3A_787 = vector.broadcast %add3A_786 : i32 to vector<16xi32>
        %add3A_788 = arith.addi %and3A_779, %add3A_787 : vector<16xi32>
        %add3A_789 = arith.addi %add3A_788, %iota3A : vector<16xi32>
        %and3A_790 = arith.constant 127 : i32
        %and3A_791 = vector.broadcast %and3A_790 : i32 to vector<16xi32>
        %and3A_792 = arith.andi %add3A_789, %and3A_791 : vector<16xi32>
        %gather3A_793 = tpu.vector_load_idx %arg9[%shift_right_logical3A_776, %and3A_792] : memref<218x128xf32, #tpu.memory_space<vmem>>[vector<16xi32>, vector<16xi32>], vector<16xf32>,
        %add3A_794 = arith.addf %add3A_769, %gather3A_793 : vector<16xf32>
        %broadcast_in_dim3A_795 = arith.constant 8 : i32
        %broadcast_in_dim3A_796 = vector.broadcast %broadcast_in_dim3A_795 : i32 to vector<16x1xi32>
        %gather3A_797 = vector.shape_cast %broadcast_in_dim3A_796 : vector<16x1xi32> to vector<16xi32>
        %gather3A_798 = tpu.dynamic_gather %get3A_594[%gather3A_797] in [0] : vector<16xi32>, vector<16xi32> -> vector<16xi32>
        %shift_right_logical3A_799 = arith.constant 7 : i32
        %shift_right_logical3A_800 = vector.broadcast %shift_right_logical3A_799 : i32 to vector<16xi32>
        %shift_right_logical3A_801 = arith.shrui %gather3A_798, %shift_right_logical3A_800 : vector<16xi32>
        %and3A_802 = arith.constant 127 : i32
        %and3A_803 = vector.broadcast %and3A_802 : i32 to vector<16xi32>
        %and3A_804 = arith.andi %gather3A_798, %and3A_803 : vector<16xi32>
        %add3A_805 = arith.addi %and3A_804, %iota3A : vector<16xi32>
        %and3A_806 = arith.constant 127 : i32
        %and3A_807 = vector.broadcast %and3A_806 : i32 to vector<16xi32>
        %and3A_808 = arith.andi %add3A_805, %and3A_807 : vector<16xi32>
        %gather3A_809 = tpu.vector_load_idx %arg9[%shift_right_logical3A_801, %and3A_808] : memref<218x128xf32, #tpu.memory_space<vmem>>[vector<16xi32>, vector<16xi32>], vector<16xf32>,
        %add3A_810 = arith.addf %add3A_785, %gather3A_809 : vector<16xf32>
        %add3A_811 = arith.constant 16 : i32
        %add3A_812 = vector.broadcast %add3A_811 : i32 to vector<16xi32>
        %add3A_813 = arith.addi %and3A_804, %add3A_812 : vector<16xi32>
        %add3A_814 = arith.addi %add3A_813, %iota3A : vector<16xi32>
        %and3A_815 = arith.constant 127 : i32
        %and3A_816 = vector.broadcast %and3A_815 : i32 to vector<16xi32>
        %and3A_817 = arith.andi %add3A_814, %and3A_816 : vector<16xi32>
        %gather3A_818 = tpu.vector_load_idx %arg9[%shift_right_logical3A_801, %and3A_817] : memref<218x128xf32, #tpu.memory_space<vmem>>[vector<16xi32>, vector<16xi32>], vector<16xf32>,
        %add3A_819 = arith.addf %add3A_794, %gather3A_818 : vector<16xf32>
        %broadcast_in_dim3A_820 = arith.constant 9 : i32
        %broadcast_in_dim3A_821 = vector.broadcast %broadcast_in_dim3A_820 : i32 to vector<16x1xi32>
        %gather3A_822 = vector.shape_cast %broadcast_in_dim3A_821 : vector<16x1xi32> to vector<16xi32>
        %gather3A_823 = tpu.dynamic_gather %get3A_594[%gather3A_822] in [0] : vector<16xi32>, vector<16xi32> -> vector<16xi32>
        %shift_right_logical3A_824 = arith.constant 7 : i32
        %shift_right_logical3A_825 = vector.broadcast %shift_right_logical3A_824 : i32 to vector<16xi32>
        %shift_right_logical3A_826 = arith.shrui %gather3A_823, %shift_right_logical3A_825 : vector<16xi32>
        %and3A_827 = arith.constant 127 : i32
        %and3A_828 = vector.broadcast %and3A_827 : i32 to vector<16xi32>
        %and3A_829 = arith.andi %gather3A_823, %and3A_828 : vector<16xi32>
        %add3A_830 = arith.addi %and3A_829, %iota3A : vector<16xi32>
        %and3A_831 = arith.constant 127 : i32
        %and3A_832 = vector.broadcast %and3A_831 : i32 to vector<16xi32>
        %and3A_833 = arith.andi %add3A_830, %and3A_832 : vector<16xi32>
        %gather3A_834 = tpu.vector_load_idx %arg9[%shift_right_logical3A_826, %and3A_833] : memref<218x128xf32, #tpu.memory_space<vmem>>[vector<16xi32>, vector<16xi32>], vector<16xf32>,
        %add3A_835 = arith.addf %add3A_810, %gather3A_834 : vector<16xf32>
        %add3A_836 = arith.constant 16 : i32
        %add3A_837 = vector.broadcast %add3A_836 : i32 to vector<16xi32>
        %add3A_838 = arith.addi %and3A_829, %add3A_837 : vector<16xi32>
        %add3A_839 = arith.addi %add3A_838, %iota3A : vector<16xi32>
        %and3A_840 = arith.constant 127 : i32
        %and3A_841 = vector.broadcast %and3A_840 : i32 to vector<16xi32>
        %and3A_842 = arith.andi %add3A_839, %and3A_841 : vector<16xi32>
        %gather3A_843 = tpu.vector_load_idx %arg9[%shift_right_logical3A_826, %and3A_842] : memref<218x128xf32, #tpu.memory_space<vmem>>[vector<16xi32>, vector<16xi32>], vector<16xf32>,
        %add3A_844 = arith.addf %add3A_819, %gather3A_843 : vector<16xf32>
        %broadcast_in_dim3A_845 = arith.constant 10 : i32
        %broadcast_in_dim3A_846 = vector.broadcast %broadcast_in_dim3A_845 : i32 to vector<16x1xi32>
        %gather3A_847 = vector.shape_cast %broadcast_in_dim3A_846 : vector<16x1xi32> to vector<16xi32>
        %gather3A_848 = tpu.dynamic_gather %get3A_594[%gather3A_847] in [0] : vector<16xi32>, vector<16xi32> -> vector<16xi32>
        %shift_right_logical3A_849 = arith.constant 7 : i32
        %shift_right_logical3A_850 = vector.broadcast %shift_right_logical3A_849 : i32 to vector<16xi32>
        %shift_right_logical3A_851 = arith.shrui %gather3A_848, %shift_right_logical3A_850 : vector<16xi32>
        %and3A_852 = arith.constant 127 : i32
        %and3A_853 = vector.broadcast %and3A_852 : i32 to vector<16xi32>
        %and3A_854 = arith.andi %gather3A_848, %and3A_853 : vector<16xi32>
        %add3A_855 = arith.addi %and3A_854, %iota3A : vector<16xi32>
        %and3A_856 = arith.constant 127 : i32
        %and3A_857 = vector.broadcast %and3A_856 : i32 to vector<16xi32>
        %and3A_858 = arith.andi %add3A_855, %and3A_857 : vector<16xi32>
        %gather3A_859 = tpu.vector_load_idx %arg9[%shift_right_logical3A_851, %and3A_858] : memref<218x128xf32, #tpu.memory_space<vmem>>[vector<16xi32>, vector<16xi32>], vector<16xf32>,
        %add3A_860 = arith.addf %add3A_835, %gather3A_859 : vector<16xf32>
        %add3A_861 = arith.constant 16 : i32
        %add3A_862 = vector.broadcast %add3A_861 : i32 to vector<16xi32>
        %add3A_863 = arith.addi %and3A_854, %add3A_862 : vector<16xi32>
        %add3A_864 = arith.addi %add3A_863, %iota3A : vector<16xi32>
        %and3A_865 = arith.constant 127 : i32
        %and3A_866 = vector.broadcast %and3A_865 : i32 to vector<16xi32>
        %and3A_867 = arith.andi %add3A_864, %and3A_866 : vector<16xi32>
        %gather3A_868 = tpu.vector_load_idx %arg9[%shift_right_logical3A_851, %and3A_867] : memref<218x128xf32, #tpu.memory_space<vmem>>[vector<16xi32>, vector<16xi32>], vector<16xf32>,
        %add3A_869 = arith.addf %add3A_844, %gather3A_868 : vector<16xf32>
        %broadcast_in_dim3A_870 = arith.constant 11 : i32
        %broadcast_in_dim3A_871 = vector.broadcast %broadcast_in_dim3A_870 : i32 to vector<16x1xi32>
        %gather3A_872 = vector.shape_cast %broadcast_in_dim3A_871 : vector<16x1xi32> to vector<16xi32>
        %gather3A_873 = tpu.dynamic_gather %get3A_594[%gather3A_872] in [0] : vector<16xi32>, vector<16xi32> -> vector<16xi32>
        %shift_right_logical3A_874 = arith.constant 7 : i32
        %shift_right_logical3A_875 = vector.broadcast %shift_right_logical3A_874 : i32 to vector<16xi32>
        %shift_right_logical3A_876 = arith.shrui %gather3A_873, %shift_right_logical3A_875 : vector<16xi32>
        %and3A_877 = arith.constant 127 : i32
        %and3A_878 = vector.broadcast %and3A_877 : i32 to vector<16xi32>
        %and3A_879 = arith.andi %gather3A_873, %and3A_878 : vector<16xi32>
        %add3A_880 = arith.addi %and3A_879, %iota3A : vector<16xi32>
        %and3A_881 = arith.constant 127 : i32
        %and3A_882 = vector.broadcast %and3A_881 : i32 to vector<16xi32>
        %and3A_883 = arith.andi %add3A_880, %and3A_882 : vector<16xi32>
        %gather3A_884 = tpu.vector_load_idx %arg9[%shift_right_logical3A_876, %and3A_883] : memref<218x128xf32, #tpu.memory_space<vmem>>[vector<16xi32>, vector<16xi32>], vector<16xf32>,
        %add3A_885 = arith.addf %add3A_860, %gather3A_884 : vector<16xf32>
        %add3A_886 = arith.constant 16 : i32
        %add3A_887 = vector.broadcast %add3A_886 : i32 to vector<16xi32>
        %add3A_888 = arith.addi %and3A_879, %add3A_887 : vector<16xi32>
        %add3A_889 = arith.addi %add3A_888, %iota3A : vector<16xi32>
        %and3A_890 = arith.constant 127 : i32
        %and3A_891 = vector.broadcast %and3A_890 : i32 to vector<16xi32>
        %and3A_892 = arith.andi %add3A_889, %and3A_891 : vector<16xi32>
        %gather3A_893 = tpu.vector_load_idx %arg9[%shift_right_logical3A_876, %and3A_892] : memref<218x128xf32, #tpu.memory_space<vmem>>[vector<16xi32>, vector<16xi32>], vector<16xf32>,
        %add3A_894 = arith.addf %add3A_869, %gather3A_893 : vector<16xf32>
        %broadcast_in_dim3A_895 = arith.constant 12 : i32
        %broadcast_in_dim3A_896 = vector.broadcast %broadcast_in_dim3A_895 : i32 to vector<16x1xi32>
        %gather3A_897 = vector.shape_cast %broadcast_in_dim3A_896 : vector<16x1xi32> to vector<16xi32>
        %gather3A_898 = tpu.dynamic_gather %get3A_594[%gather3A_897] in [0] : vector<16xi32>, vector<16xi32> -> vector<16xi32>
        %shift_right_logical3A_899 = arith.constant 7 : i32
        %shift_right_logical3A_900 = vector.broadcast %shift_right_logical3A_899 : i32 to vector<16xi32>
        %shift_right_logical3A_901 = arith.shrui %gather3A_898, %shift_right_logical3A_900 : vector<16xi32>
        %and3A_902 = arith.constant 127 : i32
        %and3A_903 = vector.broadcast %and3A_902 : i32 to vector<16xi32>
        %and3A_904 = arith.andi %gather3A_898, %and3A_903 : vector<16xi32>
        %add3A_905 = arith.addi %and3A_904, %iota3A : vector<16xi32>
        %and3A_906 = arith.constant 127 : i32
        %and3A_907 = vector.broadcast %and3A_906 : i32 to vector<16xi32>
        %and3A_908 = arith.andi %add3A_905, %and3A_907 : vector<16xi32>
        %gather3A_909 = tpu.vector_load_idx %arg9[%shift_right_logical3A_901, %and3A_908] : memref<218x128xf32, #tpu.memory_space<vmem>>[vector<16xi32>, vector<16xi32>], vector<16xf32>,
        %add3A_910 = arith.addf %add3A_885, %gather3A_909 : vector<16xf32>
        %add3A_911 = arith.constant 16 : i32
        %add3A_912 = vector.broadcast %add3A_911 : i32 to vector<16xi32>
        %add3A_913 = arith.addi %and3A_904, %add3A_912 : vector<16xi32>
        %add3A_914 = arith.addi %add3A_913, %iota3A : vector<16xi32>
        %and3A_915 = arith.constant 127 : i32
        %and3A_916 = vector.broadcast %and3A_915 : i32 to vector<16xi32>
        %and3A_917 = arith.andi %add3A_914, %and3A_916 : vector<16xi32>
        %gather3A_918 = tpu.vector_load_idx %arg9[%shift_right_logical3A_901, %and3A_917] : memref<218x128xf32, #tpu.memory_space<vmem>>[vector<16xi32>, vector<16xi32>], vector<16xf32>,
        %add3A_919 = arith.addf %add3A_894, %gather3A_918 : vector<16xf32>
        %broadcast_in_dim3A_920 = arith.constant 13 : i32
        %broadcast_in_dim3A_921 = vector.broadcast %broadcast_in_dim3A_920 : i32 to vector<16x1xi32>
        %gather3A_922 = vector.shape_cast %broadcast_in_dim3A_921 : vector<16x1xi32> to vector<16xi32>
        %gather3A_923 = tpu.dynamic_gather %get3A_594[%gather3A_922] in [0] : vector<16xi32>, vector<16xi32> -> vector<16xi32>
        %shift_right_logical3A_924 = arith.constant 7 : i32
        %shift_right_logical3A_925 = vector.broadcast %shift_right_logical3A_924 : i32 to vector<16xi32>
        %shift_right_logical3A_926 = arith.shrui %gather3A_923, %shift_right_logical3A_925 : vector<16xi32>
        %and3A_927 = arith.constant 127 : i32
        %and3A_928 = vector.broadcast %and3A_927 : i32 to vector<16xi32>
        %and3A_929 = arith.andi %gather3A_923, %and3A_928 : vector<16xi32>
        %add3A_930 = arith.addi %and3A_929, %iota3A : vector<16xi32>
        %and3A_931 = arith.constant 127 : i32
        %and3A_932 = vector.broadcast %and3A_931 : i32 to vector<16xi32>
        %and3A_933 = arith.andi %add3A_930, %and3A_932 : vector<16xi32>
        %gather3A_934 = tpu.vector_load_idx %arg9[%shift_right_logical3A_926, %and3A_933] : memref<218x128xf32, #tpu.memory_space<vmem>>[vector<16xi32>, vector<16xi32>], vector<16xf32>,
        %add3A_935 = arith.addf %add3A_910, %gather3A_934 : vector<16xf32>
        %add3A_936 = arith.constant 16 : i32
        %add3A_937 = vector.broadcast %add3A_936 : i32 to vector<16xi32>
        %add3A_938 = arith.addi %and3A_929, %add3A_937 : vector<16xi32>
        %add3A_939 = arith.addi %add3A_938, %iota3A : vector<16xi32>
        %and3A_940 = arith.constant 127 : i32
        %and3A_941 = vector.broadcast %and3A_940 : i32 to vector<16xi32>
        %and3A_942 = arith.andi %add3A_939, %and3A_941 : vector<16xi32>
        %gather3A_943 = tpu.vector_load_idx %arg9[%shift_right_logical3A_926, %and3A_942] : memref<218x128xf32, #tpu.memory_space<vmem>>[vector<16xi32>, vector<16xi32>], vector<16xf32>,
        %add3A_944 = arith.addf %add3A_919, %gather3A_943 : vector<16xf32>
        %broadcast_in_dim3A_945 = arith.constant 14 : i32
        %broadcast_in_dim3A_946 = vector.broadcast %broadcast_in_dim3A_945 : i32 to vector<16x1xi32>
        %gather3A_947 = vector.shape_cast %broadcast_in_dim3A_946 : vector<16x1xi32> to vector<16xi32>
        %gather3A_948 = tpu.dynamic_gather %get3A_594[%gather3A_947] in [0] : vector<16xi32>, vector<16xi32> -> vector<16xi32>
        %shift_right_logical3A_949 = arith.constant 7 : i32
        %shift_right_logical3A_950 = vector.broadcast %shift_right_logical3A_949 : i32 to vector<16xi32>
        %shift_right_logical3A_951 = arith.shrui %gather3A_948, %shift_right_logical3A_950 : vector<16xi32>
        %and3A_952 = arith.constant 127 : i32
        %and3A_953 = vector.broadcast %and3A_952 : i32 to vector<16xi32>
        %and3A_954 = arith.andi %gather3A_948, %and3A_953 : vector<16xi32>
        %add3A_955 = arith.addi %and3A_954, %iota3A : vector<16xi32>
        %and3A_956 = arith.constant 127 : i32
        %and3A_957 = vector.broadcast %and3A_956 : i32 to vector<16xi32>
        %and3A_958 = arith.andi %add3A_955, %and3A_957 : vector<16xi32>
        %gather3A_959 = tpu.vector_load_idx %arg9[%shift_right_logical3A_951, %and3A_958] : memref<218x128xf32, #tpu.memory_space<vmem>>[vector<16xi32>, vector<16xi32>], vector<16xf32>,
        %add3A_960 = arith.addf %add3A_935, %gather3A_959 : vector<16xf32>
        %add3A_961 = arith.constant 16 : i32
        %add3A_962 = vector.broadcast %add3A_961 : i32 to vector<16xi32>
        %add3A_963 = arith.addi %and3A_954, %add3A_962 : vector<16xi32>
        %add3A_964 = arith.addi %add3A_963, %iota3A : vector<16xi32>
        %and3A_965 = arith.constant 127 : i32
        %and3A_966 = vector.broadcast %and3A_965 : i32 to vector<16xi32>
        %and3A_967 = arith.andi %add3A_964, %and3A_966 : vector<16xi32>
        %gather3A_968 = tpu.vector_load_idx %arg9[%shift_right_logical3A_951, %and3A_967] : memref<218x128xf32, #tpu.memory_space<vmem>>[vector<16xi32>, vector<16xi32>], vector<16xf32>,
        %add3A_969 = arith.addf %add3A_944, %gather3A_968 : vector<16xf32>
        %broadcast_in_dim3A_970 = arith.constant 15 : i32
        %broadcast_in_dim3A_971 = vector.broadcast %broadcast_in_dim3A_970 : i32 to vector<16x1xi32>
        %gather3A_972 = vector.shape_cast %broadcast_in_dim3A_971 : vector<16x1xi32> to vector<16xi32>
        %gather3A_973 = tpu.dynamic_gather %get3A_594[%gather3A_972] in [0] : vector<16xi32>, vector<16xi32> -> vector<16xi32>
        %shift_right_logical3A_974 = arith.constant 7 : i32
        %shift_right_logical3A_975 = vector.broadcast %shift_right_logical3A_974 : i32 to vector<16xi32>
        %shift_right_logical3A_976 = arith.shrui %gather3A_973, %shift_right_logical3A_975 : vector<16xi32>
        %and3A_977 = arith.constant 127 : i32
        %and3A_978 = vector.broadcast %and3A_977 : i32 to vector<16xi32>
        %and3A_979 = arith.andi %gather3A_973, %and3A_978 : vector<16xi32>
        %add3A_980 = arith.addi %and3A_979, %iota3A : vector<16xi32>
        %and3A_981 = arith.constant 127 : i32
        %and3A_982 = vector.broadcast %and3A_981 : i32 to vector<16xi32>
        %and3A_983 = arith.andi %add3A_980, %and3A_982 : vector<16xi32>
        %gather3A_984 = tpu.vector_load_idx %arg9[%shift_right_logical3A_976, %and3A_983] : memref<218x128xf32, #tpu.memory_space<vmem>>[vector<16xi32>, vector<16xi32>], vector<16xf32>,
        %add3A_985 = arith.addf %add3A_960, %gather3A_984 : vector<16xf32>
        %add3A_986 = arith.constant 16 : i32
        %add3A_987 = vector.broadcast %add3A_986 : i32 to vector<16xi32>
        %add3A_988 = arith.addi %and3A_979, %add3A_987 : vector<16xi32>
        %add3A_989 = arith.addi %add3A_988, %iota3A : vector<16xi32>
        %and3A_990 = arith.constant 127 : i32
        %and3A_991 = vector.broadcast %and3A_990 : i32 to vector<16xi32>
        %and3A_992 = arith.andi %add3A_989, %and3A_991 : vector<16xi32>
        %gather3A_993 = tpu.vector_load_idx %arg9[%shift_right_logical3A_976, %and3A_992] : memref<218x128xf32, #tpu.memory_space<vmem>>[vector<16xi32>, vector<16xi32>], vector<16xf32>,
        %add3A_994 = arith.addf %add3A_969, %gather3A_993 : vector<16xf32>
        %get3A_995 = arith.index_cast %add3A_192 : i32 to index
        %get3A_996 = arith.constant 32 : index
        %get3A_997 = tpu.vector_load %arg7[%get3A_995, %get3A_996] {strides = array<i32>} : memref<128x64xi32, #tpu.memory_space<vmem>>, vector<16xi32>,
        %broadcast_in_dim3A_998 = arith.constant 0 : i32
        %broadcast_in_dim3A_999 = vector.broadcast %broadcast_in_dim3A_998 : i32 to vector<16x1xi32>
        %gather3A_1000 = vector.shape_cast %broadcast_in_dim3A_999 : vector<16x1xi32> to vector<16xi32>
        %gather3A_1001 = tpu.dynamic_gather %get3A_997[%gather3A_1000] in [0] : vector<16xi32>, vector<16xi32> -> vector<16xi32>
        %shift_right_logical3A_1002 = arith.constant 7 : i32
        %shift_right_logical3A_1003 = vector.broadcast %shift_right_logical3A_1002 : i32 to vector<16xi32>
        %shift_right_logical3A_1004 = arith.shrui %gather3A_1001, %shift_right_logical3A_1003 : vector<16xi32>
        %and3A_1005 = arith.constant 127 : i32
        %and3A_1006 = vector.broadcast %and3A_1005 : i32 to vector<16xi32>
        %and3A_1007 = arith.andi %gather3A_1001, %and3A_1006 : vector<16xi32>
        %add3A_1008 = arith.addi %and3A_1007, %iota3A : vector<16xi32>
        %and3A_1009 = arith.constant 127 : i32
        %and3A_1010 = vector.broadcast %and3A_1009 : i32 to vector<16xi32>
        %and3A_1011 = arith.andi %add3A_1008, %and3A_1010 : vector<16xi32>
        %gather3A_1012 = tpu.vector_load_idx %arg9[%shift_right_logical3A_1004, %and3A_1011] : memref<218x128xf32, #tpu.memory_space<vmem>>[vector<16xi32>, vector<16xi32>], vector<16xf32>,
        %add3A_1013 = arith.addf %add3A_985, %gather3A_1012 : vector<16xf32>
        %add3A_1014 = arith.constant 16 : i32
        %add3A_1015 = vector.broadcast %add3A_1014 : i32 to vector<16xi32>
        %add3A_1016 = arith.addi %and3A_1007, %add3A_1015 : vector<16xi32>
        %add3A_1017 = arith.addi %add3A_1016, %iota3A : vector<16xi32>
        %and3A_1018 = arith.constant 127 : i32
        %and3A_1019 = vector.broadcast %and3A_1018 : i32 to vector<16xi32>
        %and3A_1020 = arith.andi %add3A_1017, %and3A_1019 : vector<16xi32>
        %gather3A_1021 = tpu.vector_load_idx %arg9[%shift_right_logical3A_1004, %and3A_1020] : memref<218x128xf32, #tpu.memory_space<vmem>>[vector<16xi32>, vector<16xi32>], vector<16xf32>,
        %add3A_1022 = arith.addf %add3A_994, %gather3A_1021 : vector<16xf32>
        %broadcast_in_dim3A_1023 = arith.constant 1 : i32
        %broadcast_in_dim3A_1024 = vector.broadcast %broadcast_in_dim3A_1023 : i32 to vector<16x1xi32>
        %gather3A_1025 = vector.shape_cast %broadcast_in_dim3A_1024 : vector<16x1xi32> to vector<16xi32>
        %gather3A_1026 = tpu.dynamic_gather %get3A_997[%gather3A_1025] in [0] : vector<16xi32>, vector<16xi32> -> vector<16xi32>
        %shift_right_logical3A_1027 = arith.constant 7 : i32
        %shift_right_logical3A_1028 = vector.broadcast %shift_right_logical3A_1027 : i32 to vector<16xi32>
        %shift_right_logical3A_1029 = arith.shrui %gather3A_1026, %shift_right_logical3A_1028 : vector<16xi32>
        %and3A_1030 = arith.constant 127 : i32
        %and3A_1031 = vector.broadcast %and3A_1030 : i32 to vector<16xi32>
        %and3A_1032 = arith.andi %gather3A_1026, %and3A_1031 : vector<16xi32>
        %add3A_1033 = arith.addi %and3A_1032, %iota3A : vector<16xi32>
        %and3A_1034 = arith.constant 127 : i32
        %and3A_1035 = vector.broadcast %and3A_1034 : i32 to vector<16xi32>
        %and3A_1036 = arith.andi %add3A_1033, %and3A_1035 : vector<16xi32>
        %gather3A_1037 = tpu.vector_load_idx %arg9[%shift_right_logical3A_1029, %and3A_1036] : memref<218x128xf32, #tpu.memory_space<vmem>>[vector<16xi32>, vector<16xi32>], vector<16xf32>,
        %add3A_1038 = arith.addf %add3A_1013, %gather3A_1037 : vector<16xf32>
        %add3A_1039 = arith.constant 16 : i32
        %add3A_1040 = vector.broadcast %add3A_1039 : i32 to vector<16xi32>
        %add3A_1041 = arith.addi %and3A_1032, %add3A_1040 : vector<16xi32>
        %add3A_1042 = arith.addi %add3A_1041, %iota3A : vector<16xi32>
        %and3A_1043 = arith.constant 127 : i32
        %and3A_1044 = vector.broadcast %and3A_1043 : i32 to vector<16xi32>
        %and3A_1045 = arith.andi %add3A_1042, %and3A_1044 : vector<16xi32>
        %gather3A_1046 = tpu.vector_load_idx %arg9[%shift_right_logical3A_1029, %and3A_1045] : memref<218x128xf32, #tpu.memory_space<vmem>>[vector<16xi32>, vector<16xi32>], vector<16xf32>,
        %add3A_1047 = arith.addf %add3A_1022, %gather3A_1046 : vector<16xf32>
        %broadcast_in_dim3A_1048 = arith.constant 2 : i32
        %broadcast_in_dim3A_1049 = vector.broadcast %broadcast_in_dim3A_1048 : i32 to vector<16x1xi32>
        %gather3A_1050 = vector.shape_cast %broadcast_in_dim3A_1049 : vector<16x1xi32> to vector<16xi32>
        %gather3A_1051 = tpu.dynamic_gather %get3A_997[%gather3A_1050] in [0] : vector<16xi32>, vector<16xi32> -> vector<16xi32>
        %shift_right_logical3A_1052 = arith.constant 7 : i32
        %shift_right_logical3A_1053 = vector.broadcast %shift_right_logical3A_1052 : i32 to vector<16xi32>
        %shift_right_logical3A_1054 = arith.shrui %gather3A_1051, %shift_right_logical3A_1053 : vector<16xi32>
        %and3A_1055 = arith.constant 127 : i32
        %and3A_1056 = vector.broadcast %and3A_1055 : i32 to vector<16xi32>
        %and3A_1057 = arith.andi %gather3A_1051, %and3A_1056 : vector<16xi32>
        %add3A_1058 = arith.addi %and3A_1057, %iota3A : vector<16xi32>
        %and3A_1059 = arith.constant 127 : i32
        %and3A_1060 = vector.broadcast %and3A_1059 : i32 to vector<16xi32>
        %and3A_1061 = arith.andi %add3A_1058, %and3A_1060 : vector<16xi32>
        %gather3A_1062 = tpu.vector_load_idx %arg9[%shift_right_logical3A_1054, %and3A_1061] : memref<218x128xf32, #tpu.memory_space<vmem>>[vector<16xi32>, vector<16xi32>], vector<16xf32>,
        %add3A_1063 = arith.addf %add3A_1038, %gather3A_1062 : vector<16xf32>
        %add3A_1064 = arith.constant 16 : i32
        %add3A_1065 = vector.broadcast %add3A_1064 : i32 to vector<16xi32>
        %add3A_1066 = arith.addi %and3A_1057, %add3A_1065 : vector<16xi32>
        %add3A_1067 = arith.addi %add3A_1066, %iota3A : vector<16xi32>
        %and3A_1068 = arith.constant 127 : i32
        %and3A_1069 = vector.broadcast %and3A_1068 : i32 to vector<16xi32>
        %and3A_1070 = arith.andi %add3A_1067, %and3A_1069 : vector<16xi32>
        %gather3A_1071 = tpu.vector_load_idx %arg9[%shift_right_logical3A_1054, %and3A_1070] : memref<218x128xf32, #tpu.memory_space<vmem>>[vector<16xi32>, vector<16xi32>], vector<16xf32>,
        %add3A_1072 = arith.addf %add3A_1047, %gather3A_1071 : vector<16xf32>
        %broadcast_in_dim3A_1073 = arith.constant 3 : i32
        %broadcast_in_dim3A_1074 = vector.broadcast %broadcast_in_dim3A_1073 : i32 to vector<16x1xi32>
        %gather3A_1075 = vector.shape_cast %broadcast_in_dim3A_1074 : vector<16x1xi32> to vector<16xi32>
        %gather3A_1076 = tpu.dynamic_gather %get3A_997[%gather3A_1075] in [0] : vector<16xi32>, vector<16xi32> -> vector<16xi32>
        %shift_right_logical3A_1077 = arith.constant 7 : i32
        %shift_right_logical3A_1078 = vector.broadcast %shift_right_logical3A_1077 : i32 to vector<16xi32>
        %shift_right_logical3A_1079 = arith.shrui %gather3A_1076, %shift_right_logical3A_1078 : vector<16xi32>
        %and3A_1080 = arith.constant 127 : i32
        %and3A_1081 = vector.broadcast %and3A_1080 : i32 to vector<16xi32>
        %and3A_1082 = arith.andi %gather3A_1076, %and3A_1081 : vector<16xi32>
        %add3A_1083 = arith.addi %and3A_1082, %iota3A : vector<16xi32>
        %and3A_1084 = arith.constant 127 : i32
        %and3A_1085 = vector.broadcast %and3A_1084 : i32 to vector<16xi32>
        %and3A_1086 = arith.andi %add3A_1083, %and3A_1085 : vector<16xi32>
        %gather3A_1087 = tpu.vector_load_idx %arg9[%shift_right_logical3A_1079, %and3A_1086] : memref<218x128xf32, #tpu.memory_space<vmem>>[vector<16xi32>, vector<16xi32>], vector<16xf32>,
        %add3A_1088 = arith.addf %add3A_1063, %gather3A_1087 : vector<16xf32>
        %add3A_1089 = arith.constant 16 : i32
        %add3A_1090 = vector.broadcast %add3A_1089 : i32 to vector<16xi32>
        %add3A_1091 = arith.addi %and3A_1082, %add3A_1090 : vector<16xi32>
        %add3A_1092 = arith.addi %add3A_1091, %iota3A : vector<16xi32>
        %and3A_1093 = arith.constant 127 : i32
        %and3A_1094 = vector.broadcast %and3A_1093 : i32 to vector<16xi32>
        %and3A_1095 = arith.andi %add3A_1092, %and3A_1094 : vector<16xi32>
        %gather3A_1096 = tpu.vector_load_idx %arg9[%shift_right_logical3A_1079, %and3A_1095] : memref<218x128xf32, #tpu.memory_space<vmem>>[vector<16xi32>, vector<16xi32>], vector<16xf32>,
        %add3A_1097 = arith.addf %add3A_1072, %gather3A_1096 : vector<16xf32>
        %broadcast_in_dim3A_1098 = arith.constant 4 : i32
        %broadcast_in_dim3A_1099 = vector.broadcast %broadcast_in_dim3A_1098 : i32 to vector<16x1xi32>
        %gather3A_1100 = vector.shape_cast %broadcast_in_dim3A_1099 : vector<16x1xi32> to vector<16xi32>
        %gather3A_1101 = tpu.dynamic_gather %get3A_997[%gather3A_1100] in [0] : vector<16xi32>, vector<16xi32> -> vector<16xi32>
        %shift_right_logical3A_1102 = arith.constant 7 : i32
        %shift_right_logical3A_1103 = vector.broadcast %shift_right_logical3A_1102 : i32 to vector<16xi32>
        %shift_right_logical3A_1104 = arith.shrui %gather3A_1101, %shift_right_logical3A_1103 : vector<16xi32>
        %and3A_1105 = arith.constant 127 : i32
        %and3A_1106 = vector.broadcast %and3A_1105 : i32 to vector<16xi32>
        %and3A_1107 = arith.andi %gather3A_1101, %and3A_1106 : vector<16xi32>
        %add3A_1108 = arith.addi %and3A_1107, %iota3A : vector<16xi32>
        %and3A_1109 = arith.constant 127 : i32
        %and3A_1110 = vector.broadcast %and3A_1109 : i32 to vector<16xi32>
        %and3A_1111 = arith.andi %add3A_1108, %and3A_1110 : vector<16xi32>
        %gather3A_1112 = tpu.vector_load_idx %arg9[%shift_right_logical3A_1104, %and3A_1111] : memref<218x128xf32, #tpu.memory_space<vmem>>[vector<16xi32>, vector<16xi32>], vector<16xf32>,
        %add3A_1113 = arith.addf %add3A_1088, %gather3A_1112 : vector<16xf32>
        %add3A_1114 = arith.constant 16 : i32
        %add3A_1115 = vector.broadcast %add3A_1114 : i32 to vector<16xi32>
        %add3A_1116 = arith.addi %and3A_1107, %add3A_1115 : vector<16xi32>
        %add3A_1117 = arith.addi %add3A_1116, %iota3A : vector<16xi32>
        %and3A_1118 = arith.constant 127 : i32
        %and3A_1119 = vector.broadcast %and3A_1118 : i32 to vector<16xi32>
        %and3A_1120 = arith.andi %add3A_1117, %and3A_1119 : vector<16xi32>
        %gather3A_1121 = tpu.vector_load_idx %arg9[%shift_right_logical3A_1104, %and3A_1120] : memref<218x128xf32, #tpu.memory_space<vmem>>[vector<16xi32>, vector<16xi32>], vector<16xf32>,
        %add3A_1122 = arith.addf %add3A_1097, %gather3A_1121 : vector<16xf32>
        %broadcast_in_dim3A_1123 = arith.constant 5 : i32
        %broadcast_in_dim3A_1124 = vector.broadcast %broadcast_in_dim3A_1123 : i32 to vector<16x1xi32>
        %gather3A_1125 = vector.shape_cast %broadcast_in_dim3A_1124 : vector<16x1xi32> to vector<16xi32>
        %gather3A_1126 = tpu.dynamic_gather %get3A_997[%gather3A_1125] in [0] : vector<16xi32>, vector<16xi32> -> vector<16xi32>
        %shift_right_logical3A_1127 = arith.constant 7 : i32
        %shift_right_logical3A_1128 = vector.broadcast %shift_right_logical3A_1127 : i32 to vector<16xi32>
        %shift_right_logical3A_1129 = arith.shrui %gather3A_1126, %shift_right_logical3A_1128 : vector<16xi32>
        %and3A_1130 = arith.constant 127 : i32
        %and3A_1131 = vector.broadcast %and3A_1130 : i32 to vector<16xi32>
        %and3A_1132 = arith.andi %gather3A_1126, %and3A_1131 : vector<16xi32>
        %add3A_1133 = arith.addi %and3A_1132, %iota3A : vector<16xi32>
        %and3A_1134 = arith.constant 127 : i32
        %and3A_1135 = vector.broadcast %and3A_1134 : i32 to vector<16xi32>
        %and3A_1136 = arith.andi %add3A_1133, %and3A_1135 : vector<16xi32>
        %gather3A_1137 = tpu.vector_load_idx %arg9[%shift_right_logical3A_1129, %and3A_1136] : memref<218x128xf32, #tpu.memory_space<vmem>>[vector<16xi32>, vector<16xi32>], vector<16xf32>,
        %add3A_1138 = arith.addf %add3A_1113, %gather3A_1137 : vector<16xf32>
        %add3A_1139 = arith.constant 16 : i32
        %add3A_1140 = vector.broadcast %add3A_1139 : i32 to vector<16xi32>
        %add3A_1141 = arith.addi %and3A_1132, %add3A_1140 : vector<16xi32>
        %add3A_1142 = arith.addi %add3A_1141, %iota3A : vector<16xi32>
        %and3A_1143 = arith.constant 127 : i32
        %and3A_1144 = vector.broadcast %and3A_1143 : i32 to vector<16xi32>
        %and3A_1145 = arith.andi %add3A_1142, %and3A_1144 : vector<16xi32>
        %gather3A_1146 = tpu.vector_load_idx %arg9[%shift_right_logical3A_1129, %and3A_1145] : memref<218x128xf32, #tpu.memory_space<vmem>>[vector<16xi32>, vector<16xi32>], vector<16xf32>,
        %add3A_1147 = arith.addf %add3A_1122, %gather3A_1146 : vector<16xf32>
        %broadcast_in_dim3A_1148 = arith.constant 6 : i32
        %broadcast_in_dim3A_1149 = vector.broadcast %broadcast_in_dim3A_1148 : i32 to vector<16x1xi32>
        %gather3A_1150 = vector.shape_cast %broadcast_in_dim3A_1149 : vector<16x1xi32> to vector<16xi32>
        %gather3A_1151 = tpu.dynamic_gather %get3A_997[%gather3A_1150] in [0] : vector<16xi32>, vector<16xi32> -> vector<16xi32>
        %shift_right_logical3A_1152 = arith.constant 7 : i32
        %shift_right_logical3A_1153 = vector.broadcast %shift_right_logical3A_1152 : i32 to vector<16xi32>
        %shift_right_logical3A_1154 = arith.shrui %gather3A_1151, %shift_right_logical3A_1153 : vector<16xi32>
        %and3A_1155 = arith.constant 127 : i32
        %and3A_1156 = vector.broadcast %and3A_1155 : i32 to vector<16xi32>
        %and3A_1157 = arith.andi %gather3A_1151, %and3A_1156 : vector<16xi32>
        %add3A_1158 = arith.addi %and3A_1157, %iota3A : vector<16xi32>
        %and3A_1159 = arith.constant 127 : i32
        %and3A_1160 = vector.broadcast %and3A_1159 : i32 to vector<16xi32>
        %and3A_1161 = arith.andi %add3A_1158, %and3A_1160 : vector<16xi32>
        %gather3A_1162 = tpu.vector_load_idx %arg9[%shift_right_logical3A_1154, %and3A_1161] : memref<218x128xf32, #tpu.memory_space<vmem>>[vector<16xi32>, vector<16xi32>], vector<16xf32>,
        %add3A_1163 = arith.addf %add3A_1138, %gather3A_1162 : vector<16xf32>
        %add3A_1164 = arith.constant 16 : i32
        %add3A_1165 = vector.broadcast %add3A_1164 : i32 to vector<16xi32>
        %add3A_1166 = arith.addi %and3A_1157, %add3A_1165 : vector<16xi32>
        %add3A_1167 = arith.addi %add3A_1166, %iota3A : vector<16xi32>
        %and3A_1168 = arith.constant 127 : i32
        %and3A_1169 = vector.broadcast %and3A_1168 : i32 to vector<16xi32>
        %and3A_1170 = arith.andi %add3A_1167, %and3A_1169 : vector<16xi32>
        %gather3A_1171 = tpu.vector_load_idx %arg9[%shift_right_logical3A_1154, %and3A_1170] : memref<218x128xf32, #tpu.memory_space<vmem>>[vector<16xi32>, vector<16xi32>], vector<16xf32>,
        %add3A_1172 = arith.addf %add3A_1147, %gather3A_1171 : vector<16xf32>
        %broadcast_in_dim3A_1173 = arith.constant 7 : i32
        %broadcast_in_dim3A_1174 = vector.broadcast %broadcast_in_dim3A_1173 : i32 to vector<16x1xi32>
        %gather3A_1175 = vector.shape_cast %broadcast_in_dim3A_1174 : vector<16x1xi32> to vector<16xi32>
        %gather3A_1176 = tpu.dynamic_gather %get3A_997[%gather3A_1175] in [0] : vector<16xi32>, vector<16xi32> -> vector<16xi32>
        %shift_right_logical3A_1177 = arith.constant 7 : i32
        %shift_right_logical3A_1178 = vector.broadcast %shift_right_logical3A_1177 : i32 to vector<16xi32>
        %shift_right_logical3A_1179 = arith.shrui %gather3A_1176, %shift_right_logical3A_1178 : vector<16xi32>
        %and3A_1180 = arith.constant 127 : i32
        %and3A_1181 = vector.broadcast %and3A_1180 : i32 to vector<16xi32>
        %and3A_1182 = arith.andi %gather3A_1176, %and3A_1181 : vector<16xi32>
        %add3A_1183 = arith.addi %and3A_1182, %iota3A : vector<16xi32>
        %and3A_1184 = arith.constant 127 : i32
        %and3A_1185 = vector.broadcast %and3A_1184 : i32 to vector<16xi32>
        %and3A_1186 = arith.andi %add3A_1183, %and3A_1185 : vector<16xi32>
        %gather3A_1187 = tpu.vector_load_idx %arg9[%shift_right_logical3A_1179, %and3A_1186] : memref<218x128xf32, #tpu.memory_space<vmem>>[vector<16xi32>, vector<16xi32>], vector<16xf32>,
        %add3A_1188 = arith.addf %add3A_1163, %gather3A_1187 : vector<16xf32>
        %add3A_1189 = arith.constant 16 : i32
        %add3A_1190 = vector.broadcast %add3A_1189 : i32 to vector<16xi32>
        %add3A_1191 = arith.addi %and3A_1182, %add3A_1190 : vector<16xi32>
        %add3A_1192 = arith.addi %add3A_1191, %iota3A : vector<16xi32>
        %and3A_1193 = arith.constant 127 : i32
        %and3A_1194 = vector.broadcast %and3A_1193 : i32 to vector<16xi32>
        %and3A_1195 = arith.andi %add3A_1192, %and3A_1194 : vector<16xi32>
        %gather3A_1196 = tpu.vector_load_idx %arg9[%shift_right_logical3A_1179, %and3A_1195] : memref<218x128xf32, #tpu.memory_space<vmem>>[vector<16xi32>, vector<16xi32>], vector<16xf32>,
        %add3A_1197 = arith.addf %add3A_1172, %gather3A_1196 : vector<16xf32>
        %broadcast_in_dim3A_1198 = arith.constant 8 : i32
        %broadcast_in_dim3A_1199 = vector.broadcast %broadcast_in_dim3A_1198 : i32 to vector<16x1xi32>
        %gather3A_1200 = vector.shape_cast %broadcast_in_dim3A_1199 : vector<16x1xi32> to vector<16xi32>
        %gather3A_1201 = tpu.dynamic_gather %get3A_997[%gather3A_1200] in [0] : vector<16xi32>, vector<16xi32> -> vector<16xi32>
        %shift_right_logical3A_1202 = arith.constant 7 : i32
        %shift_right_logical3A_1203 = vector.broadcast %shift_right_logical3A_1202 : i32 to vector<16xi32>
        %shift_right_logical3A_1204 = arith.shrui %gather3A_1201, %shift_right_logical3A_1203 : vector<16xi32>
        %and3A_1205 = arith.constant 127 : i32
        %and3A_1206 = vector.broadcast %and3A_1205 : i32 to vector<16xi32>
        %and3A_1207 = arith.andi %gather3A_1201, %and3A_1206 : vector<16xi32>
        %add3A_1208 = arith.addi %and3A_1207, %iota3A : vector<16xi32>
        %and3A_1209 = arith.constant 127 : i32
        %and3A_1210 = vector.broadcast %and3A_1209 : i32 to vector<16xi32>
        %and3A_1211 = arith.andi %add3A_1208, %and3A_1210 : vector<16xi32>
        %gather3A_1212 = tpu.vector_load_idx %arg9[%shift_right_logical3A_1204, %and3A_1211] : memref<218x128xf32, #tpu.memory_space<vmem>>[vector<16xi32>, vector<16xi32>], vector<16xf32>,
        %add3A_1213 = arith.addf %add3A_1188, %gather3A_1212 : vector<16xf32>
        %add3A_1214 = arith.constant 16 : i32
        %add3A_1215 = vector.broadcast %add3A_1214 : i32 to vector<16xi32>
        %add3A_1216 = arith.addi %and3A_1207, %add3A_1215 : vector<16xi32>
        %add3A_1217 = arith.addi %add3A_1216, %iota3A : vector<16xi32>
        %and3A_1218 = arith.constant 127 : i32
        %and3A_1219 = vector.broadcast %and3A_1218 : i32 to vector<16xi32>
        %and3A_1220 = arith.andi %add3A_1217, %and3A_1219 : vector<16xi32>
        %gather3A_1221 = tpu.vector_load_idx %arg9[%shift_right_logical3A_1204, %and3A_1220] : memref<218x128xf32, #tpu.memory_space<vmem>>[vector<16xi32>, vector<16xi32>], vector<16xf32>,
        %add3A_1222 = arith.addf %add3A_1197, %gather3A_1221 : vector<16xf32>
        %broadcast_in_dim3A_1223 = arith.constant 9 : i32
        %broadcast_in_dim3A_1224 = vector.broadcast %broadcast_in_dim3A_1223 : i32 to vector<16x1xi32>
        %gather3A_1225 = vector.shape_cast %broadcast_in_dim3A_1224 : vector<16x1xi32> to vector<16xi32>
        %gather3A_1226 = tpu.dynamic_gather %get3A_997[%gather3A_1225] in [0] : vector<16xi32>, vector<16xi32> -> vector<16xi32>
        %shift_right_logical3A_1227 = arith.constant 7 : i32
        %shift_right_logical3A_1228 = vector.broadcast %shift_right_logical3A_1227 : i32 to vector<16xi32>
        %shift_right_logical3A_1229 = arith.shrui %gather3A_1226, %shift_right_logical3A_1228 : vector<16xi32>
        %and3A_1230 = arith.constant 127 : i32
        %and3A_1231 = vector.broadcast %and3A_1230 : i32 to vector<16xi32>
        %and3A_1232 = arith.andi %gather3A_1226, %and3A_1231 : vector<16xi32>
        %add3A_1233 = arith.addi %and3A_1232, %iota3A : vector<16xi32>
        %and3A_1234 = arith.constant 127 : i32
        %and3A_1235 = vector.broadcast %and3A_1234 : i32 to vector<16xi32>
        %and3A_1236 = arith.andi %add3A_1233, %and3A_1235 : vector<16xi32>
        %gather3A_1237 = tpu.vector_load_idx %arg9[%shift_right_logical3A_1229, %and3A_1236] : memref<218x128xf32, #tpu.memory_space<vmem>>[vector<16xi32>, vector<16xi32>], vector<16xf32>,
        %add3A_1238 = arith.addf %add3A_1213, %gather3A_1237 : vector<16xf32>
        %add3A_1239 = arith.constant 16 : i32
        %add3A_1240 = vector.broadcast %add3A_1239 : i32 to vector<16xi32>
        %add3A_1241 = arith.addi %and3A_1232, %add3A_1240 : vector<16xi32>
        %add3A_1242 = arith.addi %add3A_1241, %iota3A : vector<16xi32>
        %and3A_1243 = arith.constant 127 : i32
        %and3A_1244 = vector.broadcast %and3A_1243 : i32 to vector<16xi32>
        %and3A_1245 = arith.andi %add3A_1242, %and3A_1244 : vector<16xi32>
        %gather3A_1246 = tpu.vector_load_idx %arg9[%shift_right_logical3A_1229, %and3A_1245] : memref<218x128xf32, #tpu.memory_space<vmem>>[vector<16xi32>, vector<16xi32>], vector<16xf32>,
        %add3A_1247 = arith.addf %add3A_1222, %gather3A_1246 : vector<16xf32>
        %broadcast_in_dim3A_1248 = arith.constant 10 : i32
        %broadcast_in_dim3A_1249 = vector.broadcast %broadcast_in_dim3A_1248 : i32 to vector<16x1xi32>
        %gather3A_1250 = vector.shape_cast %broadcast_in_dim3A_1249 : vector<16x1xi32> to vector<16xi32>
        %gather3A_1251 = tpu.dynamic_gather %get3A_997[%gather3A_1250] in [0] : vector<16xi32>, vector<16xi32> -> vector<16xi32>
        %shift_right_logical3A_1252 = arith.constant 7 : i32
        %shift_right_logical3A_1253 = vector.broadcast %shift_right_logical3A_1252 : i32 to vector<16xi32>
        %shift_right_logical3A_1254 = arith.shrui %gather3A_1251, %shift_right_logical3A_1253 : vector<16xi32>
        %and3A_1255 = arith.constant 127 : i32
        %and3A_1256 = vector.broadcast %and3A_1255 : i32 to vector<16xi32>
        %and3A_1257 = arith.andi %gather3A_1251, %and3A_1256 : vector<16xi32>
        %add3A_1258 = arith.addi %and3A_1257, %iota3A : vector<16xi32>
        %and3A_1259 = arith.constant 127 : i32
        %and3A_1260 = vector.broadcast %and3A_1259 : i32 to vector<16xi32>
        %and3A_1261 = arith.andi %add3A_1258, %and3A_1260 : vector<16xi32>
        %gather3A_1262 = tpu.vector_load_idx %arg9[%shift_right_logical3A_1254, %and3A_1261] : memref<218x128xf32, #tpu.memory_space<vmem>>[vector<16xi32>, vector<16xi32>], vector<16xf32>,
        %add3A_1263 = arith.addf %add3A_1238, %gather3A_1262 : vector<16xf32>
        %add3A_1264 = arith.constant 16 : i32
        %add3A_1265 = vector.broadcast %add3A_1264 : i32 to vector<16xi32>
        %add3A_1266 = arith.addi %and3A_1257, %add3A_1265 : vector<16xi32>
        %add3A_1267 = arith.addi %add3A_1266, %iota3A : vector<16xi32>
        %and3A_1268 = arith.constant 127 : i32
        %and3A_1269 = vector.broadcast %and3A_1268 : i32 to vector<16xi32>
        %and3A_1270 = arith.andi %add3A_1267, %and3A_1269 : vector<16xi32>
        %gather3A_1271 = tpu.vector_load_idx %arg9[%shift_right_logical3A_1254, %and3A_1270] : memref<218x128xf32, #tpu.memory_space<vmem>>[vector<16xi32>, vector<16xi32>], vector<16xf32>,
        %add3A_1272 = arith.addf %add3A_1247, %gather3A_1271 : vector<16xf32>
        %broadcast_in_dim3A_1273 = arith.constant 11 : i32
        %broadcast_in_dim3A_1274 = vector.broadcast %broadcast_in_dim3A_1273 : i32 to vector<16x1xi32>
        %gather3A_1275 = vector.shape_cast %broadcast_in_dim3A_1274 : vector<16x1xi32> to vector<16xi32>
        %gather3A_1276 = tpu.dynamic_gather %get3A_997[%gather3A_1275] in [0] : vector<16xi32>, vector<16xi32> -> vector<16xi32>
        %shift_right_logical3A_1277 = arith.constant 7 : i32
        %shift_right_logical3A_1278 = vector.broadcast %shift_right_logical3A_1277 : i32 to vector<16xi32>
        %shift_right_logical3A_1279 = arith.shrui %gather3A_1276, %shift_right_logical3A_1278 : vector<16xi32>
        %and3A_1280 = arith.constant 127 : i32
        %and3A_1281 = vector.broadcast %and3A_1280 : i32 to vector<16xi32>
        %and3A_1282 = arith.andi %gather3A_1276, %and3A_1281 : vector<16xi32>
        %add3A_1283 = arith.addi %and3A_1282, %iota3A : vector<16xi32>
        %and3A_1284 = arith.constant 127 : i32
        %and3A_1285 = vector.broadcast %and3A_1284 : i32 to vector<16xi32>
        %and3A_1286 = arith.andi %add3A_1283, %and3A_1285 : vector<16xi32>
        %gather3A_1287 = tpu.vector_load_idx %arg9[%shift_right_logical3A_1279, %and3A_1286] : memref<218x128xf32, #tpu.memory_space<vmem>>[vector<16xi32>, vector<16xi32>], vector<16xf32>,
        %add3A_1288 = arith.addf %add3A_1263, %gather3A_1287 : vector<16xf32>
        %add3A_1289 = arith.constant 16 : i32
        %add3A_1290 = vector.broadcast %add3A_1289 : i32 to vector<16xi32>
        %add3A_1291 = arith.addi %and3A_1282, %add3A_1290 : vector<16xi32>
        %add3A_1292 = arith.addi %add3A_1291, %iota3A : vector<16xi32>
        %and3A_1293 = arith.constant 127 : i32
        %and3A_1294 = vector.broadcast %and3A_1293 : i32 to vector<16xi32>
        %and3A_1295 = arith.andi %add3A_1292, %and3A_1294 : vector<16xi32>
        %gather3A_1296 = tpu.vector_load_idx %arg9[%shift_right_logical3A_1279, %and3A_1295] : memref<218x128xf32, #tpu.memory_space<vmem>>[vector<16xi32>, vector<16xi32>], vector<16xf32>,
        %add3A_1297 = arith.addf %add3A_1272, %gather3A_1296 : vector<16xf32>
        %broadcast_in_dim3A_1298 = arith.constant 12 : i32
        %broadcast_in_dim3A_1299 = vector.broadcast %broadcast_in_dim3A_1298 : i32 to vector<16x1xi32>
        %gather3A_1300 = vector.shape_cast %broadcast_in_dim3A_1299 : vector<16x1xi32> to vector<16xi32>
        %gather3A_1301 = tpu.dynamic_gather %get3A_997[%gather3A_1300] in [0] : vector<16xi32>, vector<16xi32> -> vector<16xi32>
        %shift_right_logical3A_1302 = arith.constant 7 : i32
        %shift_right_logical3A_1303 = vector.broadcast %shift_right_logical3A_1302 : i32 to vector<16xi32>
        %shift_right_logical3A_1304 = arith.shrui %gather3A_1301, %shift_right_logical3A_1303 : vector<16xi32>
        %and3A_1305 = arith.constant 127 : i32
        %and3A_1306 = vector.broadcast %and3A_1305 : i32 to vector<16xi32>
        %and3A_1307 = arith.andi %gather3A_1301, %and3A_1306 : vector<16xi32>
        %add3A_1308 = arith.addi %and3A_1307, %iota3A : vector<16xi32>
        %and3A_1309 = arith.constant 127 : i32
        %and3A_1310 = vector.broadcast %and3A_1309 : i32 to vector<16xi32>
        %and3A_1311 = arith.andi %add3A_1308, %and3A_1310 : vector<16xi32>
        %gather3A_1312 = tpu.vector_load_idx %arg9[%shift_right_logical3A_1304, %and3A_1311] : memref<218x128xf32, #tpu.memory_space<vmem>>[vector<16xi32>, vector<16xi32>], vector<16xf32>,
        %add3A_1313 = arith.addf %add3A_1288, %gather3A_1312 : vector<16xf32>
        %add3A_1314 = arith.constant 16 : i32
        %add3A_1315 = vector.broadcast %add3A_1314 : i32 to vector<16xi32>
        %add3A_1316 = arith.addi %and3A_1307, %add3A_1315 : vector<16xi32>
        %add3A_1317 = arith.addi %add3A_1316, %iota3A : vector<16xi32>
        %and3A_1318 = arith.constant 127 : i32
        %and3A_1319 = vector.broadcast %and3A_1318 : i32 to vector<16xi32>
        %and3A_1320 = arith.andi %add3A_1317, %and3A_1319 : vector<16xi32>
        %gather3A_1321 = tpu.vector_load_idx %arg9[%shift_right_logical3A_1304, %and3A_1320] : memref<218x128xf32, #tpu.memory_space<vmem>>[vector<16xi32>, vector<16xi32>], vector<16xf32>,
        %add3A_1322 = arith.addf %add3A_1297, %gather3A_1321 : vector<16xf32>
        %broadcast_in_dim3A_1323 = arith.constant 13 : i32
        %broadcast_in_dim3A_1324 = vector.broadcast %broadcast_in_dim3A_1323 : i32 to vector<16x1xi32>
        %gather3A_1325 = vector.shape_cast %broadcast_in_dim3A_1324 : vector<16x1xi32> to vector<16xi32>
        %gather3A_1326 = tpu.dynamic_gather %get3A_997[%gather3A_1325] in [0] : vector<16xi32>, vector<16xi32> -> vector<16xi32>
        %shift_right_logical3A_1327 = arith.constant 7 : i32
        %shift_right_logical3A_1328 = vector.broadcast %shift_right_logical3A_1327 : i32 to vector<16xi32>
        %shift_right_logical3A_1329 = arith.shrui %gather3A_1326, %shift_right_logical3A_1328 : vector<16xi32>
        %and3A_1330 = arith.constant 127 : i32
        %and3A_1331 = vector.broadcast %and3A_1330 : i32 to vector<16xi32>
        %and3A_1332 = arith.andi %gather3A_1326, %and3A_1331 : vector<16xi32>
        %add3A_1333 = arith.addi %and3A_1332, %iota3A : vector<16xi32>
        %and3A_1334 = arith.constant 127 : i32
        %and3A_1335 = vector.broadcast %and3A_1334 : i32 to vector<16xi32>
        %and3A_1336 = arith.andi %add3A_1333, %and3A_1335 : vector<16xi32>
        %gather3A_1337 = tpu.vector_load_idx %arg9[%shift_right_logical3A_1329, %and3A_1336] : memref<218x128xf32, #tpu.memory_space<vmem>>[vector<16xi32>, vector<16xi32>], vector<16xf32>,
        %add3A_1338 = arith.addf %add3A_1313, %gather3A_1337 : vector<16xf32>
        %add3A_1339 = arith.constant 16 : i32
        %add3A_1340 = vector.broadcast %add3A_1339 : i32 to vector<16xi32>
        %add3A_1341 = arith.addi %and3A_1332, %add3A_1340 : vector<16xi32>
        %add3A_1342 = arith.addi %add3A_1341, %iota3A : vector<16xi32>
        %and3A_1343 = arith.constant 127 : i32
        %and3A_1344 = vector.broadcast %and3A_1343 : i32 to vector<16xi32>
        %and3A_1345 = arith.andi %add3A_1342, %and3A_1344 : vector<16xi32>
        %gather3A_1346 = tpu.vector_load_idx %arg9[%shift_right_logical3A_1329, %and3A_1345] : memref<218x128xf32, #tpu.memory_space<vmem>>[vector<16xi32>, vector<16xi32>], vector<16xf32>,
        %add3A_1347 = arith.addf %add3A_1322, %gather3A_1346 : vector<16xf32>
        %broadcast_in_dim3A_1348 = arith.constant 14 : i32
        %broadcast_in_dim3A_1349 = vector.broadcast %broadcast_in_dim3A_1348 : i32 to vector<16x1xi32>
        %gather3A_1350 = vector.shape_cast %broadcast_in_dim3A_1349 : vector<16x1xi32> to vector<16xi32>
        %gather3A_1351 = tpu.dynamic_gather %get3A_997[%gather3A_1350] in [0] : vector<16xi32>, vector<16xi32> -> vector<16xi32>
        %shift_right_logical3A_1352 = arith.constant 7 : i32
        %shift_right_logical3A_1353 = vector.broadcast %shift_right_logical3A_1352 : i32 to vector<16xi32>
        %shift_right_logical3A_1354 = arith.shrui %gather3A_1351, %shift_right_logical3A_1353 : vector<16xi32>
        %and3A_1355 = arith.constant 127 : i32
        %and3A_1356 = vector.broadcast %and3A_1355 : i32 to vector<16xi32>
        %and3A_1357 = arith.andi %gather3A_1351, %and3A_1356 : vector<16xi32>
        %add3A_1358 = arith.addi %and3A_1357, %iota3A : vector<16xi32>
        %and3A_1359 = arith.constant 127 : i32
        %and3A_1360 = vector.broadcast %and3A_1359 : i32 to vector<16xi32>
        %and3A_1361 = arith.andi %add3A_1358, %and3A_1360 : vector<16xi32>
        %gather3A_1362 = tpu.vector_load_idx %arg9[%shift_right_logical3A_1354, %and3A_1361] : memref<218x128xf32, #tpu.memory_space<vmem>>[vector<16xi32>, vector<16xi32>], vector<16xf32>,
        %add3A_1363 = arith.addf %add3A_1338, %gather3A_1362 : vector<16xf32>
        %add3A_1364 = arith.constant 16 : i32
        %add3A_1365 = vector.broadcast %add3A_1364 : i32 to vector<16xi32>
        %add3A_1366 = arith.addi %and3A_1357, %add3A_1365 : vector<16xi32>
        %add3A_1367 = arith.addi %add3A_1366, %iota3A : vector<16xi32>
        %and3A_1368 = arith.constant 127 : i32
        %and3A_1369 = vector.broadcast %and3A_1368 : i32 to vector<16xi32>
        %and3A_1370 = arith.andi %add3A_1367, %and3A_1369 : vector<16xi32>
        %gather3A_1371 = tpu.vector_load_idx %arg9[%shift_right_logical3A_1354, %and3A_1370] : memref<218x128xf32, #tpu.memory_space<vmem>>[vector<16xi32>, vector<16xi32>], vector<16xf32>,
        %add3A_1372 = arith.addf %add3A_1347, %gather3A_1371 : vector<16xf32>
        %broadcast_in_dim3A_1373 = arith.constant 15 : i32
        %broadcast_in_dim3A_1374 = vector.broadcast %broadcast_in_dim3A_1373 : i32 to vector<16x1xi32>
        %gather3A_1375 = vector.shape_cast %broadcast_in_dim3A_1374 : vector<16x1xi32> to vector<16xi32>
        %gather3A_1376 = tpu.dynamic_gather %get3A_997[%gather3A_1375] in [0] : vector<16xi32>, vector<16xi32> -> vector<16xi32>
        %shift_right_logical3A_1377 = arith.constant 7 : i32
        %shift_right_logical3A_1378 = vector.broadcast %shift_right_logical3A_1377 : i32 to vector<16xi32>
        %shift_right_logical3A_1379 = arith.shrui %gather3A_1376, %shift_right_logical3A_1378 : vector<16xi32>
        %and3A_1380 = arith.constant 127 : i32
        %and3A_1381 = vector.broadcast %and3A_1380 : i32 to vector<16xi32>
        %and3A_1382 = arith.andi %gather3A_1376, %and3A_1381 : vector<16xi32>
        %add3A_1383 = arith.addi %and3A_1382, %iota3A : vector<16xi32>
        %and3A_1384 = arith.constant 127 : i32
        %and3A_1385 = vector.broadcast %and3A_1384 : i32 to vector<16xi32>
        %and3A_1386 = arith.andi %add3A_1383, %and3A_1385 : vector<16xi32>
        %gather3A_1387 = tpu.vector_load_idx %arg9[%shift_right_logical3A_1379, %and3A_1386] : memref<218x128xf32, #tpu.memory_space<vmem>>[vector<16xi32>, vector<16xi32>], vector<16xf32>,
        %add3A_1388 = arith.addf %add3A_1363, %gather3A_1387 : vector<16xf32>
        %add3A_1389 = arith.constant 16 : i32
        %add3A_1390 = vector.broadcast %add3A_1389 : i32 to vector<16xi32>
        %add3A_1391 = arith.addi %and3A_1382, %add3A_1390 : vector<16xi32>
        %add3A_1392 = arith.addi %add3A_1391, %iota3A : vector<16xi32>
        %and3A_1393 = arith.constant 127 : i32
        %and3A_1394 = vector.broadcast %and3A_1393 : i32 to vector<16xi32>
        %and3A_1395 = arith.andi %add3A_1392, %and3A_1394 : vector<16xi32>
        %gather3A_1396 = tpu.vector_load_idx %arg9[%shift_right_logical3A_1379, %and3A_1395] : memref<218x128xf32, #tpu.memory_space<vmem>>[vector<16xi32>, vector<16xi32>], vector<16xf32>,
        %add3A_1397 = arith.addf %add3A_1372, %gather3A_1396 : vector<16xf32>
        %get3A_1398 = arith.index_cast %add3A_192 : i32 to index
        %get3A_1399 = arith.constant 48 : index
        %get3A_1400 = tpu.vector_load %arg7[%get3A_1398, %get3A_1399] {strides = array<i32>} : memref<128x64xi32, #tpu.memory_space<vmem>>, vector<16xi32>,
        %broadcast_in_dim3A_1401 = arith.constant 0 : i32
        %broadcast_in_dim3A_1402 = vector.broadcast %broadcast_in_dim3A_1401 : i32 to vector<16x1xi32>
        %gather3A_1403 = vector.shape_cast %broadcast_in_dim3A_1402 : vector<16x1xi32> to vector<16xi32>
        %gather3A_1404 = tpu.dynamic_gather %get3A_1400[%gather3A_1403] in [0] : vector<16xi32>, vector<16xi32> -> vector<16xi32>
        %shift_right_logical3A_1405 = arith.constant 7 : i32
        %shift_right_logical3A_1406 = vector.broadcast %shift_right_logical3A_1405 : i32 to vector<16xi32>
        %shift_right_logical3A_1407 = arith.shrui %gather3A_1404, %shift_right_logical3A_1406 : vector<16xi32>
        %and3A_1408 = arith.constant 127 : i32
        %and3A_1409 = vector.broadcast %and3A_1408 : i32 to vector<16xi32>
        %and3A_1410 = arith.andi %gather3A_1404, %and3A_1409 : vector<16xi32>
        %add3A_1411 = arith.addi %and3A_1410, %iota3A : vector<16xi32>
        %and3A_1412 = arith.constant 127 : i32
        %and3A_1413 = vector.broadcast %and3A_1412 : i32 to vector<16xi32>
        %and3A_1414 = arith.andi %add3A_1411, %and3A_1413 : vector<16xi32>
        %gather3A_1415 = tpu.vector_load_idx %arg9[%shift_right_logical3A_1407, %and3A_1414] : memref<218x128xf32, #tpu.memory_space<vmem>>[vector<16xi32>, vector<16xi32>], vector<16xf32>,
        %add3A_1416 = arith.addf %add3A_1388, %gather3A_1415 : vector<16xf32>
        %add3A_1417 = arith.constant 16 : i32
        %add3A_1418 = vector.broadcast %add3A_1417 : i32 to vector<16xi32>
        %add3A_1419 = arith.addi %and3A_1410, %add3A_1418 : vector<16xi32>
        %add3A_1420 = arith.addi %add3A_1419, %iota3A : vector<16xi32>
        %and3A_1421 = arith.constant 127 : i32
        %and3A_1422 = vector.broadcast %and3A_1421 : i32 to vector<16xi32>
        %and3A_1423 = arith.andi %add3A_1420, %and3A_1422 : vector<16xi32>
        %gather3A_1424 = tpu.vector_load_idx %arg9[%shift_right_logical3A_1407, %and3A_1423] : memref<218x128xf32, #tpu.memory_space<vmem>>[vector<16xi32>, vector<16xi32>], vector<16xf32>,
        %add3A_1425 = arith.addf %add3A_1397, %gather3A_1424 : vector<16xf32>
        %broadcast_in_dim3A_1426 = arith.constant 1 : i32
        %broadcast_in_dim3A_1427 = vector.broadcast %broadcast_in_dim3A_1426 : i32 to vector<16x1xi32>
        %gather3A_1428 = vector.shape_cast %broadcast_in_dim3A_1427 : vector<16x1xi32> to vector<16xi32>
        %gather3A_1429 = tpu.dynamic_gather %get3A_1400[%gather3A_1428] in [0] : vector<16xi32>, vector<16xi32> -> vector<16xi32>
        %shift_right_logical3A_1430 = arith.constant 7 : i32
        %shift_right_logical3A_1431 = vector.broadcast %shift_right_logical3A_1430 : i32 to vector<16xi32>
        %shift_right_logical3A_1432 = arith.shrui %gather3A_1429, %shift_right_logical3A_1431 : vector<16xi32>
        %and3A_1433 = arith.constant 127 : i32
        %and3A_1434 = vector.broadcast %and3A_1433 : i32 to vector<16xi32>
        %and3A_1435 = arith.andi %gather3A_1429, %and3A_1434 : vector<16xi32>
        %add3A_1436 = arith.addi %and3A_1435, %iota3A : vector<16xi32>
        %and3A_1437 = arith.constant 127 : i32
        %and3A_1438 = vector.broadcast %and3A_1437 : i32 to vector<16xi32>
        %and3A_1439 = arith.andi %add3A_1436, %and3A_1438 : vector<16xi32>
        %gather3A_1440 = tpu.vector_load_idx %arg9[%shift_right_logical3A_1432, %and3A_1439] : memref<218x128xf32, #tpu.memory_space<vmem>>[vector<16xi32>, vector<16xi32>], vector<16xf32>,
        %add3A_1441 = arith.addf %add3A_1416, %gather3A_1440 : vector<16xf32>
        %add3A_1442 = arith.constant 16 : i32
        %add3A_1443 = vector.broadcast %add3A_1442 : i32 to vector<16xi32>
        %add3A_1444 = arith.addi %and3A_1435, %add3A_1443 : vector<16xi32>
        %add3A_1445 = arith.addi %add3A_1444, %iota3A : vector<16xi32>
        %and3A_1446 = arith.constant 127 : i32
        %and3A_1447 = vector.broadcast %and3A_1446 : i32 to vector<16xi32>
        %and3A_1448 = arith.andi %add3A_1445, %and3A_1447 : vector<16xi32>
        %gather3A_1449 = tpu.vector_load_idx %arg9[%shift_right_logical3A_1432, %and3A_1448] : memref<218x128xf32, #tpu.memory_space<vmem>>[vector<16xi32>, vector<16xi32>], vector<16xf32>,
        %add3A_1450 = arith.addf %add3A_1425, %gather3A_1449 : vector<16xf32>
        %broadcast_in_dim3A_1451 = vector.broadcast %add3A_192 : i32 to vector<16xi32>
        tpu.vector_store_idx %arg10[%iota3A, %broadcast_in_dim3A_1451], %add3A_1441 : memref<32x128xf32, #tpu.memory_space<vmem>>[vector<16xi32>, vector<16xi32>], vector<16xf32>,
        %add3A_1452 = arith.constant 16 : i32
        %add3A_1453 = vector.broadcast %add3A_1452 : i32 to vector<16xi32>
        %add3A_1454 = arith.addi %iota3A, %add3A_1453 : vector<16xi32>
        tpu.vector_store_idx %arg10[%add3A_1454, %broadcast_in_dim3A_1451], %add3A_1450 : memref<32x128xf32, #tpu.memory_space<vmem>>[vector<16xi32>, vector<16xi32>], vector<16xf32>,
      }
      %scan3A_185 = arith.constant 4 : i32
    }
    %scan3A_48 = arith.constant 16 : i32
    %mul3A_49 = arith.constant 128 : i32
    %mul3A_50 = arith.muli %add3A, %mul3A_49 : i32
    "tpu.region"() ({
      %run_scoped3A = tpu.sem_alloc : memref<!tpu.dma_semaphore, #tpu.memory_space<semaphore_mem>>
      %dma_start3A_51 = arith.constant 0 : i32
      %dma_start3A_52 = tpu.memref_slice %arg5[%dma_start3A_51, %mul3A_50] : memref<32x4096xf32, #tpu.memory_space<hbm>> -> memref<32x128xf32, #tpu.memory_space<hbm>>
      %dma_start3A_53 = arith.constant 0 : i32
      %dma_start3A_54 = tpu.memref_slice %arg5[%dma_start3A_53, %mul3A_50] : memref<32x4096xf32, #tpu.memory_space<hbm>> -> memref<32x128xf32, #tpu.memory_space<hbm>>
      tpu.enqueue_dma source(%arg10 : memref<32x128xf32, #tpu.memory_space<vmem>>) target(%dma_start3A_54 : memref<32x128xf32, #tpu.memory_space<hbm>>) target_semaphore(%run_scoped3A : memref<!tpu.dma_semaphore, #tpu.memory_space<semaphore_mem>>)
      %dma_wait3A = arith.constant 0 : i32
      %dma_wait3A_55 = tpu.memref_slice %arg5[%dma_wait3A, %mul3A_50] : memref<32x4096xf32, #tpu.memory_space<hbm>> -> memref<32x128xf32, #tpu.memory_space<hbm>>
      %dma_wait3A_56 = arith.constant 0 : i32
      %dma_wait3A_57 = tpu.memref_slice %arg5[%dma_wait3A_56, %mul3A_50] : memref<32x4096xf32, #tpu.memory_space<hbm>> -> memref<32x128xf32, #tpu.memory_space<hbm>>
      tpu.wait_dma2 semaphore(%run_scoped3A : memref<!tpu.dma_semaphore, #tpu.memory_space<semaphore_mem>>) src(%arg10 : memref<32x128xf32, #tpu.memory_space<vmem>>) dst(%dma_wait3A_57 : memref<32x128xf32, #tpu.memory_space<hbm>>)
      tpu.yield
    }) : () -> ()
    return
  }
}

</mosaic_0001>

<sc_bundles>
// kernel: _run.4.cloned.1.call-start
scs
__scs_entry_jumppad:
0x0: {  	(pc) =	sbr.rel $0x88, $3  }
0x1: {  	(tag) =	ssettag $0x0;
	lr =	simm.s32 $0x1  }
0x2: {  	[smem:$0x3F9F] =	sst lr;
	_ =	strace $0xD0000000  }
0x3: {  	_ = 	snop  }
0x4: {  	_ = 	snop  }
0x5: {  	_ = 	snop  }
0x6: {  	_ = 	snop  }
0x7: {  	_ = 	snop  }
__scs_overlays_trampoline_lowered:
0x8: {  	[smem:$0x3FAE] =	sst s0  }
0x9: {  	[smem:$0x3FAF] =	sst s1  }
0xa: {  	[smem:$0x3FB0] =	sst s2  }
0xb: {  	[smem:$0x3FB1] =	sst s3  }
0xc: {  	[smem:$0x3FB2] =	sst s4  }
0xd: {  	[smem:$0x3FB3] =	sst s5  }
0xe: {  	[smem:$0x3FB4] =	sst s6  }
0xf: {  	[smem:$0x3FB5] =	sst s7  }
0x10: {  	[smem:$0x3FB6] =	sst s8  }
0x11: {  	[smem:$0x3FB7] =	sst s9;
	s0 =	simm.s32 @!p0 $0x0  }
0x12: {  	s1 =	sld [smem:$0x3F9D];
	s0 =	simm.s32 @p0 $0x1  }
0x13: {  	[smem:$0x3FB8] =	sst s0;
	s0 =	simm.s32 @!p1 $0x0  }
0x14: {  	s2 =	sld [smem:$0x3F9C];
	s0 =	simm.s32 @p1 $0x1  }
0x15: {  	[smem:$0x3FB9] =	sst s0;
	s0 =	simm.s32 @!p2 $0x0  }
0x16: {  	s3 =	sld [smem:$0x3FDB];
	s0 =	simm.s32 @p2 $0x1  }
0x17: {  	s4 =	simm.s32 $0x1BF5;
	[smem:$0x3FBB] =	sst s0  }
0x18: {  	s0 =	sld [smem:$0x3F9E];
	_ =	swait.ge [sflag:s4], $0x0  }
0x19: {  	s7 =	sld [smem:$0x3F9F]  }
0x1a: {  	s8 =	sadd.s32 $0xFFFFE003, lr  }
0x1b: {  	s9 =	sadd.s32 $0xFFFFFEF7, lr;
	s5 =	simm.s32 $0xFFFFFFFF;
	p2 =	slt.u32 s8, $0xFFFFF086  }
0x1c: {  	p1 =	slt.u32 s9, $0xF7A;
	s5 =	simm.s32 @!p2 $0x0  }
0x1d: {  	s5 =	simm.s32 @p1 $0x1;
	p0 =	seq.s32 s7, s2  }
0x1e: {  	s7 =	smul.u32 @!p0 $0xF7A, s2;
	p2 =	seq.s32 @!p0 s5, $0x0  }
0x1f: {  	s9 =	smul.u32 $0xF7A, s1;
	s8 =	simm.s32 @!p0 $0x1BF5;
	p2 =	por !p2, p0  }
0x20: {  	[sflag:s8] =	ssyncset.s32 @!p0 $0xFFFFF086;
	s6 =	sadd.s32 @!p0 s3, s7;
	s7 =	simm.s32 @!p0 $0x108  }
0x21: {  	s3 =	sadd.s32 s3, s9;
	s6 =	sadd.s32 @!p0 $0x88, s6;
	s7 =	simm.s32 @p2 $0x1082  }
0x22: {  	[simem:s7], [sflag:s8] =	dma.local @!p0 [hbm:s6], $0xF7A  }
0x23: {  	s9 =	sor.u32 $0xD0000000, s2;
	s6 =	simm.s32 $0x108;
	_ =	swait.ge @!p0 [sflag:s8], $0x0  }
0x24: {  	s3 =	sadd.s32 $0x88, s3;
	s6 =	simm.s32 @!p1 $0x1082;
	[sflag:s4] =	ssyncset.s32 $0xFFFFF086  }
0x25: {  	[simem:s6], [sflag:s4] =	dma.local [hbm:s3], $0xF7A  }
0x26: {  	[smem:$0x3F9F] =	sst s1;
	(tag) =	ssettag s2;
	_ =	strace s9  }
0x27: {  	s1 =	sld [smem:$0x3FAF]  }
0x28: {  	s2 =	sld [smem:$0x3FB0]  }
0x29: {  	s4 =	sld [smem:$0x3FB2]  }
0x2a: {  	p0 =	seq.s32 s5, $0x0;
	s5 =	sld [smem:$0x3FB3]  }
0x2b: {  	s6 =	sld [smem:$0x3FB4]  }
0x2c: {  	s7 =	sld [smem:$0x3FB5]  }
0x2d: {  	s3 =	simm.s32 $0x108;
	s8 =	sld [smem:$0x3FB6]  }
0x2e: {  	s3 =	simm.s32 @!p0 $0x1082;
	s9 =	sld [smem:$0x3FB7]  }
0x2f: {  	lr =	sadd.s32 s0, s3;
	s0 =	sld [smem:$0x3FAE]  }
0x30: {  	s3 =	sld [smem:$0x3FB1]  }
0x31: {  	[smem:$0x3FBA] =	sst s10  }
0x32: {  	s10 =	sld [smem:$0x3FB8];
	_ =	sdelay $0x3  }
0x33: {  	p0 =	seq.s32 s10, $0x1;
	s10 =	sld [smem:$0x3FBA];
	_ =	sdelay $0x3  }
0x34: {  	[smem:$0x3FBA] =	sst s10  }
0x35: {  	s10 =	sld [smem:$0x3FB9];
	_ =	sdelay $0x3  }
0x36: {  	p1 =	seq.s32 s10, $0x1;
	s10 =	sld [smem:$0x3FBA];
	_ =	sdelay $0x3  }
0x37: {  	[smem:$0x3FBA] =	sst s10  }
0x38: {  	s10 =	sld [smem:$0x3FBB]  }
0x39: {  	_ = 	snop;
	(pc) =	sbr.ind lr, $3  }
0x3a: {  	_ = 	snop  }
0x3b: {  	_ = 	snop  }
0x3c: {  	p2 =	seq.s32 s10, $0x1;
	s10 =	sld [smem:$0x3FBA]  }
0x3d: {  	_ =	shalt  }
0x3e: {  	_ =	shalt  }
0x3f: {  	_ =	shalt  }
0x40: {  	_ =	shalt  }
0x41: {  	_ =	shalt  }
0x42: {  	_ =	shalt  }
0x43: {  	_ =	shalt  }
0x44: {  	_ =	shalt  }
0x45: {  	_ =	shalt  }
0x46: {  	_ =	shalt  }
0x47: {  	_ =	shalt  }
0x48: {  	_ =	shalt  }
0x49: {  	_ =	shalt  }
0x4a: {  	_ =	shalt  }
0x4b: {  	_ =	shalt  }
0x4c: {  	_ =	shalt  }
0x4d: {  	_ =	shalt  }
0x4e: {  	_ =	shalt  }
0x4f: {  	_ =	shalt  }
0x50: {  	_ =	shalt  }
0x51: {  	_ =	shalt  }
0x52: {  	_ =	shalt  }
0x53: {  	_ =	shalt  }
0x54: {  	_ =	shalt  }
0x55: {  	_ =	shalt  }
0x56: {  	_ =	shalt  }
0x57: {  	_ =	shalt  }
0x58: {  	_ =	shalt  }
0x59: {  	_ =	shalt  }
0x5a: {  	_ =	shalt  }
0x5b: {  	_ =	shalt  }
0x5c: {  	_ =	shalt  }
0x5d: {  	_ =	shalt  }
0x5e: {  	_ =	shalt  }
0x5f: {  	_ =	shalt  }
0x60: {  	_ =	shalt  }
0x61: {  	_ =	shalt  }
0x62: {  	_ =	shalt  }
0x63: {  	_ =	shalt  }
0x64: {  	_ =	shalt  }
0x65: {  	_ =	shalt  }
0x66: {  	_ =	shalt  }
0x67: {  	_ =	shalt  }
0x68: {  	_ =	shalt  }
0x69: {  	_ =	shalt  }
0x6a: {  	_ =	shalt  }
0x6b: {  	_ =	shalt  }
0x6c: {  	_ =	shalt  }
0x6d: {  	_ =	shalt  }
0x6e: {  	_ =	shalt  }
0x6f: {  	_ =	shalt  }
0x70: {  	_ =	shalt  }
0x71: {  	_ =	shalt  }
0x72: {  	_ =	shalt  }
0x73: {  	_ =	shalt  }
0x74: {  	_ =	shalt  }
0x75: {  	_ =	shalt  }
0x76: {  	_ =	shalt  }
0x77: {  	_ =	shalt  }
0x78: {  	_ =	shalt  }
0x79: {  	_ =	shalt  }
0x7a: {  	_ =	shalt  }
0x7b: {  	_ =	shalt  }
0x7c: {  	_ =	shalt  }
0x7d: {  	_ =	shalt  }
0x7e: {  	_ =	shalt  }
0x7f: {  	_ =	shalt  }
0x80: {  	_ =	shalt  }
0x81: {  	_ =	shalt  }
0x82: {  	_ =	shalt  }
0x83: {  	_ =	shalt  }
0x84: {  	_ =	shalt  }
0x85: {  	_ =	shalt  }
0x86: {  	_ =	shalt  }
0x87: {  	_ =	shalt  }
.Lfunc_end0:
.L_simem_size_0:
called_computation_lowered:
.L_overlay_start_0:
0x88: {  	s2 =	sld [smem:$0x3FD9]  }
0x89: {  	s3 =	sld [smem:$0x3FFE];
	_ =	sdelay $0x1  }
0x8a: {  	s1 =	srdreg.scid  }
0x8b: {  	s0 =	sand.u32 $0x1, s1  }
0x8c: {  	s17 =	sshll.u32 s0, $0xA;
	s2 =	sadd.s32 s3, s2  }
0x8d: {  	s2 =	sadd.s32 s2, s17  }
0x8e: {  	[smem:$0x3FC6] =	sst s2  }
0x8f: {  	_ = 	snop  }
0x90: {  	s2 =	sld [smem:$0x3FC8];
	(tm) =	ssettm $0x1  }
0x91: {  	s18 =	sld [smem:$0x3FFB];
	_ =	sdelay $0x3  }
0x92: {  	_ =	strace s18  }
0x93: {  	s3 =	sld [smem:$0x3FFC];
	_ =	sdelay $0x3  }
0x94: {  	_ =	strace s3  }
0x95: {  	s3 =	sld [smem:$0x3FFD];
	_ =	sdelay $0x3  }
0x96: {  	_ =	strace s3  }
0x97: {  	_ =	strace $0x8FFFFFFF  }
0x98: {  	s19 =	sld [smem:$0x3FDB];
	_ =	sdelay $0x1  }
0x99: {  	s4 =	simm.s32 $_scs_section_size  }
0x9a: {  	s5 =	simm.s32 $_size__tile_overlayer_lowered;
	s6 =	simm.s32 $_tile_overlayer_lowered  }
0x9b: {  	s22 =	simm.s32 $0x1BFF;
	s21 =	sshll.u32 s6, $0x1;
	s3 =	sadd.s32 s4, s19  }
0x9c: {  	s7 =	simm.s32 $0x0;
	s20 =	sshll.u32 s5, $0x1;
	s5 =	sadd.s32 s21, s3  }
0x9d: {  	[timem:s7], [sflag:s22] =	dma.local [hbm:s5], s20  }
0x9e: {  	_ =	swait.ge [sflag:s22], s20  }
0x9f: {  	s4 =	ssub.s32 $0x0, s20;
	[sflag:s22] =	ssyncset.done $0x0  }
0xa0: {  	[sflag:s22] =	ssyncadd.s32 s4;
	_ =	sdelay $0x1  }
0xa1: {  	s23 =	simm.s32 $0x1B8B  }
0xa2: {  	_ =	swait.ge [sflag:s23], $0x1  }
0xa3: {  	[sflag:s23] =	ssyncset.done $0x0  }
0xa4: {  	s25 =	simm.s32 $0x1B8E;
	s24 =	sld [smem:$0x3FFE];
	[sflag:s23] =	ssyncadd.s32 $0xFFFFFFFF  }
0xa5: {  	s26 =	simm.s32 $execute0_lowered;
	[smem:$0x3FD2] =	sst s25  }
0xa6: {  	s5 =	sshll.u32 s26, $0x1;
	_ =	strace $0x80000046;
	[dreg:$0x1] =	wrdreg $0xFFFFFFFF  }
0xa7: {  	s28 =	simm.s32 $_size_execute0_lowered;
	s3 =	sadd.s32 s3, s5;
	[dreg:$0x0] =	wrdreg $0x0  }
0xa8: {  	s5 =	sshll.u32 s28, $0x1;
	[dreg:$0x2] =	wrdreg s3  }
0xa9: {  	[dreg:$0x3] =	wrdreg s5  }
0xaa: {  	[dreg:$0x4] =	wrdreg $0xC0  }
0xab: {  	_ =	task [dreg:s7], $0x5FFFF  }
0xac: {  	[dreg:$0x1] =	wrdreg $0xFFFFFFFF  }
0xad: {  	[dreg:$0x0] =	wrdreg $0x60  }
0xae: {  	[dreg:$0x2] =	wrdreg s2  }
0xaf: {  	[dreg:$0x3] =	wrdreg s24  }
0xb0: {  	[dreg:$0x4] =	wrdreg $0x9  }
0xb1: {  	_ =	task.clear_ibuf [dreg:s7], $0x5FFFF;
	_ =	strace $0x90000046  }
0xb2: {  	s29 =	simm.s32 $0x9;
	_ =	strace $0x80000048  }
0xb3: {  	_ =	swait.ge [sflag:s29], $0x1  }
0xb4: {  	[sflag:s29] =	ssyncadd.s32 $0xFFFFFFFF  }
0xb5: {  	_ =	strace $0x90000048  }
0xb6: {  	_ =	sfence  }
0xb7: {  	s30 =	sld [smem:$0x0];
	_ =	sdelay $0x2  }
0xb8: {  	s31 =	sshll.u32 s1, $0xD;
	s1 =	sshrl.u32 s1, $0x2  }
0xb9: {  	s3 =	sand.u32 $0x4000, s31;
	s1 =	sadd.s32 s1, s30  }
0xba: {  	s0 =	sor.u32 s3, s0;
	s1 =	sshll.u32 s1, $0x11  }
0xbb: {  	s0 =	sor.u32 s1, s0  }
0xbc: {  	s0 =	sadd.s32 $0x8F2B, s0  }
0xbd: {  	[sflag:s0] =	ssyncadd.remote.s32 $0x1  }
0xbe: {  	_ =	sfence.sel $0xFFFF  }
0xbf: {  	[dreg:$0x0] =	wrdreg $0xFFFFFFFF;
	(pc) =	sbr.abs _section_cstart, $3  }
0xc0: {  	[dreg:$0x1] =	wrdreg $0xFFFFFFFF  }
0xc1: {  	_ =	task.clear_ibuf [dreg:s7], $0x2FFFF;
	_ =	strace $0x9FFFFFFF  }
0xc2: {  	(tm) =	ssettm $0x7FFFFFFF  }
0xc3: {  	_ =	shalt  }
tec
execute0_lowered:
.L_overlay_start_1:
0x0: {  	(tag) =	ssettag $0x1  }
0x1: {  	v0 =	vimm.s32 $0x1380  }
0x2: {  	vm0 =	vcmask $0x300;
	vm1 =	vcmask $0x704;
	vm2 =	vcmask $0xB08  }
0x3: {  	v1 =	vimm.s32 $0x3380;
	vm3 =	vcmask $0xF0C;
	v0 =	vsel vm0, $0x0, v0  }
0x4: {  	vm15 =	vcmask $0x1310;
	v1 =	vsel vm0, $0x2000, v1;
	v0 =	vsel vm1, $0x80, v0  }
0x5: {  	s0 =	rddreg [dreg:$0x0];
	vm6 =	vcmask $0x1714;
	v1 =	vsel vm1, $0x2080, v1;
	v0 =	vsel vm2, $0x100, v0  }
0x6: {  	s11 =	rddreg [dreg:$0x1];
	vm7 =	vcmask $0x1B18;
	v1 =	vsel vm2, $0x2100, v1;
	v0 =	vsel vm3, $0x180, v0  }
0x7: {  	s4 =	srdreg.scid;
	s1 =	stileid.u32;
	vm8 =	vcmask $0x1F1C;
	v1 =	vsel vm3, $0x2180, v1;
	v0 =	vsel vm15, $0x200, v0  }
0x8: {  	s3 =	simm.s32 $0x0;
	vm9 =	vcmask $0x2320;
	s13 =	simm.s32 $0x1000;
	s14 =	simm.s32 $0x7A1400;
	v1 =	vsel vm15, $0x2200, v1;
	v0 =	vsel vm6, $0x280, v0  }
0x9: {  	vm10 =	vcmask $0x2724;
	s15 =	simm.s32 $0x4000;
	s16 =	simm.s32 $0x1;
	s17 =	simm.s32 $0x8000;
	v1 =	vsel vm6, $0x2280, v1;
	v0 =	vsel vm7, $0x300, v0  }
0xa: {  	vm11 =	vcmask $0x2B28;
	s18 =	simm.s32 $0x2;
	s19 =	simm.s32 $0xC000;
	s20 =	simm.s32 $0x3;
	v1 =	vsel vm7, $0x2300, v1;
	v0 =	vsel vm8, $0x380, v0  }
0xb: {  	vm12 =	vcmask $0x2F2C;
	s21 =	simm.s32 $0x4;
	s22 =	simm.s32 $0x400;
	s23 =	simm.s32 $0x10000;
	v1 =	vsel vm8, $0x2380, v1;
	v0 =	vsel vm9, $0x1000, v0  }
0xc: {  	vm13 =	vcmask $0x3330;
	s24 =	simm.s32 $0x5;
	s25 =	simm.s32 $0x0;
	s5 =	sand.u32 $0x1, s4;
	v1 =	vsel vm9, $0x3000, v1;
	v0 =	vsel vm10, $0x1080, v0  }
0xd: {  	vm14 =	vcmask $0x3734;
	s31 =	sshll.u32 s1, $0x1;
	[smem:$0x7FF] =	sst s3;
	s10 =	sadd.s32 $0xF4200, s0;
	v1 =	vsel vm10, $0x3080, v1;
	v0 =	vsel vm11, $0x1100, v0  }
.Ltmp0:
0xe: {  	s4 =	sor.u32 s5, s31;
	_ =	strace $0x80000047;
	vm15 =	vcmask $0x3B38;
	v1 =	vsel vm11, $0x3100, v1;
	v0 =	vsel vm12, $0x1180, v0;
	(pc) =	sbr.rel .LBB2_1-.Ltmp0, $4  }
0xf: {  	s7 =	ssub.s32 $0x2, s5;
	s5 =	sadd.s32 $0xC00, s11;
	s11 =	sadd.s32 $0x3D1400, s11;
	v1 =	vsel vm12, $0x3180, v1;
	v2 =	vsel vm13, $0x1200, v0;
	v0 =	vlaneseq.u32  }
0x10: {  	s6 =	sshll.u32 s4, $0x9;
	s8 =	sshrl.u32 s7, $0x1;
	s9 =	sor.u32 $0x60, s4;
	v4 =	vsel vm13, $0x3200, v1;
	v3 =	vsel vm14, $0x1280, v2;
	v1 =	vmul.u32 $0x80, v0  }
0x11: {  	p0 =	sne.s32 s4, $0x1F;
	s6 =	sadd.s32 s0, s6;
	s12 =	ssub.s32 s7, s8;
	v2 =	vmul.u32 $0x9, v0;
	v4 =	vsel vm14, $0x3280, v4;
	v5 =	vor.u32 $0x10, v0  }
0x12: {  	s8 =	sor.u32 $0x40, s4;
	s7 =	sadd.s32 $0x4000, s6;
	s12 =	smax.u32 s12, $0x1;
	v3 =	vsel vm15, $0x1300, v3;
	v4 =	vsel vm15, $0x3300, v4;
	v6 =	vor.u32 $0x800, v1  }
.LBB2_13:
0x13: {  	s25 =	sadd.s32 $0x1, s25  }
0x14: {  	p1 =	sne.s32 s25, s12  }
.Ltmp1:
0x15: {  	_ = 	snop;
	(pc) =	sbr.rel @!p1 .LBB2_14-.Ltmp1, $1  }
0x16: {  	_ =	sdelay $0x3  }
.LBB2_1:
.Ltmp2:
0x17: {  	(pc) =	sbr.rel .LBB2_2-.Ltmp2, $4  }
0x18: {  	_ = 	snop  }
0x19: {  	[tilespmem:s3], [sflag:$0x1] =	stream.strided.gather [hbm4b:s6+s13], $0x4000, s14, s13, $0x38;
	[tilespmem:$0x11000] =	vst v63  }
0x1a: {  	s26 =	simm.s32 $0x0  }
0x1b: {  	[tilespmem:s15], [sflag:$0x2] =	stream.strided.gather [hbm4b:s7+s13], $0x4000, s14, s13, $0x38;
	[tilespmem:$0x11000] =	vst v63  }
.LBB2_8:
0x1c: {  	s26 =	sadd.s32 $0x1, s26  }
0x1d: {  	p1 =	sne.s32 s26, $0x1F  }
.Ltmp3:
0x1e: {  	_ = 	snop;
	(pc) =	sbr.rel @!p1 .LBB2_9-.Ltmp3, $1  }
0x1f: {  	_ =	sdelay $0x3  }
.LBB2_2:
0x20: {  	s28 =	simm.s32 $0x0  }
0x21: {  	v9 =	vadd.s32 s28, v2  }
0x22: {  	v7 =	vshll.u32 v9, $0x3  }
0x23: {  	v8 =	vand.u32 $0x7F, v9;
	v7 =	vand.u32 $0xC00, v7  }
0x24: {  	_ =	swait.ge [sflag:s16], $0x4000;
	v7 =	vor.u32 v8, v7  }
0x25: {  	p1 =	seq.s32 s26, $0x0;
	[sflag:s16] =	ssyncset.done $0x0;
	v12 =	vor.u32 v3, v7  }
0x26: {  	s29 =	simm.s32 @!p1 $0x3;
	[sflag:s16] =	ssyncadd.s32 $0xFFFFC000;
	v10 =	vshll.u32 v9, $0x5;
	v11 =	vshll.u32 v9, $0x1;
	v8 =	vor.u32 v4, v7  }
0x27: {  	s28 =	simm.s32 $0x1;
	v9 =	vshrl.u32 v9, $0x2;
	_ =	swait.ge @!p1 [sflag:s29], $0x4000;
	v13 =	vand.u32 $0x60, v10;
	v11 =	vand.u32 $0x38, v11  }
0x28: {  	v15 =	vand.u32 $0x7F, v9;
	[sflag:s29] =	ssyncset.done @!p1 $0x0;
	v14 =	vadd.s32 v13, v11;
	v7 =	vadd.s32 s28, v2  }
0x29: {  	s28 =	sshll.u32 s26, $0x6;
	[sflag:s29] =	ssyncadd.s32 @!p1 $0xFFFFC000;
	v13 =	vadd.s32 v0, v14;
	v14 =	vadd.s32 v5, v14;
	v10 =	vand.u32 $0x7F, v7  }
0x2a: {  	s31 =	simm.s32 $0x2;
	v11 =	vshll.u32 v7, $0x3;
	s29 =	sor.u32 s4, s28;
	s30 =	sadd.s32 s8, s28;
	v13 =	vand.u32 $0x7F, v13;
	v9 =	vld.idx.msk [tilespmem:v12+s3+$0x0], $0xffff;
	v12 =	vshll.u32 v15, $0x7  }
.LBB2_3:
0x2b: {  	p2 =	sne.s32 s31, $0x1FF;
	v11 =	vand.u32 $0xC00, v11;
	v15 =	vld.idx.msk [tilespmem:v8+s3+$0x0], $0xffff;
	v13 =	vor.u32 v12, v13;
	v8 =	vand.u32 $0x7F, v14  }
0x2c: {  	v10 =	vor.u32 v10, v11;
	v12 =	vor.u32 v12, v8  }
0x2d: {  	v14 =	vor.u32 v3, v10  }
.Ltmp4:
0x2e: {  	v16 =	vshll.u32 v7, $0x1;
	v11 =	vshll.u32 v7, $0x5;
	v8 =	vor.u32 v4, v10;
	(pc) =	sbr.rel @p2 .LBB2_3-.Ltmp4, $4  }
0x2f: {  	v17 =	vadd.s32 s31, v2;
	v16 =	vand.u32 $0x38, v16;
	v11 =	vand.u32 $0x60, v11  }
0x30: {  	v18 =	vshrl.u32 v7, $0x2;
	v7 =	vmovc v17;
	v10 =	vand.u32 $0x7F, v17;
	v16 =	vadd.s32 v11, v16;
	[tilespmem:v13+s17+$0x0] =	vst.idx.msk $0xffff, v9  }
0x31: {  	v17 =	vand.u32 $0x7F, v18;
	v11 =	vshll.u32 v7, $0x3;
	v13 =	vadd.s32 v0, v16;
	[tilespmem:v12+s17+$0x0] =	vst.idx.msk $0xffff, v15  }
0x32: {  	s31 =	sadd.s32 $0x1, s31;
	v13 =	vand.u32 $0x7F, v13;
	v12 =	vshll.u32 v17, $0x7;
	v9 =	vld.idx.msk [tilespmem:v14+s3+$0x0], $0xffff;
	v14 =	vadd.s32 v5, v16  }
0x33: {  	_ =	sdelay $0x2  }
0x34: {  	v11 =	vand.u32 $0xC00, v11;
	v13 =	vor.u32 v12, v13;
	v14 =	vand.u32 $0x7F, v14  }
0x35: {  	v8 =	vld.idx.msk [tilespmem:v8+s3+$0x0], $0xffff;
	v10 =	vor.u32 v10, v11;
	v59 =	vor.u32 v12, v14  }
0x36: {  	v61 =	vshll.u32 v7, $0x5;
	v15 =	vshll.u32 v7, $0x1;
	v60 =	vor.u32 v3, v10  }
0x37: {  	v14 =	vand.u32 $0x60, v61;
	v15 =	vand.u32 $0x38, v15;
	v10 =	vor.u32 v4, v10  }
0x38: {  	v7 =	vshrl.u32 v7, $0x2;
	v14 =	vadd.s32 v14, v15  }
0x39: {  	v7 =	vand.u32 $0x7F, v7;
	v62 =	vadd.s32 v0, v14;
	[tilespmem:v13+s17+$0x0] =	vst.idx.msk $0xffff, v9  }
0x3a: {  	v7 =	vshll.u32 v7, $0x7;
	v63 =	vadd.s32 v5, v14;
	[tilespmem:v59+s17+$0x0] =	vst.idx.msk $0xffff, v8;
	v8 =	vand.u32 $0x7F, v62  }
0x3b: {  	v9 =	vand.u32 $0x7F, v63;
	v11 =	vld.idx.msk [tilespmem:v60+s3+$0x0], $0xffff;
	v8 =	vor.u32 v7, v8  }
0x3c: {  	v10 =	vld.idx.msk [tilespmem:v10+s3+$0x0], $0xffff;
	v7 =	vor.u32 v7, v9;
	_ =	sdelay $0x3  }
0x3d: {  	s31 =	sshll.u32 s29, $0xB;
	p2 =	sgt.u32 s30, $0x7A0;
	s29 =	sor.u32 $0x20, s29;
	[tilespmem:v8+s17+$0x0] =	vst.idx.msk $0xffff, v11  }
0x3e: {  	s31 =	sadd.s32 s5, s31;
	s30 =	sshll.u32 @!p2 s30, $0x9;
	s1 =	simm.s32 @!p2 $0x7A1400;
	[tilespmem:v7+s17+$0x0] =	vst.idx.msk $0xffff, v10  }
0x3f: {  	[hbm4b:s31+s3] =	stream.linear.scatter [tilespmem:s17], [sflag:$0x3], $0x4000, $0x38;
	[tilespmem:$0x11000] =	vst v63  }
0x40: {  	s2 =	simm.s32 @!p2 $0x0;
	s30 =	sadd.s32 @!p2 s0, s30;
	s31 =	simm.s32 @!p2 $0x1000  }
0x41: {  	[tilespmem:s2], [sflag:$0x1] =	stream.strided.gather @!p2 [hbm4b:s30+s31], $0x4000, s1, s31, $0x38;
	[tilespmem:$0x11000] =	vst v63  }
0x42: {  	p2 =	sgt.u32 s29, $0x7A0  }
.Ltmp5:
0x43: {  	_ = 	snop;
	(pc) =	sbr.rel @p2 .LBB2_8-.Ltmp5, $1  }
0x44: {  	_ =	sdelay $0x3  }
0x45: {  	s1 =	simm.s32 $0x0  }
0x46: {  	v9 =	vadd.s32 s1, v2  }
0x47: {  	v7 =	vshll.u32 v9, $0x3  }
0x48: {  	v8 =	vand.u32 $0x7F, v9;
	v7 =	vand.u32 $0xC00, v7  }
0x49: {  	_ =	swait.ge [sflag:s18], $0x4000;
	v8 =	vor.u32 v8, v7  }
0x4a: {  	[sflag:s18] =	ssyncset.done $0x0;
	v12 =	vor.u32 v3, v8  }
0x4b: {  	s1 =	simm.s32 @!p1 $0x4;
	[sflag:s18] =	ssyncadd.s32 $0xFFFFC000;
	v10 =	vshll.u32 v9, $0x5;
	v11 =	vshll.u32 v9, $0x1;
	v8 =	vor.u32 v4, v8  }
0x4c: {  	s31 =	simm.s32 $0x1;
	v9 =	vshrl.u32 v9, $0x2;
	_ =	swait.ge @!p1 [sflag:s1], $0x4000;
	v13 =	vand.u32 $0x60, v10;
	v11 =	vand.u32 $0x38, v11  }
0x4d: {  	v15 =	vand.u32 $0x7F, v9;
	v7 =	vadd.s32 s31, v2;
	[sflag:s1] =	ssyncset.done @!p1 $0x0;
	v14 =	vadd.s32 v13, v11  }
0x4e: {  	v10 =	vand.u32 $0x7F, v7;
	[sflag:s1] =	ssyncadd.s32 @!p1 $0xFFFFC000;
	v11 =	vshll.u32 v7, $0x3;
	v13 =	vadd.s32 v0, v14  }
0x4f: {  	s28 =	sadd.s32 s9, s28;
	s30 =	simm.s32 $0x2;
	v14 =	vadd.s32 v5, v14;
	v13 =	vand.u32 $0x7F, v13;
	v9 =	vld.idx.msk [tilespmem:v12+s15+$0x0], $0xffff;
	v12 =	vshll.u32 v15, $0x7  }
.LBB2_6:
0x50: {  	p1 =	sne.s32 s30, $0x1FF;
	v11 =	vand.u32 $0xC00, v11;
	v15 =	vld.idx.msk [tilespmem:v8+s15+$0x0], $0xffff;
	v13 =	vor.u32 v12, v13;
	v8 =	vand.u32 $0x7F, v14  }
0x51: {  	v10 =	vor.u32 v10, v11;
	v12 =	vor.u32 v12, v8  }
0x52: {  	v14 =	vor.u32 v3, v10  }
.Ltmp6:
0x53: {  	v16 =	vshll.u32 v7, $0x1;
	v11 =	vshll.u32 v7, $0x5;
	v8 =	vor.u32 v4, v10;
	(pc) =	sbr.rel @p1 .LBB2_6-.Ltmp6, $4  }
0x54: {  	v17 =	vadd.s32 s30, v2;
	v16 =	vand.u32 $0x38, v16;
	v11 =	vand.u32 $0x60, v11  }
0x55: {  	v18 =	vshrl.u32 v7, $0x2;
	v7 =	vmovc v17;
	v10 =	vand.u32 $0x7F, v17;
	v16 =	vadd.s32 v11, v16;
	[tilespmem:v13+s19+$0x0] =	vst.idx.msk $0xffff, v9  }
0x56: {  	v17 =	vand.u32 $0x7F, v18;
	v11 =	vshll.u32 v7, $0x3;
	v13 =	vadd.s32 v0, v16;
	[tilespmem:v12+s19+$0x0] =	vst.idx.msk $0xffff, v15  }
0x57: {  	s30 =	sadd.s32 $0x1, s30;
	v13 =	vand.u32 $0x7F, v13;
	v12 =	vshll.u32 v17, $0x7;
	v9 =	vld.idx.msk [tilespmem:v14+s15+$0x0], $0xffff;
	v14 =	vadd.s32 v5, v16  }
0x58: {  	_ =	sdelay $0x2  }
0x59: {  	v11 =	vand.u32 $0xC00, v11;
	v13 =	vor.u32 v12, v13;
	v14 =	vand.u32 $0x7F, v14  }
0x5a: {  	v8 =	vld.idx.msk [tilespmem:v8+s15+$0x0], $0xffff;
	v10 =	vor.u32 v10, v11;
	v59 =	vor.u32 v12, v14  }
0x5b: {  	v61 =	vshll.u32 v7, $0x5;
	v15 =	vshll.u32 v7, $0x1;
	v60 =	vor.u32 v3, v10  }
0x5c: {  	v14 =	vand.u32 $0x60, v61;
	v15 =	vand.u32 $0x38, v15;
	v10 =	vor.u32 v4, v10  }
0x5d: {  	v7 =	vshrl.u32 v7, $0x2;
	v14 =	vadd.s32 v14, v15  }
0x5e: {  	v7 =	vand.u32 $0x7F, v7;
	v62 =	vadd.s32 v0, v14;
	[tilespmem:v13+s19+$0x0] =	vst.idx.msk $0xffff, v9  }
0x5f: {  	v7 =	vshll.u32 v7, $0x7;
	v63 =	vadd.s32 v5, v14;
	[tilespmem:v59+s19+$0x0] =	vst.idx.msk $0xffff, v8;
	v8 =	vand.u32 $0x7F, v62  }
0x60: {  	v9 =	vand.u32 $0x7F, v63;
	v11 =	vld.idx.msk [tilespmem:v60+s15+$0x0], $0xffff;
	v8 =	vor.u32 v7, v8  }
0x61: {  	v10 =	vld.idx.msk [tilespmem:v10+s15+$0x0], $0xffff;
	v7 =	vor.u32 v7, v9;
	_ =	sdelay $0x3  }
0x62: {  	s1 =	sshll.u32 s29, $0xB;
	[tilespmem:v8+s19+$0x0] =	vst.idx.msk $0xffff, v11  }
.Ltmp7:
0x63: {  	p1 =	sgt.u32 s28, $0x7A0;
	s1 =	sadd.s32 s5, s1;
	[tilespmem:v7+s19+$0x0] =	vst.idx.msk $0xffff, v10;
	(pc) =	sbr.rel .LBB2_8-.Ltmp7, $4  }
0x64: {  	[hbm4b:s1+s3] =	stream.linear.scatter [tilespmem:s19], [sflag:$0x4], $0x4000, $0x38;
	[tilespmem:$0x11000] =	vst v63  }
0x65: {  	s2 =	simm.s32 @!p1 $0x1000;
	s1 =	sshll.u32 @!p1 s28, $0x9  }
0x66: {  	s29 =	simm.s32 @!p1 $0x4000;
	s28 =	simm.s32 @!p1 $0x7A1400;
	s1 =	sadd.s32 @!p1 s0, s1  }
0x67: {  	[tilespmem:s29], [sflag:$0x2] =	stream.strided.gather @!p1 [hbm4b:s1+s2], $0x4000, s28, s2, $0x38;
	[tilespmem:$0x11000] =	vst v63  }
.LBB2_9:
0x68: {  	_ =	swait.ge [sflag:s20], $0x4000  }
.Ltmp8:
0x69: {  	[sflag:s20] =	ssyncset.done $0x0;
	(pc) =	sbr.rel @p0 .LBB2_13-.Ltmp8, $4  }
0x6a: {  	[sflag:s20] =	ssyncadd.s32 $0xFFFFC000  }
0x6b: {  	_ =	swait.ge [sflag:s21], $0x4000  }
0x6c: {  	[sflag:s21] =	ssyncset.done $0x0  }
0x6d: {  	[sflag:s21] =	ssyncadd.s32 $0xFFFFC000  }
0x6e: {  	s1 =	simm.s32 $0x0  }
0x6f: {  	v7 =	vadd.s32 s1, v2  }
0x70: {  	v8 =	vand.u32 $0x3F, v7  }
0x71: {  	v10 =	vshll.u32 v7, $0x5;
	v7 =	vshll.u32 v7, $0x1;
	v9 =	vor.u32 v1, v8  }
0x72: {  	[tilespmem:s23], [sflag:$0x5] =	stream.strided.gather [hbm4b:s10+s22], $0x1000, s14, s22, $0x38;
	v11 =	vor.u32 v6, v8;
	v10 =	vand.u32 $0x60, v10;
	v7 =	vand.u32 $0x38, v7;
	[tilespmem:$0x11000] =	vst v63  }
0x73: {  	_ =	swait.ge [sflag:s24], $0x1000;
	v7 =	vadd.s32 v10, v7  }
0x74: {  	[sflag:s24] =	ssyncset.done $0x0;
	v8 =	vshll.u32 v8, $0x5;
	v10 =	vadd.s32 v0, v7  }
0x75: {  	s31 =	simm.s32 $0x1;
	[sflag:s24] =	ssyncadd.s32 $0xFFFFF000;
	v14 =	vand.u32 $0xFFFFFF80, v8;
	v13 =	vadd.s32 v5, v7;
	v10 =	vand.u32 $0x7F, v10  }
0x76: {  	v12 =	vadd.s32 s31, v2;
	v13 =	vand.u32 $0x7F, v13;
	v10 =	vor.u32 v14, v10;
	v7 =	vld.idx.msk [tilespmem:v9+s23+$0x0], $0xffff  }
0x77: {  	s26 =	simm.s32 $0x2;
	v8 =	vld.idx.msk [tilespmem:v11+s23+$0x0], $0xffff;
	v9 =	vand.u32 $0x3F, v12;
	v11 =	vor.u32 v14, v13  }
.LBB2_11:
0x78: {  	p1 =	sne.s32 s26, $0x3F;
	v13 =	vor.u32 v1, v9  }
0x79: {  	v14 =	vshll.u32 v12, $0x5;
	v12 =	vshll.u32 v12, $0x1;
	v15 =	vor.u32 v6, v9  }
0x7a: {  	v14 =	vand.u32 $0x60, v14;
	v12 =	vand.u32 $0x38, v12  }
.Ltmp9:
0x7b: {  	v12 =	vadd.s32 v14, v12;
	[tilespmem:v10+s19+$0x0] =	vst.idx.msk $0xffff, v7;
	(pc) =	sbr.rel @p1 .LBB2_11-.Ltmp9, $4  }
0x7c: {  	v9 =	vshll.u32 v9, $0x5;
	v10 =	vadd.s32 v0, v12;
	[tilespmem:v11+s19+$0x0] =	vst.idx.msk $0xffff, v8  }
0x7d: {  	v10 =	vand.u32 $0x7F, v10;
	v11 =	vand.u32 $0xFFFFFF80, v9;
	v9 =	vadd.s32 v5, v12;
	v7 =	vld.idx.msk [tilespmem:v13+s23+$0x0], $0xffff  }
0x7e: {  	v12 =	vadd.s32 s26, v2;
	v10 =	vor.u32 v11, v10;
	v13 =	vand.u32 $0x7F, v9;
	v8 =	vld.idx.msk [tilespmem:v15+s23+$0x0], $0xffff  }
0x7f: {  	s26 =	sadd.s32 $0x1, s26;
	v9 =	vand.u32 $0x3F, v12;
	v11 =	vor.u32 v11, v13  }
0x80: {  	_ = 	snop  }
0x81: {  	v13 =	vor.u32 v1, v9;
	v14 =	vshll.u32 v12, $0x5;
	v61 =	vshll.u32 v12, $0x1  }
0x82: {  	v15 =	vor.u32 v6, v9;
	v14 =	vand.u32 $0x60, v14;
	v12 =	vand.u32 $0x38, v61  }
0x83: {  	v12 =	vadd.s32 v14, v12  }
0x84: {  	v62 =	vshll.u32 v9, $0x5;
	[tilespmem:v10+s19+$0x0] =	vst.idx.msk $0xffff, v7;
	v7 =	vadd.s32 v0, v12  }
0x85: {  	[tilespmem:v11+s19+$0x0] =	vst.idx.msk $0xffff, v8;
	v8 =	vand.u32 $0xFFFFFF80, v62;
	v63 =	vadd.s32 v5, v12;
	v7 =	vand.u32 $0x7F, v7  }
0x86: {  	v9 =	vand.u32 $0x7F, v63;
	v10 =	vld.idx.msk [tilespmem:v13+s23+$0x0], $0xffff;
	v7 =	vor.u32 v8, v7  }
0x87: {  	v11 =	vld.idx.msk [tilespmem:v15+s23+$0x0], $0xffff;
	v8 =	vor.u32 v8, v9;
	_ =	sdelay $0x3  }
0x88: {  	[tilespmem:v7+s19+$0x0] =	vst.idx.msk $0xffff, v10  }
.Ltmp10:
0x89: {  	[tilespmem:v8+s19+$0x0] =	vst.idx.msk $0xffff, v11;
	(pc) =	sbr.rel .LBB2_13-.Ltmp10, $4  }
0x8a: {  	[hbm4b:s11+s3] =	stream.linear.scatter [tilespmem:s19], [sflag:$0x5], $0x800, $0x38;
	[tilespmem:$0x11000] =	vst v63  }
0x8b: {  	_ =	swait.ge [sflag:s24], $0x800  }
0x8c: {  	[sflag:s24] =	ssyncset.done $0x0  }
0x8d: {  	[sflag:s24] =	ssyncadd.s32 $0xFFFFF800  }
.LBB2_14:
0x8e: {  	_ =	sfence.sel $0x180000  }
0x8f: {  	[bflag:$0x0] =	sbarrier.arrive $0xFFFF  }
0x90: {  	_ =	strace $0x90000047  }
0x91: {  	s0 =	stileid.u32;
	[bflag:$0x2] =	sbarrier.arrive $0xFFFF  }
0x92: {  	p0 =	sne.s32 s0, $0x0;
	s0 =	rddreg [dreg:$0x2]  }
0x93: {  	s0 =	sadd.s32 @!p0 $0x100000, s0  }
0x94: {  	[sflag:s0] =	ssyncadd.tile.s32 @!p0 $0x1;
	_ =	shalt  }
.Lfunc_end2:
_tile_overlayer_lowered:
.L_overlay_start_2:
0x95: {  	(tag) =	ssettag $0x2  }
0x96: {  	s0 =	rddreg [dreg:$0x0];
	s2 =	stileid.u32  }
0x97: {  	s1 =	rddreg [dreg:$0x1];
	p0 =	sne.s32 s2, $0x0  }
0x98: {  	s3 =	rddreg [dreg:$0x2];
	[bflag:$0x3] =	sbarrier.arrive $0xFFFF;
	s2 =	simm.s32 @!p0 $0x1C05  }
0x99: {  	[timem:s3], [sflag:s2] =	dma.local @!p0 [hbm:s0], s1  }
0x9a: {  	s0 =	simm.s32 @!p0 $0x5  }
0x9b: {  	_ =	swait.ge @!p0 [sflag:s0], s1  }
0x9c: {  	s1 =	ssub.s32 @!p0 $0x0, s1;
	[sflag:s0] =	ssyncset.done @!p0 $0x0  }
0x9d: {  	[sflag:s0] =	ssyncadd.s32 @!p0 s1  }
0x9e: {  	[bflag:$0x3] =	sbarrier.arrive $0xFFFF  }
0x9f: {  	_ =	shalt  }

// kernel: _run.7.cloned.1.call-start
scs
__scs_entry_jumppad:
0x0: {  	(pc) =	sbr.rel $0x88, $3  }
0x1: {  	(tag) =	ssettag $0x0;
	lr =	simm.s32 $0x1  }
0x2: {  	[smem:$0x3F9F] =	sst lr;
	_ =	strace $0xD0000000  }
0x3: {  	_ = 	snop  }
0x4: {  	_ = 	snop  }
0x5: {  	_ = 	snop  }
0x6: {  	_ = 	snop  }
0x7: {  	_ = 	snop  }
__scs_overlays_trampoline_lowered:
0x8: {  	[smem:$0x3FAE] =	sst s0  }
0x9: {  	[smem:$0x3FAF] =	sst s1  }
0xa: {  	[smem:$0x3FB0] =	sst s2  }
0xb: {  	[smem:$0x3FB1] =	sst s3  }
0xc: {  	[smem:$0x3FB2] =	sst s4  }
0xd: {  	[smem:$0x3FB3] =	sst s5  }
0xe: {  	[smem:$0x3FB4] =	sst s6  }
0xf: {  	[smem:$0x3FB5] =	sst s7  }
0x10: {  	[smem:$0x3FB6] =	sst s8  }
0x11: {  	[smem:$0x3FB7] =	sst s9;
	s0 =	simm.s32 @!p0 $0x0  }
0x12: {  	s1 =	sld [smem:$0x3F9D];
	s0 =	simm.s32 @p0 $0x1  }
0x13: {  	[smem:$0x3FB8] =	sst s0;
	s0 =	simm.s32 @!p1 $0x0  }
0x14: {  	s2 =	sld [smem:$0x3F9C];
	s0 =	simm.s32 @p1 $0x1  }
0x15: {  	[smem:$0x3FB9] =	sst s0;
	s0 =	simm.s32 @!p2 $0x0  }
0x16: {  	s3 =	sld [smem:$0x3FDB];
	s0 =	simm.s32 @p2 $0x1  }
0x17: {  	s4 =	simm.s32 $0x1BF5;
	[smem:$0x3FBB] =	sst s0  }
0x18: {  	s0 =	sld [smem:$0x3F9E];
	_ =	swait.ge [sflag:s4], $0x0  }
0x19: {  	s7 =	sld [smem:$0x3F9F]  }
0x1a: {  	s8 =	sadd.s32 $0xFFFFE003, lr  }
0x1b: {  	s9 =	sadd.s32 $0xFFFFFEF7, lr;
	s5 =	simm.s32 $0xFFFFFFFF;
	p2 =	slt.u32 s8, $0xFFFFF086  }
0x1c: {  	p1 =	slt.u32 s9, $0xF7A;
	s5 =	simm.s32 @!p2 $0x0  }
0x1d: {  	s5 =	simm.s32 @p1 $0x1;
	p0 =	seq.s32 s7, s2  }
0x1e: {  	s7 =	smul.u32 @!p0 $0xF7A, s2;
	p2 =	seq.s32 @!p0 s5, $0x0  }
0x1f: {  	s9 =	smul.u32 $0xF7A, s1;
	s8 =	simm.s32 @!p0 $0x1BF5;
	p2 =	por !p2, p0  }
0x20: {  	[sflag:s8] =	ssyncset.s32 @!p0 $0xFFFFF086;
	s6 =	sadd.s32 @!p0 s3, s7;
	s7 =	simm.s32 @!p0 $0x108  }
0x21: {  	s3 =	sadd.s32 s3, s9;
	s6 =	sadd.s32 @!p0 $0x88, s6;
	s7 =	simm.s32 @p2 $0x1082  }
0x22: {  	[simem:s7], [sflag:s8] =	dma.local @!p0 [hbm:s6], $0xF7A  }
0x23: {  	s9 =	sor.u32 $0xD0000000, s2;
	s6 =	simm.s32 $0x108;
	_ =	swait.ge @!p0 [sflag:s8], $0x0  }
0x24: {  	s3 =	sadd.s32 $0x88, s3;
	s6 =	simm.s32 @!p1 $0x1082;
	[sflag:s4] =	ssyncset.s32 $0xFFFFF086  }
0x25: {  	[simem:s6], [sflag:s4] =	dma.local [hbm:s3], $0xF7A  }
0x26: {  	[smem:$0x3F9F] =	sst s1;
	(tag) =	ssettag s2;
	_ =	strace s9  }
0x27: {  	s1 =	sld [smem:$0x3FAF]  }
0x28: {  	s2 =	sld [smem:$0x3FB0]  }
0x29: {  	s4 =	sld [smem:$0x3FB2]  }
0x2a: {  	p0 =	seq.s32 s5, $0x0;
	s5 =	sld [smem:$0x3FB3]  }
0x2b: {  	s6 =	sld [smem:$0x3FB4]  }
0x2c: {  	s7 =	sld [smem:$0x3FB5]  }
0x2d: {  	s3 =	simm.s32 $0x108;
	s8 =	sld [smem:$0x3FB6]  }
0x2e: {  	s3 =	simm.s32 @!p0 $0x1082;
	s9 =	sld [smem:$0x3FB7]  }
0x2f: {  	lr =	sadd.s32 s0, s3;
	s0 =	sld [smem:$0x3FAE]  }
0x30: {  	s3 =	sld [smem:$0x3FB1]  }
0x31: {  	[smem:$0x3FBA] =	sst s10  }
0x32: {  	s10 =	sld [smem:$0x3FB8];
	_ =	sdelay $0x3  }
0x33: {  	p0 =	seq.s32 s10, $0x1;
	s10 =	sld [smem:$0x3FBA];
	_ =	sdelay $0x3  }
0x34: {  	[smem:$0x3FBA] =	sst s10  }
0x35: {  	s10 =	sld [smem:$0x3FB9];
	_ =	sdelay $0x3  }
0x36: {  	p1 =	seq.s32 s10, $0x1;
	s10 =	sld [smem:$0x3FBA];
	_ =	sdelay $0x3  }
0x37: {  	[smem:$0x3FBA] =	sst s10  }
0x38: {  	s10 =	sld [smem:$0x3FBB]  }
0x39: {  	_ = 	snop;
	(pc) =	sbr.ind lr, $3  }
0x3a: {  	_ = 	snop  }
0x3b: {  	_ = 	snop  }
0x3c: {  	p2 =	seq.s32 s10, $0x1;
	s10 =	sld [smem:$0x3FBA]  }
0x3d: {  	_ =	shalt  }
0x3e: {  	_ =	shalt  }
0x3f: {  	_ =	shalt  }
0x40: {  	_ =	shalt  }
0x41: {  	_ =	shalt  }
0x42: {  	_ =	shalt  }
0x43: {  	_ =	shalt  }
0x44: {  	_ =	shalt  }
0x45: {  	_ =	shalt  }
0x46: {  	_ =	shalt  }
0x47: {  	_ =	shalt  }
0x48: {  	_ =	shalt  }
0x49: {  	_ =	shalt  }
0x4a: {  	_ =	shalt  }
0x4b: {  	_ =	shalt  }
0x4c: {  	_ =	shalt  }
0x4d: {  	_ =	shalt  }
0x4e: {  	_ =	shalt  }
0x4f: {  	_ =	shalt  }
0x50: {  	_ =	shalt  }
0x51: {  	_ =	shalt  }
0x52: {  	_ =	shalt  }
0x53: {  	_ =	shalt  }
0x54: {  	_ =	shalt  }
0x55: {  	_ =	shalt  }
0x56: {  	_ =	shalt  }
0x57: {  	_ =	shalt  }
0x58: {  	_ =	shalt  }
0x59: {  	_ =	shalt  }
0x5a: {  	_ =	shalt  }
0x5b: {  	_ =	shalt  }
0x5c: {  	_ =	shalt  }
0x5d: {  	_ =	shalt  }
0x5e: {  	_ =	shalt  }
0x5f: {  	_ =	shalt  }
0x60: {  	_ =	shalt  }
0x61: {  	_ =	shalt  }
0x62: {  	_ =	shalt  }
0x63: {  	_ =	shalt  }
0x64: {  	_ =	shalt  }
0x65: {  	_ =	shalt  }
0x66: {  	_ =	shalt  }
0x67: {  	_ =	shalt  }
0x68: {  	_ =	shalt  }
0x69: {  	_ =	shalt  }
0x6a: {  	_ =	shalt  }
0x6b: {  	_ =	shalt  }
0x6c: {  	_ =	shalt  }
0x6d: {  	_ =	shalt  }
0x6e: {  	_ =	shalt  }
0x6f: {  	_ =	shalt  }
0x70: {  	_ =	shalt  }
0x71: {  	_ =	shalt  }
0x72: {  	_ =	shalt  }
0x73: {  	_ =	shalt  }
0x74: {  	_ =	shalt  }
0x75: {  	_ =	shalt  }
0x76: {  	_ =	shalt  }
0x77: {  	_ =	shalt  }
0x78: {  	_ =	shalt  }
0x79: {  	_ =	shalt  }
0x7a: {  	_ =	shalt  }
0x7b: {  	_ =	shalt  }
0x7c: {  	_ =	shalt  }
0x7d: {  	_ =	shalt  }
0x7e: {  	_ =	shalt  }
0x7f: {  	_ =	shalt  }
0x80: {  	_ =	shalt  }
0x81: {  	_ =	shalt  }
0x82: {  	_ =	shalt  }
0x83: {  	_ =	shalt  }
0x84: {  	_ =	shalt  }
0x85: {  	_ =	shalt  }
0x86: {  	_ =	shalt  }
0x87: {  	_ =	shalt  }
.Lfunc_end0:
.L_simem_size_0:
called_computation.1_lowered:
.L_overlay_start_0:
0x88: {  	s2 =	sld [smem:$0x3FD9]  }
0x89: {  	s3 =	sld [smem:$0x3FFE];
	_ =	sdelay $0x1  }
0x8a: {  	s1 =	srdreg.scid  }
0x8b: {  	s0 =	sand.u32 $0x1, s1  }
0x8c: {  	s17 =	sshll.u32 s0, $0xA;
	s2 =	sadd.s32 s3, s2  }
0x8d: {  	s2 =	sadd.s32 s2, s17  }
0x8e: {  	[smem:$0x3FC6] =	sst s2  }
0x8f: {  	_ = 	snop  }
0x90: {  	s2 =	sld [smem:$0x3FD0];
	(tm) =	ssettm $0x1  }
0x91: {  	s18 =	sld [smem:$0x3FFB];
	_ =	sdelay $0x3  }
0x92: {  	_ =	strace s18  }
0x93: {  	s3 =	sld [smem:$0x3FFC];
	_ =	sdelay $0x3  }
0x94: {  	_ =	strace s3  }
0x95: {  	s3 =	sld [smem:$0x3FFD];
	_ =	sdelay $0x3  }
0x96: {  	_ =	strace s3  }
0x97: {  	_ =	strace $0x8FFFFFFF  }
0x98: {  	s19 =	sld [smem:$0x3FDB];
	_ =	sdelay $0x1  }
0x99: {  	s4 =	simm.s32 $_scs_section_size  }
0x9a: {  	s5 =	simm.s32 $_size__tile_overlayer_lowered;
	s6 =	simm.s32 $_tile_overlayer_lowered  }
0x9b: {  	s22 =	simm.s32 $0x1BFF;
	s21 =	sshll.u32 s6, $0x1;
	s3 =	sadd.s32 s4, s19  }
0x9c: {  	s7 =	simm.s32 $0x0;
	s20 =	sshll.u32 s5, $0x1;
	s5 =	sadd.s32 s21, s3  }
0x9d: {  	[timem:s7], [sflag:s22] =	dma.local [hbm:s5], s20  }
0x9e: {  	_ =	swait.ge [sflag:s22], s20  }
0x9f: {  	s4 =	ssub.s32 $0x0, s20;
	[sflag:s22] =	ssyncset.done $0x0  }
0xa0: {  	[sflag:s22] =	ssyncadd.s32 s4;
	_ =	sdelay $0x1  }
0xa1: {  	s23 =	simm.s32 $0x1B8B  }
0xa2: {  	_ =	swait.ge [sflag:s23], $0x1  }
0xa3: {  	[sflag:s23] =	ssyncset.done $0x0  }
0xa4: {  	s25 =	simm.s32 $0x1B8E;
	s24 =	sld [smem:$0x3FFE];
	[sflag:s23] =	ssyncadd.s32 $0xFFFFFFFF  }
0xa5: {  	s26 =	simm.s32 $execute0_lowered;
	[smem:$0x3FD2] =	sst s25  }
0xa6: {  	s5 =	sshll.u32 s26, $0x1;
	_ =	strace $0x80000049;
	[dreg:$0x1] =	wrdreg $0xFFFFFFFF  }
0xa7: {  	s28 =	simm.s32 $_size_execute0_lowered;
	s3 =	sadd.s32 s3, s5;
	[dreg:$0x0] =	wrdreg $0x0  }
0xa8: {  	s5 =	sshll.u32 s28, $0x1;
	[dreg:$0x2] =	wrdreg s3  }
0xa9: {  	[dreg:$0x3] =	wrdreg s5  }
0xaa: {  	[dreg:$0x4] =	wrdreg $0xC0  }
0xab: {  	_ =	task [dreg:s7], $0x5FFFF  }
0xac: {  	[dreg:$0x1] =	wrdreg $0xFFFFFFFF  }
0xad: {  	[dreg:$0x0] =	wrdreg $0x60  }
0xae: {  	[dreg:$0x2] =	wrdreg s24  }
0xaf: {  	[dreg:$0x3] =	wrdreg s2  }
0xb0: {  	[dreg:$0x4] =	wrdreg $0x9  }
0xb1: {  	_ =	task.clear_ibuf [dreg:s7], $0x5FFFF;
	_ =	strace $0x90000049  }
0xb2: {  	s29 =	simm.s32 $0x9;
	_ =	strace $0x8000004B  }
0xb3: {  	_ =	swait.ge [sflag:s29], $0x1  }
0xb4: {  	[sflag:s29] =	ssyncadd.s32 $0xFFFFFFFF  }
0xb5: {  	_ =	strace $0x9000004B  }
0xb6: {  	_ =	sfence  }
0xb7: {  	s30 =	sld [smem:$0x0];
	_ =	sdelay $0x2  }
0xb8: {  	s31 =	sshll.u32 s1, $0xD;
	s1 =	sshrl.u32 s1, $0x2  }
0xb9: {  	s3 =	sand.u32 $0x4000, s31;
	s1 =	sadd.s32 s1, s30  }
0xba: {  	s0 =	sor.u32 s3, s0;
	s1 =	sshll.u32 s1, $0x11  }
0xbb: {  	s0 =	sor.u32 s1, s0  }
0xbc: {  	s0 =	sadd.s32 $0x8F2B, s0  }
0xbd: {  	[sflag:s0] =	ssyncadd.remote.s32 $0x1  }
0xbe: {  	_ =	sfence.sel $0xFFFF  }
0xbf: {  	[dreg:$0x0] =	wrdreg $0xFFFFFFFF;
	(pc) =	sbr.abs _section_cstart, $3  }
0xc0: {  	[dreg:$0x1] =	wrdreg $0xFFFFFFFF  }
0xc1: {  	_ =	task.clear_ibuf [dreg:s7], $0x2FFFF;
	_ =	strace $0x9FFFFFFF  }
0xc2: {  	(tm) =	ssettm $0x7FFFFFFF  }
0xc3: {  	_ =	shalt  }
tec
execute0_lowered:
.L_overlay_start_1:
0x0: {  	(tag) =	ssettag $0x1  }
0x1: {  	s0 =	rddreg [dreg:$0x0]  }
0x2: {  	s1 =	rddreg [dreg:$0x1]  }
0x3: {  	s2 =	srdreg.scid;
	s4 =	stileid.u32  }
0x4: {  	s8 =	simm.s32 $0x3;
	s10 =	simm.s32 $0x32;
	s11 =	simm.s32 $0x8000  }
0x5: {  	s14 =	simm.s32 $0x100;
	s15 =	simm.s32 $0xB800;
	s16 =	simm.s32 $0x180  }
0x6: {  	s17 =	simm.s32 $0xD400;
	s18 =	simm.s32 $0xF000;
	s19 =	simm.s32 $0x10C00  }
0x7: {  	s20 =	simm.s32 $0x12800;
	s21 =	simm.s32 $0x14400;
	s22 =	simm.s32 $0x1  }
0x8: {  	v0 =	vimm.s32 $0x0;
	v1 =	vlaneseq.u32;
	s23 =	simm.s32 $0x16000;
	s24 =	simm.s32 $0x2;
	s25 =	simm.s32 $0x400  }
0x9: {  	v3 =	vimm.s32 $0x1;
	v4 =	vimm.s32 $0x2;
	v5 =	vimm.s32 $0x3;
	s26 =	simm.s32 $0x0;
	s3 =	sand.u32 $0x1, s2;
	s2 =	simm.s32 $0x0  }
0xa: {  	v6 =	vimm.s32 $0x4;
	v7 =	vimm.s32 $0x5;
	v8 =	vimm.s32 $0x6;
	s4 =	sshll.u32 s4, $0x8;
	s5 =	sshll.u32 s3, $0x7;
	[smem:$0x7FF] =	sst s2  }
0xb: {  	v9 =	vimm.s32 $0x7;
	v11 =	vimm.s32 $0x9;
	v12 =	vimm.s32 $0xA;
	s30 =	ssub.s32 $0x2, s3;
	s3 =	sadd.s32 $0xC00, s0;
	s6 =	sor.u32 s5, s4  }
0xc: {  	v14 =	vimm.s32 $0xB;
	v15 =	vimm.s32 $0xC;
	v13 =	vmul.u32 $0x80, v1;
	_ =	strace $0x8000004A;
	s31 =	sshrl.u32 s30, $0x1;
	s4 =	sshll.u32 s6, $0x4  }
0xd: {  	v16 =	vimm.s32 $0xD;
	v17 =	vimm.s32 $0xE;
	v18 =	vimm.s32 $0xF;
	s7 =	ssub.s32 s30, s31;
	s6 =	sadd.s32 s1, s6;
	s0 =	sadd.s32 s4, s0  }
0xe: {  	v10 =	vimm.s32 $0x8;
	v2 =	vor.u32 $0x10, v1;
	v19 =	vor.u32 $0x800, v13;
	s7 =	smax.u32 s7, $0x1;
	s4 =	sadd.s32 $0x3D1600, s0;
	s5 =	sadd.s32 $0x3E1600, s0  }
.LBB2_1:
0xf: {  	[tilespmem:s2], [sflag:$0x3] =	stream.linear.gather [hbm4b:s4+s2], $0x4000, $0x38;
	[tilespmem:$0x17000] =	vst v63  }
0x10: {  	_ =	swait.ge [sflag:s8], $0x4000  }
0x11: {  	[sflag:s8] =	ssyncset.done $0x0  }
0x12: {  	s0 =	simm.s32 $0x4000;
	[sflag:s8] =	ssyncadd.s32 $0xFFFFC000  }
0x13: {  	[tilespmem:s0], [sflag:$0x3] =	stream.linear.gather [hbm4b:s5+s2], $0x4000, $0x38;
	[tilespmem:$0x17000] =	vst v63  }
0x14: {  	_ =	swait.ge [sflag:s8], $0x4000  }
0x15: {  	[sflag:s8] =	ssyncset.done $0x0  }
0x16: {  	[sflag:s8] =	ssyncadd.s32 $0xFFFFC000  }
0x17: {  	[tilespmem:s11], [sflag:$0x1] =	stream.indirect.gather [hbm4b:s3+s10], $0x80, s2, s10, $0xb8;
	[tilespmem:$0x17000] =	vst v63  }
0x18: {  	s28 =	simm.s32 $0x80;
	s1 =	simm.s32 $0x9C00  }
0x19: {  	[tilespmem:s1], [sflag:$0x1] =	stream.indirect.gather [hbm4b:s3+s10], $0x80, s28, s10, $0xb8;
	[tilespmem:$0x17000] =	vst v63  }
0x1a: {  	s9 =	simm.s32 $0x4020;
	s29 =	simm.s32 $0x4  }
0x1b: {  	[tilespmem:s15], [sflag:$0x1] =	stream.indirect.gather [hbm4b:s3+s10], $0x80, s14, s10, $0xb8;
	[tilespmem:$0x17000] =	vst v63  }
0x1c: {  	s30 =	simm.s32 $0x4230;
	s31 =	simm.s32 $0x0;
	s0 =	simm.s32 $0x0  }
0x1d: {  	[tilespmem:s17], [sflag:$0x1] =	stream.indirect.gather [hbm4b:s3+s10], $0x80, s16, s10, $0xb8;
	[tilespmem:$0x17000] =	vst v63  }
.LBB2_2:
0x1e: {  	s1 =	sshll.u32 s0, $0xA  }
0x1f: {  	s1 =	sor.u32 $0x200, s1  }
0x20: {  	s1 =	sand.u32 $0x3FFFFE00, s1  }
0x21: {  	[tilespmem:s18], [sflag:$0x2] =	stream.indirect.gather [hbm4b:s3+s10], $0x80, s1, s10, $0xb8;
	[tilespmem:$0x17000] =	vst v63  }
0x22: {  	s28 =	sor.u32 $0x80, s1  }
0x23: {  	[tilespmem:s19], [sflag:$0x2] =	stream.indirect.gather [hbm4b:s3+s10], $0x80, s28, s10, $0xb8;
	[tilespmem:$0x17000] =	vst v63  }
0x24: {  	s28 =	sor.u32 $0x100, s1  }
0x25: {  	[tilespmem:s20], [sflag:$0x2] =	stream.indirect.gather [hbm4b:s3+s10], $0x80, s28, s10, $0xb8;
	[tilespmem:$0x17000] =	vst v63  }
0x26: {  	s1 =	sor.u32 $0x180, s1  }
0x27: {  	[tilespmem:s21], [sflag:$0x2] =	stream.indirect.gather [hbm4b:s3+s10], $0x80, s1, s10, $0xb8;
	[tilespmem:$0x17000] =	vst v63  }
0x28: {  	_ =	swait.ge [sflag:s22], $0x1900  }
0x29: {  	[sflag:s22] =	ssyncset.done $0x0  }
0x2a: {  	[sflag:s22] =	ssyncadd.s32 $0xFFFFE700  }
0x2b: {  	_ =	swait.ge [sflag:s22], $0x1900  }
0x2c: {  	[sflag:s22] =	ssyncset.done $0x0  }
0x2d: {  	[sflag:s22] =	ssyncadd.s32 $0xFFFFE700  }
0x2e: {  	_ =	swait.ge [sflag:s22], $0x1900  }
0x2f: {  	[sflag:s22] =	ssyncset.done $0x0  }
0x30: {  	[sflag:s22] =	ssyncadd.s32 $0xFFFFE700  }
0x31: {  	_ =	swait.ge [sflag:s22], $0x1900  }
0x32: {  	[sflag:s22] =	ssyncset.done $0x0  }
0x33: {  	s28 =	smov.u32 s9;
	s1 =	simm.s32 $0x0;
	[sflag:s22] =	ssyncadd.s32 $0xFFFFE700  }
.LBB2_3:
0x34: {  	v21 =	vld [tilespmem:s28+$0xFFFFFFE0];
	_ =	sdelay $0x4  }
0x35: {  	v20 =	vperm.xlane v21, v0;
	v41 =	vperm.xlane v21, v3  }
0x36: {  	v26 =	vperm.xlane v21, v4;
	v27 =	vperm.xlane v21, v5  }
0x37: {  	v31 =	vperm.xlane v21, v6;
	v33 =	vperm.xlane v21, v7  }
0x38: {  	v47 =	vperm.xlane v21, v8;
	v59 =	vperm.xlane v21, v9  }
0x39: {  	v62 =	vperm.xlane v21, v10;
	v37 =	vperm.xlane v21, v12;
	v22 =	vadd.s32 v1, v20  }
0x3a: {  	v23 =	vand.u32 $0xFFFFFF80, v20;
	v20 =	vadd.s32 v2, v20;
	v24 =	vand.u32 $0xFFFFFF80, v41  }
0x3b: {  	v25 =	vadd.s32 v1, v41;
	v42 =	vadd.s32 v1, v26;
	v28 =	vand.u32 $0xFFFFFF80, v26  }
0x3c: {  	v26 =	vadd.s32 v2, v26;
	v29 =	vadd.s32 v1, v27;
	v30 =	vand.u32 $0xFFFFFF80, v27  }
0x3d: {  	v27 =	vadd.s32 v2, v27;
	v44 =	vand.u32 $0xFFFFFF80, v31;
	v32 =	vadd.s32 v1, v31  }
0x3e: {  	v31 =	vadd.s32 v2, v31;
	v46 =	vadd.s32 v1, v33;
	v34 =	vand.u32 $0xFFFFFF80, v33  }
0x3f: {  	v33 =	vadd.s32 v2, v33;
	v35 =	vadd.s32 v1, v47;
	v48 =	vand.u32 $0xFFFFFF80, v47  }
0x40: {  	v60 =	vand.u32 $0xFFFFFF80, v59;
	v61 =	vadd.s32 v1, v59;
	v22 =	vand.u32 $0x7F, v22  }
0x41: {  	v39 =	vand.u32 $0xFFFFFF80, v37;
	v20 =	vand.u32 $0x7F, v20;
	v22 =	vor.u32 v23, v22  }
0x42: {  	v40 =	vadd.s32 v1, v37;
	v25 =	vand.u32 $0x7F, v25;
	v20 =	vor.u32 v23, v20  }
0x43: {  	v26 =	vand.u32 $0x7F, v26;
	v23 =	vadd.s32 v2, v41;
	v25 =	vor.u32 v24, v25  }
0x44: {  	v29 =	vand.u32 $0x7F, v29;
	v26 =	vor.u32 v28, v26;
	v23 =	vand.u32 $0x7F, v23  }
0x45: {  	v27 =	vand.u32 $0x7F, v27;
	v23 =	vor.u32 v24, v23;
	v24 =	vand.u32 $0x7F, v42  }
0x46: {  	v32 =	vand.u32 $0x7F, v32;
	v31 =	vand.u32 $0x7F, v31;
	v24 =	vor.u32 v28, v24;
	v22 =	vld.idx.msk [tilespmem:v22+s11+$0x0], $0xffff  }
0x47: {  	v33 =	vand.u32 $0x7F, v33;
	v35 =	vand.u32 $0x7F, v35;
	v43 =	vor.u32 v30, v29;
	v20 =	vld.idx.msk [tilespmem:v20+s11+$0x0], $0xffff  }
0x48: {  	v27 =	vor.u32 v30, v27;
	v45 =	vor.u32 v44, v32;
	v33 =	vor.u32 v34, v33;
	v25 =	vld.idx.msk [tilespmem:v25+s11+$0x0], $0xffff  }
0x49: {  	v29 =	vor.u32 v44, v31;
	v31 =	vand.u32 $0x7F, v46;
	v50 =	vor.u32 v48, v35;
	v26 =	vld.idx.msk [tilespmem:v26+s11+$0x0], $0xffff  }
0x4a: {  	v32 =	vadd.s32 v2, v47;
	v41 =	vperm.xlane v21, v14;
	v44 =	vperm.xlane v21, v15;
	v23 =	vld.idx.msk [tilespmem:v23+s11+$0x0], $0xffff  }
0x4b: {  	v31 =	vor.u32 v34, v31;
	v52 =	vand.u32 $0x7F, v32;
	v32 =	vadd.s32 v1, v62;
	v24 =	vld.idx.msk [tilespmem:v24+s11+$0x0], $0xffff  }
0x4c: {  	v34 =	vand.u32 $0xFFFFFF80, v62;
	v54 =	vor.u32 v48, v52;
	v28 =	vld.idx.msk [tilespmem:v43+s11+$0x0], $0xffff;
	v22 =	vadd.f32 $0.0e+00, v22  }
0x4d: {  	v46 =	vadd.s32 v1, v44;
	v47 =	vand.u32 $0xFFFFFF80, v44;
	v56 =	vld.idx.msk [tilespmem:v33+s11+$0x0], $0xffff;
	v33 =	vperm.xlane v21, v11  }
0x4e: {  	v49 =	vld.idx.msk [tilespmem:v27+s11+$0x0], $0xffff;
	v27 =	vadd.s32 v2, v62;
	v20 =	vadd.f32 $0.0e+00, v20;
	v22 =	vadd.f32 v25, v22  }
0x4f: {  	v51 =	vld.idx.msk [tilespmem:v45+s11+$0x0], $0xffff;
	v43 =	vadd.s32 v1, v41;
	v45 =	vand.u32 $0xFFFFFF80, v41;
	v27 =	vand.u32 $0x7F, v27  }
0x50: {  	v53 =	vld.idx.msk [tilespmem:v29+s11+$0x0], $0xffff;
	v20 =	vadd.f32 v23, v20;
	v22 =	vadd.f32 v24, v22;
	v24 =	vadd.s32 v2, v59  }
0x51: {  	v55 =	vld.idx.msk [tilespmem:v31+s11+$0x0], $0xffff;
	v31 =	vadd.s32 v2, v37;
	v35 =	vadd.s32 v1, v33;
	v24 =	vand.u32 $0x7F, v24  }
0x52: {  	v20 =	vadd.f32 v26, v20;
	v26 =	vand.u32 $0x7F, v61;
	v24 =	vor.u32 v60, v24  }
0x53: {  	v36 =	vand.u32 $0xFFFFFF80, v33;
	v27 =	vor.u32 v34, v27;
	v63 =	vor.u32 v60, v26  }
0x54: {  	v25 =	vand.u32 $0x7F, v32;
	v26 =	vadd.s32 v2, v33;
	v20 =	vadd.f32 v49, v20  }
0x55: {  	v58 =	vld.idx.msk [tilespmem:v54+s11+$0x0], $0xffff;
	v25 =	vor.u32 v34, v25;
	v22 =	vadd.f32 v28, v22;
	v26 =	vand.u32 $0x7F, v26  }
0x56: {  	v57 =	vld.idx.msk [tilespmem:v50+s11+$0x0], $0xffff;
	v29 =	vand.u32 $0x7F, v35;
	v26 =	vor.u32 v36, v26;
	v20 =	vadd.f32 v53, v20  }
0x57: {  	v31 =	vand.u32 $0x7F, v31;
	v38 =	vor.u32 v36, v29;
	v22 =	vadd.f32 v51, v22;
	v24 =	vld.idx.msk [tilespmem:v24+s11+$0x0], $0xffff  }
0x58: {  	v29 =	vor.u32 v39, v31;
	v33 =	vadd.s32 v2, v41;
	v20 =	vadd.f32 v56, v20;
	v23 =	vld.idx.msk [tilespmem:v63+s11+$0x0], $0xffff  }
0x59: {  	v62 =	vperm.xlane v21, v17;
	v27 =	vld.idx.msk [tilespmem:v27+s11+$0x0], $0xffff;
	v33 =	vand.u32 $0x7F, v33;
	v22 =	vadd.f32 v55, v22  }
0x5a: {  	v35 =	vand.u32 $0x7F, v46;
	v33 =	vor.u32 v45, v33;
	v25 =	vld.idx.msk [tilespmem:v25+s11+$0x0], $0xffff;
	v20 =	vadd.f32 v58, v20  }
0x5b: {  	v31 =	vand.u32 $0x7F, v43;
	v32 =	vand.u32 $0x7F, v40;
	v22 =	vadd.f32 v57, v22;
	v48 =	vld.idx.msk [tilespmem:v26+s11+$0x0], $0xffff  }
0x5c: {  	v31 =	vor.u32 v45, v31;
	v42 =	vor.u32 v39, v32;
	v28 =	vld.idx.msk [tilespmem:v38+s11+$0x0], $0xffff;
	v20 =	vadd.f32 v24, v20  }
0x5d: {  	v32 =	vadd.s32 v2, v44;
	v52 =	vld.idx.msk [tilespmem:v29+s11+$0x0], $0xffff;
	v58 =	vperm.xlane v21, v16;
	v22 =	vadd.f32 v23, v22  }
0x5e: {  	v49 =	vor.u32 v47, v35;
	v51 =	vand.u32 $0x7F, v32;
	v20 =	vadd.f32 v27, v20  }
0x5f: {  	v53 =	vor.u32 v47, v51;
	v55 =	vld.idx.msk [tilespmem:v33+s11+$0x0], $0xffff;
	v22 =	vadd.f32 v25, v22;
	v25 =	vadd.s32 v2, v58  }
0x60: {  	v60 =	vand.u32 $0xFFFFFF80, v58;
	v25 =	vand.u32 $0x7F, v25;
	v20 =	vadd.f32 v48, v20  }
0x61: {  	v50 =	vld.idx.msk [tilespmem:v42+s11+$0x0], $0xffff;
	v22 =	vadd.f32 v28, v22;
	v23 =	vor.u32 v60, v25;
	v28 =	vadd.s32 v2, v62  }
0x62: {  	v54 =	vld.idx.msk [tilespmem:v31+s11+$0x0], $0xffff;
	v36 =	vand.u32 $0xFFFFFF80, v62;
	v28 =	vand.u32 $0x7F, v28;
	v20 =	vadd.f32 v52, v20  }
0x63: {  	v56 =	vld.idx.msk [tilespmem:v49+s11+$0x0], $0xffff;
	v27 =	vor.u32 v36, v28  }
0x64: {  	v21 =	vperm.xlane v21, v18;
	v57 =	vld.idx.msk [tilespmem:v53+s11+$0x0], $0xffff;
	v59 =	vadd.f32 v55, v20;
	v20 =	vadd.s32 v1, v58  }
0x65: {  	v61 =	vand.u32 $0x7F, v20;
	v20 =	vld [tilespmem:s28+$0xFFFFFFF0]  }
0x66: {  	v35 =	vadd.s32 v1, v62;
	v37 =	vadd.s32 v1, v21;
	v22 =	vadd.f32 v50, v22;
	v23 =	vld.idx.msk [tilespmem:v23+s11+$0x0], $0xffff  }
0x67: {  	v38 =	vand.u32 $0xFFFFFF80, v21;
	v21 =	vadd.s32 v2, v21;
	v29 =	vand.u32 $0x7F, v37  }
0x68: {  	v21 =	vand.u32 $0x7F, v21;
	v40 =	vor.u32 v38, v29;
	v22 =	vadd.f32 v54, v22;
	v27 =	vld.idx.msk [tilespmem:v27+s11+$0x0], $0xffff  }
0x69: {  	v21 =	vor.u32 v38, v21;
	v25 =	vand.u32 $0x7F, v35;
	v24 =	vadd.f32 v57, v59  }
0x6a: {  	v25 =	vor.u32 v36, v25;
	v22 =	vadd.f32 v56, v22;
	v39 =	vperm.xlane v20, v0  }
0x6b: {  	v23 =	vadd.f32 v23, v24;
	v43 =	vperm.xlane v20, v3;
	v46 =	vperm.xlane v20, v4  }
0x6c: {  	v63 =	vor.u32 v60, v61;
	v59 =	vperm.xlane v20, v5;
	v62 =	vperm.xlane v20, v6  }
0x6d: {  	v37 =	vperm.xlane v20, v7;
	v23 =	vadd.f32 v27, v23;
	v41 =	vand.u32 $0xFFFFFF80, v39  }
0x6e: {  	v42 =	vadd.s32 v1, v39;
	v31 =	vadd.s32 v2, v39;
	v45 =	vadd.s32 v1, v43  }
0x6f: {  	v21 =	vld.idx.msk [tilespmem:v21+s11+$0x0], $0xffff;
	v47 =	vand.u32 $0xFFFFFF80, v43;
	v33 =	vadd.s32 v2, v43;
	v48 =	vadd.s32 v1, v46  }
0x70: {  	v49 =	vand.u32 $0xFFFFFF80, v46;
	v60 =	vand.u32 $0xFFFFFF80, v59;
	v61 =	vadd.s32 v1, v59  }
0x71: {  	v36 =	vadd.s32 v1, v62;
	v38 =	vand.u32 $0xFFFFFF80, v62;
	v27 =	vadd.s32 v2, v62  }
0x72: {  	v28 =	vld.idx.msk [tilespmem:v40+s11+$0x0], $0xffff;
	v39 =	vadd.s32 v1, v37;
	v40 =	vand.u32 $0xFFFFFF80, v37;
	v62 =	vperm.xlane v20, v12  }
0x73: {  	v32 =	vand.u32 $0x7F, v42;
	v31 =	vand.u32 $0x7F, v31;
	v33 =	vand.u32 $0x7F, v33  }
0x74: {  	v26 =	vld.idx.msk [tilespmem:v63+s11+$0x0], $0xffff;
	v35 =	vand.u32 $0x7F, v48;
	v21 =	vadd.f32 v21, v23;
	v27 =	vand.u32 $0x7F, v27  }
0x75: {  	v48 =	vperm.xlane v20, v10;
	v44 =	vor.u32 v41, v32;
	v29 =	vor.u32 v41, v31  }
0x76: {  	v31 =	vand.u32 $0x7F, v45;
	v33 =	vor.u32 v47, v33;
	v50 =	vor.u32 v49, v35  }
0x77: {  	v25 =	vld.idx.msk [tilespmem:v25+s11+$0x0], $0xffff;
	v32 =	vadd.s32 v2, v46;
	v41 =	vperm.xlane v20, v8;
	v27 =	vor.u32 v38, v27  }
0x78: {  	v45 =	vperm.xlane v20, v9;
	v31 =	vor.u32 v47, v31;
	v52 =	vand.u32 $0x7F, v32  }
0x79: {  	v22 =	vadd.f32 v26, v22;
	v54 =	vor.u32 v49, v52;
	v26 =	vand.u32 $0x7F, v61  }
0x7a: {  	v43 =	vand.u32 $0xFFFFFF80, v41;
	v47 =	vadd.s32 v1, v45;
	v49 =	vand.u32 $0xFFFFFF80, v45  }
0x7b: {  	v63 =	vor.u32 v60, v26;
	v26 =	vadd.s32 v2, v37;
	v37 =	vperm.xlane v20, v14  }
0x7c: {  	v22 =	vadd.f32 v25, v22;
	v25 =	vadd.s32 v2, v59;
	v26 =	vand.u32 $0x7F, v26;
	v51 =	vld.idx.msk [tilespmem:v44+s11+$0x0], $0xffff  }
0x7d: {  	v59 =	vperm.xlane v20, v11;
	v53 =	vld.idx.msk [tilespmem:v29+s11+$0x0], $0xffff;
	v25 =	vand.u32 $0x7F, v25;
	v29 =	vand.u32 $0x7F, v39  }
0x7e: {  	v56 =	vld.idx.msk [tilespmem:v33+s11+$0x0], $0xffff;
	v44 =	vadd.s32 v1, v41;
	v26 =	vor.u32 v40, v26;
	v33 =	vadd.s32 v2, v45  }
0x7f: {  	v57 =	vld.idx.msk [tilespmem:v50+s11+$0x0], $0xffff;
	v50 =	vadd.s32 v1, v48;
	v39 =	vadd.s32 v1, v37;
	v22 =	vadd.f32 v28, v22  }
0x80: {  	v23 =	vor.u32 v60, v25;
	v25 =	vand.u32 $0x7F, v36;
	v42 =	vor.u32 v40, v29  }
0x81: {  	v55 =	vld.idx.msk [tilespmem:v31+s11+$0x0], $0xffff;
	v32 =	vand.u32 $0x7F, v44;
	v31 =	vadd.s32 v2, v41;
	v33 =	vand.u32 $0x7F, v33  }
0x82: {  	v35 =	vand.u32 $0x7F, v50;
	v60 =	vadd.s32 v1, v59;
	v61 =	vand.u32 $0xFFFFFF80, v59  }
0x83: {  	v36 =	vadd.s32 v1, v62;
	v40 =	vperm.xlane v20, v15;
	v41 =	vand.u32 $0xFFFFFF80, v37  }
0x84: {  	v44 =	vperm.xlane v20, v16;
	v25 =	vor.u32 v38, v25;
	v46 =	vor.u32 v43, v32  }
0x85: {  	v31 =	vand.u32 $0x7F, v31;
	v33 =	vor.u32 v49, v33;
	v32 =	vadd.s32 v2, v48  }
0x86: {  	v27 =	vld.idx.msk [tilespmem:v27+s11+$0x0], $0xffff;
	v29 =	vor.u32 v43, v31;
	v31 =	vand.u32 $0x7F, v47;
	v32 =	vand.u32 $0x7F, v32  }
0x87: {  	v58 =	vld.idx.msk [tilespmem:v54+s11+$0x0], $0xffff;
	v43 =	vand.u32 $0xFFFFFF80, v40;
	v47 =	vadd.s32 v1, v44;
	v22 =	vadd.f32 v51, v22  }
0x88: {  	v24 =	vld.idx.msk [tilespmem:v63+s11+$0x0], $0xffff;
	v31 =	vor.u32 v49, v31;
	v34 =	vand.u32 $0x7F, v47;
	v21 =	vadd.f32 v53, v21  }
0x89: {  	v51 =	vand.u32 $0xFFFFFF80, v48;
	v48 =	vperm.xlane v20, v17;
	v23 =	vld.idx.msk [tilespmem:v23+s11+$0x0], $0xffff;
	v22 =	vadd.f32 v55, v22  }
0x8a: {  	v20 =	vperm.xlane v20, v18;
	v53 =	vor.u32 v51, v35;
	v21 =	vadd.f32 v56, v21;
	v25 =	vld.idx.msk [tilespmem:v25+s11+$0x0], $0xffff  }
0x8b: {  	v28 =	vld.idx.msk [tilespmem:v42+s11+$0x0], $0xffff;
	v35 =	vand.u32 $0xFFFFFF80, v62;
	v42 =	vadd.s32 v1, v40;
	v22 =	vadd.f32 v57, v22  }
0x8c: {  	v30 =	vld.idx.msk [tilespmem:v46+s11+$0x0], $0xffff;
	v55 =	vor.u32 v51, v32;
	v46 =	vand.u32 $0xFFFFFF80, v44;
	v21 =	vadd.f32 v58, v21  }
0x8d: {  	v50 =	vand.u32 $0xFFFFFF80, v48;
	v51 =	vadd.s32 v1, v48;
	v22 =	vadd.f32 v24, v22  }
0x8e: {  	v54 =	vld.idx.msk [tilespmem:v29+s11+$0x0], $0xffff;
	v29 =	vadd.s32 v2, v37;
	v21 =	vadd.f32 v23, v21;
	v23 =	vadd.s32 v2, v59  }
0x8f: {  	v52 =	vld.idx.msk [tilespmem:v26+s11+$0x0], $0xffff;
	v23 =	vand.u32 $0x7F, v23;
	v22 =	vadd.f32 v25, v22;
	v25 =	vand.u32 $0x7F, v60  }
0x90: {  	v56 =	vld.idx.msk [tilespmem:v31+s11+$0x0], $0xffff;
	v21 =	vadd.f32 v27, v21;
	v27 =	vadd.s32 v2, v62;
	v63 =	vor.u32 v61, v25  }
0x91: {  	v23 =	vor.u32 v61, v23;
	v22 =	vadd.f32 v28, v22;
	v28 =	vand.u32 $0x7F, v36  }
0x92: {  	v49 =	vor.u32 v46, v34;
	v26 =	vld.idx.msk [tilespmem:v53+s11+$0x0], $0xffff;
	v27 =	vand.u32 $0x7F, v27;
	v38 =	vor.u32 v35, v28  }
0x93: {  	v57 =	vld.idx.msk [tilespmem:v33+s11+$0x0], $0xffff;
	v25 =	vor.u32 v35, v27;
	v27 =	vand.u32 $0x7F, v39;
	v22 =	vadd.f32 v30, v22  }
0x94: {  	v29 =	vand.u32 $0x7F, v29;
	v58 =	vld.idx.msk [tilespmem:v55+s11+$0x0], $0xffff;
	v21 =	vadd.f32 v52, v21;
	v27 =	vor.u32 v41, v27  }
0x95: {  	v31 =	vand.u32 $0x7F, v42;
	v29 =	vor.u32 v41, v29;
	v22 =	vadd.f32 v56, v22;
	v24 =	vld.idx.msk [tilespmem:v63+s11+$0x0], $0xffff  }
0x96: {  	v45 =	vor.u32 v43, v31;
	v28 =	vadd.s32 v2, v40;
	v21 =	vadd.f32 v54, v21;
	v23 =	vld.idx.msk [tilespmem:v23+s11+$0x0], $0xffff  }
0x97: {  	v33 =	vadd.s32 v2, v44;
	v28 =	vand.u32 $0x7F, v28;
	v22 =	vadd.f32 v26, v22;
	v26 =	vld.idx.msk [tilespmem:v38+s11+$0x0], $0xffff  }
0x98: {  	v33 =	vand.u32 $0x7F, v33;
	v28 =	vor.u32 v43, v28;
	v21 =	vadd.f32 v57, v21;
	v25 =	vld.idx.msk [tilespmem:v25+s11+$0x0], $0xffff  }
0x99: {  	v34 =	vand.u32 $0x7F, v51;
	v31 =	vor.u32 v46, v33;
	v35 =	vadd.s32 v2, v48;
	v27 =	vld.idx.msk [tilespmem:v27+s11+$0x0], $0xffff  }
0x9a: {  	v52 =	vld.idx.msk [tilespmem:v29+s11+$0x0], $0xffff;
	v54 =	vand.u32 $0x7F, v35;
	v21 =	vadd.f32 v58, v21;
	v22 =	vadd.f32 v24, v22  }
0x9b: {  	v55 =	vld.idx.msk [tilespmem:v45+s11+$0x0], $0xffff;
	v56 =	vor.u32 v50, v54;
	v57 =	vadd.s32 v1, v20;
	v58 =	vand.u32 $0xFFFFFF80, v20  }
0x9c: {  	v20 =	vadd.s32 v2, v20;
	v21 =	vadd.f32 v23, v21;
	v22 =	vadd.f32 v26, v22  }
0x9d: {  	v53 =	vor.u32 v50, v34;
	v33 =	vand.u32 $0x7F, v57;
	v20 =	vand.u32 $0x7F, v20;
	v28 =	vld.idx.msk [tilespmem:v28+s11+$0x0], $0xffff  }
0x9e: {  	v59 =	vld.idx.msk [tilespmem:v49+s11+$0x0], $0xffff;
	v62 =	vor.u32 v58, v20;
	v21 =	vadd.f32 v25, v21;
	v20 =	vadd.f32 v27, v22  }
0x9f: {  	v61 =	vld.idx.msk [tilespmem:v31+s11+$0x0], $0xffff;
	v60 =	vor.u32 v58, v33  }
0xa0: {  	v21 =	vadd.f32 v52, v21;
	v23 =	vadd.f32 v55, v20;
	v20 =	vld [tilespmem:s28+$0x0]  }
0xa1: {  	v33 =	vld.idx.msk [tilespmem:v56+s11+$0x0], $0xffff  }
0xa2: {  	v63 =	vld.idx.msk [tilespmem:v53+s11+$0x0], $0xffff;
	v21 =	vadd.f32 v28, v21  }
0xa3: {  	v35 =	vld.idx.msk [tilespmem:v62+s11+$0x0], $0xffff  }
0xa4: {  	v34 =	vld.idx.msk [tilespmem:v60+s11+$0x0], $0xffff;
	v21 =	vadd.f32 v61, v21  }
0xa5: {  	v23 =	vadd.f32 v59, v23;
	v36 =	vperm.xlane v20, v0  }
0xa6: {  	v21 =	vadd.f32 v33, v21;
	v38 =	vperm.xlane v20, v3;
	v42 =	vperm.xlane v20, v4  }
0xa7: {  	v22 =	vadd.f32 v63, v23;
	v46 =	vperm.xlane v20, v5;
	v50 =	vperm.xlane v20, v6  }
0xa8: {  	v21 =	vadd.f32 v35, v21;
	v54 =	vperm.xlane v20, v7;
	v35 =	vperm.xlane v20, v8  }
0xa9: {  	v22 =	vadd.f32 v34, v22;
	v37 =	vadd.s32 v1, v36;
	v39 =	vand.u32 $0xFFFFFF80, v36  }
0xaa: {  	v23 =	vadd.s32 v2, v36;
	v40 =	vadd.s32 v1, v38;
	v41 =	vand.u32 $0xFFFFFF80, v38  }
0xab: {  	v25 =	vadd.s32 v2, v38;
	v44 =	vand.u32 $0xFFFFFF80, v42;
	v45 =	vadd.s32 v1, v42  }
0xac: {  	v29 =	vadd.s32 v2, v42;
	v48 =	vand.u32 $0xFFFFFF80, v46;
	v49 =	vadd.s32 v1, v46  }
0xad: {  	v31 =	vadd.s32 v2, v46;
	v52 =	vadd.s32 v1, v50;
	v53 =	vadd.s32 v2, v50  }
0xae: {  	v33 =	vand.u32 $0xFFFFFF80, v50;
	v55 =	vadd.s32 v1, v54;
	v56 =	vand.u32 $0xFFFFFF80, v54  }
0xaf: {  	v34 =	vadd.s32 v2, v54;
	v36 =	vadd.s32 v1, v35;
	v38 =	vand.u32 $0xFFFFFF80, v35  }
0xb0: {  	v24 =	vand.u32 $0x7F, v37;
	v23 =	vand.u32 $0x7F, v23;
	v27 =	vand.u32 $0x7F, v40  }
0xb1: {  	v25 =	vand.u32 $0x7F, v25;
	v30 =	vand.u32 $0x7F, v45;
	v24 =	vor.u32 v39, v24  }
0xb2: {  	v29 =	vand.u32 $0x7F, v29;
	v32 =	vand.u32 $0x7F, v49;
	v23 =	vor.u32 v39, v23  }
0xb3: {  	v31 =	vand.u32 $0x7F, v31;
	v59 =	vand.u32 $0x7F, v34;
	v43 =	vor.u32 v41, v27  }
0xb4: {  	v37 =	vperm.xlane v20, v9;
	v45 =	vperm.xlane v20, v11;
	v25 =	vor.u32 v41, v25  }
0xb5: {  	v49 =	vperm.xlane v20, v12;
	v47 =	vor.u32 v44, v30;
	v27 =	vor.u32 v44, v29  }
0xb6: {  	v51 =	vor.u32 v48, v32;
	v30 =	vor.u32 v48, v31;
	v31 =	vand.u32 $0x7F, v52;
	v24 =	vld.idx.msk [tilespmem:v24+s11+$0x0], $0xffff  }
0xb7: {  	v32 =	vand.u32 $0x7F, v53;
	v61 =	vor.u32 v56, v59;
	v41 =	vperm.xlane v20, v10;
	v23 =	vld.idx.msk [tilespmem:v23+s11+$0x0], $0xffff  }
0xb8: {  	v53 =	vperm.xlane v20, v14;
	v31 =	vor.u32 v33, v31;
	v32 =	vor.u32 v33, v32;
	v26 =	vld.idx.msk [tilespmem:v43+s11+$0x0], $0xffff  }
0xb9: {  	v33 =	vand.u32 $0x7F, v55;
	v39 =	vadd.s32 v1, v37;
	v40 =	vand.u32 $0xFFFFFF80, v37;
	v25 =	vld.idx.msk [tilespmem:v25+s11+$0x0], $0xffff  }
0xba: {  	v48 =	vadd.s32 v1, v45;
	v52 =	vadd.s32 v2, v49;
	v58 =	vor.u32 v56, v33;
	v28 =	vld.idx.msk [tilespmem:v47+s11+$0x0], $0xffff  }
0xbb: {  	v44 =	vadd.s32 v1, v41;
	v29 =	vadd.s32 v2, v41;
	v54 =	vadd.s32 v1, v53;
	v57 =	vld.idx.msk [tilespmem:v27+s11+$0x0], $0xffff  }
0xbc: {  	v55 =	vand.u32 $0xFFFFFF80, v53;
	v29 =	vand.u32 $0x7F, v29;
	v60 =	vld.idx.msk [tilespmem:v51+s11+$0x0], $0xffff;
	v27 =	vand.u32 $0x7F, v39  }
0xbd: {  	v62 =	vld.idx.msk [tilespmem:v30+s11+$0x0], $0xffff;
	v43 =	vand.u32 $0xFFFFFF80, v41;
	v30 =	vand.u32 $0x7F, v44;
	v47 =	vand.u32 $0xFFFFFF80, v45  }
0xbe: {  	v51 =	vadd.s32 v1, v49;
	v63 =	vld.idx.msk [tilespmem:v31+s11+$0x0], $0xffff;
	v42 =	vor.u32 v40, v27;
	v31 =	vadd.s32 v2, v45  }
0xbf: {  	v46 =	vor.u32 v43, v30;
	v27 =	vor.u32 v43, v29;
	v31 =	vand.u32 $0x7F, v31  }
0xc0: {  	v30 =	vor.u32 v47, v31;
	v31 =	vand.u32 $0x7F, v51;
	v22 =	vadd.f32 v24, v22  }
0xc1: {  	v21 =	vadd.f32 v23, v21;
	v23 =	vand.u32 $0x7F, v36;
	v24 =	vadd.s32 v2, v37  }
0xc2: {  	v34 =	vld.idx.msk [tilespmem:v61+s11+$0x0], $0xffff;
	v36 =	vperm.xlane v20, v16;
	v23 =	vor.u32 v38, v23;
	v24 =	vand.u32 $0x7F, v24  }
0xc3: {  	v22 =	vadd.f32 v26, v22;
	v21 =	vadd.f32 v25, v21;
	v25 =	vadd.s32 v2, v35;
	v26 =	vld.idx.msk [tilespmem:v42+s11+$0x0], $0xffff  }
0xc4: {  	v24 =	vor.u32 v40, v24;
	v39 =	vand.u32 $0xFFFFFF80, v36;
	v40 =	vperm.xlane v20, v17;
	v42 =	vld [tilespmem:s28+$0x10]  }
0xc5: {  	v32 =	vld.idx.msk [tilespmem:v32+s11+$0x0], $0xffff;
	v25 =	vand.u32 $0x7F, v25;
	v22 =	vadd.f32 v28, v22;
	v21 =	vadd.f32 v57, v21  }
0xc6: {  	v33 =	vld.idx.msk [tilespmem:v58+s11+$0x0], $0xffff;
	v25 =	vor.u32 v38, v25;
	v38 =	vadd.s32 v1, v36;
	v43 =	vand.u32 $0xFFFFFF80, v40  }
0xc7: {  	v56 =	vld.idx.msk [tilespmem:v27+s11+$0x0], $0xffff;
	v44 =	vadd.s32 v1, v40;
	v29 =	vadd.s32 v2, v40;
	v27 =	vand.u32 $0x7F, v38  }
0xc8: {  	v29 =	vand.u32 $0x7F, v29;
	v22 =	vadd.f32 v60, v22;
	v21 =	vadd.f32 v62, v21  }
0xc9: {  	v41 =	vor.u32 v39, v27;
	v29 =	vor.u32 v43, v29;
	v27 =	vperm.xlane v42, v3  }
0xca: {  	v23 =	vld.idx.msk [tilespmem:v23+s11+$0x0], $0xffff;
	v22 =	vadd.f32 v63, v22;
	v21 =	vadd.f32 v32, v21;
	v32 =	vand.u32 $0x7F, v48  }
0xcb: {  	v48 =	vperm.xlane v42, v0;
	v50 =	vor.u32 v47, v32;
	v32 =	vand.u32 $0x7F, v52  }
0xcc: {  	v25 =	vld.idx.msk [tilespmem:v25+s11+$0x0], $0xffff;
	v22 =	vadd.f32 v33, v22;
	v21 =	vadd.f32 v34, v21;
	v33 =	vand.u32 $0xFFFFFF80, v49  }
0xcd: {  	v28 =	vld.idx.msk [tilespmem:v46+s11+$0x0], $0xffff;
	v34 =	vadd.s32 v2, v53;
	v31 =	vor.u32 v33, v31;
	v32 =	vor.u32 v33, v32  }
0xce: {  	v24 =	vld.idx.msk [tilespmem:v24+s11+$0x0], $0xffff;
	v33 =	vand.u32 $0x7F, v54;
	v58 =	vand.u32 $0x7F, v34;
	v34 =	vperm.xlane v20, v15  }
0xcf: {  	v52 =	vadd.s32 v1, v27;
	v22 =	vadd.f32 v23, v22;
	v57 =	vor.u32 v55, v33  }
0xd0: {  	v20 =	vperm.xlane v20, v18;
	v60 =	vor.u32 v55, v58;
	v35 =	vadd.s32 v1, v34;
	v59 =	vld.idx.msk [tilespmem:v50+s11+$0x0], $0xffff  }
0xd1: {  	v61 =	vld.idx.msk [tilespmem:v30+s11+$0x0], $0xffff;
	v37 =	vand.u32 $0xFFFFFF80, v34;
	v21 =	vadd.f32 v25, v21;
	v22 =	vadd.f32 v26, v22  }
0xd2: {  	v46 =	vand.u32 $0xFFFFFF80, v20;
	v47 =	vadd.s32 v1, v20;
	v23 =	vand.u32 $0x7F, v35;
	v62 =	vld.idx.msk [tilespmem:v31+s11+$0x0], $0xffff  }
0xd3: {  	v21 =	vadd.f32 v24, v21;
	v22 =	vadd.f32 v28, v22;
	v63 =	vld.idx.msk [tilespmem:v32+s11+$0x0], $0xffff;
	v24 =	vadd.s32 v2, v34  }
0xd4: {  	v25 =	vadd.s32 v2, v36;
	v23 =	vor.u32 v37, v23;
	v32 =	vld.idx.msk [tilespmem:v57+s11+$0x0], $0xffff;
	v24 =	vand.u32 $0x7F, v24  }
0xd5: {  	v21 =	vadd.f32 v56, v21;
	v24 =	vor.u32 v37, v24;
	v22 =	vadd.f32 v59, v22  }
0xd6: {  	v20 =	vadd.s32 v2, v20;
	v25 =	vand.u32 $0x7F, v25;
	v31 =	vand.u32 $0x7F, v44;
	v33 =	vld.idx.msk [tilespmem:v60+s11+$0x0], $0xffff  }
0xd7: {  	v25 =	vor.u32 v39, v25;
	v21 =	vadd.f32 v61, v21;
	v22 =	vadd.f32 v62, v22  }
0xd8: {  	v51 =	vadd.s32 v2, v48;
	v20 =	vand.u32 $0x7F, v20;
	v45 =	vor.u32 v43, v31  }
0xd9: {  	v23 =	vld.idx.msk [tilespmem:v23+s11+$0x0], $0xffff;
	v21 =	vadd.f32 v63, v21;
	v22 =	vadd.f32 v32, v22;
	v32 =	vand.u32 $0x7F, v47  }
0xda: {  	v50 =	vadd.s32 v1, v48;
	v20 =	vor.u32 v46, v20;
	v24 =	vld.idx.msk [tilespmem:v24+s11+$0x0], $0xffff;
	v49 =	vor.u32 v46, v32  }
0xdb: {  	v26 =	vld.idx.msk [tilespmem:v41+s11+$0x0], $0xffff;
	v31 =	vand.u32 $0x7F, v50;
	v21 =	vadd.f32 v33, v21;
	v33 =	vand.u32 $0xFFFFFF80, v48  }
0xdc: {  	v53 =	vand.u32 $0xFFFFFF80, v27;
	v25 =	vld.idx.msk [tilespmem:v25+s11+$0x0], $0xffff;
	v32 =	vand.u32 $0x7F, v51;
	v31 =	vor.u32 v33, v31  }
0xdd: {  	v27 =	vadd.s32 v2, v27;
	v28 =	vld.idx.msk [tilespmem:v45+s11+$0x0], $0xffff;
	v32 =	vor.u32 v33, v32;
	v33 =	vand.u32 $0x7F, v52  }
0xde: {  	v54 =	vld.idx.msk [tilespmem:v29+s11+$0x0], $0xffff;
	v27 =	vand.u32 $0x7F, v27;
	v22 =	vadd.f32 v23, v22;
	v55 =	vor.u32 v53, v33  }
0xdf: {  	v56 =	vor.u32 v53, v27;
	v21 =	vadd.f32 v24, v21;
	v57 =	vld.idx.msk [tilespmem:v49+s11+$0x0], $0xffff  }
0xe0: {  	s12 =	sadd.s32 s1, s31;
	v20 =	vld.idx.msk [tilespmem:v20+s11+$0x0], $0xffff;
	v22 =	vadd.f32 v26, v22  }
0xe1: {  	v59 =	vmov s12;
	v21 =	vadd.f32 v25, v21;
	v58 =	vld.idx.msk [tilespmem:v31+s11+$0x0], $0xffff  }
0xe2: {  	v26 =	vand.u32 $0x7F, v59;
	v22 =	vadd.f32 v28, v22;
	v60 =	vld.idx.msk [tilespmem:v32+s11+$0x0], $0xffff  }
0xe3: {  	v26 =	vbroadcast v26, $0x0;
	v61 =	vld.idx.msk [tilespmem:v55+s11+$0x0], $0xffff;
	v21 =	vadd.f32 v54, v21  }
0xe4: {  	v24 =	vld.idx.msk [tilespmem:v56+s11+$0x0], $0xffff;
	v22 =	vadd.f32 v57, v22  }
0xe5: {  	v62 =	vor.u32 v13, v26;
	v20 =	vadd.f32 v20, v21  }
0xe6: {  	p0 =	sne.s32 s1, $0x3;
	v63 =	vor.u32 v19, v26;
	v22 =	vadd.f32 v58, v22  }
.Ltmp0:
0xe7: {  	v20 =	vadd.f32 v60, v20;
	(pc) =	sbr.rel @p0 .LBB2_3-.Ltmp0, $4  }
0xe8: {  	v22 =	vadd.f32 v61, v22  }
0xe9: {  	v20 =	vadd.f32 v24, v20  }
0xea: {  	[tilespmem:v62+s23+$0x0] =	vst.idx.msk $0xffff, v22  }
0xeb: {  	s1 =	sadd.s32 $0x1, s1;
	s28 =	sadd.s32 $0x80, s28;
	[tilespmem:v63+s23+$0x0] =	vst.idx.msk $0xffff, v20  }
0xec: {  	p0 =	seq.s32 s0, $0xF  }
0xed: {  	s1 =	sshll.u32 @!p0 s0, $0xA  }
0xee: {  	s1 =	sand.u32 @!p0 $0x3FFFFC00, s1  }
0xef: {  	s28 =	simm.s32 @!p0 $0x32;
	s13 =	simm.s32 @!p0 $0x8000;
	s12 =	sadd.s32 @!p0 $0x400, s1  }
0xf0: {  	[tilespmem:s13], [sflag:$0x1] =	stream.indirect.gather @!p0 [hbm4b:s3+s28], $0x80, s12, s28, $0xb8;
	[tilespmem:$0x17000] =	vst v63  }
0xf1: {  	s12 =	sadd.s32 @!p0 $0x480, s1;
	s13 =	simm.s32 @!p0 $0x9C00  }
0xf2: {  	[tilespmem:s13], [sflag:$0x1] =	stream.indirect.gather @!p0 [hbm4b:s3+s28], $0x80, s12, s28, $0xb8;
	[tilespmem:$0x17000] =	vst v63  }
0xf3: {  	s12 =	sadd.s32 @!p0 $0x500, s1;
	s13 =	simm.s32 @!p0 $0xB800  }
0xf4: {  	[tilespmem:s13], [sflag:$0x1] =	stream.indirect.gather @!p0 [hbm4b:s3+s28], $0x80, s12, s28, $0xb8;
	[tilespmem:$0x17000] =	vst v63  }
0xf5: {  	s1 =	sadd.s32 @!p0 $0x580, s1;
	s12 =	simm.s32 @!p0 $0xD400  }
0xf6: {  	[tilespmem:s12], [sflag:$0x1] =	stream.indirect.gather @!p0 [hbm4b:s3+s28], $0x80, s1, s28, $0xb8;
	[tilespmem:$0x17000] =	vst v63  }
0xf7: {  	_ =	swait.ge [sflag:s24], $0x1900  }
0xf8: {  	[sflag:s24] =	ssyncset.done $0x0  }
0xf9: {  	[sflag:s24] =	ssyncadd.s32 $0xFFFFE700  }
0xfa: {  	_ =	swait.ge [sflag:s24], $0x1900  }
0xfb: {  	[sflag:s24] =	ssyncset.done $0x0  }
0xfc: {  	[sflag:s24] =	ssyncadd.s32 $0xFFFFE700  }
0xfd: {  	_ =	swait.ge [sflag:s24], $0x1900  }
0xfe: {  	[sflag:s24] =	ssyncset.done $0x0  }
0xff: {  	[sflag:s24] =	ssyncadd.s32 $0xFFFFE700  }
0x100: {  	_ =	swait.ge [sflag:s24], $0x1900  }
0x101: {  	[sflag:s24] =	ssyncset.done $0x0  }
0x102: {  	s1 =	simm.s32 $0x0;
	s28 =	smov.u32 s30;
	[sflag:s24] =	ssyncadd.s32 $0xFFFFE700  }
.LBB2_5:
0x103: {  	v21 =	vld [tilespmem:s28+$0xFFFFFFD0];
	_ =	sdelay $0x4  }
0x104: {  	v20 =	vperm.xlane v21, v0;
	v41 =	vperm.xlane v21, v3  }
0x105: {  	v26 =	vperm.xlane v21, v4;
	v27 =	vperm.xlane v21, v5  }
0x106: {  	v31 =	vperm.xlane v21, v6;
	v33 =	vperm.xlane v21, v7  }
0x107: {  	v47 =	vperm.xlane v21, v8;
	v59 =	vperm.xlane v21, v9  }
0x108: {  	v62 =	vperm.xlane v21, v10;
	v37 =	vperm.xlane v21, v12;
	v22 =	vadd.s32 v1, v20  }
0x109: {  	v23 =	vand.u32 $0xFFFFFF80, v20;
	v20 =	vadd.s32 v2, v20;
	v24 =	vand.u32 $0xFFFFFF80, v41  }
0x10a: {  	v25 =	vadd.s32 v1, v41;
	v42 =	vadd.s32 v1, v26;
	v28 =	vand.u32 $0xFFFFFF80, v26  }
0x10b: {  	v26 =	vadd.s32 v2, v26;
	v29 =	vadd.s32 v1, v27;
	v30 =	vand.u32 $0xFFFFFF80, v27  }
0x10c: {  	v27 =	vadd.s32 v2, v27;
	v44 =	vand.u32 $0xFFFFFF80, v31;
	v32 =	vadd.s32 v1, v31  }
0x10d: {  	v31 =	vadd.s32 v2, v31;
	v46 =	vadd.s32 v1, v33;
	v34 =	vand.u32 $0xFFFFFF80, v33  }
0x10e: {  	v33 =	vadd.s32 v2, v33;
	v35 =	vadd.s32 v1, v47;
	v48 =	vand.u32 $0xFFFFFF80, v47  }
0x10f: {  	v60 =	vand.u32 $0xFFFFFF80, v59;
	v61 =	vadd.s32 v1, v59;
	v22 =	vand.u32 $0x7F, v22  }
0x110: {  	v39 =	vand.u32 $0xFFFFFF80, v37;
	v20 =	vand.u32 $0x7F, v20;
	v22 =	vor.u32 v23, v22  }
0x111: {  	v40 =	vadd.s32 v1, v37;
	v25 =	vand.u32 $0x7F, v25;
	v20 =	vor.u32 v23, v20  }
0x112: {  	v26 =	vand.u32 $0x7F, v26;
	v23 =	vadd.s32 v2, v41;
	v25 =	vor.u32 v24, v25  }
0x113: {  	v29 =	vand.u32 $0x7F, v29;
	v26 =	vor.u32 v28, v26;
	v23 =	vand.u32 $0x7F, v23  }
0x114: {  	v27 =	vand.u32 $0x7F, v27;
	v23 =	vor.u32 v24, v23;
	v24 =	vand.u32 $0x7F, v42  }
0x115: {  	v32 =	vand.u32 $0x7F, v32;
	v31 =	vand.u32 $0x7F, v31;
	v24 =	vor.u32 v28, v24;
	v22 =	vld.idx.msk [tilespmem:v22+s18+$0x0], $0xffff  }
0x116: {  	v33 =	vand.u32 $0x7F, v33;
	v35 =	vand.u32 $0x7F, v35;
	v43 =	vor.u32 v30, v29;
	v20 =	vld.idx.msk [tilespmem:v20+s18+$0x0], $0xffff  }
0x117: {  	v27 =	vor.u32 v30, v27;
	v45 =	vor.u32 v44, v32;
	v33 =	vor.u32 v34, v33;
	v25 =	vld.idx.msk [tilespmem:v25+s18+$0x0], $0xffff  }
0x118: {  	v29 =	vor.u32 v44, v31;
	v31 =	vand.u32 $0x7F, v46;
	v50 =	vor.u32 v48, v35;
	v26 =	vld.idx.msk [tilespmem:v26+s18+$0x0], $0xffff  }
0x119: {  	v32 =	vadd.s32 v2, v47;
	v41 =	vperm.xlane v21, v14;
	v44 =	vperm.xlane v21, v15;
	v23 =	vld.idx.msk [tilespmem:v23+s18+$0x0], $0xffff  }
0x11a: {  	v31 =	vor.u32 v34, v31;
	v52 =	vand.u32 $0x7F, v32;
	v32 =	vadd.s32 v1, v62;
	v24 =	vld.idx.msk [tilespmem:v24+s18+$0x0], $0xffff  }
0x11b: {  	v34 =	vand.u32 $0xFFFFFF80, v62;
	v54 =	vor.u32 v48, v52;
	v28 =	vld.idx.msk [tilespmem:v43+s18+$0x0], $0xffff;
	v22 =	vadd.f32 $0.0e+00, v22  }
0x11c: {  	v46 =	vadd.s32 v1, v44;
	v47 =	vand.u32 $0xFFFFFF80, v44;
	v56 =	vld.idx.msk [tilespmem:v33+s18+$0x0], $0xffff;
	v33 =	vperm.xlane v21, v11  }
0x11d: {  	v49 =	vld.idx.msk [tilespmem:v27+s18+$0x0], $0xffff;
	v27 =	vadd.s32 v2, v62;
	v20 =	vadd.f32 $0.0e+00, v20;
	v22 =	vadd.f32 v25, v22  }
0x11e: {  	v51 =	vld.idx.msk [tilespmem:v45+s18+$0x0], $0xffff;
	v43 =	vadd.s32 v1, v41;
	v45 =	vand.u32 $0xFFFFFF80, v41;
	v27 =	vand.u32 $0x7F, v27  }
0x11f: {  	v53 =	vld.idx.msk [tilespmem:v29+s18+$0x0], $0xffff;
	v20 =	vadd.f32 v23, v20;
	v22 =	vadd.f32 v24, v22;
	v24 =	vadd.s32 v2, v59  }
0x120: {  	v55 =	vld.idx.msk [tilespmem:v31+s18+$0x0], $0xffff;
	v31 =	vadd.s32 v2, v37;
	v35 =	vadd.s32 v1, v33;
	v24 =	vand.u32 $0x7F, v24  }
0x121: {  	v20 =	vadd.f32 v26, v20;
	v26 =	vand.u32 $0x7F, v61;
	v24 =	vor.u32 v60, v24  }
0x122: {  	v36 =	vand.u32 $0xFFFFFF80, v33;
	v27 =	vor.u32 v34, v27;
	v63 =	vor.u32 v60, v26  }
0x123: {  	v25 =	vand.u32 $0x7F, v32;
	v26 =	vadd.s32 v2, v33;
	v20 =	vadd.f32 v49, v20  }
0x124: {  	v58 =	vld.idx.msk [tilespmem:v54+s18+$0x0], $0xffff;
	v25 =	vor.u32 v34, v25;
	v22 =	vadd.f32 v28, v22;
	v26 =	vand.u32 $0x7F, v26  }
0x125: {  	v57 =	vld.idx.msk [tilespmem:v50+s18+$0x0], $0xffff;
	v29 =	vand.u32 $0x7F, v35;
	v26 =	vor.u32 v36, v26;
	v20 =	vadd.f32 v53, v20  }
0x126: {  	v31 =	vand.u32 $0x7F, v31;
	v38 =	vor.u32 v36, v29;
	v22 =	vadd.f32 v51, v22;
	v24 =	vld.idx.msk [tilespmem:v24+s18+$0x0], $0xffff  }
0x127: {  	v29 =	vor.u32 v39, v31;
	v33 =	vadd.s32 v2, v41;
	v20 =	vadd.f32 v56, v20;
	v23 =	vld.idx.msk [tilespmem:v63+s18+$0x0], $0xffff  }
0x128: {  	v62 =	vperm.xlane v21, v17;
	v27 =	vld.idx.msk [tilespmem:v27+s18+$0x0], $0xffff;
	v33 =	vand.u32 $0x7F, v33;
	v22 =	vadd.f32 v55, v22  }
0x129: {  	v35 =	vand.u32 $0x7F, v46;
	v33 =	vor.u32 v45, v33;
	v25 =	vld.idx.msk [tilespmem:v25+s18+$0x0], $0xffff;
	v20 =	vadd.f32 v58, v20  }
0x12a: {  	v31 =	vand.u32 $0x7F, v43;
	v32 =	vand.u32 $0x7F, v40;
	v22 =	vadd.f32 v57, v22;
	v48 =	vld.idx.msk [tilespmem:v26+s18+$0x0], $0xffff  }
0x12b: {  	v31 =	vor.u32 v45, v31;
	v42 =	vor.u32 v39, v32;
	v28 =	vld.idx.msk [tilespmem:v38+s18+$0x0], $0xffff;
	v20 =	vadd.f32 v24, v20  }
0x12c: {  	v32 =	vadd.s32 v2, v44;
	v52 =	vld.idx.msk [tilespmem:v29+s18+$0x0], $0xffff;
	v58 =	vperm.xlane v21, v16;
	v22 =	vadd.f32 v23, v22  }
0x12d: {  	v49 =	vor.u32 v47, v35;
	v51 =	vand.u32 $0x7F, v32;
	v20 =	vadd.f32 v27, v20  }
0x12e: {  	v53 =	vor.u32 v47, v51;
	v55 =	vld.idx.msk [tilespmem:v33+s18+$0x0], $0xffff;
	v22 =	vadd.f32 v25, v22;
	v25 =	vadd.s32 v2, v58  }
0x12f: {  	v60 =	vand.u32 $0xFFFFFF80, v58;
	v25 =	vand.u32 $0x7F, v25;
	v20 =	vadd.f32 v48, v20  }
0x130: {  	v50 =	vld.idx.msk [tilespmem:v42+s18+$0x0], $0xffff;
	v22 =	vadd.f32 v28, v22;
	v23 =	vor.u32 v60, v25;
	v28 =	vadd.s32 v2, v62  }
0x131: {  	v54 =	vld.idx.msk [tilespmem:v31+s18+$0x0], $0xffff;
	v36 =	vand.u32 $0xFFFFFF80, v62;
	v28 =	vand.u32 $0x7F, v28;
	v20 =	vadd.f32 v52, v20  }
0x132: {  	v56 =	vld.idx.msk [tilespmem:v49+s18+$0x0], $0xffff;
	v27 =	vor.u32 v36, v28  }
0x133: {  	v21 =	vperm.xlane v21, v18;
	v57 =	vld.idx.msk [tilespmem:v53+s18+$0x0], $0xffff;
	v59 =	vadd.f32 v55, v20;
	v20 =	vadd.s32 v1, v58  }
0x134: {  	v61 =	vand.u32 $0x7F, v20;
	v20 =	vld [tilespmem:s28+$0xFFFFFFE0]  }
0x135: {  	v35 =	vadd.s32 v1, v62;
	v37 =	vadd.s32 v1, v21;
	v22 =	vadd.f32 v50, v22;
	v23 =	vld.idx.msk [tilespmem:v23+s18+$0x0], $0xffff  }
0x136: {  	v38 =	vand.u32 $0xFFFFFF80, v21;
	v21 =	vadd.s32 v2, v21;
	v29 =	vand.u32 $0x7F, v37  }
0x137: {  	v21 =	vand.u32 $0x7F, v21;
	v40 =	vor.u32 v38, v29;
	v22 =	vadd.f32 v54, v22;
	v27 =	vld.idx.msk [tilespmem:v27+s18+$0x0], $0xffff  }
0x138: {  	v21 =	vor.u32 v38, v21;
	v25 =	vand.u32 $0x7F, v35;
	v24 =	vadd.f32 v57, v59  }
0x139: {  	v25 =	vor.u32 v36, v25;
	v22 =	vadd.f32 v56, v22;
	v39 =	vperm.xlane v20, v0  }
0x13a: {  	v23 =	vadd.f32 v23, v24;
	v43 =	vperm.xlane v20, v3;
	v46 =	vperm.xlane v20, v4  }
0x13b: {  	v63 =	vor.u32 v60, v61;
	v59 =	vperm.xlane v20, v5;
	v62 =	vperm.xlane v20, v6  }
0x13c: {  	v37 =	vperm.xlane v20, v7;
	v23 =	vadd.f32 v27, v23;
	v41 =	vand.u32 $0xFFFFFF80, v39  }
0x13d: {  	v42 =	vadd.s32 v1, v39;
	v31 =	vadd.s32 v2, v39;
	v45 =	vadd.s32 v1, v43  }
0x13e: {  	v21 =	vld.idx.msk [tilespmem:v21+s18+$0x0], $0xffff;
	v47 =	vand.u32 $0xFFFFFF80, v43;
	v33 =	vadd.s32 v2, v43;
	v48 =	vadd.s32 v1, v46  }
0x13f: {  	v49 =	vand.u32 $0xFFFFFF80, v46;
	v60 =	vand.u32 $0xFFFFFF80, v59;
	v61 =	vadd.s32 v1, v59  }
0x140: {  	v36 =	vadd.s32 v1, v62;
	v38 =	vand.u32 $0xFFFFFF80, v62;
	v27 =	vadd.s32 v2, v62  }
0x141: {  	v28 =	vld.idx.msk [tilespmem:v40+s18+$0x0], $0xffff;
	v39 =	vadd.s32 v1, v37;
	v40 =	vand.u32 $0xFFFFFF80, v37;
	v62 =	vperm.xlane v20, v12  }
0x142: {  	v32 =	vand.u32 $0x7F, v42;
	v31 =	vand.u32 $0x7F, v31;
	v33 =	vand.u32 $0x7F, v33  }
0x143: {  	v26 =	vld.idx.msk [tilespmem:v63+s18+$0x0], $0xffff;
	v35 =	vand.u32 $0x7F, v48;
	v21 =	vadd.f32 v21, v23;
	v27 =	vand.u32 $0x7F, v27  }
0x144: {  	v48 =	vperm.xlane v20, v10;
	v44 =	vor.u32 v41, v32;
	v29 =	vor.u32 v41, v31  }
0x145: {  	v31 =	vand.u32 $0x7F, v45;
	v33 =	vor.u32 v47, v33;
	v50 =	vor.u32 v49, v35  }
0x146: {  	v25 =	vld.idx.msk [tilespmem:v25+s18+$0x0], $0xffff;
	v32 =	vadd.s32 v2, v46;
	v41 =	vperm.xlane v20, v8;
	v27 =	vor.u32 v38, v27  }
0x147: {  	v45 =	vperm.xlane v20, v9;
	v31 =	vor.u32 v47, v31;
	v52 =	vand.u32 $0x7F, v32  }
0x148: {  	v22 =	vadd.f32 v26, v22;
	v54 =	vor.u32 v49, v52;
	v26 =	vand.u32 $0x7F, v61  }
0x149: {  	v43 =	vand.u32 $0xFFFFFF80, v41;
	v47 =	vadd.s32 v1, v45;
	v49 =	vand.u32 $0xFFFFFF80, v45  }
0x14a: {  	v63 =	vor.u32 v60, v26;
	v26 =	vadd.s32 v2, v37;
	v37 =	vperm.xlane v20, v14  }
0x14b: {  	v22 =	vadd.f32 v25, v22;
	v25 =	vadd.s32 v2, v59;
	v26 =	vand.u32 $0x7F, v26;
	v51 =	vld.idx.msk [tilespmem:v44+s18+$0x0], $0xffff  }
0x14c: {  	v59 =	vperm.xlane v20, v11;
	v53 =	vld.idx.msk [tilespmem:v29+s18+$0x0], $0xffff;
	v25 =	vand.u32 $0x7F, v25;
	v29 =	vand.u32 $0x7F, v39  }
0x14d: {  	v56 =	vld.idx.msk [tilespmem:v33+s18+$0x0], $0xffff;
	v44 =	vadd.s32 v1, v41;
	v26 =	vor.u32 v40, v26;
	v33 =	vadd.s32 v2, v45  }
0x14e: {  	v57 =	vld.idx.msk [tilespmem:v50+s18+$0x0], $0xffff;
	v50 =	vadd.s32 v1, v48;
	v39 =	vadd.s32 v1, v37;
	v22 =	vadd.f32 v28, v22  }
0x14f: {  	v23 =	vor.u32 v60, v25;
	v25 =	vand.u32 $0x7F, v36;
	v42 =	vor.u32 v40, v29  }
0x150: {  	v55 =	vld.idx.msk [tilespmem:v31+s18+$0x0], $0xffff;
	v32 =	vand.u32 $0x7F, v44;
	v31 =	vadd.s32 v2, v41;
	v33 =	vand.u32 $0x7F, v33  }
0x151: {  	v35 =	vand.u32 $0x7F, v50;
	v60 =	vadd.s32 v1, v59;
	v61 =	vand.u32 $0xFFFFFF80, v59  }
0x152: {  	v36 =	vadd.s32 v1, v62;
	v40 =	vperm.xlane v20, v15;
	v41 =	vand.u32 $0xFFFFFF80, v37  }
0x153: {  	v44 =	vperm.xlane v20, v16;
	v25 =	vor.u32 v38, v25;
	v46 =	vor.u32 v43, v32  }
0x154: {  	v31 =	vand.u32 $0x7F, v31;
	v33 =	vor.u32 v49, v33;
	v32 =	vadd.s32 v2, v48  }
0x155: {  	v27 =	vld.idx.msk [tilespmem:v27+s18+$0x0], $0xffff;
	v29 =	vor.u32 v43, v31;
	v31 =	vand.u32 $0x7F, v47;
	v32 =	vand.u32 $0x7F, v32  }
0x156: {  	v58 =	vld.idx.msk [tilespmem:v54+s18+$0x0], $0xffff;
	v43 =	vand.u32 $0xFFFFFF80, v40;
	v47 =	vadd.s32 v1, v44;
	v22 =	vadd.f32 v51, v22  }
0x157: {  	v24 =	vld.idx.msk [tilespmem:v63+s18+$0x0], $0xffff;
	v31 =	vor.u32 v49, v31;
	v34 =	vand.u32 $0x7F, v47;
	v21 =	vadd.f32 v53, v21  }
0x158: {  	v51 =	vand.u32 $0xFFFFFF80, v48;
	v48 =	vperm.xlane v20, v17;
	v23 =	vld.idx.msk [tilespmem:v23+s18+$0x0], $0xffff;
	v22 =	vadd.f32 v55, v22  }
0x159: {  	v20 =	vperm.xlane v20, v18;
	v53 =	vor.u32 v51, v35;
	v21 =	vadd.f32 v56, v21;
	v25 =	vld.idx.msk [tilespmem:v25+s18+$0x0], $0xffff  }
0x15a: {  	v28 =	vld.idx.msk [tilespmem:v42+s18+$0x0], $0xffff;
	v35 =	vand.u32 $0xFFFFFF80, v62;
	v42 =	vadd.s32 v1, v40;
	v22 =	vadd.f32 v57, v22  }
0x15b: {  	v30 =	vld.idx.msk [tilespmem:v46+s18+$0x0], $0xffff;
	v55 =	vor.u32 v51, v32;
	v46 =	vand.u32 $0xFFFFFF80, v44;
	v21 =	vadd.f32 v58, v21  }
0x15c: {  	v50 =	vand.u32 $0xFFFFFF80, v48;
	v51 =	vadd.s32 v1, v48;
	v22 =	vadd.f32 v24, v22  }
0x15d: {  	v54 =	vld.idx.msk [tilespmem:v29+s18+$0x0], $0xffff;
	v29 =	vadd.s32 v2, v37;
	v21 =	vadd.f32 v23, v21;
	v23 =	vadd.s32 v2, v59  }
0x15e: {  	v52 =	vld.idx.msk [tilespmem:v26+s18+$0x0], $0xffff;
	v23 =	vand.u32 $0x7F, v23;
	v22 =	vadd.f32 v25, v22;
	v25 =	vand.u32 $0x7F, v60  }
0x15f: {  	v56 =	vld.idx.msk [tilespmem:v31+s18+$0x0], $0xffff;
	v21 =	vadd.f32 v27, v21;
	v27 =	vadd.s32 v2, v62;
	v63 =	vor.u32 v61, v25  }
0x160: {  	v23 =	vor.u32 v61, v23;
	v22 =	vadd.f32 v28, v22;
	v28 =	vand.u32 $0x7F, v36  }
0x161: {  	v49 =	vor.u32 v46, v34;
	v26 =	vld.idx.msk [tilespmem:v53+s18+$0x0], $0xffff;
	v27 =	vand.u32 $0x7F, v27;
	v38 =	vor.u32 v35, v28  }
0x162: {  	v57 =	vld.idx.msk [tilespmem:v33+s18+$0x0], $0xffff;
	v25 =	vor.u32 v35, v27;
	v27 =	vand.u32 $0x7F, v39;
	v22 =	vadd.f32 v30, v22  }
0x163: {  	v29 =	vand.u32 $0x7F, v29;
	v58 =	vld.idx.msk [tilespmem:v55+s18+$0x0], $0xffff;
	v21 =	vadd.f32 v52, v21;
	v27 =	vor.u32 v41, v27  }
0x164: {  	v31 =	vand.u32 $0x7F, v42;
	v29 =	vor.u32 v41, v29;
	v22 =	vadd.f32 v56, v22;
	v24 =	vld.idx.msk [tilespmem:v63+s18+$0x0], $0xffff  }
0x165: {  	v45 =	vor.u32 v43, v31;
	v28 =	vadd.s32 v2, v40;
	v21 =	vadd.f32 v54, v21;
	v23 =	vld.idx.msk [tilespmem:v23+s18+$0x0], $0xffff  }
0x166: {  	v33 =	vadd.s32 v2, v44;
	v28 =	vand.u32 $0x7F, v28;
	v22 =	vadd.f32 v26, v22;
	v26 =	vld.idx.msk [tilespmem:v38+s18+$0x0], $0xffff  }
0x167: {  	v33 =	vand.u32 $0x7F, v33;
	v28 =	vor.u32 v43, v28;
	v21 =	vadd.f32 v57, v21;
	v25 =	vld.idx.msk [tilespmem:v25+s18+$0x0], $0xffff  }
0x168: {  	v34 =	vand.u32 $0x7F, v51;
	v31 =	vor.u32 v46, v33;
	v35 =	vadd.s32 v2, v48;
	v27 =	vld.idx.msk [tilespmem:v27+s18+$0x0], $0xffff  }
0x169: {  	v52 =	vld.idx.msk [tilespmem:v29+s18+$0x0], $0xffff;
	v54 =	vand.u32 $0x7F, v35;
	v21 =	vadd.f32 v58, v21;
	v22 =	vadd.f32 v24, v22  }
0x16a: {  	v55 =	vld.idx.msk [tilespmem:v45+s18+$0x0], $0xffff;
	v56 =	vor.u32 v50, v54;
	v57 =	vadd.s32 v1, v20;
	v58 =	vand.u32 $0xFFFFFF80, v20  }
0x16b: {  	v20 =	vadd.s32 v2, v20;
	v21 =	vadd.f32 v23, v21;
	v22 =	vadd.f32 v26, v22  }
0x16c: {  	v53 =	vor.u32 v50, v34;
	v33 =	vand.u32 $0x7F, v57;
	v20 =	vand.u32 $0x7F, v20;
	v28 =	vld.idx.msk [tilespmem:v28+s18+$0x0], $0xffff  }
0x16d: {  	v59 =	vld.idx.msk [tilespmem:v49+s18+$0x0], $0xffff;
	v62 =	vor.u32 v58, v20;
	v21 =	vadd.f32 v25, v21;
	v20 =	vadd.f32 v27, v22  }
0x16e: {  	v61 =	vld.idx.msk [tilespmem:v31+s18+$0x0], $0xffff;
	v60 =	vor.u32 v58, v33  }
0x16f: {  	v21 =	vadd.f32 v52, v21;
	v23 =	vadd.f32 v55, v20;
	v20 =	vld [tilespmem:s28+$0xFFFFFFF0]  }
0x170: {  	v33 =	vld.idx.msk [tilespmem:v56+s18+$0x0], $0xffff  }
0x171: {  	v63 =	vld.idx.msk [tilespmem:v53+s18+$0x0], $0xffff;
	v21 =	vadd.f32 v28, v21  }
0x172: {  	v35 =	vld.idx.msk [tilespmem:v62+s18+$0x0], $0xffff  }
0x173: {  	v34 =	vld.idx.msk [tilespmem:v60+s18+$0x0], $0xffff;
	v21 =	vadd.f32 v61, v21  }
0x174: {  	v23 =	vadd.f32 v59, v23;
	v36 =	vperm.xlane v20, v0  }
0x175: {  	v21 =	vadd.f32 v33, v21;
	v38 =	vperm.xlane v20, v3;
	v42 =	vperm.xlane v20, v4  }
0x176: {  	v22 =	vadd.f32 v63, v23;
	v46 =	vperm.xlane v20, v5;
	v50 =	vperm.xlane v20, v6  }
0x177: {  	v21 =	vadd.f32 v35, v21;
	v54 =	vperm.xlane v20, v7;
	v35 =	vperm.xlane v20, v8  }
0x178: {  	v22 =	vadd.f32 v34, v22;
	v37 =	vadd.s32 v1, v36;
	v39 =	vand.u32 $0xFFFFFF80, v36  }
0x179: {  	v23 =	vadd.s32 v2, v36;
	v40 =	vadd.s32 v1, v38;
	v41 =	vand.u32 $0xFFFFFF80, v38  }
0x17a: {  	v25 =	vadd.s32 v2, v38;
	v44 =	vand.u32 $0xFFFFFF80, v42;
	v45 =	vadd.s32 v1, v42  }
0x17b: {  	v29 =	vadd.s32 v2, v42;
	v48 =	vand.u32 $0xFFFFFF80, v46;
	v49 =	vadd.s32 v1, v46  }
0x17c: {  	v31 =	vadd.s32 v2, v46;
	v52 =	vadd.s32 v1, v50;
	v53 =	vadd.s32 v2, v50  }
0x17d: {  	v33 =	vand.u32 $0xFFFFFF80, v50;
	v55 =	vadd.s32 v1, v54;
	v56 =	vand.u32 $0xFFFFFF80, v54  }
0x17e: {  	v34 =	vadd.s32 v2, v54;
	v36 =	vadd.s32 v1, v35;
	v38 =	vand.u32 $0xFFFFFF80, v35  }
0x17f: {  	v24 =	vand.u32 $0x7F, v37;
	v23 =	vand.u32 $0x7F, v23;
	v27 =	vand.u32 $0x7F, v40  }
0x180: {  	v25 =	vand.u32 $0x7F, v25;
	v30 =	vand.u32 $0x7F, v45;
	v29 =	vand.u32 $0x7F, v29  }
0x181: {  	v32 =	vand.u32 $0x7F, v49;
	v31 =	vand.u32 $0x7F, v31;
	v24 =	vor.u32 v39, v24  }
0x182: {  	v59 =	vand.u32 $0x7F, v34;
	v37 =	vperm.xlane v20, v9;
	v23 =	vor.u32 v39, v23  }
0x183: {  	v45 =	vperm.xlane v20, v11;
	v49 =	vperm.xlane v20, v12;
	v43 =	vor.u32 v41, v27  }
0x184: {  	v25 =	vor.u32 v41, v25;
	v47 =	vor.u32 v44, v30;
	v27 =	vor.u32 v44, v29  }
0x185: {  	v51 =	vor.u32 v48, v32;
	v30 =	vor.u32 v48, v31;
	v31 =	vand.u32 $0x7F, v52  }
0x186: {  	v32 =	vand.u32 $0x7F, v53;
	v61 =	vor.u32 v56, v59;
	v41 =	vperm.xlane v20, v10;
	v24 =	vld.idx.msk [tilespmem:v24+s18+$0x0], $0xffff  }
0x187: {  	v53 =	vperm.xlane v20, v14;
	v31 =	vor.u32 v33, v31;
	v32 =	vor.u32 v33, v32;
	v23 =	vld.idx.msk [tilespmem:v23+s18+$0x0], $0xffff  }
0x188: {  	v33 =	vand.u32 $0x7F, v55;
	v39 =	vadd.s32 v1, v37;
	v40 =	vand.u32 $0xFFFFFF80, v37;
	v26 =	vld.idx.msk [tilespmem:v43+s18+$0x0], $0xffff  }
0x189: {  	v48 =	vadd.s32 v1, v45;
	v52 =	vadd.s32 v2, v49;
	v58 =	vor.u32 v56, v33;
	v25 =	vld.idx.msk [tilespmem:v25+s18+$0x0], $0xffff  }
0x18a: {  	v44 =	vadd.s32 v1, v41;
	v29 =	vadd.s32 v2, v41;
	v54 =	vadd.s32 v1, v53;
	v28 =	vld.idx.msk [tilespmem:v47+s18+$0x0], $0xffff  }
0x18b: {  	v55 =	vand.u32 $0xFFFFFF80, v53;
	v29 =	vand.u32 $0x7F, v29;
	v57 =	vld.idx.msk [tilespmem:v27+s18+$0x0], $0xffff;
	v27 =	vand.u32 $0x7F, v39  }
0x18c: {  	v62 =	vld.idx.msk [tilespmem:v30+s18+$0x0], $0xffff;
	v43 =	vand.u32 $0xFFFFFF80, v41;
	v30 =	vand.u32 $0x7F, v44;
	v47 =	vand.u32 $0xFFFFFF80, v45  }
0x18d: {  	v60 =	vld.idx.msk [tilespmem:v51+s18+$0x0], $0xffff;
	v51 =	vadd.s32 v1, v49;
	v39 =	vperm.xlane v20, v17;
	v42 =	vor.u32 v40, v27  }
0x18e: {  	v63 =	vld.idx.msk [tilespmem:v31+s18+$0x0], $0xffff;
	v46 =	vor.u32 v43, v30;
	v31 =	vadd.s32 v2, v45;
	v27 =	vor.u32 v43, v29  }
0x18f: {  	v31 =	vand.u32 $0x7F, v31;
	v22 =	vadd.f32 v24, v22;
	v21 =	vadd.f32 v23, v21  }
0x190: {  	v43 =	vadd.s32 v1, v39;
	v29 =	vadd.s32 v2, v39;
	v30 =	vor.u32 v47, v31  }
0x191: {  	v23 =	vand.u32 $0x7F, v36;
	v22 =	vadd.f32 v26, v22;
	v21 =	vadd.f32 v25, v21  }
0x192: {  	v32 =	vld.idx.msk [tilespmem:v32+s18+$0x0], $0xffff;
	v31 =	vand.u32 $0x7F, v51;
	v23 =	vor.u32 v38, v23;
	v25 =	vadd.s32 v2, v35  }
0x193: {  	v34 =	vld.idx.msk [tilespmem:v61+s18+$0x0], $0xffff;
	v25 =	vand.u32 $0x7F, v25;
	v22 =	vadd.f32 v28, v22;
	v21 =	vadd.f32 v57, v21  }
0x194: {  	v33 =	vld.idx.msk [tilespmem:v58+s18+$0x0], $0xffff;
	v29 =	vand.u32 $0x7F, v29;
	v24 =	vadd.s32 v2, v37;
	v25 =	vor.u32 v38, v25  }
0x195: {  	v41 =	vld [tilespmem:s28+$0x0];
	v24 =	vand.u32 $0x7F, v24;
	v22 =	vadd.f32 v60, v22;
	v21 =	vadd.f32 v62, v21  }
0x196: {  	v24 =	vor.u32 v40, v24;
	v26 =	vld.idx.msk [tilespmem:v42+s18+$0x0], $0xffff;
	v35 =	vperm.xlane v20, v16;
	v42 =	vand.u32 $0xFFFFFF80, v39  }
0x197: {  	v23 =	vld.idx.msk [tilespmem:v23+s18+$0x0], $0xffff;
	v22 =	vadd.f32 v63, v22;
	v21 =	vadd.f32 v32, v21;
	v32 =	vand.u32 $0x7F, v48  }
0x198: {  	v56 =	vld.idx.msk [tilespmem:v27+s18+$0x0], $0xffff;
	v37 =	vadd.s32 v1, v35;
	v38 =	vand.u32 $0xFFFFFF80, v35;
	v50 =	vor.u32 v47, v32  }
0x199: {  	v27 =	vand.u32 $0x7F, v37;
	v25 =	vld.idx.msk [tilespmem:v25+s18+$0x0], $0xffff;
	v22 =	vadd.f32 v33, v22;
	v33 =	vand.u32 $0xFFFFFF80, v49  }
0x19a: {  	v28 =	vld.idx.msk [tilespmem:v46+s18+$0x0], $0xffff;
	v32 =	vand.u32 $0x7F, v52;
	v21 =	vadd.f32 v34, v21;
	v31 =	vor.u32 v33, v31  }
0x19b: {  	v24 =	vld.idx.msk [tilespmem:v24+s18+$0x0], $0xffff;
	v34 =	vadd.s32 v2, v53;
	v32 =	vor.u32 v33, v32;
	v33 =	vand.u32 $0x7F, v54  }
0x19c: {  	v58 =	vand.u32 $0x7F, v34;
	v22 =	vadd.f32 v23, v22;
	v57 =	vor.u32 v55, v33  }
0x19d: {  	v40 =	vor.u32 v38, v27;
	v27 =	vperm.xlane v41, v3;
	v60 =	vor.u32 v55, v58;
	v59 =	vld.idx.msk [tilespmem:v50+s18+$0x0], $0xffff  }
0x19e: {  	v61 =	vld.idx.msk [tilespmem:v30+s18+$0x0], $0xffff;
	v33 =	vperm.xlane v20, v15;
	v21 =	vadd.f32 v25, v21;
	v22 =	vadd.f32 v26, v22  }
0x19f: {  	v29 =	vor.u32 v42, v29;
	v51 =	vadd.s32 v1, v27;
	v47 =	vperm.xlane v41, v0;
	v62 =	vld.idx.msk [tilespmem:v31+s18+$0x0], $0xffff  }
0x1a0: {  	v34 =	vadd.s32 v1, v33;
	v21 =	vadd.f32 v24, v21;
	v22 =	vadd.f32 v28, v22;
	v63 =	vld.idx.msk [tilespmem:v32+s18+$0x0], $0xffff  }
0x1a1: {  	v36 =	vand.u32 $0xFFFFFF80, v33;
	v25 =	vadd.s32 v2, v35;
	v23 =	vand.u32 $0x7F, v34;
	v31 =	vld.idx.msk [tilespmem:v57+s18+$0x0], $0xffff  }
0x1a2: {  	v24 =	vadd.s32 v2, v33;
	v21 =	vadd.f32 v56, v21;
	v22 =	vadd.f32 v59, v22  }
0x1a3: {  	v25 =	vand.u32 $0x7F, v25;
	v23 =	vor.u32 v36, v23;
	v32 =	vld.idx.msk [tilespmem:v60+s18+$0x0], $0xffff;
	v24 =	vand.u32 $0x7F, v24  }
0x1a4: {  	v24 =	vor.u32 v36, v24;
	v21 =	vadd.f32 v61, v21;
	v22 =	vadd.f32 v62, v22  }
0x1a5: {  	v49 =	vadd.s32 v1, v47;
	v20 =	vperm.xlane v20, v18;
	v25 =	vor.u32 v38, v25  }
0x1a6: {  	v21 =	vadd.f32 v63, v21;
	v22 =	vadd.f32 v31, v22;
	v31 =	vand.u32 $0x7F, v43  }
0x1a7: {  	v45 =	vand.u32 $0xFFFFFF80, v20;
	v46 =	vadd.s32 v1, v20;
	v44 =	vor.u32 v42, v31  }
0x1a8: {  	v20 =	vadd.s32 v2, v20;
	v23 =	vld.idx.msk [tilespmem:v23+s18+$0x0], $0xffff;
	v21 =	vadd.f32 v32, v21;
	v32 =	vand.u32 $0x7F, v46  }
0x1a9: {  	v50 =	vadd.s32 v2, v47;
	v20 =	vand.u32 $0x7F, v20;
	v24 =	vld.idx.msk [tilespmem:v24+s18+$0x0], $0xffff;
	v48 =	vor.u32 v45, v32  }
0x1aa: {  	v26 =	vld.idx.msk [tilespmem:v40+s18+$0x0], $0xffff;
	v20 =	vor.u32 v45, v20;
	v33 =	vand.u32 $0xFFFFFF80, v47;
	v31 =	vand.u32 $0x7F, v49  }
0x1ab: {  	v52 =	vand.u32 $0xFFFFFF80, v27;
	v25 =	vld.idx.msk [tilespmem:v25+s18+$0x0], $0xffff;
	v32 =	vand.u32 $0x7F, v50;
	v31 =	vor.u32 v33, v31  }
0x1ac: {  	v27 =	vadd.s32 v2, v27;
	v32 =	vor.u32 v33, v32;
	v33 =	vand.u32 $0x7F, v51;
	v28 =	vld.idx.msk [tilespmem:v44+s18+$0x0], $0xffff  }
0x1ad: {  	v53 =	vld.idx.msk [tilespmem:v29+s18+$0x0], $0xffff;
	v27 =	vand.u32 $0x7F, v27;
	v22 =	vadd.f32 v23, v22;
	v54 =	vor.u32 v52, v33  }
0x1ae: {  	v55 =	vor.u32 v52, v27;
	v21 =	vadd.f32 v24, v21;
	v56 =	vld.idx.msk [tilespmem:v48+s18+$0x0], $0xffff  }
0x1af: {  	v20 =	vld.idx.msk [tilespmem:v20+s18+$0x0], $0xffff;
	v22 =	vadd.f32 v26, v22  }
0x1b0: {  	v21 =	vadd.f32 v25, v21;
	v57 =	vld.idx.msk [tilespmem:v31+s18+$0x0], $0xffff  }
0x1b1: {  	s12 =	sadd.s32 s1, s29;
	v58 =	vld.idx.msk [tilespmem:v32+s18+$0x0], $0xffff;
	v22 =	vadd.f32 v28, v22  }
0x1b2: {  	v60 =	vmov s12;
	v21 =	vadd.f32 v53, v21;
	v59 =	vld.idx.msk [tilespmem:v54+s18+$0x0], $0xffff  }
0x1b3: {  	v61 =	vand.u32 $0x7FFFFFFF, v60;
	v24 =	vld.idx.msk [tilespmem:v55+s18+$0x0], $0xffff;
	v22 =	vadd.f32 v56, v22  }
0x1b4: {  	v62 =	vadd.s32 v13, v61;
	v20 =	vadd.f32 v20, v21  }
0x1b5: {  	p0 =	sne.s32 s1, $0x3;
	v63 =	vadd.s32 v19, v61;
	v22 =	vadd.f32 v57, v22  }
.Ltmp1:
0x1b6: {  	v20 =	vadd.f32 v58, v20;
	(pc) =	sbr.rel @p0 .LBB2_5-.Ltmp1, $4  }
0x1b7: {  	v22 =	vadd.f32 v59, v22  }
0x1b8: {  	v20 =	vadd.f32 v24, v20  }
0x1b9: {  	[tilespmem:v62+s23+$0x0] =	vst.idx.msk $0xffff, v22  }
0x1ba: {  	s1 =	sadd.s32 $0x1, s1;
	s28 =	sadd.s32 $0x80, s28;
	[tilespmem:v63+s23+$0x0] =	vst.idx.msk $0xffff, v20  }
0x1bb: {  	s0 =	sadd.s32 $0x1, s0  }
0x1bc: {  	p0 =	sne.s32 s0, $0x10  }
.Ltmp2:
0x1bd: {  	_ = 	snop;
	(pc) =	sbr.rel @p0 .LBB2_2-.Ltmp2, $3  }
0x1be: {  	_ =	sdelay $0x1  }
0x1bf: {  	s31 =	sadd.s32 $0x8, s31  }
0x1c0: {  	s9 =	sadd.s32 $0x400, s9;
	s29 =	sadd.s32 $0x8, s29;
	s30 =	sadd.s32 $0x400, s30  }
0x1c1: {  	s26 =	sadd.s32 $0x1, s26  }
0x1c2: {  	p0 =	sne.s32 s26, s7  }
.Ltmp3:
0x1c3: {  	_ = 	snop;
	(pc) =	sbr.rel @p0 .LBB2_1-.Ltmp3, $4  }
0x1c4: {  	[hbm4b:s6+s25] =	stream.strided.scatter [tilespmem:s23], [sflag:$0x3], $0x1000, s11, s25, $0x38;
	[tilespmem:$0x17000] =	vst v63  }
0x1c5: {  	_ =	swait.ge [sflag:s8], $0x1000  }
0x1c6: {  	[sflag:s8] =	ssyncset.done $0x0  }
0x1c7: {  	[sflag:s8] =	ssyncadd.s32 $0xFFFFF000  }
0x1c8: {  	_ =	sfence.sel $0x180000  }
0x1c9: {  	[bflag:$0x0] =	sbarrier.arrive $0xFFFF  }
0x1ca: {  	_ =	strace $0x9000004A  }
0x1cb: {  	s0 =	stileid.u32;
	[bflag:$0x2] =	sbarrier.arrive $0xFFFF  }
0x1cc: {  	p0 =	sne.s32 s0, $0x0;
	s0 =	rddreg [dreg:$0x2]  }
0x1cd: {  	s0 =	sadd.s32 @!p0 $0x100000, s0  }
0x1ce: {  	[sflag:s0] =	ssyncadd.tile.s32 @!p0 $0x1;
	_ =	shalt  }
.Lfunc_end2:
_tile_overlayer_lowered:
.L_overlay_start_2:
0x1cf: {  	(tag) =	ssettag $0x2  }
0x1d0: {  	s0 =	rddreg [dreg:$0x0];
	s2 =	stileid.u32  }
0x1d1: {  	s1 =	rddreg [dreg:$0x1];
	p0 =	sne.s32 s2, $0x0  }
0x1d2: {  	s3 =	rddreg [dreg:$0x2];
	[bflag:$0x3] =	sbarrier.arrive $0xFFFF;
	s2 =	simm.s32 @!p0 $0x1C03  }
0x1d3: {  	[timem:s3], [sflag:s2] =	dma.local @!p0 [hbm:s0], s1  }
0x1d4: {  	s0 =	simm.s32 @!p0 $0x3  }
0x1d5: {  	_ =	swait.ge @!p0 [sflag:s0], s1  }
0x1d6: {  	s1 =	ssub.s32 @!p0 $0x0, s1;
	[sflag:s0] =	ssyncset.done @!p0 $0x0  }
0x1d7: {  	[sflag:s0] =	ssyncadd.s32 @!p0 s1  }
0x1d8: {  	[bflag:$0x3] =	sbarrier.arrive $0xFFFF  }
0x1d9: {  	_ =	shalt  }

</sc_bundles>
